<compile_context>
chip_gen: v7x
topology: tpu7x:2x2x1
jax: 0.10.2.dev20260603
libtpu: 0.0.44.dev20260713+nightly
codegen_flags: <defaults>
</compile_context>

<pallas_src>
import functools

import jax
import jax.numpy as jnp
from jax import lax
from jax.experimental import pallas as pl
from jax.experimental.pallas import tpu as pltpu
from jax.experimental.pallas import tpu_sc as plsc

NC = 2
NS = 16
NW = NC * NS
CHUNK = 80
DEPTH = 3
SPLIT = (0.643, 0.357)
EPS = 1e-5


def _zero_vmem(zbuf):
  def row(r, _):
    for k in range(8):
      zbuf[r, pl.ds(k * 16, 16)] = jnp.zeros((16,), jnp.float32)
    return _
  lax.fori_loop(0, zbuf.shape[0], row, 0)


def _sc_scatter(h, src2, dst_f, n0, n1, n_acc, batch_ext=None):
  nch = n0
  H = h.shape[1]
  lookup = batch_ext is not None
  z_rows = n_acc // NS

  scratch = [
      pltpu.VMEM((nch * CHUNK,), jnp.int32),
      [pltpu.VMEM((CHUNK, H), jnp.float32) for _ in range(DEPTH)],
      [pltpu.VMEM((CHUNK,), jnp.int32) for _ in range(DEPTH)],
      [pltpu.SemaphoreType.DMA for _ in range(DEPTH)],
      [pltpu.SemaphoreType.DMA for _ in range(DEPTH)],
      pltpu.VMEM_SHARED((n_acc, H), jnp.float32),
  ]
  if lookup:
    scratch += [
        [pltpu.VMEM((CHUNK,), jnp.int32) for _ in range(DEPTH)],
        pltpu.VMEM((batch_ext.shape[0],), jnp.int32),
    ]

  def body(*refs):
    if lookup:
      (h_hbm, src_hbm, dst_hbm, be_hbm, z_hbm, out_hbm,
       src_v, rows, rdbuf, gsem, ssem, acc, dbuf, be_v) = refs
    else:
      (h_hbm, src_hbm, dst_hbm, out_hbm,
       src_v, rows, rdbuf, gsem, ssem, acc) = refs
      dbuf = rdbuf
    cid = lax.axis_index("c")
    sid = lax.axis_index("s")
    wid = sid * NC + cid
    pltpu.sync_copy(src_hbm.at[wid], src_v)
    if lookup:
      pltpu.sync_copy(be_hbm, be_v)
      pltpu.sync_copy(z_hbm, acc.at[pl.ds(sid * z_rows, z_rows)])
    else:
      _zero_vmem(rows[0])
      z0 = sid * z_rows
      nfull, rem = divmod(z_rows, CHUNK)
      for q in range(nfull):
        pltpu.async_copy(rows[0], acc.at[pl.ds(z0 + q * CHUNK, CHUNK)],
                         gsem[0])
      if rem:
        pltpu.async_copy(rows[0].at[pl.ds(0, rem)],
                         acc.at[pl.ds(z0 + nfull * CHUNK, rem)], gsem[0])
      for q in range(nfull):
        pltpu.make_async_copy(rows[0], acc.at[pl.ds(z0, CHUNK)],
                              gsem[0]).wait()
      if rem:
        pltpu.make_async_copy(rows[0].at[pl.ds(0, rem)],
                              acc.at[pl.ds(z0, rem)], gsem[0]).wait()
    plsc.subcore_barrier()

    def fire_gather(c, b):
      pltpu.async_copy(h_hbm.at[src_v.at[pl.ds(c * CHUNK, CHUNK)]],
                       rows[b], gsem[b])
      pltpu.async_copy(dst_hbm.at[pl.ds((wid * nch + c) * CHUNK, CHUNK)],
                       rdbuf[b], gsem[b])

    def fire_scatter(c, b):
      pltpu.make_async_copy(h_hbm.at[src_v.at[pl.ds(c * CHUNK, CHUNK)]],
                            rows[b], gsem[b]).wait()
      pltpu.make_async_copy(dst_hbm.at[pl.ds((wid * nch + c) * CHUNK, CHUNK)],
                            rdbuf[b], gsem[b]).wait()
      if lookup:
        for k in range(CHUNK // 16):
          v = rdbuf[b][pl.ds(k * 16, 16)]
          dbuf[b][pl.ds(k * 16, 16)] = plsc.load_gather(be_v, [v])
      pltpu.async_copy(rows[b], acc.at[dbuf[b]], ssem[b], add=True)

    def wait_scatter(b):
      pltpu.make_async_copy(rows[b], acc.at[dbuf[b]], ssem[b]).wait()

    nch_me = jnp.where(cid == 0, n0, n1)
    for b in range(DEPTH):
      fire_gather(b, b)
    for b in range(DEPTH):
      fire_scatter(b, b)

    def loop_body(i, _):
      j = i * DEPTH
      for b in range(DEPTH):
        wait_scatter(b)
        fire_gather(j + b, b)
      for b in range(DEPTH):
        fire_scatter(j + b, b)
      return _
    lax.fori_loop(1, nch_me // DEPTH, loop_body, 0)
    for b in range(DEPTH):
      wait_scatter(b)

    plsc.subcore_barrier()
    pltpu.sync_copy(acc.at[pl.ds(sid * z_rows, z_rows)],
                    out_hbm.at[cid, pl.ds(sid * z_rows, z_rows)])

  mesh = plsc.VectorSubcoreMesh(core_axis_name="c", subcore_axis_name="s",
                                num_cores=NC, num_subcores=NS)
  fn = pl.kernel(
      body,
      out_type=jax.ShapeDtypeStruct((NC, n_acc, H), jnp.float32),
      mesh=mesh,
      scratch_types=scratch,
      compiler_params=pltpu.CompilerParams(needs_layout_passes=not lookup),
  )
  if lookup:
    zeros = jnp.zeros((z_rows, H), jnp.float32)
    return fn(h, src2, dst_f, batch_ext, zeros)
  return fn(h, src2, dst_f)


def _split_counts(total):
  pairs = -(-total // (NS * CHUNK))
  n0 = -(-int(pairs * SPLIT[0]) // DEPTH) * DEPTH
  n1 = max(-(-(pairs - n0) // DEPTH) * DEPTH, DEPTH)
  return n0, n1


def _split_edges(src_flat, dst_flat, n0, n1, junk):
  cap = NS * (n0 + n1) * CHUNK
  pad = cap - src_flat.shape[0]
  src_p = jnp.concatenate([src_flat, jnp.zeros((pad,), jnp.int32)])
  dst_p = jnp.concatenate([dst_flat, jnp.full((pad,), junk, jnp.int32)])
  m = n0 * CHUNK
  counts = [(n0 if w % NC == 0 else n1) * CHUNK for w in range(NW)]
  offs = [0]
  for c in counts:
    offs.append(offs[-1] + c)
  rows_s, rows_d = [], []
  for w in range(NW):
    s = src_p[offs[w]:offs[w + 1]]
    d = dst_p[offs[w]:offs[w + 1]]
    if counts[w] < m:
      extra = m - counts[w]
      s = jnp.concatenate([s, jnp.zeros((extra,), jnp.int32)])
      d = jnp.concatenate([d, jnp.full((extra,), junk, jnp.int32)])
    rows_s.append(s)
    rows_d.append(d)
  return jnp.stack(rows_s), jnp.concatenate(rows_d)


def _tc_dense(p, h, WrT, br, WsT, scale, shift, relu):
  n, H = h.shape
  B = 2000
  grid = n // B

  def body(p_ref, h_ref, wr_ref, ws_ref, br_ref, sc_ref, sh_ref, o_ref):
    agg = p_ref[0] + p_ref[1]
    z = jnp.dot(agg, wr_ref[...], preferred_element_type=jnp.float32)
    z = z + jnp.dot(h_ref[...], ws_ref[...], preferred_element_type=jnp.float32)
    z = z + br_ref[...]
    if relu:
      z = jnp.maximum(z, 0.0)
    o_ref[...] = z * sc_ref[...] + sh_ref[...]

  return pl.pallas_call(
      body,
      grid=(grid,),
      in_specs=[
          pl.BlockSpec((NC, B, H), lambda i: (0, i, 0)),
          pl.BlockSpec((B, H), lambda i: (i, 0)),
          pl.BlockSpec((H, H), lambda i: (0, 0)),
          pl.BlockSpec((H, H), lambda i: (0, 0)),
          pl.BlockSpec((1, H), lambda i: (0, 0)),
          pl.BlockSpec((1, H), lambda i: (0, 0)),
          pl.BlockSpec((1, H), lambda i: (0, 0)),
      ],
      out_specs=pl.BlockSpec((B, H), lambda i: (i, 0)),
      out_shape=jax.ShapeDtypeStruct((n, H), jnp.float32),
  )(p, h, WrT, WsT, br, scale, shift)


def _tc_final(accA, accB, batch_p, WrT, br, WsT, scale, shift, WlT, bl, G):
  NP = batch_p.shape[1]
  C = WlT.shape[1]

  def body(a_ref, b_ref, bt_ref, wr_ref, br_ref, ws_ref, sc_ref, sh_ref,
           wl_ref, bl_ref, o_ref):
    sA = a_ref[0] + a_ref[1]
    sB = b_ref[0] + b_ref[1]
    seg = lax.broadcasted_iota(jnp.int32, (G, NP), 0)
    mask = (bt_ref[...] == seg).astype(jnp.float32)
    counts = jnp.sum(mask, axis=1, keepdims=True)
    cnt = jnp.maximum(counts, 1.0)
    t = jnp.dot(sA / cnt, wr_ref[...], preferred_element_type=jnp.float32)
    t = t + br_ref[...]
    t = t + jnp.dot(sB / cnt, ws_ref[...], preferred_element_type=jnp.float32)
    t = t * sc_ref[...] + sh_ref[...]
    o_ref[...] = (jnp.dot(t, wl_ref[...], preferred_element_type=jnp.float32)
                  + bl_ref[...])

  return pl.pallas_call(
      body,
      out_shape=jax.ShapeDtypeStruct((G, C), jnp.float32),
  )(accA, accB, batch_p, WrT, br, WsT, scale, shift, WlT, bl)


def _bn_fold(g, be, rm, rv):
  s = g / jnp.sqrt(rv + EPS)
  return (s.reshape(1, -1), (be - rm * s).reshape(1, -1))


def kernel(x, edge_index, batch, W1r, b1r, W1s, g1, be1, rm1, rv1,
           W2r, b2r, W2s, g2, be2, rm2, rv2,
           W3r, b3r, W3s, g3, be3, rm3, rv3, Wlin, blin):
  N, H = x.shape
  E = edge_index.shape[1]
  G = 64
  src = edge_index[0]
  dst = edge_index[1]

  n0, n1 = _split_counts(E)
  src_p, dst_p = _split_edges(src, dst, n0, n1, junk=N)

  T3 = E + N
  n03, n13 = _split_counts(T3)
  iota_n = jnp.arange(N, dtype=jnp.int32)
  src_c, look_c = _split_edges(
      jnp.concatenate([src, iota_n]),
      jnp.concatenate([dst, N + iota_n]), n03, n13, junk=2 * N)
  batch_ext = jnp.concatenate(
      [batch, batch + 72, jnp.full((8,), 136, jnp.int32)])

  npad = -(-N // 1024) * 1024
  batch_p = jnp.concatenate(
      [batch, jnp.full((npad - N,), 2 ** 20, jnp.int32)]).reshape(1, npad)

  sc1, sh1 = _bn_fold(g1, be1, rm1, rv1)
  sc2, sh2 = _bn_fold(g2, be2, rm2, rv2)
  sc3, sh3 = _bn_fold(g3, be3, rm3, rv3)

  n_acc = -(-(N + 1) // 128) * 128

  p1 = _sc_scatter(x, src_p, dst_p, n0, n1, n_acc=n_acc)
  h1 = _tc_dense(p1, x, W1r.T, b1r.reshape(1, H), W1s.T, sc1, sh1, relu=True)
  p2 = _sc_scatter(h1, src_p, dst_p, n0, n1, n_acc=n_acc)
  h2 = _tc_dense(p2, h1, W2r.T, b2r.reshape(1, H), W2s.T, sc2, sh2, relu=True)
  p3 = _sc_scatter(h2, src_c, look_c, n03, n13, n_acc=256,
                   batch_ext=batch_ext)
  accA = p3[:, 0:G, :]
  accB = p3[:, 72:72 + G, :]
  return _tc_final(accA, accB, batch_p, W3r.T, b3r.reshape(1, H), W3s.T,
                   sc3, sh3, Wlin.T, blin.reshape(1, -1), G)

# --- scband reference (transcript-rebuilt; emitter-appended) ---
"""Pipeline reference for scband-gcn-10943576670340 (READ-ONLY COPY).

The authoritative reference and input builder live on the scoring server;
editing this copy changes nothing except your own understanding.
"""

import jax, jax.numpy as jnp
import numpy as np

N = 10000
E = 320000
F = 128
H = 128
C = 10
G = 64
EPS = 1e-5


def setup_inputs(seed: int = 0) -> dict:
    key = jax.random.key(seed)
    ks = jax.random.split(key, 32)
    x = jax.random.normal(ks[0], (N, F), dtype=jnp.float32)
    edge_index = jax.random.randint(ks[1], (2, E), 0, N, dtype=jnp.int32)
    batch = jnp.sort(jax.random.randint(ks[2], (N,), 0, G, dtype=jnp.int32))
    s = 0.05
    inp = {
        'x': x, 'edge_index': edge_index, 'batch': batch,
        # GraphConv 1 (in=F, out=H): lin_rel (weight+bias) applied to aggregated neighbors, lin_root (no bias) to self
        'W1r': s * jax.random.normal(ks[3], (H, F), jnp.float32),
        'b1r': jnp.zeros((H,), jnp.float32),
        'W1s': s * jax.random.normal(ks[4], (H, F), jnp.float32),
        'g1': jnp.ones((H,), jnp.float32), 'be1': jnp.zeros((H,), jnp.float32),
        'rm1': jnp.zeros((H,), jnp.float32), 'rv1': jnp.ones((H,), jnp.float32),
        # GraphConv 2 (H -> H)
        'W2r': s * jax.random.normal(ks[5], (H, H), jnp.float32),
        'b2r': jnp.zeros((H,), jnp.float32),
        'W2s': s * jax.random.normal(ks[6], (H, H), jnp.float32),
        'g2': jnp.ones((H,), jnp.float32), 'be2': jnp.zeros((H,), jnp.float32),
        'rm2': jnp.zeros((H,), jnp.float32), 'rv2': jnp.ones((H,), jnp.float32),
        # GraphConv 3 (H -> H)
        'W3r': s * jax.random.normal(ks[7], (H, H), jnp.float32),
        'b3r': jnp.zeros((H,), jnp.float32),
        'W3s': s * jax.random.normal(ks[8], (H, H), jnp.float32),
        'g3': jnp.ones((H,), jnp.float32), 'be3': jnp.zeros((H,), jnp.float32),
        'rm3': jnp.zeros((H,), jnp.float32), 'rv3': jnp.ones((H,), jnp.float32),
        # final linear
        'Wlin': s * jax.random.normal(ks[9], (C, H), jnp.float32),
        'blin': jnp.zeros((C,), jnp.float32),
    }
    return inp


def _graph_conv(x, edge_index, Wr, br, Ws):
    src = edge_index[0]
    dst = edge_index[1]
    agg = jnp.zeros((x.shape[0], x.shape[1]), x.dtype).at[dst].add(x[src])
    return agg @ Wr.T + br + x @ Ws.T


def _bn_eval(x, g, b, rm, rv):
    return (x - rm) / jnp.sqrt(rv + EPS) * g + b


def reference(x, edge_index, batch, W1r, b1r, W1s, g1, be1, rm1, rv1,
              W2r, b2r, W2s, g2, be2, rm2, rv2,
              W3r, b3r, W3s, g3, be3, rm3, rv3, Wlin, blin):
    # eval mode: dropout is identity, BatchNorm uses running stats
    h = _graph_conv(x, edge_index, W1r, b1r, W1s)
    h = jax.nn.relu(h)
    h = _bn_eval(h, g1, be1, rm1, rv1)
    h = _graph_conv(h, edge_index, W2r, b2r, W2s)
    h = jax.nn.relu(h)
    h = _bn_eval(h, g2, be2, rm2, rv2)
    h = _graph_conv(h, edge_index, W3r, b3r, W3s)
    h = _bn_eval(h, g3, be3, rm3, rv3)
    # global mean pool over graph ids
    sums = jax.ops.segment_sum(h, batch, num_segments=G)
    counts = jax.ops.segment_sum(jnp.ones((h.shape[0], 1), h.dtype), batch, num_segments=G)
    pooled = sums / jnp.maximum(counts, 1.0)
    return pooled @ Wlin.T + blin

if __name__ == "__main__":
    import jax
    _d = setup_inputs()
    print(jax.jit(kernel)(*tuple(_d.values())))

</pallas_src>

<mosaic_0001>
#map = affine_map<(d0, d1) -> (0, 0)>
#map1 = affine_map<(d0, d1) -> (0)>
#map2 = affine_map<(d0, d1) -> (0, 0, 0)>
module attributes {stable_mosaic.version = 14 : i64} {
  func.func @body(%arg0: i32, %arg1: i32, %arg2: memref<10000x128xf32, #tpu.memory_space<hbm>>, %arg3: memref<32x12960xi32, #tpu.memory_space<hbm>>, %arg4: memref<414720xi32, #tpu.memory_space<hbm>>, %arg5: memref<2x10112x128xf32, #tpu.memory_space<hbm>>, %arg6: memref<12960xi32, #tpu.memory_space<vmem>>, %arg7: memref<80x128xf32, #tpu.memory_space<vmem>>, %arg8: memref<80x128xf32, #tpu.memory_space<vmem>>, %arg9: memref<80x128xf32, #tpu.memory_space<vmem>>, %arg10: memref<80xi32, #tpu.memory_space<vmem>>, %arg11: memref<80xi32, #tpu.memory_space<vmem>>, %arg12: memref<80xi32, #tpu.memory_space<vmem>>, %arg13: memref<!tpu.dma_semaphore, #tpu.memory_space<semaphore_mem>>, %arg14: memref<!tpu.dma_semaphore, #tpu.memory_space<semaphore_mem>>, %arg15: memref<!tpu.dma_semaphore, #tpu.memory_space<semaphore_mem>>, %arg16: memref<!tpu.dma_semaphore, #tpu.memory_space<semaphore_mem>>, %arg17: memref<!tpu.dma_semaphore, #tpu.memory_space<semaphore_mem>>, %arg18: memref<!tpu.dma_semaphore, #tpu.memory_space<semaphore_mem>>, %arg19: memref<10112x128xf32, #tpu.memory_space<vmem_shared>>) attributes {dimension_semantics = [#tpu.dimension_semantics<core_parallel>, #tpu.dimension_semantics<subcore_parallel>], iteration_bounds = array<i64: 2, 16>, scalar_prefetch = 0 : i64, scratch_operands = 14 : i64, tpu.core_type = #tpu.core_type<sc_vector_subcore>, window_params = [{transform_indices = #map}, {transform_indices = #map}, {transform_indices = #map1}, {transform_indices = #map2}]} {
    %mul3A = arith.constant 2 : i32
    %mul3A_0 = arith.muli %arg1, %mul3A : i32
    %add3A = arith.addi %mul3A_0, %arg0 : i32
    "tpu.region"() ({
      %run_scoped3A = tpu.sem_alloc : memref<!tpu.dma_semaphore, #tpu.memory_space<semaphore_mem>>
      %dma_start3A_228 = arith.constant 0 : i32
      %dma_start3A_229 = tpu.memref_slice %arg3[%add3A, %dma_start3A_228] : memref<32x12960xi32, #tpu.memory_space<hbm>> -> memref<1x12960xi32, #tpu.memory_space<hbm>>
      %dma_start3A_230 = tpu.memref_squeeze %dma_start3A_229 : memref<1x12960xi32, #tpu.memory_space<hbm>> -> memref<12960xi32, #tpu.memory_space<hbm>>
      %dma_start3A_231 = arith.constant 0 : i32
      %dma_start3A_232 = tpu.memref_slice %arg3[%add3A, %dma_start3A_231] : memref<32x12960xi32, #tpu.memory_space<hbm>> -> memref<1x12960xi32, #tpu.memory_space<hbm>>
      %dma_start3A_233 = tpu.memref_squeeze %dma_start3A_232 : memref<1x12960xi32, #tpu.memory_space<hbm>> -> memref<12960xi32, #tpu.memory_space<hbm>>
      tpu.enqueue_dma source(%dma_start3A_233 : memref<12960xi32, #tpu.memory_space<hbm>>) target(%arg6 : memref<12960xi32, #tpu.memory_space<vmem>>) target_semaphore(%run_scoped3A : memref<!tpu.dma_semaphore, #tpu.memory_space<semaphore_mem>>)
      %dma_wait3A_234 = arith.constant 0 : i32
      %dma_wait3A_235 = tpu.memref_slice %arg3[%add3A, %dma_wait3A_234] : memref<32x12960xi32, #tpu.memory_space<hbm>> -> memref<1x12960xi32, #tpu.memory_space<hbm>>
      %dma_wait3A_236 = tpu.memref_squeeze %dma_wait3A_235 : memref<1x12960xi32, #tpu.memory_space<hbm>> -> memref<12960xi32, #tpu.memory_space<hbm>>
      %dma_wait3A_237 = arith.constant 0 : i32
      %dma_wait3A_238 = tpu.memref_slice %arg3[%add3A, %dma_wait3A_237] : memref<32x12960xi32, #tpu.memory_space<hbm>> -> memref<1x12960xi32, #tpu.memory_space<hbm>>
      %dma_wait3A_239 = tpu.memref_squeeze %dma_wait3A_238 : memref<1x12960xi32, #tpu.memory_space<hbm>> -> memref<12960xi32, #tpu.memory_space<hbm>>
      tpu.wait_dma2 semaphore(%run_scoped3A : memref<!tpu.dma_semaphore, #tpu.memory_space<semaphore_mem>>) src(%dma_wait3A_239 : memref<12960xi32, #tpu.memory_space<hbm>>) dst(%arg6 : memref<12960xi32, #tpu.memory_space<vmem>>)
      tpu.yield
    }) : () -> ()
    %scan3A = arith.constant 0 : i32
    %scan3A_1 = arith.constant 0 : i32
    %scan3A_2 = arith.constant 80 : i32
    %scan3A_3 = arith.addi %scan3A_1, %scan3A_2 : i32
    %scan3A_4 = arith.constant 1 : i32
    scf.for %scan3A_228 = %scan3A_1 to %scan3A_3 step %scan3A_4  : i32 {
      %broadcast_in_dim3A = arith.constant 0.000000e+00 : f32
      %broadcast_in_dim3A_229 = vector.broadcast %broadcast_in_dim3A : f32 to vector<16xf32>
      %swap3A = arith.index_cast %scan3A_228 : i32 to index
      %swap3A_230 = arith.constant 0 : index
      %swap3A_231 = tpu.vector_load %arg7[%swap3A, %swap3A_230] {strides = array<i32>} : memref<80x128xf32, #tpu.memory_space<vmem>>, vector<1x16xf32>,
      %swap3A_232 = vector.shape_cast %swap3A_231 : vector<1x16xf32> to vector<16xf32>
      %swap3A_233 = vector.shape_cast %broadcast_in_dim3A_229 : vector<16xf32> to vector<1x16xf32>
      tpu.vector_store %arg7[%swap3A, %swap3A_230], %swap3A_233 {strides = array<i32>} : memref<80x128xf32, #tpu.memory_space<vmem>>, vector<1x16xf32>,
      %broadcast_in_dim3A_234 = arith.constant 0.000000e+00 : f32
      %broadcast_in_dim3A_235 = vector.broadcast %broadcast_in_dim3A_234 : f32 to vector<16xf32>
      %swap3A_236 = arith.index_cast %scan3A_228 : i32 to index
      %swap3A_237 = arith.constant 16 : index
      %swap3A_238 = tpu.vector_load %arg7[%swap3A_236, %swap3A_237] {strides = array<i32>} : memref<80x128xf32, #tpu.memory_space<vmem>>, vector<1x16xf32>,
      %swap3A_239 = vector.shape_cast %swap3A_238 : vector<1x16xf32> to vector<16xf32>
      %swap3A_240 = vector.shape_cast %broadcast_in_dim3A_235 : vector<16xf32> to vector<1x16xf32>
      tpu.vector_store %arg7[%swap3A_236, %swap3A_237], %swap3A_240 {strides = array<i32>} : memref<80x128xf32, #tpu.memory_space<vmem>>, vector<1x16xf32>,
      %broadcast_in_dim3A_241 = arith.constant 0.000000e+00 : f32
      %broadcast_in_dim3A_242 = vector.broadcast %broadcast_in_dim3A_241 : f32 to vector<16xf32>
      %swap3A_243 = arith.index_cast %scan3A_228 : i32 to index
      %swap3A_244 = arith.constant 32 : index
      %swap3A_245 = tpu.vector_load %arg7[%swap3A_243, %swap3A_244] {strides = array<i32>} : memref<80x128xf32, #tpu.memory_space<vmem>>, vector<1x16xf32>,
      %swap3A_246 = vector.shape_cast %swap3A_245 : vector<1x16xf32> to vector<16xf32>
      %swap3A_247 = vector.shape_cast %broadcast_in_dim3A_242 : vector<16xf32> to vector<1x16xf32>
      tpu.vector_store %arg7[%swap3A_243, %swap3A_244], %swap3A_247 {strides = array<i32>} : memref<80x128xf32, #tpu.memory_space<vmem>>, vector<1x16xf32>,
      %broadcast_in_dim3A_248 = arith.constant 0.000000e+00 : f32
      %broadcast_in_dim3A_249 = vector.broadcast %broadcast_in_dim3A_248 : f32 to vector<16xf32>
      %swap3A_250 = arith.index_cast %scan3A_228 : i32 to index
      %swap3A_251 = arith.constant 48 : index
      %swap3A_252 = tpu.vector_load %arg7[%swap3A_250, %swap3A_251] {strides = array<i32>} : memref<80x128xf32, #tpu.memory_space<vmem>>, vector<1x16xf32>,
      %swap3A_253 = vector.shape_cast %swap3A_252 : vector<1x16xf32> to vector<16xf32>
      %swap3A_254 = vector.shape_cast %broadcast_in_dim3A_249 : vector<16xf32> to vector<1x16xf32>
      tpu.vector_store %arg7[%swap3A_250, %swap3A_251], %swap3A_254 {strides = array<i32>} : memref<80x128xf32, #tpu.memory_space<vmem>>, vector<1x16xf32>,
      %broadcast_in_dim3A_255 = arith.constant 0.000000e+00 : f32
      %broadcast_in_dim3A_256 = vector.broadcast %broadcast_in_dim3A_255 : f32 to vector<16xf32>
      %swap3A_257 = arith.index_cast %scan3A_228 : i32 to index
      %swap3A_258 = arith.constant 64 : index
      %swap3A_259 = tpu.vector_load %arg7[%swap3A_257, %swap3A_258] {strides = array<i32>} : memref<80x128xf32, #tpu.memory_space<vmem>>, vector<1x16xf32>,
      %swap3A_260 = vector.shape_cast %swap3A_259 : vector<1x16xf32> to vector<16xf32>
      %swap3A_261 = vector.shape_cast %broadcast_in_dim3A_256 : vector<16xf32> to vector<1x16xf32>
      tpu.vector_store %arg7[%swap3A_257, %swap3A_258], %swap3A_261 {strides = array<i32>} : memref<80x128xf32, #tpu.memory_space<vmem>>, vector<1x16xf32>,
      %broadcast_in_dim3A_262 = arith.constant 0.000000e+00 : f32
      %broadcast_in_dim3A_263 = vector.broadcast %broadcast_in_dim3A_262 : f32 to vector<16xf32>
      %swap3A_264 = arith.index_cast %scan3A_228 : i32 to index
      %swap3A_265 = arith.constant 80 : index
      %swap3A_266 = tpu.vector_load %arg7[%swap3A_264, %swap3A_265] {strides = array<i32>} : memref<80x128xf32, #tpu.memory_space<vmem>>, vector<1x16xf32>,
      %swap3A_267 = vector.shape_cast %swap3A_266 : vector<1x16xf32> to vector<16xf32>
      %swap3A_268 = vector.shape_cast %broadcast_in_dim3A_263 : vector<16xf32> to vector<1x16xf32>
      tpu.vector_store %arg7[%swap3A_264, %swap3A_265], %swap3A_268 {strides = array<i32>} : memref<80x128xf32, #tpu.memory_space<vmem>>, vector<1x16xf32>,
      %broadcast_in_dim3A_269 = arith.constant 0.000000e+00 : f32
      %broadcast_in_dim3A_270 = vector.broadcast %broadcast_in_dim3A_269 : f32 to vector<16xf32>
      %swap3A_271 = arith.index_cast %scan3A_228 : i32 to index
      %swap3A_272 = arith.constant 96 : index
      %swap3A_273 = tpu.vector_load %arg7[%swap3A_271, %swap3A_272] {strides = array<i32>} : memref<80x128xf32, #tpu.memory_space<vmem>>, vector<1x16xf32>,
      %swap3A_274 = vector.shape_cast %swap3A_273 : vector<1x16xf32> to vector<16xf32>
      %swap3A_275 = vector.shape_cast %broadcast_in_dim3A_270 : vector<16xf32> to vector<1x16xf32>
      tpu.vector_store %arg7[%swap3A_271, %swap3A_272], %swap3A_275 {strides = array<i32>} : memref<80x128xf32, #tpu.memory_space<vmem>>, vector<1x16xf32>,
      %broadcast_in_dim3A_276 = arith.constant 0.000000e+00 : f32
      %broadcast_in_dim3A_277 = vector.broadcast %broadcast_in_dim3A_276 : f32 to vector<16xf32>
      %swap3A_278 = arith.index_cast %scan3A_228 : i32 to index
      %swap3A_279 = arith.constant 112 : index
      %swap3A_280 = tpu.vector_load %arg7[%swap3A_278, %swap3A_279] {strides = array<i32>} : memref<80x128xf32, #tpu.memory_space<vmem>>, vector<1x16xf32>,
      %swap3A_281 = vector.shape_cast %swap3A_280 : vector<1x16xf32> to vector<16xf32>
      %swap3A_282 = vector.shape_cast %broadcast_in_dim3A_277 : vector<16xf32> to vector<1x16xf32>
      tpu.vector_store %arg7[%swap3A_278, %swap3A_279], %swap3A_282 {strides = array<i32>} : memref<80x128xf32, #tpu.memory_space<vmem>>, vector<1x16xf32>,
    }
    %scan3A_5 = arith.constant 80 : i32
    %mul3A_6 = arith.constant 632 : i32
    %mul3A_7 = arith.muli %arg1, %mul3A_6 : i32
    %add3A_8 = arith.constant 0 : i32
    %add3A_9 = arith.addi %mul3A_7, %add3A_8 : i32
    %dma_start3A = arith.constant 0 : i32
    %dma_start3A_10 = tpu.memref_slice %arg19[%add3A_9, %dma_start3A] : memref<10112x128xf32, #tpu.memory_space<vmem_shared>> -> memref<80x128xf32, #tpu.memory_space<vmem_shared>>
    %dma_start3A_11 = arith.constant 0 : i32
    %dma_start3A_12 = tpu.memref_slice %arg19[%add3A_9, %dma_start3A_11] : memref<10112x128xf32, #tpu.memory_space<vmem_shared>> -> memref<80x128xf32, #tpu.memory_space<vmem_shared>>
    tpu.enqueue_dma source(%arg7 : memref<80x128xf32, #tpu.memory_space<vmem>>) target(%dma_start3A_12 : memref<80x128xf32, #tpu.memory_space<vmem_shared>>) target_semaphore(%arg13 : memref<!tpu.dma_semaphore, #tpu.memory_space<semaphore_mem>>)
    %add3A_13 = arith.constant 80 : i32
    %add3A_14 = arith.addi %mul3A_7, %add3A_13 : i32
    %dma_start3A_15 = arith.constant 0 : i32
    %dma_start3A_16 = tpu.memref_slice %arg19[%add3A_14, %dma_start3A_15] : memref<10112x128xf32, #tpu.memory_space<vmem_shared>> -> memref<80x128xf32, #tpu.memory_space<vmem_shared>>
    %dma_start3A_17 = arith.constant 0 : i32
    %dma_start3A_18 = tpu.memref_slice %arg19[%add3A_14, %dma_start3A_17] : memref<10112x128xf32, #tpu.memory_space<vmem_shared>> -> memref<80x128xf32, #tpu.memory_space<vmem_shared>>
    tpu.enqueue_dma source(%arg7 : memref<80x128xf32, #tpu.memory_space<vmem>>) target(%dma_start3A_18 : memref<80x128xf32, #tpu.memory_space<vmem_shared>>) target_semaphore(%arg13 : memref<!tpu.dma_semaphore, #tpu.memory_space<semaphore_mem>>)
    %add3A_19 = arith.constant 160 : i32
    %add3A_20 = arith.addi %mul3A_7, %add3A_19 : i32
    %dma_start3A_21 = arith.constant 0 : i32
    %dma_start3A_22 = tpu.memref_slice %arg19[%add3A_20, %dma_start3A_21] : memref<10112x128xf32, #tpu.memory_space<vmem_shared>> -> memref<80x128xf32, #tpu.memory_space<vmem_shared>>
    %dma_start3A_23 = arith.constant 0 : i32
    %dma_start3A_24 = tpu.memref_slice %arg19[%add3A_20, %dma_start3A_23] : memref<10112x128xf32, #tpu.memory_space<vmem_shared>> -> memref<80x128xf32, #tpu.memory_space<vmem_shared>>
    tpu.enqueue_dma source(%arg7 : memref<80x128xf32, #tpu.memory_space<vmem>>) target(%dma_start3A_24 : memref<80x128xf32, #tpu.memory_space<vmem_shared>>) target_semaphore(%arg13 : memref<!tpu.dma_semaphore, #tpu.memory_space<semaphore_mem>>)
    %add3A_25 = arith.constant 240 : i32
    %add3A_26 = arith.addi %mul3A_7, %add3A_25 : i32
    %dma_start3A_27 = arith.constant 0 : i32
    %dma_start3A_28 = tpu.memref_slice %arg19[%add3A_26, %dma_start3A_27] : memref<10112x128xf32, #tpu.memory_space<vmem_shared>> -> memref<80x128xf32, #tpu.memory_space<vmem_shared>>
    %dma_start3A_29 = arith.constant 0 : i32
    %dma_start3A_30 = tpu.memref_slice %arg19[%add3A_26, %dma_start3A_29] : memref<10112x128xf32, #tpu.memory_space<vmem_shared>> -> memref<80x128xf32, #tpu.memory_space<vmem_shared>>
    tpu.enqueue_dma source(%arg7 : memref<80x128xf32, #tpu.memory_space<vmem>>) target(%dma_start3A_30 : memref<80x128xf32, #tpu.memory_space<vmem_shared>>) target_semaphore(%arg13 : memref<!tpu.dma_semaphore, #tpu.memory_space<semaphore_mem>>)
    %add3A_31 = arith.constant 320 : i32
    %add3A_32 = arith.addi %mul3A_7, %add3A_31 : i32
    %dma_start3A_33 = arith.constant 0 : i32
    %dma_start3A_34 = tpu.memref_slice %arg19[%add3A_32, %dma_start3A_33] : memref<10112x128xf32, #tpu.memory_space<vmem_shared>> -> memref<80x128xf32, #tpu.memory_space<vmem_shared>>
    %dma_start3A_35 = arith.constant 0 : i32
    %dma_start3A_36 = tpu.memref_slice %arg19[%add3A_32, %dma_start3A_35] : memref<10112x128xf32, #tpu.memory_space<vmem_shared>> -> memref<80x128xf32, #tpu.memory_space<vmem_shared>>
    tpu.enqueue_dma source(%arg7 : memref<80x128xf32, #tpu.memory_space<vmem>>) target(%dma_start3A_36 : memref<80x128xf32, #tpu.memory_space<vmem_shared>>) target_semaphore(%arg13 : memref<!tpu.dma_semaphore, #tpu.memory_space<semaphore_mem>>)
    %add3A_37 = arith.constant 400 : i32
    %add3A_38 = arith.addi %mul3A_7, %add3A_37 : i32
    %dma_start3A_39 = arith.constant 0 : i32
    %dma_start3A_40 = tpu.memref_slice %arg19[%add3A_38, %dma_start3A_39] : memref<10112x128xf32, #tpu.memory_space<vmem_shared>> -> memref<80x128xf32, #tpu.memory_space<vmem_shared>>
    %dma_start3A_41 = arith.constant 0 : i32
    %dma_start3A_42 = tpu.memref_slice %arg19[%add3A_38, %dma_start3A_41] : memref<10112x128xf32, #tpu.memory_space<vmem_shared>> -> memref<80x128xf32, #tpu.memory_space<vmem_shared>>
    tpu.enqueue_dma source(%arg7 : memref<80x128xf32, #tpu.memory_space<vmem>>) target(%dma_start3A_42 : memref<80x128xf32, #tpu.memory_space<vmem_shared>>) target_semaphore(%arg13 : memref<!tpu.dma_semaphore, #tpu.memory_space<semaphore_mem>>)
    %add3A_43 = arith.constant 480 : i32
    %add3A_44 = arith.addi %mul3A_7, %add3A_43 : i32
    %dma_start3A_45 = arith.constant 0 : i32
    %dma_start3A_46 = tpu.memref_slice %arg19[%add3A_44, %dma_start3A_45] : memref<10112x128xf32, #tpu.memory_space<vmem_shared>> -> memref<80x128xf32, #tpu.memory_space<vmem_shared>>
    %dma_start3A_47 = arith.constant 0 : i32
    %dma_start3A_48 = tpu.memref_slice %arg19[%add3A_44, %dma_start3A_47] : memref<10112x128xf32, #tpu.memory_space<vmem_shared>> -> memref<80x128xf32, #tpu.memory_space<vmem_shared>>
    tpu.enqueue_dma source(%arg7 : memref<80x128xf32, #tpu.memory_space<vmem>>) target(%dma_start3A_48 : memref<80x128xf32, #tpu.memory_space<vmem_shared>>) target_semaphore(%arg13 : memref<!tpu.dma_semaphore, #tpu.memory_space<semaphore_mem>>)
    %add3A_49 = arith.constant 560 : i32
    %add3A_50 = arith.addi %mul3A_7, %add3A_49 : i32
    %dma_start3A_51 = arith.constant 0 : i32
    %dma_start3A_52 = arith.constant 0 : i32
    %dma_start3A_53 = tpu.memref_slice %arg7[%dma_start3A_51, %dma_start3A_52] : memref<80x128xf32, #tpu.memory_space<vmem>> -> memref<72x128xf32, #tpu.memory_space<vmem>>
    %dma_start3A_54 = arith.constant 0 : i32
    %dma_start3A_55 = tpu.memref_slice %arg19[%add3A_50, %dma_start3A_54] : memref<10112x128xf32, #tpu.memory_space<vmem_shared>> -> memref<72x128xf32, #tpu.memory_space<vmem_shared>>
    %dma_start3A_56 = arith.constant 0 : i32
    %dma_start3A_57 = tpu.memref_slice %arg19[%add3A_50, %dma_start3A_56] : memref<10112x128xf32, #tpu.memory_space<vmem_shared>> -> memref<72x128xf32, #tpu.memory_space<vmem_shared>>
    %dma_start3A_58 = arith.constant 0 : i32
    %dma_start3A_59 = arith.constant 0 : i32
    %dma_start3A_60 = tpu.memref_slice %arg7[%dma_start3A_58, %dma_start3A_59] : memref<80x128xf32, #tpu.memory_space<vmem>> -> memref<72x128xf32, #tpu.memory_space<vmem>>
    tpu.enqueue_dma source(%dma_start3A_60 : memref<72x128xf32, #tpu.memory_space<vmem>>) target(%dma_start3A_57 : memref<72x128xf32, #tpu.memory_space<vmem_shared>>) target_semaphore(%arg13 : memref<!tpu.dma_semaphore, #tpu.memory_space<semaphore_mem>>)
    %dma_wait3A = arith.constant 0 : i32
    %dma_wait3A_61 = tpu.memref_slice %arg19[%mul3A_7, %dma_wait3A] : memref<10112x128xf32, #tpu.memory_space<vmem_shared>> -> memref<80x128xf32, #tpu.memory_space<vmem_shared>>
    %dma_wait3A_62 = arith.constant 0 : i32
    %dma_wait3A_63 = tpu.memref_slice %arg19[%mul3A_7, %dma_wait3A_62] : memref<10112x128xf32, #tpu.memory_space<vmem_shared>> -> memref<80x128xf32, #tpu.memory_space<vmem_shared>>
    tpu.wait_dma2 semaphore(%arg13 : memref<!tpu.dma_semaphore, #tpu.memory_space<semaphore_mem>>) src(%arg7 : memref<80x128xf32, #tpu.memory_space<vmem>>) dst(%dma_wait3A_63 : memref<80x128xf32, #tpu.memory_space<vmem_shared>>)
    %dma_wait3A_64 = arith.constant 0 : i32
    %dma_wait3A_65 = tpu.memref_slice %arg19[%mul3A_7, %dma_wait3A_64] : memref<10112x128xf32, #tpu.memory_space<vmem_shared>> -> memref<80x128xf32, #tpu.memory_space<vmem_shared>>
    %dma_wait3A_66 = arith.constant 0 : i32
    %dma_wait3A_67 = tpu.memref_slice %arg19[%mul3A_7, %dma_wait3A_66] : memref<10112x128xf32, #tpu.memory_space<vmem_shared>> -> memref<80x128xf32, #tpu.memory_space<vmem_shared>>
    tpu.wait_dma2 semaphore(%arg13 : memref<!tpu.dma_semaphore, #tpu.memory_space<semaphore_mem>>) src(%arg7 : memref<80x128xf32, #tpu.memory_space<vmem>>) dst(%dma_wait3A_67 : memref<80x128xf32, #tpu.memory_space<vmem_shared>>)
    %dma_wait3A_68 = arith.constant 0 : i32
    %dma_wait3A_69 = tpu.memref_slice %arg19[%mul3A_7, %dma_wait3A_68] : memref<10112x128xf32, #tpu.memory_space<vmem_shared>> -> memref<80x128xf32, #tpu.memory_space<vmem_shared>>
    %dma_wait3A_70 = arith.constant 0 : i32
    %dma_wait3A_71 = tpu.memref_slice %arg19[%mul3A_7, %dma_wait3A_70] : memref<10112x128xf32, #tpu.memory_space<vmem_shared>> -> memref<80x128xf32, #tpu.memory_space<vmem_shared>>
    tpu.wait_dma2 semaphore(%arg13 : memref<!tpu.dma_semaphore, #tpu.memory_space<semaphore_mem>>) src(%arg7 : memref<80x128xf32, #tpu.memory_space<vmem>>) dst(%dma_wait3A_71 : memref<80x128xf32, #tpu.memory_space<vmem_shared>>)
    %dma_wait3A_72 = arith.constant 0 : i32
    %dma_wait3A_73 = tpu.memref_slice %arg19[%mul3A_7, %dma_wait3A_72] : memref<10112x128xf32, #tpu.memory_space<vmem_shared>> -> memref<80x128xf32, #tpu.memory_space<vmem_shared>>
    %dma_wait3A_74 = arith.constant 0 : i32
    %dma_wait3A_75 = tpu.memref_slice %arg19[%mul3A_7, %dma_wait3A_74] : memref<10112x128xf32, #tpu.memory_space<vmem_shared>> -> memref<80x128xf32, #tpu.memory_space<vmem_shared>>
    tpu.wait_dma2 semaphore(%arg13 : memref<!tpu.dma_semaphore, #tpu.memory_space<semaphore_mem>>) src(%arg7 : memref<80x128xf32, #tpu.memory_space<vmem>>) dst(%dma_wait3A_75 : memref<80x128xf32, #tpu.memory_space<vmem_shared>>)
    %dma_wait3A_76 = arith.constant 0 : i32
    %dma_wait3A_77 = tpu.memref_slice %arg19[%mul3A_7, %dma_wait3A_76] : memref<10112x128xf32, #tpu.memory_space<vmem_shared>> -> memref<80x128xf32, #tpu.memory_space<vmem_shared>>
    %dma_wait3A_78 = arith.constant 0 : i32
    %dma_wait3A_79 = tpu.memref_slice %arg19[%mul3A_7, %dma_wait3A_78] : memref<10112x128xf32, #tpu.memory_space<vmem_shared>> -> memref<80x128xf32, #tpu.memory_space<vmem_shared>>
    tpu.wait_dma2 semaphore(%arg13 : memref<!tpu.dma_semaphore, #tpu.memory_space<semaphore_mem>>) src(%arg7 : memref<80x128xf32, #tpu.memory_space<vmem>>) dst(%dma_wait3A_79 : memref<80x128xf32, #tpu.memory_space<vmem_shared>>)
    %dma_wait3A_80 = arith.constant 0 : i32
    %dma_wait3A_81 = tpu.memref_slice %arg19[%mul3A_7, %dma_wait3A_80] : memref<10112x128xf32, #tpu.memory_space<vmem_shared>> -> memref<80x128xf32, #tpu.memory_space<vmem_shared>>
    %dma_wait3A_82 = arith.constant 0 : i32
    %dma_wait3A_83 = tpu.memref_slice %arg19[%mul3A_7, %dma_wait3A_82] : memref<10112x128xf32, #tpu.memory_space<vmem_shared>> -> memref<80x128xf32, #tpu.memory_space<vmem_shared>>
    tpu.wait_dma2 semaphore(%arg13 : memref<!tpu.dma_semaphore, #tpu.memory_space<semaphore_mem>>) src(%arg7 : memref<80x128xf32, #tpu.memory_space<vmem>>) dst(%dma_wait3A_83 : memref<80x128xf32, #tpu.memory_space<vmem_shared>>)
    %dma_wait3A_84 = arith.constant 0 : i32
    %dma_wait3A_85 = tpu.memref_slice %arg19[%mul3A_7, %dma_wait3A_84] : memref<10112x128xf32, #tpu.memory_space<vmem_shared>> -> memref<80x128xf32, #tpu.memory_space<vmem_shared>>
    %dma_wait3A_86 = arith.constant 0 : i32
    %dma_wait3A_87 = tpu.memref_slice %arg19[%mul3A_7, %dma_wait3A_86] : memref<10112x128xf32, #tpu.memory_space<vmem_shared>> -> memref<80x128xf32, #tpu.memory_space<vmem_shared>>
    tpu.wait_dma2 semaphore(%arg13 : memref<!tpu.dma_semaphore, #tpu.memory_space<semaphore_mem>>) src(%arg7 : memref<80x128xf32, #tpu.memory_space<vmem>>) dst(%dma_wait3A_87 : memref<80x128xf32, #tpu.memory_space<vmem_shared>>)
    %dma_wait3A_88 = arith.constant 0 : i32
    %dma_wait3A_89 = arith.constant 0 : i32
    %dma_wait3A_90 = tpu.memref_slice %arg7[%dma_wait3A_88, %dma_wait3A_89] : memref<80x128xf32, #tpu.memory_space<vmem>> -> memref<72x128xf32, #tpu.memory_space<vmem>>
    %dma_wait3A_91 = arith.constant 0 : i32
    %dma_wait3A_92 = tpu.memref_slice %arg19[%mul3A_7, %dma_wait3A_91] : memref<10112x128xf32, #tpu.memory_space<vmem_shared>> -> memref<72x128xf32, #tpu.memory_space<vmem_shared>>
    %dma_wait3A_93 = arith.constant 0 : i32
    %dma_wait3A_94 = tpu.memref_slice %arg19[%mul3A_7, %dma_wait3A_93] : memref<10112x128xf32, #tpu.memory_space<vmem_shared>> -> memref<72x128xf32, #tpu.memory_space<vmem_shared>>
    %dma_wait3A_95 = arith.constant 0 : i32
    %dma_wait3A_96 = arith.constant 0 : i32
    %dma_wait3A_97 = tpu.memref_slice %arg7[%dma_wait3A_95, %dma_wait3A_96] : memref<80x128xf32, #tpu.memory_space<vmem>> -> memref<72x128xf32, #tpu.memory_space<vmem>>
    tpu.wait_dma2 semaphore(%arg13 : memref<!tpu.dma_semaphore, #tpu.memory_space<semaphore_mem>>) src(%dma_wait3A_97 : memref<72x128xf32, #tpu.memory_space<vmem>>) dst(%dma_wait3A_94 : memref<72x128xf32, #tpu.memory_space<vmem_shared>>)
    %barrier3A = arith.constant 0 : index
    tpu.barrier barrier_id(%barrier3A)
    %eq3A = arith.constant 0 : i32
    %eq3A_98 = arith.cmpi eq, %arg0, %eq3A : i32
    %jit3A = arith.constant 162 : i32
    %jit3A_99 = arith.constant 90 : i32
    %select_n3A = arith.select %eq3A_98, %jit3A, %jit3A_99 : i32
    %dma_start3A_100 = arith.constant 0 : i32
    %dma_start3A_101 = tpu.memref_slice %arg6[%dma_start3A_100] : memref<12960xi32, #tpu.memory_space<vmem>> -> memref<80xi32, #tpu.memory_space<vmem>>
    %dma_start3A_102 = arith.constant 0 : i32
    %dma_start3A_103 = arith.constant 0 : i32
    %dma_start3A_104 = tpu.memref_slice %arg2[%dma_start3A_102, %dma_start3A_103] : memref<10000x128xf32, #tpu.memory_space<hbm>> -> memref<10000x128xf32, #tpu.memory_space<hbm>>
    tpu.enqueue_indirect_dma source(%dma_start3A_104 : memref<10000x128xf32, #tpu.memory_space<hbm>>) target(%arg7 : memref<80x128xf32, #tpu.memory_space<vmem>>) offsets(%dma_start3A_101 : memref<80xi32, #tpu.memory_space<vmem>>) semaphore(%arg13 : memref<!tpu.dma_semaphore, #tpu.memory_space<semaphore_mem>>)
    %mul3A_105 = arith.constant 162 : i32
    %mul3A_106 = arith.muli %add3A, %mul3A_105 : i32
    %add3A_107 = arith.constant 0 : i32
    %add3A_108 = arith.addi %mul3A_106, %add3A_107 : i32
    %mul3A_109 = arith.constant 80 : i32
    %mul3A_110 = arith.muli %add3A_108, %mul3A_109 : i32
    %dma_start3A_111 = tpu.memref_slice %arg4[%mul3A_110] : memref<414720xi32, #tpu.memory_space<hbm>> -> memref<80xi32, #tpu.memory_space<hbm>>
    %dma_start3A_112 = tpu.memref_slice %arg4[%mul3A_110] : memref<414720xi32, #tpu.memory_space<hbm>> -> memref<80xi32, #tpu.memory_space<hbm>>
    tpu.enqueue_dma source(%dma_start3A_112 : memref<80xi32, #tpu.memory_space<hbm>>) target(%arg10 : memref<80xi32, #tpu.memory_space<vmem>>) target_semaphore(%arg13 : memref<!tpu.dma_semaphore, #tpu.memory_space<semaphore_mem>>)
    %dma_start3A_113 = arith.constant 80 : i32
    %dma_start3A_114 = tpu.memref_slice %arg6[%dma_start3A_113] : memref<12960xi32, #tpu.memory_space<vmem>> -> memref<80xi32, #tpu.memory_space<vmem>>
    %dma_start3A_115 = arith.constant 0 : i32
    %dma_start3A_116 = arith.constant 0 : i32
    %dma_start3A_117 = tpu.memref_slice %arg2[%dma_start3A_115, %dma_start3A_116] : memref<10000x128xf32, #tpu.memory_space<hbm>> -> memref<10000x128xf32, #tpu.memory_space<hbm>>
    tpu.enqueue_indirect_dma source(%dma_start3A_117 : memref<10000x128xf32, #tpu.memory_space<hbm>>) target(%arg8 : memref<80x128xf32, #tpu.memory_space<vmem>>) offsets(%dma_start3A_114 : memref<80xi32, #tpu.memory_space<vmem>>) semaphore(%arg14 : memref<!tpu.dma_semaphore, #tpu.memory_space<semaphore_mem>>)
    %mul3A_118 = arith.constant 162 : i32
    %mul3A_119 = arith.muli %add3A, %mul3A_118 : i32
    %add3A_120 = arith.constant 1 : i32
    %add3A_121 = arith.addi %mul3A_119, %add3A_120 : i32
    %mul3A_122 = arith.constant 80 : i32
    %mul3A_123 = arith.muli %add3A_121, %mul3A_122 : i32
    %dma_start3A_124 = tpu.memref_slice %arg4[%mul3A_123] : memref<414720xi32, #tpu.memory_space<hbm>> -> memref<80xi32, #tpu.memory_space<hbm>>
    %dma_start3A_125 = tpu.memref_slice %arg4[%mul3A_123] : memref<414720xi32, #tpu.memory_space<hbm>> -> memref<80xi32, #tpu.memory_space<hbm>>
    tpu.enqueue_dma source(%dma_start3A_125 : memref<80xi32, #tpu.memory_space<hbm>>) target(%arg11 : memref<80xi32, #tpu.memory_space<vmem>>) target_semaphore(%arg14 : memref<!tpu.dma_semaphore, #tpu.memory_space<semaphore_mem>>)
    %dma_start3A_126 = arith.constant 160 : i32
    %dma_start3A_127 = tpu.memref_slice %arg6[%dma_start3A_126] : memref<12960xi32, #tpu.memory_space<vmem>> -> memref<80xi32, #tpu.memory_space<vmem>>
    %dma_start3A_128 = arith.constant 0 : i32
    %dma_start3A_129 = arith.constant 0 : i32
    %dma_start3A_130 = tpu.memref_slice %arg2[%dma_start3A_128, %dma_start3A_129] : memref<10000x128xf32, #tpu.memory_space<hbm>> -> memref<10000x128xf32, #tpu.memory_space<hbm>>
    tpu.enqueue_indirect_dma source(%dma_start3A_130 : memref<10000x128xf32, #tpu.memory_space<hbm>>) target(%arg9 : memref<80x128xf32, #tpu.memory_space<vmem>>) offsets(%dma_start3A_127 : memref<80xi32, #tpu.memory_space<vmem>>) semaphore(%arg15 : memref<!tpu.dma_semaphore, #tpu.memory_space<semaphore_mem>>)
    %mul3A_131 = arith.constant 162 : i32
    %mul3A_132 = arith.muli %add3A, %mul3A_131 : i32
    %add3A_133 = arith.constant 2 : i32
    %add3A_134 = arith.addi %mul3A_132, %add3A_133 : i32
    %mul3A_135 = arith.constant 80 : i32
    %mul3A_136 = arith.muli %add3A_134, %mul3A_135 : i32
    %dma_start3A_137 = tpu.memref_slice %arg4[%mul3A_136] : memref<414720xi32, #tpu.memory_space<hbm>> -> memref<80xi32, #tpu.memory_space<hbm>>
    %dma_start3A_138 = tpu.memref_slice %arg4[%mul3A_136] : memref<414720xi32, #tpu.memory_space<hbm>> -> memref<80xi32, #tpu.memory_space<hbm>>
    tpu.enqueue_dma source(%dma_start3A_138 : memref<80xi32, #tpu.memory_space<hbm>>) target(%arg12 : memref<80xi32, #tpu.memory_space<vmem>>) target_semaphore(%arg15 : memref<!tpu.dma_semaphore, #tpu.memory_space<semaphore_mem>>)
    %dma_wait3A_139 = arith.constant 0 : i32
    %dma_wait3A_140 = tpu.memref_slice %arg6[%dma_wait3A_139] : memref<12960xi32, #tpu.memory_space<vmem>> -> memref<80xi32, #tpu.memory_space<vmem>>
    %dma_wait3A_141 = arith.constant 0 : i32
    %dma_wait3A_142 = arith.constant 0 : i32
    %dma_wait3A_143 = tpu.memref_slice %arg2[%dma_wait3A_141, %dma_wait3A_142] : memref<10000x128xf32, #tpu.memory_space<hbm>> -> memref<10000x128xf32, #tpu.memory_space<hbm>>
    tpu.wait_indirect_dma semaphore(%arg13 : memref<!tpu.dma_semaphore, #tpu.memory_space<semaphore_mem>>) src(%dma_wait3A_143 : memref<10000x128xf32, #tpu.memory_space<hbm>>) dst(%arg7 : memref<80x128xf32, #tpu.memory_space<vmem>>)
    %mul3A_144 = arith.constant 162 : i32
    %mul3A_145 = arith.muli %add3A, %mul3A_144 : i32
    %add3A_146 = arith.constant 0 : i32
    %add3A_147 = arith.addi %mul3A_145, %add3A_146 : i32
    %mul3A_148 = arith.constant 80 : i32
    %mul3A_149 = arith.muli %add3A_147, %mul3A_148 : i32
    %dma_wait3A_150 = tpu.memref_slice %arg4[%mul3A_149] : memref<414720xi32, #tpu.memory_space<hbm>> -> memref<80xi32, #tpu.memory_space<hbm>>
    %dma_wait3A_151 = tpu.memref_slice %arg4[%mul3A_149] : memref<414720xi32, #tpu.memory_space<hbm>> -> memref<80xi32, #tpu.memory_space<hbm>>
    tpu.wait_dma2 semaphore(%arg13 : memref<!tpu.dma_semaphore, #tpu.memory_space<semaphore_mem>>) src(%dma_wait3A_151 : memref<80xi32, #tpu.memory_space<hbm>>) dst(%arg10 : memref<80xi32, #tpu.memory_space<vmem>>)
    %dma_start3A_152 = arith.constant 0 : i32
    %dma_start3A_153 = arith.constant 0 : i32
    %dma_start3A_154 = tpu.memref_slice %arg19[%dma_start3A_152, %dma_start3A_153] : memref<10112x128xf32, #tpu.memory_space<vmem_shared>> -> memref<10112x128xf32, #tpu.memory_space<vmem_shared>>
    tpu.enqueue_indirect_dma source(%arg7 : memref<80x128xf32, #tpu.memory_space<vmem>>) target(%dma_start3A_154 : memref<10112x128xf32, #tpu.memory_space<vmem_shared>>) offsets(%arg10 : memref<80xi32, #tpu.memory_space<vmem>>) semaphore(%arg16 : memref<!tpu.dma_semaphore, #tpu.memory_space<semaphore_mem>>) {add = true}
    %dma_wait3A_155 = arith.constant 80 : i32
    %dma_wait3A_156 = tpu.memref_slice %arg6[%dma_wait3A_155] : memref<12960xi32, #tpu.memory_space<vmem>> -> memref<80xi32, #tpu.memory_space<vmem>>
    %dma_wait3A_157 = arith.constant 0 : i32
    %dma_wait3A_158 = arith.constant 0 : i32
    %dma_wait3A_159 = tpu.memref_slice %arg2[%dma_wait3A_157, %dma_wait3A_158] : memref<10000x128xf32, #tpu.memory_space<hbm>> -> memref<10000x128xf32, #tpu.memory_space<hbm>>
    tpu.wait_indirect_dma semaphore(%arg14 : memref<!tpu.dma_semaphore, #tpu.memory_space<semaphore_mem>>) src(%dma_wait3A_159 : memref<10000x128xf32, #tpu.memory_space<hbm>>) dst(%arg8 : memref<80x128xf32, #tpu.memory_space<vmem>>)
    %mul3A_160 = arith.constant 162 : i32
    %mul3A_161 = arith.muli %add3A, %mul3A_160 : i32
    %add3A_162 = arith.constant 1 : i32
    %add3A_163 = arith.addi %mul3A_161, %add3A_162 : i32
    %mul3A_164 = arith.constant 80 : i32
    %mul3A_165 = arith.muli %add3A_163, %mul3A_164 : i32
    %dma_wait3A_166 = tpu.memref_slice %arg4[%mul3A_165] : memref<414720xi32, #tpu.memory_space<hbm>> -> memref<80xi32, #tpu.memory_space<hbm>>
    %dma_wait3A_167 = tpu.memref_slice %arg4[%mul3A_165] : memref<414720xi32, #tpu.memory_space<hbm>> -> memref<80xi32, #tpu.memory_space<hbm>>
    tpu.wait_dma2 semaphore(%arg14 : memref<!tpu.dma_semaphore, #tpu.memory_space<semaphore_mem>>) src(%dma_wait3A_167 : memref<80xi32, #tpu.memory_space<hbm>>) dst(%arg11 : memref<80xi32, #tpu.memory_space<vmem>>)
    %dma_start3A_168 = arith.constant 0 : i32
    %dma_start3A_169 = arith.constant 0 : i32
    %dma_start3A_170 = tpu.memref_slice %arg19[%dma_start3A_168, %dma_start3A_169] : memref<10112x128xf32, #tpu.memory_space<vmem_shared>> -> memref<10112x128xf32, #tpu.memory_space<vmem_shared>>
    tpu.enqueue_indirect_dma source(%arg8 : memref<80x128xf32, #tpu.memory_space<vmem>>) target(%dma_start3A_170 : memref<10112x128xf32, #tpu.memory_space<vmem_shared>>) offsets(%arg11 : memref<80xi32, #tpu.memory_space<vmem>>) semaphore(%arg17 : memref<!tpu.dma_semaphore, #tpu.memory_space<semaphore_mem>>) {add = true}
    %dma_wait3A_171 = arith.constant 160 : i32
    %dma_wait3A_172 = tpu.memref_slice %arg6[%dma_wait3A_171] : memref<12960xi32, #tpu.memory_space<vmem>> -> memref<80xi32, #tpu.memory_space<vmem>>
    %dma_wait3A_173 = arith.constant 0 : i32
    %dma_wait3A_174 = arith.constant 0 : i32
    %dma_wait3A_175 = tpu.memref_slice %arg2[%dma_wait3A_173, %dma_wait3A_174] : memref<10000x128xf32, #tpu.memory_space<hbm>> -> memref<10000x128xf32, #tpu.memory_space<hbm>>
    tpu.wait_indirect_dma semaphore(%arg15 : memref<!tpu.dma_semaphore, #tpu.memory_space<semaphore_mem>>) src(%dma_wait3A_175 : memref<10000x128xf32, #tpu.memory_space<hbm>>) dst(%arg9 : memref<80x128xf32, #tpu.memory_space<vmem>>)
    %mul3A_176 = arith.constant 162 : i32
    %mul3A_177 = arith.muli %add3A, %mul3A_176 : i32
    %add3A_178 = arith.constant 2 : i32
    %add3A_179 = arith.addi %mul3A_177, %add3A_178 : i32
    %mul3A_180 = arith.constant 80 : i32
    %mul3A_181 = arith.muli %add3A_179, %mul3A_180 : i32
    %dma_wait3A_182 = tpu.memref_slice %arg4[%mul3A_181] : memref<414720xi32, #tpu.memory_space<hbm>> -> memref<80xi32, #tpu.memory_space<hbm>>
    %dma_wait3A_183 = tpu.memref_slice %arg4[%mul3A_181] : memref<414720xi32, #tpu.memory_space<hbm>> -> memref<80xi32, #tpu.memory_space<hbm>>
    tpu.wait_dma2 semaphore(%arg15 : memref<!tpu.dma_semaphore, #tpu.memory_space<semaphore_mem>>) src(%dma_wait3A_183 : memref<80xi32, #tpu.memory_space<hbm>>) dst(%arg12 : memref<80xi32, #tpu.memory_space<vmem>>)
    %dma_start3A_184 = arith.constant 0 : i32
    %dma_start3A_185 = arith.constant 0 : i32
    %dma_start3A_186 = tpu.memref_slice %arg19[%dma_start3A_184, %dma_start3A_185] : memref<10112x128xf32, #tpu.memory_space<vmem_shared>> -> memref<10112x128xf32, #tpu.memory_space<vmem_shared>>
    tpu.enqueue_indirect_dma source(%arg9 : memref<80x128xf32, #tpu.memory_space<vmem>>) target(%dma_start3A_186 : memref<10112x128xf32, #tpu.memory_space<vmem_shared>>) offsets(%arg12 : memref<80xi32, #tpu.memory_space<vmem>>) semaphore(%arg18 : memref<!tpu.dma_semaphore, #tpu.memory_space<semaphore_mem>>) {add = true}
    %jit3A_187 = arith.constant 3 : i32
    %div3A = arith.divsi %select_n3A, %jit3A_187 : i32
    %sign3A = arith.constant 0 : i32
    %sign3A_188 = arith.cmpi sgt, %select_n3A, %sign3A : i32
    %sign3A_189 = arith.extui %sign3A_188 : i1 to i32
    %sign3A_190 = arith.constant 0 : i32
    %sign3A_191 = arith.cmpi slt, %select_n3A, %sign3A_190 : i32
    %sign3A_192 = arith.extui %sign3A_191 : i1 to i32
    %sign3A_193 = arith.subi %sign3A_189, %sign3A_192 : i32
    %sign3A_194 = arith.constant 0 : i32
    %sign3A_195 = arith.cmpi sgt, %jit3A_187, %sign3A_194 : i32
    %sign3A_196 = arith.extui %sign3A_195 : i1 to i32
    %sign3A_197 = arith.constant 0 : i32
    %sign3A_198 = arith.cmpi slt, %jit3A_187, %sign3A_197 : i32
    %sign3A_199 = arith.extui %sign3A_198 : i1 to i32
    %sign3A_200 = arith.subi %sign3A_196, %sign3A_199 : i32
    %ne3A = arith.cmpi ne, %sign3A_193, %sign3A_200 : i32
    %rem3A = arith.remsi %select_n3A, %jit3A_187 : i32
    %ne3A_201 = arith.constant 0 : i32
    %ne3A_202 = arith.cmpi ne, %rem3A, %ne3A_201 : i32
    %and3A = arith.andi %ne3A, %ne3A_202 : i1
    %sub3A = arith.constant 1 : i32
    %sub3A_203 = arith.subi %div3A, %sub3A : i32
    %select_n3A_204 = arith.select %and3A, %sub3A_203, %div3A : i32
    %while3A = arith.constant 0 : i32
    %while3A_205 = arith.constant 1 : i32
    %while3A_206 = arith.subi %select_n3A_204, %while3A_205 : i32
    %while3A_207 = arith.addi %while3A_205, %while3A_206 : i32
    %while3A_208 = arith.constant 1 : i32
    %while3A_209 = arith.divsi %while3A_206, %while3A_208 : i32
    %while3A_210 = arith.muli %while3A_209, %while3A_208 : i32
    %while3A_211 = arith.addi %while3A_205, %while3A_210 : i32
    %while3A_212 = arith.constant 1 : i32
    scf.for %while3A_228 = %while3A_205 to %while3A_211 step %while3A_212  : i32 {
      %mul3A_229 = arith.constant 3 : i32
      %mul3A_230 = arith.muli %while3A_228, %mul3A_229 : i32
      %dma_wait3A_231 = arith.constant 0 : i32
      %dma_wait3A_232 = arith.constant 0 : i32
      %dma_wait3A_233 = tpu.memref_slice %arg19[%dma_wait3A_231, %dma_wait3A_232] : memref<10112x128xf32, #tpu.memory_space<vmem_shared>> -> memref<10112x128xf32, #tpu.memory_space<vmem_shared>>
      tpu.wait_indirect_dma semaphore(%arg16 : memref<!tpu.dma_semaphore, #tpu.memory_space<semaphore_mem>>) src(%arg7 : memref<80x128xf32, #tpu.memory_space<vmem>>) dst(%dma_wait3A_233 : memref<10112x128xf32, #tpu.memory_space<vmem_shared>>)
      %add3A_234 = arith.constant 0 : i32
      %add3A_235 = arith.addi %mul3A_230, %add3A_234 : i32
      %mul3A_236 = arith.constant 80 : i32
      %mul3A_237 = arith.muli %add3A_235, %mul3A_236 : i32
      %dma_start3A_238 = tpu.memref_slice %arg6[%mul3A_237] : memref<12960xi32, #tpu.memory_space<vmem>> -> memref<80xi32, #tpu.memory_space<vmem>>
      %dma_start3A_239 = arith.constant 0 : i32
      %dma_start3A_240 = arith.constant 0 : i32
      %dma_start3A_241 = tpu.memref_slice %arg2[%dma_start3A_239, %dma_start3A_240] : memref<10000x128xf32, #tpu.memory_space<hbm>> -> memref<10000x128xf32, #tpu.memory_space<hbm>>
      tpu.enqueue_indirect_dma source(%dma_start3A_241 : memref<10000x128xf32, #tpu.memory_space<hbm>>) target(%arg7 : memref<80x128xf32, #tpu.memory_space<vmem>>) offsets(%dma_start3A_238 : memref<80xi32, #tpu.memory_space<vmem>>) semaphore(%arg13 : memref<!tpu.dma_semaphore, #tpu.memory_space<semaphore_mem>>)
      %mul3A_242 = arith.constant 162 : i32
      %mul3A_243 = arith.muli %add3A, %mul3A_242 : i32
      %add3A_244 = arith.addi %mul3A_243, %add3A_235 : i32
      %mul3A_245 = arith.constant 80 : i32
      %mul3A_246 = arith.muli %add3A_244, %mul3A_245 : i32
      %dma_start3A_247 = tpu.memref_slice %arg4[%mul3A_246] : memref<414720xi32, #tpu.memory_space<hbm>> -> memref<80xi32, #tpu.memory_space<hbm>>
      %dma_start3A_248 = tpu.memref_slice %arg4[%mul3A_246] : memref<414720xi32, #tpu.memory_space<hbm>> -> memref<80xi32, #tpu.memory_space<hbm>>
      tpu.enqueue_dma source(%dma_start3A_248 : memref<80xi32, #tpu.memory_space<hbm>>) target(%arg10 : memref<80xi32, #tpu.memory_space<vmem>>) target_semaphore(%arg13 : memref<!tpu.dma_semaphore, #tpu.memory_space<semaphore_mem>>)
      %dma_wait3A_249 = arith.constant 0 : i32
      %dma_wait3A_250 = arith.constant 0 : i32
      %dma_wait3A_251 = tpu.memref_slice %arg19[%dma_wait3A_249, %dma_wait3A_250] : memref<10112x128xf32, #tpu.memory_space<vmem_shared>> -> memref<10112x128xf32, #tpu.memory_space<vmem_shared>>
      tpu.wait_indirect_dma semaphore(%arg17 : memref<!tpu.dma_semaphore, #tpu.memory_space<semaphore_mem>>) src(%arg8 : memref<80x128xf32, #tpu.memory_space<vmem>>) dst(%dma_wait3A_251 : memref<10112x128xf32, #tpu.memory_space<vmem_shared>>)
      %add3A_252 = arith.constant 1 : i32
      %add3A_253 = arith.addi %mul3A_230, %add3A_252 : i32
      %mul3A_254 = arith.constant 80 : i32
      %mul3A_255 = arith.muli %add3A_253, %mul3A_254 : i32
      %dma_start3A_256 = tpu.memref_slice %arg6[%mul3A_255] : memref<12960xi32, #tpu.memory_space<vmem>> -> memref<80xi32, #tpu.memory_space<vmem>>
      %dma_start3A_257 = arith.constant 0 : i32
      %dma_start3A_258 = arith.constant 0 : i32
      %dma_start3A_259 = tpu.memref_slice %arg2[%dma_start3A_257, %dma_start3A_258] : memref<10000x128xf32, #tpu.memory_space<hbm>> -> memref<10000x128xf32, #tpu.memory_space<hbm>>
      tpu.enqueue_indirect_dma source(%dma_start3A_259 : memref<10000x128xf32, #tpu.memory_space<hbm>>) target(%arg8 : memref<80x128xf32, #tpu.memory_space<vmem>>) offsets(%dma_start3A_256 : memref<80xi32, #tpu.memory_space<vmem>>) semaphore(%arg14 : memref<!tpu.dma_semaphore, #tpu.memory_space<semaphore_mem>>)
      %mul3A_260 = arith.constant 162 : i32
      %mul3A_261 = arith.muli %add3A, %mul3A_260 : i32
      %add3A_262 = arith.addi %mul3A_261, %add3A_253 : i32
      %mul3A_263 = arith.constant 80 : i32
      %mul3A_264 = arith.muli %add3A_262, %mul3A_263 : i32
      %dma_start3A_265 = tpu.memref_slice %arg4[%mul3A_264] : memref<414720xi32, #tpu.memory_space<hbm>> -> memref<80xi32, #tpu.memory_space<hbm>>
      %dma_start3A_266 = tpu.memref_slice %arg4[%mul3A_264] : memref<414720xi32, #tpu.memory_space<hbm>> -> memref<80xi32, #tpu.memory_space<hbm>>
      tpu.enqueue_dma source(%dma_start3A_266 : memref<80xi32, #tpu.memory_space<hbm>>) target(%arg11 : memref<80xi32, #tpu.memory_space<vmem>>) target_semaphore(%arg14 : memref<!tpu.dma_semaphore, #tpu.memory_space<semaphore_mem>>)
      %dma_wait3A_267 = arith.constant 0 : i32
      %dma_wait3A_268 = arith.constant 0 : i32
      %dma_wait3A_269 = tpu.memref_slice %arg19[%dma_wait3A_267, %dma_wait3A_268] : memref<10112x128xf32, #tpu.memory_space<vmem_shared>> -> memref<10112x128xf32, #tpu.memory_space<vmem_shared>>
      tpu.wait_indirect_dma semaphore(%arg18 : memref<!tpu.dma_semaphore, #tpu.memory_space<semaphore_mem>>) src(%arg9 : memref<80x128xf32, #tpu.memory_space<vmem>>) dst(%dma_wait3A_269 : memref<10112x128xf32, #tpu.memory_space<vmem_shared>>)
      %add3A_270 = arith.constant 2 : i32
      %add3A_271 = arith.addi %mul3A_230, %add3A_270 : i32
      %mul3A_272 = arith.constant 80 : i32
      %mul3A_273 = arith.muli %add3A_271, %mul3A_272 : i32
      %dma_start3A_274 = tpu.memref_slice %arg6[%mul3A_273] : memref<12960xi32, #tpu.memory_space<vmem>> -> memref<80xi32, #tpu.memory_space<vmem>>
      %dma_start3A_275 = arith.constant 0 : i32
      %dma_start3A_276 = arith.constant 0 : i32
      %dma_start3A_277 = tpu.memref_slice %arg2[%dma_start3A_275, %dma_start3A_276] : memref<10000x128xf32, #tpu.memory_space<hbm>> -> memref<10000x128xf32, #tpu.memory_space<hbm>>
      tpu.enqueue_indirect_dma source(%dma_start3A_277 : memref<10000x128xf32, #tpu.memory_space<hbm>>) target(%arg9 : memref<80x128xf32, #tpu.memory_space<vmem>>) offsets(%dma_start3A_274 : memref<80xi32, #tpu.memory_space<vmem>>) semaphore(%arg15 : memref<!tpu.dma_semaphore, #tpu.memory_space<semaphore_mem>>)
      %mul3A_278 = arith.constant 162 : i32
      %mul3A_279 = arith.muli %add3A, %mul3A_278 : i32
      %add3A_280 = arith.addi %mul3A_279, %add3A_271 : i32
      %mul3A_281 = arith.constant 80 : i32
      %mul3A_282 = arith.muli %add3A_280, %mul3A_281 : i32
      %dma_start3A_283 = tpu.memref_slice %arg4[%mul3A_282] : memref<414720xi32, #tpu.memory_space<hbm>> -> memref<80xi32, #tpu.memory_space<hbm>>
      %dma_start3A_284 = tpu.memref_slice %arg4[%mul3A_282] : memref<414720xi32, #tpu.memory_space<hbm>> -> memref<80xi32, #tpu.memory_space<hbm>>
      tpu.enqueue_dma source(%dma_start3A_284 : memref<80xi32, #tpu.memory_space<hbm>>) target(%arg12 : memref<80xi32, #tpu.memory_space<vmem>>) target_semaphore(%arg15 : memref<!tpu.dma_semaphore, #tpu.memory_space<semaphore_mem>>)
      %add3A_285 = arith.constant 0 : i32
      %add3A_286 = arith.addi %mul3A_230, %add3A_285 : i32
      %mul3A_287 = arith.constant 80 : i32
      %mul3A_288 = arith.muli %add3A_286, %mul3A_287 : i32
      %dma_wait3A_289 = tpu.memref_slice %arg6[%mul3A_288] : memref<12960xi32, #tpu.memory_space<vmem>> -> memref<80xi32, #tpu.memory_space<vmem>>
      %dma_wait3A_290 = arith.constant 0 : i32
      %dma_wait3A_291 = arith.constant 0 : i32
      %dma_wait3A_292 = tpu.memref_slice %arg2[%dma_wait3A_290, %dma_wait3A_291] : memref<10000x128xf32, #tpu.memory_space<hbm>> -> memref<10000x128xf32, #tpu.memory_space<hbm>>
      tpu.wait_indirect_dma semaphore(%arg13 : memref<!tpu.dma_semaphore, #tpu.memory_space<semaphore_mem>>) src(%dma_wait3A_292 : memref<10000x128xf32, #tpu.memory_space<hbm>>) dst(%arg7 : memref<80x128xf32, #tpu.memory_space<vmem>>)
      %mul3A_293 = arith.constant 162 : i32
      %mul3A_294 = arith.muli %add3A, %mul3A_293 : i32
      %add3A_295 = arith.addi %mul3A_294, %add3A_286 : i32
      %mul3A_296 = arith.constant 80 : i32
      %mul3A_297 = arith.muli %add3A_295, %mul3A_296 : i32
      %dma_wait3A_298 = tpu.memref_slice %arg4[%mul3A_297] : memref<414720xi32, #tpu.memory_space<hbm>> -> memref<80xi32, #tpu.memory_space<hbm>>
      %dma_wait3A_299 = tpu.memref_slice %arg4[%mul3A_297] : memref<414720xi32, #tpu.memory_space<hbm>> -> memref<80xi32, #tpu.memory_space<hbm>>
      tpu.wait_dma2 semaphore(%arg13 : memref<!tpu.dma_semaphore, #tpu.memory_space<semaphore_mem>>) src(%dma_wait3A_299 : memref<80xi32, #tpu.memory_space<hbm>>) dst(%arg10 : memref<80xi32, #tpu.memory_space<vmem>>)
      %dma_start3A_300 = arith.constant 0 : i32
      %dma_start3A_301 = arith.constant 0 : i32
      %dma_start3A_302 = tpu.memref_slice %arg19[%dma_start3A_300, %dma_start3A_301] : memref<10112x128xf32, #tpu.memory_space<vmem_shared>> -> memref<10112x128xf32, #tpu.memory_space<vmem_shared>>
      tpu.enqueue_indirect_dma source(%arg7 : memref<80x128xf32, #tpu.memory_space<vmem>>) target(%dma_start3A_302 : memref<10112x128xf32, #tpu.memory_space<vmem_shared>>) offsets(%arg10 : memref<80xi32, #tpu.memory_space<vmem>>) semaphore(%arg16 : memref<!tpu.dma_semaphore, #tpu.memory_space<semaphore_mem>>) {add = true}
      %add3A_303 = arith.constant 1 : i32
      %add3A_304 = arith.addi %mul3A_230, %add3A_303 : i32
      %mul3A_305 = arith.constant 80 : i32
      %mul3A_306 = arith.muli %add3A_304, %mul3A_305 : i32
      %dma_wait3A_307 = tpu.memref_slice %arg6[%mul3A_306] : memref<12960xi32, #tpu.memory_space<vmem>> -> memref<80xi32, #tpu.memory_space<vmem>>
      %dma_wait3A_308 = arith.constant 0 : i32
      %dma_wait3A_309 = arith.constant 0 : i32
      %dma_wait3A_310 = tpu.memref_slice %arg2[%dma_wait3A_308, %dma_wait3A_309] : memref<10000x128xf32, #tpu.memory_space<hbm>> -> memref<10000x128xf32, #tpu.memory_space<hbm>>
      tpu.wait_indirect_dma semaphore(%arg14 : memref<!tpu.dma_semaphore, #tpu.memory_space<semaphore_mem>>) src(%dma_wait3A_310 : memref<10000x128xf32, #tpu.memory_space<hbm>>) dst(%arg8 : memref<80x128xf32, #tpu.memory_space<vmem>>)
      %mul3A_311 = arith.constant 162 : i32
      %mul3A_312 = arith.muli %add3A, %mul3A_311 : i32
      %add3A_313 = arith.addi %mul3A_312, %add3A_304 : i32
      %mul3A_314 = arith.constant 80 : i32
      %mul3A_315 = arith.muli %add3A_313, %mul3A_314 : i32
      %dma_wait3A_316 = tpu.memref_slice %arg4[%mul3A_315] : memref<414720xi32, #tpu.memory_space<hbm>> -> memref<80xi32, #tpu.memory_space<hbm>>
      %dma_wait3A_317 = tpu.memref_slice %arg4[%mul3A_315] : memref<414720xi32, #tpu.memory_space<hbm>> -> memref<80xi32, #tpu.memory_space<hbm>>
      tpu.wait_dma2 semaphore(%arg14 : memref<!tpu.dma_semaphore, #tpu.memory_space<semaphore_mem>>) src(%dma_wait3A_317 : memref<80xi32, #tpu.memory_space<hbm>>) dst(%arg11 : memref<80xi32, #tpu.memory_space<vmem>>)
      %dma_start3A_318 = arith.constant 0 : i32
      %dma_start3A_319 = arith.constant 0 : i32
      %dma_start3A_320 = tpu.memref_slice %arg19[%dma_start3A_318, %dma_start3A_319] : memref<10112x128xf32, #tpu.memory_space<vmem_shared>> -> memref<10112x128xf32, #tpu.memory_space<vmem_shared>>
      tpu.enqueue_indirect_dma source(%arg8 : memref<80x128xf32, #tpu.memory_space<vmem>>) target(%dma_start3A_320 : memref<10112x128xf32, #tpu.memory_space<vmem_shared>>) offsets(%arg11 : memref<80xi32, #tpu.memory_space<vmem>>) semaphore(%arg17 : memref<!tpu.dma_semaphore, #tpu.memory_space<semaphore_mem>>) {add = true}
      %add3A_321 = arith.constant 2 : i32
      %add3A_322 = arith.addi %mul3A_230, %add3A_321 : i32
      %mul3A_323 = arith.constant 80 : i32
      %mul3A_324 = arith.muli %add3A_322, %mul3A_323 : i32
      %dma_wait3A_325 = tpu.memref_slice %arg6[%mul3A_324] : memref<12960xi32, #tpu.memory_space<vmem>> -> memref<80xi32, #tpu.memory_space<vmem>>
      %dma_wait3A_326 = arith.constant 0 : i32
      %dma_wait3A_327 = arith.constant 0 : i32
      %dma_wait3A_328 = tpu.memref_slice %arg2[%dma_wait3A_326, %dma_wait3A_327] : memref<10000x128xf32, #tpu.memory_space<hbm>> -> memref<10000x128xf32, #tpu.memory_space<hbm>>
      tpu.wait_indirect_dma semaphore(%arg15 : memref<!tpu.dma_semaphore, #tpu.memory_space<semaphore_mem>>) src(%dma_wait3A_328 : memref<10000x128xf32, #tpu.memory_space<hbm>>) dst(%arg9 : memref<80x128xf32, #tpu.memory_space<vmem>>)
      %mul3A_329 = arith.constant 162 : i32
      %mul3A_330 = arith.muli %add3A, %mul3A_329 : i32
      %add3A_331 = arith.addi %mul3A_330, %add3A_322 : i32
      %mul3A_332 = arith.constant 80 : i32
      %mul3A_333 = arith.muli %add3A_331, %mul3A_332 : i32
      %dma_wait3A_334 = tpu.memref_slice %arg4[%mul3A_333] : memref<414720xi32, #tpu.memory_space<hbm>> -> memref<80xi32, #tpu.memory_space<hbm>>
      %dma_wait3A_335 = tpu.memref_slice %arg4[%mul3A_333] : memref<414720xi32, #tpu.memory_space<hbm>> -> memref<80xi32, #tpu.memory_space<hbm>>
      tpu.wait_dma2 semaphore(%arg15 : memref<!tpu.dma_semaphore, #tpu.memory_space<semaphore_mem>>) src(%dma_wait3A_335 : memref<80xi32, #tpu.memory_space<hbm>>) dst(%arg12 : memref<80xi32, #tpu.memory_space<vmem>>)
      %dma_start3A_336 = arith.constant 0 : i32
      %dma_start3A_337 = arith.constant 0 : i32
      %dma_start3A_338 = tpu.memref_slice %arg19[%dma_start3A_336, %dma_start3A_337] : memref<10112x128xf32, #tpu.memory_space<vmem_shared>> -> memref<10112x128xf32, #tpu.memory_space<vmem_shared>>
      tpu.enqueue_indirect_dma source(%arg9 : memref<80x128xf32, #tpu.memory_space<vmem>>) target(%dma_start3A_338 : memref<10112x128xf32, #tpu.memory_space<vmem_shared>>) offsets(%arg12 : memref<80xi32, #tpu.memory_space<vmem>>) semaphore(%arg18 : memref<!tpu.dma_semaphore, #tpu.memory_space<semaphore_mem>>) {add = true}
    }
    %while3A_213 = arith.constant 1 : i32
    scf.for %while3A_228 = %while3A_211 to %while3A_207 step %while3A_213  : i32 {
      %mul3A_229 = arith.constant 3 : i32
      %mul3A_230 = arith.muli %while3A_228, %mul3A_229 : i32
      %dma_wait3A_231 = arith.constant 0 : i32
      %dma_wait3A_232 = arith.constant 0 : i32
      %dma_wait3A_233 = tpu.memref_slice %arg19[%dma_wait3A_231, %dma_wait3A_232] : memref<10112x128xf32, #tpu.memory_space<vmem_shared>> -> memref<10112x128xf32, #tpu.memory_space<vmem_shared>>
      tpu.wait_indirect_dma semaphore(%arg16 : memref<!tpu.dma_semaphore, #tpu.memory_space<semaphore_mem>>) src(%arg7 : memref<80x128xf32, #tpu.memory_space<vmem>>) dst(%dma_wait3A_233 : memref<10112x128xf32, #tpu.memory_space<vmem_shared>>)
      %add3A_234 = arith.constant 0 : i32
      %add3A_235 = arith.addi %mul3A_230, %add3A_234 : i32
      %mul3A_236 = arith.constant 80 : i32
      %mul3A_237 = arith.muli %add3A_235, %mul3A_236 : i32
      %dma_start3A_238 = tpu.memref_slice %arg6[%mul3A_237] : memref<12960xi32, #tpu.memory_space<vmem>> -> memref<80xi32, #tpu.memory_space<vmem>>
      %dma_start3A_239 = arith.constant 0 : i32
      %dma_start3A_240 = arith.constant 0 : i32
      %dma_start3A_241 = tpu.memref_slice %arg2[%dma_start3A_239, %dma_start3A_240] : memref<10000x128xf32, #tpu.memory_space<hbm>> -> memref<10000x128xf32, #tpu.memory_space<hbm>>
      tpu.enqueue_indirect_dma source(%dma_start3A_241 : memref<10000x128xf32, #tpu.memory_space<hbm>>) target(%arg7 : memref<80x128xf32, #tpu.memory_space<vmem>>) offsets(%dma_start3A_238 : memref<80xi32, #tpu.memory_space<vmem>>) semaphore(%arg13 : memref<!tpu.dma_semaphore, #tpu.memory_space<semaphore_mem>>)
      %mul3A_242 = arith.constant 162 : i32
      %mul3A_243 = arith.muli %add3A, %mul3A_242 : i32
      %add3A_244 = arith.addi %mul3A_243, %add3A_235 : i32
      %mul3A_245 = arith.constant 80 : i32
      %mul3A_246 = arith.muli %add3A_244, %mul3A_245 : i32
      %dma_start3A_247 = tpu.memref_slice %arg4[%mul3A_246] : memref<414720xi32, #tpu.memory_space<hbm>> -> memref<80xi32, #tpu.memory_space<hbm>>
      %dma_start3A_248 = tpu.memref_slice %arg4[%mul3A_246] : memref<414720xi32, #tpu.memory_space<hbm>> -> memref<80xi32, #tpu.memory_space<hbm>>
      tpu.enqueue_dma source(%dma_start3A_248 : memref<80xi32, #tpu.memory_space<hbm>>) target(%arg10 : memref<80xi32, #tpu.memory_space<vmem>>) target_semaphore(%arg13 : memref<!tpu.dma_semaphore, #tpu.memory_space<semaphore_mem>>)
      %dma_wait3A_249 = arith.constant 0 : i32
      %dma_wait3A_250 = arith.constant 0 : i32
      %dma_wait3A_251 = tpu.memref_slice %arg19[%dma_wait3A_249, %dma_wait3A_250] : memref<10112x128xf32, #tpu.memory_space<vmem_shared>> -> memref<10112x128xf32, #tpu.memory_space<vmem_shared>>
      tpu.wait_indirect_dma semaphore(%arg17 : memref<!tpu.dma_semaphore, #tpu.memory_space<semaphore_mem>>) src(%arg8 : memref<80x128xf32, #tpu.memory_space<vmem>>) dst(%dma_wait3A_251 : memref<10112x128xf32, #tpu.memory_space<vmem_shared>>)
      %add3A_252 = arith.constant 1 : i32
      %add3A_253 = arith.addi %mul3A_230, %add3A_252 : i32
      %mul3A_254 = arith.constant 80 : i32
      %mul3A_255 = arith.muli %add3A_253, %mul3A_254 : i32
      %dma_start3A_256 = tpu.memref_slice %arg6[%mul3A_255] : memref<12960xi32, #tpu.memory_space<vmem>> -> memref<80xi32, #tpu.memory_space<vmem>>
      %dma_start3A_257 = arith.constant 0 : i32
      %dma_start3A_258 = arith.constant 0 : i32
      %dma_start3A_259 = tpu.memref_slice %arg2[%dma_start3A_257, %dma_start3A_258] : memref<10000x128xf32, #tpu.memory_space<hbm>> -> memref<10000x128xf32, #tpu.memory_space<hbm>>
      tpu.enqueue_indirect_dma source(%dma_start3A_259 : memref<10000x128xf32, #tpu.memory_space<hbm>>) target(%arg8 : memref<80x128xf32, #tpu.memory_space<vmem>>) offsets(%dma_start3A_256 : memref<80xi32, #tpu.memory_space<vmem>>) semaphore(%arg14 : memref<!tpu.dma_semaphore, #tpu.memory_space<semaphore_mem>>)
      %mul3A_260 = arith.constant 162 : i32
      %mul3A_261 = arith.muli %add3A, %mul3A_260 : i32
      %add3A_262 = arith.addi %mul3A_261, %add3A_253 : i32
      %mul3A_263 = arith.constant 80 : i32
      %mul3A_264 = arith.muli %add3A_262, %mul3A_263 : i32
      %dma_start3A_265 = tpu.memref_slice %arg4[%mul3A_264] : memref<414720xi32, #tpu.memory_space<hbm>> -> memref<80xi32, #tpu.memory_space<hbm>>
      %dma_start3A_266 = tpu.memref_slice %arg4[%mul3A_264] : memref<414720xi32, #tpu.memory_space<hbm>> -> memref<80xi32, #tpu.memory_space<hbm>>
      tpu.enqueue_dma source(%dma_start3A_266 : memref<80xi32, #tpu.memory_space<hbm>>) target(%arg11 : memref<80xi32, #tpu.memory_space<vmem>>) target_semaphore(%arg14 : memref<!tpu.dma_semaphore, #tpu.memory_space<semaphore_mem>>)
      %dma_wait3A_267 = arith.constant 0 : i32
      %dma_wait3A_268 = arith.constant 0 : i32
      %dma_wait3A_269 = tpu.memref_slice %arg19[%dma_wait3A_267, %dma_wait3A_268] : memref<10112x128xf32, #tpu.memory_space<vmem_shared>> -> memref<10112x128xf32, #tpu.memory_space<vmem_shared>>
      tpu.wait_indirect_dma semaphore(%arg18 : memref<!tpu.dma_semaphore, #tpu.memory_space<semaphore_mem>>) src(%arg9 : memref<80x128xf32, #tpu.memory_space<vmem>>) dst(%dma_wait3A_269 : memref<10112x128xf32, #tpu.memory_space<vmem_shared>>)
      %add3A_270 = arith.constant 2 : i32
      %add3A_271 = arith.addi %mul3A_230, %add3A_270 : i32
      %mul3A_272 = arith.constant 80 : i32
      %mul3A_273 = arith.muli %add3A_271, %mul3A_272 : i32
      %dma_start3A_274 = tpu.memref_slice %arg6[%mul3A_273] : memref<12960xi32, #tpu.memory_space<vmem>> -> memref<80xi32, #tpu.memory_space<vmem>>
      %dma_start3A_275 = arith.constant 0 : i32
      %dma_start3A_276 = arith.constant 0 : i32
      %dma_start3A_277 = tpu.memref_slice %arg2[%dma_start3A_275, %dma_start3A_276] : memref<10000x128xf32, #tpu.memory_space<hbm>> -> memref<10000x128xf32, #tpu.memory_space<hbm>>
      tpu.enqueue_indirect_dma source(%dma_start3A_277 : memref<10000x128xf32, #tpu.memory_space<hbm>>) target(%arg9 : memref<80x128xf32, #tpu.memory_space<vmem>>) offsets(%dma_start3A_274 : memref<80xi32, #tpu.memory_space<vmem>>) semaphore(%arg15 : memref<!tpu.dma_semaphore, #tpu.memory_space<semaphore_mem>>)
      %mul3A_278 = arith.constant 162 : i32
      %mul3A_279 = arith.muli %add3A, %mul3A_278 : i32
      %add3A_280 = arith.addi %mul3A_279, %add3A_271 : i32
      %mul3A_281 = arith.constant 80 : i32
      %mul3A_282 = arith.muli %add3A_280, %mul3A_281 : i32
      %dma_start3A_283 = tpu.memref_slice %arg4[%mul3A_282] : memref<414720xi32, #tpu.memory_space<hbm>> -> memref<80xi32, #tpu.memory_space<hbm>>
      %dma_start3A_284 = tpu.memref_slice %arg4[%mul3A_282] : memref<414720xi32, #tpu.memory_space<hbm>> -> memref<80xi32, #tpu.memory_space<hbm>>
      tpu.enqueue_dma source(%dma_start3A_284 : memref<80xi32, #tpu.memory_space<hbm>>) target(%arg12 : memref<80xi32, #tpu.memory_space<vmem>>) target_semaphore(%arg15 : memref<!tpu.dma_semaphore, #tpu.memory_space<semaphore_mem>>)
      %add3A_285 = arith.constant 0 : i32
      %add3A_286 = arith.addi %mul3A_230, %add3A_285 : i32
      %mul3A_287 = arith.constant 80 : i32
      %mul3A_288 = arith.muli %add3A_286, %mul3A_287 : i32
      %dma_wait3A_289 = tpu.memref_slice %arg6[%mul3A_288] : memref<12960xi32, #tpu.memory_space<vmem>> -> memref<80xi32, #tpu.memory_space<vmem>>
      %dma_wait3A_290 = arith.constant 0 : i32
      %dma_wait3A_291 = arith.constant 0 : i32
      %dma_wait3A_292 = tpu.memref_slice %arg2[%dma_wait3A_290, %dma_wait3A_291] : memref<10000x128xf32, #tpu.memory_space<hbm>> -> memref<10000x128xf32, #tpu.memory_space<hbm>>
      tpu.wait_indirect_dma semaphore(%arg13 : memref<!tpu.dma_semaphore, #tpu.memory_space<semaphore_mem>>) src(%dma_wait3A_292 : memref<10000x128xf32, #tpu.memory_space<hbm>>) dst(%arg7 : memref<80x128xf32, #tpu.memory_space<vmem>>)
      %mul3A_293 = arith.constant 162 : i32
      %mul3A_294 = arith.muli %add3A, %mul3A_293 : i32
      %add3A_295 = arith.addi %mul3A_294, %add3A_286 : i32
      %mul3A_296 = arith.constant 80 : i32
      %mul3A_297 = arith.muli %add3A_295, %mul3A_296 : i32
      %dma_wait3A_298 = tpu.memref_slice %arg4[%mul3A_297] : memref<414720xi32, #tpu.memory_space<hbm>> -> memref<80xi32, #tpu.memory_space<hbm>>
      %dma_wait3A_299 = tpu.memref_slice %arg4[%mul3A_297] : memref<414720xi32, #tpu.memory_space<hbm>> -> memref<80xi32, #tpu.memory_space<hbm>>
      tpu.wait_dma2 semaphore(%arg13 : memref<!tpu.dma_semaphore, #tpu.memory_space<semaphore_mem>>) src(%dma_wait3A_299 : memref<80xi32, #tpu.memory_space<hbm>>) dst(%arg10 : memref<80xi32, #tpu.memory_space<vmem>>)
      %dma_start3A_300 = arith.constant 0 : i32
      %dma_start3A_301 = arith.constant 0 : i32
      %dma_start3A_302 = tpu.memref_slice %arg19[%dma_start3A_300, %dma_start3A_301] : memref<10112x128xf32, #tpu.memory_space<vmem_shared>> -> memref<10112x128xf32, #tpu.memory_space<vmem_shared>>
      tpu.enqueue_indirect_dma source(%arg7 : memref<80x128xf32, #tpu.memory_space<vmem>>) target(%dma_start3A_302 : memref<10112x128xf32, #tpu.memory_space<vmem_shared>>) offsets(%arg10 : memref<80xi32, #tpu.memory_space<vmem>>) semaphore(%arg16 : memref<!tpu.dma_semaphore, #tpu.memory_space<semaphore_mem>>) {add = true}
      %add3A_303 = arith.constant 1 : i32
      %add3A_304 = arith.addi %mul3A_230, %add3A_303 : i32
      %mul3A_305 = arith.constant 80 : i32
      %mul3A_306 = arith.muli %add3A_304, %mul3A_305 : i32
      %dma_wait3A_307 = tpu.memref_slice %arg6[%mul3A_306] : memref<12960xi32, #tpu.memory_space<vmem>> -> memref<80xi32, #tpu.memory_space<vmem>>
      %dma_wait3A_308 = arith.constant 0 : i32
      %dma_wait3A_309 = arith.constant 0 : i32
      %dma_wait3A_310 = tpu.memref_slice %arg2[%dma_wait3A_308, %dma_wait3A_309] : memref<10000x128xf32, #tpu.memory_space<hbm>> -> memref<10000x128xf32, #tpu.memory_space<hbm>>
      tpu.wait_indirect_dma semaphore(%arg14 : memref<!tpu.dma_semaphore, #tpu.memory_space<semaphore_mem>>) src(%dma_wait3A_310 : memref<10000x128xf32, #tpu.memory_space<hbm>>) dst(%arg8 : memref<80x128xf32, #tpu.memory_space<vmem>>)
      %mul3A_311 = arith.constant 162 : i32
      %mul3A_312 = arith.muli %add3A, %mul3A_311 : i32
      %add3A_313 = arith.addi %mul3A_312, %add3A_304 : i32
      %mul3A_314 = arith.constant 80 : i32
      %mul3A_315 = arith.muli %add3A_313, %mul3A_314 : i32
      %dma_wait3A_316 = tpu.memref_slice %arg4[%mul3A_315] : memref<414720xi32, #tpu.memory_space<hbm>> -> memref<80xi32, #tpu.memory_space<hbm>>
      %dma_wait3A_317 = tpu.memref_slice %arg4[%mul3A_315] : memref<414720xi32, #tpu.memory_space<hbm>> -> memref<80xi32, #tpu.memory_space<hbm>>
      tpu.wait_dma2 semaphore(%arg14 : memref<!tpu.dma_semaphore, #tpu.memory_space<semaphore_mem>>) src(%dma_wait3A_317 : memref<80xi32, #tpu.memory_space<hbm>>) dst(%arg11 : memref<80xi32, #tpu.memory_space<vmem>>)
      %dma_start3A_318 = arith.constant 0 : i32
      %dma_start3A_319 = arith.constant 0 : i32
      %dma_start3A_320 = tpu.memref_slice %arg19[%dma_start3A_318, %dma_start3A_319] : memref<10112x128xf32, #tpu.memory_space<vmem_shared>> -> memref<10112x128xf32, #tpu.memory_space<vmem_shared>>
      tpu.enqueue_indirect_dma source(%arg8 : memref<80x128xf32, #tpu.memory_space<vmem>>) target(%dma_start3A_320 : memref<10112x128xf32, #tpu.memory_space<vmem_shared>>) offsets(%arg11 : memref<80xi32, #tpu.memory_space<vmem>>) semaphore(%arg17 : memref<!tpu.dma_semaphore, #tpu.memory_space<semaphore_mem>>) {add = true}
      %add3A_321 = arith.constant 2 : i32
      %add3A_322 = arith.addi %mul3A_230, %add3A_321 : i32
      %mul3A_323 = arith.constant 80 : i32
      %mul3A_324 = arith.muli %add3A_322, %mul3A_323 : i32
      %dma_wait3A_325 = tpu.memref_slice %arg6[%mul3A_324] : memref<12960xi32, #tpu.memory_space<vmem>> -> memref<80xi32, #tpu.memory_space<vmem>>
      %dma_wait3A_326 = arith.constant 0 : i32
      %dma_wait3A_327 = arith.constant 0 : i32
      %dma_wait3A_328 = tpu.memref_slice %arg2[%dma_wait3A_326, %dma_wait3A_327] : memref<10000x128xf32, #tpu.memory_space<hbm>> -> memref<10000x128xf32, #tpu.memory_space<hbm>>
      tpu.wait_indirect_dma semaphore(%arg15 : memref<!tpu.dma_semaphore, #tpu.memory_space<semaphore_mem>>) src(%dma_wait3A_328 : memref<10000x128xf32, #tpu.memory_space<hbm>>) dst(%arg9 : memref<80x128xf32, #tpu.memory_space<vmem>>)
      %mul3A_329 = arith.constant 162 : i32
      %mul3A_330 = arith.muli %add3A, %mul3A_329 : i32
      %add3A_331 = arith.addi %mul3A_330, %add3A_322 : i32
      %mul3A_332 = arith.constant 80 : i32
      %mul3A_333 = arith.muli %add3A_331, %mul3A_332 : i32
      %dma_wait3A_334 = tpu.memref_slice %arg4[%mul3A_333] : memref<414720xi32, #tpu.memory_space<hbm>> -> memref<80xi32, #tpu.memory_space<hbm>>
      %dma_wait3A_335 = tpu.memref_slice %arg4[%mul3A_333] : memref<414720xi32, #tpu.memory_space<hbm>> -> memref<80xi32, #tpu.memory_space<hbm>>
      tpu.wait_dma2 semaphore(%arg15 : memref<!tpu.dma_semaphore, #tpu.memory_space<semaphore_mem>>) src(%dma_wait3A_335 : memref<80xi32, #tpu.memory_space<hbm>>) dst(%arg12 : memref<80xi32, #tpu.memory_space<vmem>>)
      %dma_start3A_336 = arith.constant 0 : i32
      %dma_start3A_337 = arith.constant 0 : i32
      %dma_start3A_338 = tpu.memref_slice %arg19[%dma_start3A_336, %dma_start3A_337] : memref<10112x128xf32, #tpu.memory_space<vmem_shared>> -> memref<10112x128xf32, #tpu.memory_space<vmem_shared>>
      tpu.enqueue_indirect_dma source(%arg9 : memref<80x128xf32, #tpu.memory_space<vmem>>) target(%dma_start3A_338 : memref<10112x128xf32, #tpu.memory_space<vmem_shared>>) offsets(%arg12 : memref<80xi32, #tpu.memory_space<vmem>>) semaphore(%arg18 : memref<!tpu.dma_semaphore, #tpu.memory_space<semaphore_mem>>) {add = true}
    }
    %dma_wait3A_214 = arith.constant 0 : i32
    %dma_wait3A_215 = arith.constant 0 : i32
    %dma_wait3A_216 = tpu.memref_slice %arg19[%dma_wait3A_214, %dma_wait3A_215] : memref<10112x128xf32, #tpu.memory_space<vmem_shared>> -> memref<10112x128xf32, #tpu.memory_space<vmem_shared>>
    tpu.wait_indirect_dma semaphore(%arg16 : memref<!tpu.dma_semaphore, #tpu.memory_space<semaphore_mem>>) src(%arg7 : memref<80x128xf32, #tpu.memory_space<vmem>>) dst(%dma_wait3A_216 : memref<10112x128xf32, #tpu.memory_space<vmem_shared>>)
    %dma_wait3A_217 = arith.constant 0 : i32
    %dma_wait3A_218 = arith.constant 0 : i32
    %dma_wait3A_219 = tpu.memref_slice %arg19[%dma_wait3A_217, %dma_wait3A_218] : memref<10112x128xf32, #tpu.memory_space<vmem_shared>> -> memref<10112x128xf32, #tpu.memory_space<vmem_shared>>
    tpu.wait_indirect_dma semaphore(%arg17 : memref<!tpu.dma_semaphore, #tpu.memory_space<semaphore_mem>>) src(%arg8 : memref<80x128xf32, #tpu.memory_space<vmem>>) dst(%dma_wait3A_219 : memref<10112x128xf32, #tpu.memory_space<vmem_shared>>)
    %dma_wait3A_220 = arith.constant 0 : i32
    %dma_wait3A_221 = arith.constant 0 : i32
    %dma_wait3A_222 = tpu.memref_slice %arg19[%dma_wait3A_220, %dma_wait3A_221] : memref<10112x128xf32, #tpu.memory_space<vmem_shared>> -> memref<10112x128xf32, #tpu.memory_space<vmem_shared>>
    tpu.wait_indirect_dma semaphore(%arg18 : memref<!tpu.dma_semaphore, #tpu.memory_space<semaphore_mem>>) src(%arg9 : memref<80x128xf32, #tpu.memory_space<vmem>>) dst(%dma_wait3A_222 : memref<10112x128xf32, #tpu.memory_space<vmem_shared>>)
    %barrier3A_223 = arith.constant 0 : index
    tpu.barrier barrier_id(%barrier3A_223)
    %mul3A_224 = arith.constant 632 : i32
    %mul3A_225 = arith.muli %arg1, %mul3A_224 : i32
    %mul3A_226 = arith.constant 632 : i32
    %mul3A_227 = arith.muli %arg1, %mul3A_226 : i32
    "tpu.region"() ({
      %run_scoped3A = tpu.sem_alloc : memref<!tpu.dma_semaphore, #tpu.memory_space<semaphore_mem>>
      %dma_start3A_228 = arith.constant 0 : i32
      %dma_start3A_229 = tpu.memref_slice %arg5[%arg0, %mul3A_227, %dma_start3A_228] : memref<2x10112x128xf32, #tpu.memory_space<hbm>> -> memref<1x632x128xf32, #tpu.memory_space<hbm>>
      %dma_start3A_230 = tpu.memref_squeeze %dma_start3A_229 : memref<1x632x128xf32, #tpu.memory_space<hbm>> -> memref<632x128xf32, #tpu.memory_space<hbm>>
      %dma_start3A_231 = arith.constant 0 : i32
      %dma_start3A_232 = tpu.memref_slice %arg19[%mul3A_225, %dma_start3A_231] : memref<10112x128xf32, #tpu.memory_space<vmem_shared>> -> memref<632x128xf32, #tpu.memory_space<vmem_shared>>
      tpu.enqueue_dma source(%dma_start3A_232 : memref<632x128xf32, #tpu.memory_space<vmem_shared>>) target(%dma_start3A_230 : memref<632x128xf32, #tpu.memory_space<hbm>>) target_semaphore(%run_scoped3A : memref<!tpu.dma_semaphore, #tpu.memory_space<semaphore_mem>>)
      %dma_wait3A_233 = arith.constant 0 : i32
      %dma_wait3A_234 = tpu.memref_slice %arg5[%arg0, %mul3A_227, %dma_wait3A_233] : memref<2x10112x128xf32, #tpu.memory_space<hbm>> -> memref<1x632x128xf32, #tpu.memory_space<hbm>>
      %dma_wait3A_235 = tpu.memref_squeeze %dma_wait3A_234 : memref<1x632x128xf32, #tpu.memory_space<hbm>> -> memref<632x128xf32, #tpu.memory_space<hbm>>
      %dma_wait3A_236 = arith.constant 0 : i32
      %dma_wait3A_237 = tpu.memref_slice %arg19[%mul3A_225, %dma_wait3A_236] : memref<10112x128xf32, #tpu.memory_space<vmem_shared>> -> memref<632x128xf32, #tpu.memory_space<vmem_shared>>
      tpu.wait_dma2 semaphore(%run_scoped3A : memref<!tpu.dma_semaphore, #tpu.memory_space<semaphore_mem>>) src(%dma_wait3A_237 : memref<632x128xf32, #tpu.memory_space<vmem_shared>>) dst(%dma_wait3A_235 : memref<632x128xf32, #tpu.memory_space<hbm>>)
      tpu.yield
    }) : () -> ()
    return
  }
}

#map = affine_map<(d0, d1) -> (0, 0)>
#map1 = affine_map<(d0, d1) -> (0)>
#map2 = affine_map<(d0, d1) -> (0, 0, 0)>
module attributes {stable_mosaic.version = 14 : i64} {
  func.func @body(%arg0: i32, %arg1: i32, %arg2: memref<10000x128xf32, #tpu.memory_space<hbm>>, %arg3: memref<32x12960xi32, #tpu.memory_space<hbm>>, %arg4: memref<414720xi32, #tpu.memory_space<hbm>>, %arg5: memref<2x10112x128xf32, #tpu.memory_space<hbm>>, %arg6: memref<12960xi32, #tpu.memory_space<vmem>>, %arg7: memref<80x128xf32, #tpu.memory_space<vmem>>, %arg8: memref<80x128xf32, #tpu.memory_space<vmem>>, %arg9: memref<80x128xf32, #tpu.memory_space<vmem>>, %arg10: memref<80xi32, #tpu.memory_space<vmem>>, %arg11: memref<80xi32, #tpu.memory_space<vmem>>, %arg12: memref<80xi32, #tpu.memory_space<vmem>>, %arg13: memref<!tpu.dma_semaphore, #tpu.memory_space<semaphore_mem>>, %arg14: memref<!tpu.dma_semaphore, #tpu.memory_space<semaphore_mem>>, %arg15: memref<!tpu.dma_semaphore, #tpu.memory_space<semaphore_mem>>, %arg16: memref<!tpu.dma_semaphore, #tpu.memory_space<semaphore_mem>>, %arg17: memref<!tpu.dma_semaphore, #tpu.memory_space<semaphore_mem>>, %arg18: memref<!tpu.dma_semaphore, #tpu.memory_space<semaphore_mem>>, %arg19: memref<10112x128xf32, #tpu.memory_space<vmem_shared>>) attributes {dimension_semantics = [#tpu.dimension_semantics<core_parallel>, #tpu.dimension_semantics<subcore_parallel>], iteration_bounds = array<i64: 2, 16>, scalar_prefetch = 0 : i64, scratch_operands = 14 : i64, tpu.core_type = #tpu.core_type<sc_vector_subcore>, window_params = [{transform_indices = #map}, {transform_indices = #map}, {transform_indices = #map1}, {transform_indices = #map2}]} {
    %mul3A = arith.constant 2 : i32
    %mul3A_0 = arith.muli %arg1, %mul3A : i32
    %add3A = arith.addi %mul3A_0, %arg0 : i32
    "tpu.region"() ({
      %run_scoped3A = tpu.sem_alloc : memref<!tpu.dma_semaphore, #tpu.memory_space<semaphore_mem>>
      %dma_start3A_228 = arith.constant 0 : i32
      %dma_start3A_229 = tpu.memref_slice %arg3[%add3A, %dma_start3A_228] : memref<32x12960xi32, #tpu.memory_space<hbm>> -> memref<1x12960xi32, #tpu.memory_space<hbm>>
      %dma_start3A_230 = tpu.memref_squeeze %dma_start3A_229 : memref<1x12960xi32, #tpu.memory_space<hbm>> -> memref<12960xi32, #tpu.memory_space<hbm>>
      %dma_start3A_231 = arith.constant 0 : i32
      %dma_start3A_232 = tpu.memref_slice %arg3[%add3A, %dma_start3A_231] : memref<32x12960xi32, #tpu.memory_space<hbm>> -> memref<1x12960xi32, #tpu.memory_space<hbm>>
      %dma_start3A_233 = tpu.memref_squeeze %dma_start3A_232 : memref<1x12960xi32, #tpu.memory_space<hbm>> -> memref<12960xi32, #tpu.memory_space<hbm>>
      tpu.enqueue_dma source(%dma_start3A_233 : memref<12960xi32, #tpu.memory_space<hbm>>) target(%arg6 : memref<12960xi32, #tpu.memory_space<vmem>>) target_semaphore(%run_scoped3A : memref<!tpu.dma_semaphore, #tpu.memory_space<semaphore_mem>>)
      %dma_wait3A_234 = arith.constant 0 : i32
      %dma_wait3A_235 = tpu.memref_slice %arg3[%add3A, %dma_wait3A_234] : memref<32x12960xi32, #tpu.memory_space<hbm>> -> memref<1x12960xi32, #tpu.memory_space<hbm>>
      %dma_wait3A_236 = tpu.memref_squeeze %dma_wait3A_235 : memref<1x12960xi32, #tpu.memory_space<hbm>> -> memref<12960xi32, #tpu.memory_space<hbm>>
      %dma_wait3A_237 = arith.constant 0 : i32
      %dma_wait3A_238 = tpu.memref_slice %arg3[%add3A, %dma_wait3A_237] : memref<32x12960xi32, #tpu.memory_space<hbm>> -> memref<1x12960xi32, #tpu.memory_space<hbm>>
      %dma_wait3A_239 = tpu.memref_squeeze %dma_wait3A_238 : memref<1x12960xi32, #tpu.memory_space<hbm>> -> memref<12960xi32, #tpu.memory_space<hbm>>
      tpu.wait_dma2 semaphore(%run_scoped3A : memref<!tpu.dma_semaphore, #tpu.memory_space<semaphore_mem>>) src(%dma_wait3A_239 : memref<12960xi32, #tpu.memory_space<hbm>>) dst(%arg6 : memref<12960xi32, #tpu.memory_space<vmem>>)
      tpu.yield
    }) : () -> ()
    %scan3A = arith.constant 0 : i32
    %scan3A_1 = arith.constant 0 : i32
    %scan3A_2 = arith.constant 80 : i32
    %scan3A_3 = arith.addi %scan3A_1, %scan3A_2 : i32
    %scan3A_4 = arith.constant 1 : i32
    scf.for %scan3A_228 = %scan3A_1 to %scan3A_3 step %scan3A_4  : i32 {
      %broadcast_in_dim3A = arith.constant 0.000000e+00 : f32
      %broadcast_in_dim3A_229 = vector.broadcast %broadcast_in_dim3A : f32 to vector<16xf32>
      %swap3A = arith.index_cast %scan3A_228 : i32 to index
      %swap3A_230 = arith.constant 0 : index
      %swap3A_231 = tpu.vector_load %arg7[%swap3A, %swap3A_230] {strides = array<i32>} : memref<80x128xf32, #tpu.memory_space<vmem>>, vector<1x16xf32>,
      %swap3A_232 = vector.shape_cast %swap3A_231 : vector<1x16xf32> to vector<16xf32>
      %swap3A_233 = vector.shape_cast %broadcast_in_dim3A_229 : vector<16xf32> to vector<1x16xf32>
      tpu.vector_store %arg7[%swap3A, %swap3A_230], %swap3A_233 {strides = array<i32>} : memref<80x128xf32, #tpu.memory_space<vmem>>, vector<1x16xf32>,
      %broadcast_in_dim3A_234 = arith.constant 0.000000e+00 : f32
      %broadcast_in_dim3A_235 = vector.broadcast %broadcast_in_dim3A_234 : f32 to vector<16xf32>
      %swap3A_236 = arith.index_cast %scan3A_228 : i32 to index
      %swap3A_237 = arith.constant 16 : index
      %swap3A_238 = tpu.vector_load %arg7[%swap3A_236, %swap3A_237] {strides = array<i32>} : memref<80x128xf32, #tpu.memory_space<vmem>>, vector<1x16xf32>,
      %swap3A_239 = vector.shape_cast %swap3A_238 : vector<1x16xf32> to vector<16xf32>
      %swap3A_240 = vector.shape_cast %broadcast_in_dim3A_235 : vector<16xf32> to vector<1x16xf32>
      tpu.vector_store %arg7[%swap3A_236, %swap3A_237], %swap3A_240 {strides = array<i32>} : memref<80x128xf32, #tpu.memory_space<vmem>>, vector<1x16xf32>,
      %broadcast_in_dim3A_241 = arith.constant 0.000000e+00 : f32
      %broadcast_in_dim3A_242 = vector.broadcast %broadcast_in_dim3A_241 : f32 to vector<16xf32>
      %swap3A_243 = arith.index_cast %scan3A_228 : i32 to index
      %swap3A_244 = arith.constant 32 : index
      %swap3A_245 = tpu.vector_load %arg7[%swap3A_243, %swap3A_244] {strides = array<i32>} : memref<80x128xf32, #tpu.memory_space<vmem>>, vector<1x16xf32>,
      %swap3A_246 = vector.shape_cast %swap3A_245 : vector<1x16xf32> to vector<16xf32>
      %swap3A_247 = vector.shape_cast %broadcast_in_dim3A_242 : vector<16xf32> to vector<1x16xf32>
      tpu.vector_store %arg7[%swap3A_243, %swap3A_244], %swap3A_247 {strides = array<i32>} : memref<80x128xf32, #tpu.memory_space<vmem>>, vector<1x16xf32>,
      %broadcast_in_dim3A_248 = arith.constant 0.000000e+00 : f32
      %broadcast_in_dim3A_249 = vector.broadcast %broadcast_in_dim3A_248 : f32 to vector<16xf32>
      %swap3A_250 = arith.index_cast %scan3A_228 : i32 to index
      %swap3A_251 = arith.constant 48 : index
      %swap3A_252 = tpu.vector_load %arg7[%swap3A_250, %swap3A_251] {strides = array<i32>} : memref<80x128xf32, #tpu.memory_space<vmem>>, vector<1x16xf32>,
      %swap3A_253 = vector.shape_cast %swap3A_252 : vector<1x16xf32> to vector<16xf32>
      %swap3A_254 = vector.shape_cast %broadcast_in_dim3A_249 : vector<16xf32> to vector<1x16xf32>
      tpu.vector_store %arg7[%swap3A_250, %swap3A_251], %swap3A_254 {strides = array<i32>} : memref<80x128xf32, #tpu.memory_space<vmem>>, vector<1x16xf32>,
      %broadcast_in_dim3A_255 = arith.constant 0.000000e+00 : f32
      %broadcast_in_dim3A_256 = vector.broadcast %broadcast_in_dim3A_255 : f32 to vector<16xf32>
      %swap3A_257 = arith.index_cast %scan3A_228 : i32 to index
      %swap3A_258 = arith.constant 64 : index
      %swap3A_259 = tpu.vector_load %arg7[%swap3A_257, %swap3A_258] {strides = array<i32>} : memref<80x128xf32, #tpu.memory_space<vmem>>, vector<1x16xf32>,
      %swap3A_260 = vector.shape_cast %swap3A_259 : vector<1x16xf32> to vector<16xf32>
      %swap3A_261 = vector.shape_cast %broadcast_in_dim3A_256 : vector<16xf32> to vector<1x16xf32>
      tpu.vector_store %arg7[%swap3A_257, %swap3A_258], %swap3A_261 {strides = array<i32>} : memref<80x128xf32, #tpu.memory_space<vmem>>, vector<1x16xf32>,
      %broadcast_in_dim3A_262 = arith.constant 0.000000e+00 : f32
      %broadcast_in_dim3A_263 = vector.broadcast %broadcast_in_dim3A_262 : f32 to vector<16xf32>
      %swap3A_264 = arith.index_cast %scan3A_228 : i32 to index
      %swap3A_265 = arith.constant 80 : index
      %swap3A_266 = tpu.vector_load %arg7[%swap3A_264, %swap3A_265] {strides = array<i32>} : memref<80x128xf32, #tpu.memory_space<vmem>>, vector<1x16xf32>,
      %swap3A_267 = vector.shape_cast %swap3A_266 : vector<1x16xf32> to vector<16xf32>
      %swap3A_268 = vector.shape_cast %broadcast_in_dim3A_263 : vector<16xf32> to vector<1x16xf32>
      tpu.vector_store %arg7[%swap3A_264, %swap3A_265], %swap3A_268 {strides = array<i32>} : memref<80x128xf32, #tpu.memory_space<vmem>>, vector<1x16xf32>,
      %broadcast_in_dim3A_269 = arith.constant 0.000000e+00 : f32
      %broadcast_in_dim3A_270 = vector.broadcast %broadcast_in_dim3A_269 : f32 to vector<16xf32>
      %swap3A_271 = arith.index_cast %scan3A_228 : i32 to index
      %swap3A_272 = arith.constant 96 : index
      %swap3A_273 = tpu.vector_load %arg7[%swap3A_271, %swap3A_272] {strides = array<i32>} : memref<80x128xf32, #tpu.memory_space<vmem>>, vector<1x16xf32>,
      %swap3A_274 = vector.shape_cast %swap3A_273 : vector<1x16xf32> to vector<16xf32>
      %swap3A_275 = vector.shape_cast %broadcast_in_dim3A_270 : vector<16xf32> to vector<1x16xf32>
      tpu.vector_store %arg7[%swap3A_271, %swap3A_272], %swap3A_275 {strides = array<i32>} : memref<80x128xf32, #tpu.memory_space<vmem>>, vector<1x16xf32>,
      %broadcast_in_dim3A_276 = arith.constant 0.000000e+00 : f32
      %broadcast_in_dim3A_277 = vector.broadcast %broadcast_in_dim3A_276 : f32 to vector<16xf32>
      %swap3A_278 = arith.index_cast %scan3A_228 : i32 to index
      %swap3A_279 = arith.constant 112 : index
      %swap3A_280 = tpu.vector_load %arg7[%swap3A_278, %swap3A_279] {strides = array<i32>} : memref<80x128xf32, #tpu.memory_space<vmem>>, vector<1x16xf32>,
      %swap3A_281 = vector.shape_cast %swap3A_280 : vector<1x16xf32> to vector<16xf32>
      %swap3A_282 = vector.shape_cast %broadcast_in_dim3A_277 : vector<16xf32> to vector<1x16xf32>
      tpu.vector_store %arg7[%swap3A_278, %swap3A_279], %swap3A_282 {strides = array<i32>} : memref<80x128xf32, #tpu.memory_space<vmem>>, vector<1x16xf32>,
    }
    %scan3A_5 = arith.constant 80 : i32
    %mul3A_6 = arith.constant 632 : i32
    %mul3A_7 = arith.muli %arg1, %mul3A_6 : i32
    %add3A_8 = arith.constant 0 : i32
    %add3A_9 = arith.addi %mul3A_7, %add3A_8 : i32
    %dma_start3A = arith.constant 0 : i32
    %dma_start3A_10 = tpu.memref_slice %arg19[%add3A_9, %dma_start3A] : memref<10112x128xf32, #tpu.memory_space<vmem_shared>> -> memref<80x128xf32, #tpu.memory_space<vmem_shared>>
    %dma_start3A_11 = arith.constant 0 : i32
    %dma_start3A_12 = tpu.memref_slice %arg19[%add3A_9, %dma_start3A_11] : memref<10112x128xf32, #tpu.memory_space<vmem_shared>> -> memref<80x128xf32, #tpu.memory_space<vmem_shared>>
    tpu.enqueue_dma source(%arg7 : memref<80x128xf32, #tpu.memory_space<vmem>>) target(%dma_start3A_12 : memref<80x128xf32, #tpu.memory_space<vmem_shared>>) target_semaphore(%arg13 : memref<!tpu.dma_semaphore, #tpu.memory_space<semaphore_mem>>)
    %add3A_13 = arith.constant 80 : i32
    %add3A_14 = arith.addi %mul3A_7, %add3A_13 : i32
    %dma_start3A_15 = arith.constant 0 : i32
    %dma_start3A_16 = tpu.memref_slice %arg19[%add3A_14, %dma_start3A_15] : memref<10112x128xf32, #tpu.memory_space<vmem_shared>> -> memref<80x128xf32, #tpu.memory_space<vmem_shared>>
    %dma_start3A_17 = arith.constant 0 : i32
    %dma_start3A_18 = tpu.memref_slice %arg19[%add3A_14, %dma_start3A_17] : memref<10112x128xf32, #tpu.memory_space<vmem_shared>> -> memref<80x128xf32, #tpu.memory_space<vmem_shared>>
    tpu.enqueue_dma source(%arg7 : memref<80x128xf32, #tpu.memory_space<vmem>>) target(%dma_start3A_18 : memref<80x128xf32, #tpu.memory_space<vmem_shared>>) target_semaphore(%arg13 : memref<!tpu.dma_semaphore, #tpu.memory_space<semaphore_mem>>)
    %add3A_19 = arith.constant 160 : i32
    %add3A_20 = arith.addi %mul3A_7, %add3A_19 : i32
    %dma_start3A_21 = arith.constant 0 : i32
    %dma_start3A_22 = tpu.memref_slice %arg19[%add3A_20, %dma_start3A_21] : memref<10112x128xf32, #tpu.memory_space<vmem_shared>> -> memref<80x128xf32, #tpu.memory_space<vmem_shared>>
    %dma_start3A_23 = arith.constant 0 : i32
    %dma_start3A_24 = tpu.memref_slice %arg19[%add3A_20, %dma_start3A_23] : memref<10112x128xf32, #tpu.memory_space<vmem_shared>> -> memref<80x128xf32, #tpu.memory_space<vmem_shared>>
    tpu.enqueue_dma source(%arg7 : memref<80x128xf32, #tpu.memory_space<vmem>>) target(%dma_start3A_24 : memref<80x128xf32, #tpu.memory_space<vmem_shared>>) target_semaphore(%arg13 : memref<!tpu.dma_semaphore, #tpu.memory_space<semaphore_mem>>)
    %add3A_25 = arith.constant 240 : i32
    %add3A_26 = arith.addi %mul3A_7, %add3A_25 : i32
    %dma_start3A_27 = arith.constant 0 : i32
    %dma_start3A_28 = tpu.memref_slice %arg19[%add3A_26, %dma_start3A_27] : memref<10112x128xf32, #tpu.memory_space<vmem_shared>> -> memref<80x128xf32, #tpu.memory_space<vmem_shared>>
    %dma_start3A_29 = arith.constant 0 : i32
    %dma_start3A_30 = tpu.memref_slice %arg19[%add3A_26, %dma_start3A_29] : memref<10112x128xf32, #tpu.memory_space<vmem_shared>> -> memref<80x128xf32, #tpu.memory_space<vmem_shared>>
    tpu.enqueue_dma source(%arg7 : memref<80x128xf32, #tpu.memory_space<vmem>>) target(%dma_start3A_30 : memref<80x128xf32, #tpu.memory_space<vmem_shared>>) target_semaphore(%arg13 : memref<!tpu.dma_semaphore, #tpu.memory_space<semaphore_mem>>)
    %add3A_31 = arith.constant 320 : i32
    %add3A_32 = arith.addi %mul3A_7, %add3A_31 : i32
    %dma_start3A_33 = arith.constant 0 : i32
    %dma_start3A_34 = tpu.memref_slice %arg19[%add3A_32, %dma_start3A_33] : memref<10112x128xf32, #tpu.memory_space<vmem_shared>> -> memref<80x128xf32, #tpu.memory_space<vmem_shared>>
    %dma_start3A_35 = arith.constant 0 : i32
    %dma_start3A_36 = tpu.memref_slice %arg19[%add3A_32, %dma_start3A_35] : memref<10112x128xf32, #tpu.memory_space<vmem_shared>> -> memref<80x128xf32, #tpu.memory_space<vmem_shared>>
    tpu.enqueue_dma source(%arg7 : memref<80x128xf32, #tpu.memory_space<vmem>>) target(%dma_start3A_36 : memref<80x128xf32, #tpu.memory_space<vmem_shared>>) target_semaphore(%arg13 : memref<!tpu.dma_semaphore, #tpu.memory_space<semaphore_mem>>)
    %add3A_37 = arith.constant 400 : i32
    %add3A_38 = arith.addi %mul3A_7, %add3A_37 : i32
    %dma_start3A_39 = arith.constant 0 : i32
    %dma_start3A_40 = tpu.memref_slice %arg19[%add3A_38, %dma_start3A_39] : memref<10112x128xf32, #tpu.memory_space<vmem_shared>> -> memref<80x128xf32, #tpu.memory_space<vmem_shared>>
    %dma_start3A_41 = arith.constant 0 : i32
    %dma_start3A_42 = tpu.memref_slice %arg19[%add3A_38, %dma_start3A_41] : memref<10112x128xf32, #tpu.memory_space<vmem_shared>> -> memref<80x128xf32, #tpu.memory_space<vmem_shared>>
    tpu.enqueue_dma source(%arg7 : memref<80x128xf32, #tpu.memory_space<vmem>>) target(%dma_start3A_42 : memref<80x128xf32, #tpu.memory_space<vmem_shared>>) target_semaphore(%arg13 : memref<!tpu.dma_semaphore, #tpu.memory_space<semaphore_mem>>)
    %add3A_43 = arith.constant 480 : i32
    %add3A_44 = arith.addi %mul3A_7, %add3A_43 : i32
    %dma_start3A_45 = arith.constant 0 : i32
    %dma_start3A_46 = tpu.memref_slice %arg19[%add3A_44, %dma_start3A_45] : memref<10112x128xf32, #tpu.memory_space<vmem_shared>> -> memref<80x128xf32, #tpu.memory_space<vmem_shared>>
    %dma_start3A_47 = arith.constant 0 : i32
    %dma_start3A_48 = tpu.memref_slice %arg19[%add3A_44, %dma_start3A_47] : memref<10112x128xf32, #tpu.memory_space<vmem_shared>> -> memref<80x128xf32, #tpu.memory_space<vmem_shared>>
    tpu.enqueue_dma source(%arg7 : memref<80x128xf32, #tpu.memory_space<vmem>>) target(%dma_start3A_48 : memref<80x128xf32, #tpu.memory_space<vmem_shared>>) target_semaphore(%arg13 : memref<!tpu.dma_semaphore, #tpu.memory_space<semaphore_mem>>)
    %add3A_49 = arith.constant 560 : i32
    %add3A_50 = arith.addi %mul3A_7, %add3A_49 : i32
    %dma_start3A_51 = arith.constant 0 : i32
    %dma_start3A_52 = arith.constant 0 : i32
    %dma_start3A_53 = tpu.memref_slice %arg7[%dma_start3A_51, %dma_start3A_52] : memref<80x128xf32, #tpu.memory_space<vmem>> -> memref<72x128xf32, #tpu.memory_space<vmem>>
    %dma_start3A_54 = arith.constant 0 : i32
    %dma_start3A_55 = tpu.memref_slice %arg19[%add3A_50, %dma_start3A_54] : memref<10112x128xf32, #tpu.memory_space<vmem_shared>> -> memref<72x128xf32, #tpu.memory_space<vmem_shared>>
    %dma_start3A_56 = arith.constant 0 : i32
    %dma_start3A_57 = tpu.memref_slice %arg19[%add3A_50, %dma_start3A_56] : memref<10112x128xf32, #tpu.memory_space<vmem_shared>> -> memref<72x128xf32, #tpu.memory_space<vmem_shared>>
    %dma_start3A_58 = arith.constant 0 : i32
    %dma_start3A_59 = arith.constant 0 : i32
    %dma_start3A_60 = tpu.memref_slice %arg7[%dma_start3A_58, %dma_start3A_59] : memref<80x128xf32, #tpu.memory_space<vmem>> -> memref<72x128xf32, #tpu.memory_space<vmem>>
    tpu.enqueue_dma source(%dma_start3A_60 : memref<72x128xf32, #tpu.memory_space<vmem>>) target(%dma_start3A_57 : memref<72x128xf32, #tpu.memory_space<vmem_shared>>) target_semaphore(%arg13 : memref<!tpu.dma_semaphore, #tpu.memory_space<semaphore_mem>>)
    %dma_wait3A = arith.constant 0 : i32
    %dma_wait3A_61 = tpu.memref_slice %arg19[%mul3A_7, %dma_wait3A] : memref<10112x128xf32, #tpu.memory_space<vmem_shared>> -> memref<80x128xf32, #tpu.memory_space<vmem_shared>>
    %dma_wait3A_62 = arith.constant 0 : i32
    %dma_wait3A_63 = tpu.memref_slice %arg19[%mul3A_7, %dma_wait3A_62] : memref<10112x128xf32, #tpu.memory_space<vmem_shared>> -> memref<80x128xf32, #tpu.memory_space<vmem_shared>>
    tpu.wait_dma2 semaphore(%arg13 : memref<!tpu.dma_semaphore, #tpu.memory_space<semaphore_mem>>) src(%arg7 : memref<80x128xf32, #tpu.memory_space<vmem>>) dst(%dma_wait3A_63 : memref<80x128xf32, #tpu.memory_space<vmem_shared>>)
    %dma_wait3A_64 = arith.constant 0 : i32
    %dma_wait3A_65 = tpu.memref_slice %arg19[%mul3A_7, %dma_wait3A_64] : memref<10112x128xf32, #tpu.memory_space<vmem_shared>> -> memref<80x128xf32, #tpu.memory_space<vmem_shared>>
    %dma_wait3A_66 = arith.constant 0 : i32
    %dma_wait3A_67 = tpu.memref_slice %arg19[%mul3A_7, %dma_wait3A_66] : memref<10112x128xf32, #tpu.memory_space<vmem_shared>> -> memref<80x128xf32, #tpu.memory_space<vmem_shared>>
    tpu.wait_dma2 semaphore(%arg13 : memref<!tpu.dma_semaphore, #tpu.memory_space<semaphore_mem>>) src(%arg7 : memref<80x128xf32, #tpu.memory_space<vmem>>) dst(%dma_wait3A_67 : memref<80x128xf32, #tpu.memory_space<vmem_shared>>)
    %dma_wait3A_68 = arith.constant 0 : i32
    %dma_wait3A_69 = tpu.memref_slice %arg19[%mul3A_7, %dma_wait3A_68] : memref<10112x128xf32, #tpu.memory_space<vmem_shared>> -> memref<80x128xf32, #tpu.memory_space<vmem_shared>>
    %dma_wait3A_70 = arith.constant 0 : i32
    %dma_wait3A_71 = tpu.memref_slice %arg19[%mul3A_7, %dma_wait3A_70] : memref<10112x128xf32, #tpu.memory_space<vmem_shared>> -> memref<80x128xf32, #tpu.memory_space<vmem_shared>>
    tpu.wait_dma2 semaphore(%arg13 : memref<!tpu.dma_semaphore, #tpu.memory_space<semaphore_mem>>) src(%arg7 : memref<80x128xf32, #tpu.memory_space<vmem>>) dst(%dma_wait3A_71 : memref<80x128xf32, #tpu.memory_space<vmem_shared>>)
    %dma_wait3A_72 = arith.constant 0 : i32
    %dma_wait3A_73 = tpu.memref_slice %arg19[%mul3A_7, %dma_wait3A_72] : memref<10112x128xf32, #tpu.memory_space<vmem_shared>> -> memref<80x128xf32, #tpu.memory_space<vmem_shared>>
    %dma_wait3A_74 = arith.constant 0 : i32
    %dma_wait3A_75 = tpu.memref_slice %arg19[%mul3A_7, %dma_wait3A_74] : memref<10112x128xf32, #tpu.memory_space<vmem_shared>> -> memref<80x128xf32, #tpu.memory_space<vmem_shared>>
    tpu.wait_dma2 semaphore(%arg13 : memref<!tpu.dma_semaphore, #tpu.memory_space<semaphore_mem>>) src(%arg7 : memref<80x128xf32, #tpu.memory_space<vmem>>) dst(%dma_wait3A_75 : memref<80x128xf32, #tpu.memory_space<vmem_shared>>)
    %dma_wait3A_76 = arith.constant 0 : i32
    %dma_wait3A_77 = tpu.memref_slice %arg19[%mul3A_7, %dma_wait3A_76] : memref<10112x128xf32, #tpu.memory_space<vmem_shared>> -> memref<80x128xf32, #tpu.memory_space<vmem_shared>>
    %dma_wait3A_78 = arith.constant 0 : i32
    %dma_wait3A_79 = tpu.memref_slice %arg19[%mul3A_7, %dma_wait3A_78] : memref<10112x128xf32, #tpu.memory_space<vmem_shared>> -> memref<80x128xf32, #tpu.memory_space<vmem_shared>>
    tpu.wait_dma2 semaphore(%arg13 : memref<!tpu.dma_semaphore, #tpu.memory_space<semaphore_mem>>) src(%arg7 : memref<80x128xf32, #tpu.memory_space<vmem>>) dst(%dma_wait3A_79 : memref<80x128xf32, #tpu.memory_space<vmem_shared>>)
    %dma_wait3A_80 = arith.constant 0 : i32
    %dma_wait3A_81 = tpu.memref_slice %arg19[%mul3A_7, %dma_wait3A_80] : memref<10112x128xf32, #tpu.memory_space<vmem_shared>> -> memref<80x128xf32, #tpu.memory_space<vmem_shared>>
    %dma_wait3A_82 = arith.constant 0 : i32
    %dma_wait3A_83 = tpu.memref_slice %arg19[%mul3A_7, %dma_wait3A_82] : memref<10112x128xf32, #tpu.memory_space<vmem_shared>> -> memref<80x128xf32, #tpu.memory_space<vmem_shared>>
    tpu.wait_dma2 semaphore(%arg13 : memref<!tpu.dma_semaphore, #tpu.memory_space<semaphore_mem>>) src(%arg7 : memref<80x128xf32, #tpu.memory_space<vmem>>) dst(%dma_wait3A_83 : memref<80x128xf32, #tpu.memory_space<vmem_shared>>)
    %dma_wait3A_84 = arith.constant 0 : i32
    %dma_wait3A_85 = tpu.memref_slice %arg19[%mul3A_7, %dma_wait3A_84] : memref<10112x128xf32, #tpu.memory_space<vmem_shared>> -> memref<80x128xf32, #tpu.memory_space<vmem_shared>>
    %dma_wait3A_86 = arith.constant 0 : i32
    %dma_wait3A_87 = tpu.memref_slice %arg19[%mul3A_7, %dma_wait3A_86] : memref<10112x128xf32, #tpu.memory_space<vmem_shared>> -> memref<80x128xf32, #tpu.memory_space<vmem_shared>>
    tpu.wait_dma2 semaphore(%arg13 : memref<!tpu.dma_semaphore, #tpu.memory_space<semaphore_mem>>) src(%arg7 : memref<80x128xf32, #tpu.memory_space<vmem>>) dst(%dma_wait3A_87 : memref<80x128xf32, #tpu.memory_space<vmem_shared>>)
    %dma_wait3A_88 = arith.constant 0 : i32
    %dma_wait3A_89 = arith.constant 0 : i32
    %dma_wait3A_90 = tpu.memref_slice %arg7[%dma_wait3A_88, %dma_wait3A_89] : memref<80x128xf32, #tpu.memory_space<vmem>> -> memref<72x128xf32, #tpu.memory_space<vmem>>
    %dma_wait3A_91 = arith.constant 0 : i32
    %dma_wait3A_92 = tpu.memref_slice %arg19[%mul3A_7, %dma_wait3A_91] : memref<10112x128xf32, #tpu.memory_space<vmem_shared>> -> memref<72x128xf32, #tpu.memory_space<vmem_shared>>
    %dma_wait3A_93 = arith.constant 0 : i32
    %dma_wait3A_94 = tpu.memref_slice %arg19[%mul3A_7, %dma_wait3A_93] : memref<10112x128xf32, #tpu.memory_space<vmem_shared>> -> memref<72x128xf32, #tpu.memory_space<vmem_shared>>
    %dma_wait3A_95 = arith.constant 0 : i32
    %dma_wait3A_96 = arith.constant 0 : i32
    %dma_wait3A_97 = tpu.memref_slice %arg7[%dma_wait3A_95, %dma_wait3A_96] : memref<80x128xf32, #tpu.memory_space<vmem>> -> memref<72x128xf32, #tpu.memory_space<vmem>>
    tpu.wait_dma2 semaphore(%arg13 : memref<!tpu.dma_semaphore, #tpu.memory_space<semaphore_mem>>) src(%dma_wait3A_97 : memref<72x128xf32, #tpu.memory_space<vmem>>) dst(%dma_wait3A_94 : memref<72x128xf32, #tpu.memory_space<vmem_shared>>)
    %barrier3A = arith.constant 0 : index
    tpu.barrier barrier_id(%barrier3A)
    %eq3A = arith.constant 0 : i32
    %eq3A_98 = arith.cmpi eq, %arg0, %eq3A : i32
    %jit3A = arith.constant 162 : i32
    %jit3A_99 = arith.constant 90 : i32
    %select_n3A = arith.select %eq3A_98, %jit3A, %jit3A_99 : i32
    %dma_start3A_100 = arith.constant 0 : i32
    %dma_start3A_101 = tpu.memref_slice %arg6[%dma_start3A_100] : memref<12960xi32, #tpu.memory_space<vmem>> -> memref<80xi32, #tpu.memory_space<vmem>>
    %dma_start3A_102 = arith.constant 0 : i32
    %dma_start3A_103 = arith.constant 0 : i32
    %dma_start3A_104 = tpu.memref_slice %arg2[%dma_start3A_102, %dma_start3A_103] : memref<10000x128xf32, #tpu.memory_space<hbm>> -> memref<10000x128xf32, #tpu.memory_space<hbm>>
    tpu.enqueue_indirect_dma source(%dma_start3A_104 : memref<10000x128xf32, #tpu.memory_space<hbm>>) target(%arg7 : memref<80x128xf32, #tpu.memory_space<vmem>>) offsets(%dma_start3A_101 : memref<80xi32, #tpu.memory_space<vmem>>) semaphore(%arg13 : memref<!tpu.dma_semaphore, #tpu.memory_space<semaphore_mem>>)
    %mul3A_105 = arith.constant 162 : i32
    %mul3A_106 = arith.muli %add3A, %mul3A_105 : i32
    %add3A_107 = arith.constant 0 : i32
    %add3A_108 = arith.addi %mul3A_106, %add3A_107 : i32
    %mul3A_109 = arith.constant 80 : i32
    %mul3A_110 = arith.muli %add3A_108, %mul3A_109 : i32
    %dma_start3A_111 = tpu.memref_slice %arg4[%mul3A_110] : memref<414720xi32, #tpu.memory_space<hbm>> -> memref<80xi32, #tpu.memory_space<hbm>>
    %dma_start3A_112 = tpu.memref_slice %arg4[%mul3A_110] : memref<414720xi32, #tpu.memory_space<hbm>> -> memref<80xi32, #tpu.memory_space<hbm>>
    tpu.enqueue_dma source(%dma_start3A_112 : memref<80xi32, #tpu.memory_space<hbm>>) target(%arg10 : memref<80xi32, #tpu.memory_space<vmem>>) target_semaphore(%arg13 : memref<!tpu.dma_semaphore, #tpu.memory_space<semaphore_mem>>)
    %dma_start3A_113 = arith.constant 80 : i32
    %dma_start3A_114 = tpu.memref_slice %arg6[%dma_start3A_113] : memref<12960xi32, #tpu.memory_space<vmem>> -> memref<80xi32, #tpu.memory_space<vmem>>
    %dma_start3A_115 = arith.constant 0 : i32
    %dma_start3A_116 = arith.constant 0 : i32
    %dma_start3A_117 = tpu.memref_slice %arg2[%dma_start3A_115, %dma_start3A_116] : memref<10000x128xf32, #tpu.memory_space<hbm>> -> memref<10000x128xf32, #tpu.memory_space<hbm>>
    tpu.enqueue_indirect_dma source(%dma_start3A_117 : memref<10000x128xf32, #tpu.memory_space<hbm>>) target(%arg8 : memref<80x128xf32, #tpu.memory_space<vmem>>) offsets(%dma_start3A_114 : memref<80xi32, #tpu.memory_space<vmem>>) semaphore(%arg14 : memref<!tpu.dma_semaphore, #tpu.memory_space<semaphore_mem>>)
    %mul3A_118 = arith.constant 162 : i32
    %mul3A_119 = arith.muli %add3A, %mul3A_118 : i32
    %add3A_120 = arith.constant 1 : i32
    %add3A_121 = arith.addi %mul3A_119, %add3A_120 : i32
    %mul3A_122 = arith.constant 80 : i32
    %mul3A_123 = arith.muli %add3A_121, %mul3A_122 : i32
    %dma_start3A_124 = tpu.memref_slice %arg4[%mul3A_123] : memref<414720xi32, #tpu.memory_space<hbm>> -> memref<80xi32, #tpu.memory_space<hbm>>
    %dma_start3A_125 = tpu.memref_slice %arg4[%mul3A_123] : memref<414720xi32, #tpu.memory_space<hbm>> -> memref<80xi32, #tpu.memory_space<hbm>>
    tpu.enqueue_dma source(%dma_start3A_125 : memref<80xi32, #tpu.memory_space<hbm>>) target(%arg11 : memref<80xi32, #tpu.memory_space<vmem>>) target_semaphore(%arg14 : memref<!tpu.dma_semaphore, #tpu.memory_space<semaphore_mem>>)
    %dma_start3A_126 = arith.constant 160 : i32
    %dma_start3A_127 = tpu.memref_slice %arg6[%dma_start3A_126] : memref<12960xi32, #tpu.memory_space<vmem>> -> memref<80xi32, #tpu.memory_space<vmem>>
    %dma_start3A_128 = arith.constant 0 : i32
    %dma_start3A_129 = arith.constant 0 : i32
    %dma_start3A_130 = tpu.memref_slice %arg2[%dma_start3A_128, %dma_start3A_129] : memref<10000x128xf32, #tpu.memory_space<hbm>> -> memref<10000x128xf32, #tpu.memory_space<hbm>>
    tpu.enqueue_indirect_dma source(%dma_start3A_130 : memref<10000x128xf32, #tpu.memory_space<hbm>>) target(%arg9 : memref<80x128xf32, #tpu.memory_space<vmem>>) offsets(%dma_start3A_127 : memref<80xi32, #tpu.memory_space<vmem>>) semaphore(%arg15 : memref<!tpu.dma_semaphore, #tpu.memory_space<semaphore_mem>>)
    %mul3A_131 = arith.constant 162 : i32
    %mul3A_132 = arith.muli %add3A, %mul3A_131 : i32
    %add3A_133 = arith.constant 2 : i32
    %add3A_134 = arith.addi %mul3A_132, %add3A_133 : i32
    %mul3A_135 = arith.constant 80 : i32
    %mul3A_136 = arith.muli %add3A_134, %mul3A_135 : i32
    %dma_start3A_137 = tpu.memref_slice %arg4[%mul3A_136] : memref<414720xi32, #tpu.memory_space<hbm>> -> memref<80xi32, #tpu.memory_space<hbm>>
    %dma_start3A_138 = tpu.memref_slice %arg4[%mul3A_136] : memref<414720xi32, #tpu.memory_space<hbm>> -> memref<80xi32, #tpu.memory_space<hbm>>
    tpu.enqueue_dma source(%dma_start3A_138 : memref<80xi32, #tpu.memory_space<hbm>>) target(%arg12 : memref<80xi32, #tpu.memory_space<vmem>>) target_semaphore(%arg15 : memref<!tpu.dma_semaphore, #tpu.memory_space<semaphore_mem>>)
    %dma_wait3A_139 = arith.constant 0 : i32
    %dma_wait3A_140 = tpu.memref_slice %arg6[%dma_wait3A_139] : memref<12960xi32, #tpu.memory_space<vmem>> -> memref<80xi32, #tpu.memory_space<vmem>>
    %dma_wait3A_141 = arith.constant 0 : i32
    %dma_wait3A_142 = arith.constant 0 : i32
    %dma_wait3A_143 = tpu.memref_slice %arg2[%dma_wait3A_141, %dma_wait3A_142] : memref<10000x128xf32, #tpu.memory_space<hbm>> -> memref<10000x128xf32, #tpu.memory_space<hbm>>
    tpu.wait_indirect_dma semaphore(%arg13 : memref<!tpu.dma_semaphore, #tpu.memory_space<semaphore_mem>>) src(%dma_wait3A_143 : memref<10000x128xf32, #tpu.memory_space<hbm>>) dst(%arg7 : memref<80x128xf32, #tpu.memory_space<vmem>>)
    %mul3A_144 = arith.constant 162 : i32
    %mul3A_145 = arith.muli %add3A, %mul3A_144 : i32
    %add3A_146 = arith.constant 0 : i32
    %add3A_147 = arith.addi %mul3A_145, %add3A_146 : i32
    %mul3A_148 = arith.constant 80 : i32
    %mul3A_149 = arith.muli %add3A_147, %mul3A_148 : i32
    %dma_wait3A_150 = tpu.memref_slice %arg4[%mul3A_149] : memref<414720xi32, #tpu.memory_space<hbm>> -> memref<80xi32, #tpu.memory_space<hbm>>
    %dma_wait3A_151 = tpu.memref_slice %arg4[%mul3A_149] : memref<414720xi32, #tpu.memory_space<hbm>> -> memref<80xi32, #tpu.memory_space<hbm>>
    tpu.wait_dma2 semaphore(%arg13 : memref<!tpu.dma_semaphore, #tpu.memory_space<semaphore_mem>>) src(%dma_wait3A_151 : memref<80xi32, #tpu.memory_space<hbm>>) dst(%arg10 : memref<80xi32, #tpu.memory_space<vmem>>)
    %dma_start3A_152 = arith.constant 0 : i32
    %dma_start3A_153 = arith.constant 0 : i32
    %dma_start3A_154 = tpu.memref_slice %arg19[%dma_start3A_152, %dma_start3A_153] : memref<10112x128xf32, #tpu.memory_space<vmem_shared>> -> memref<10112x128xf32, #tpu.memory_space<vmem_shared>>
    tpu.enqueue_indirect_dma source(%arg7 : memref<80x128xf32, #tpu.memory_space<vmem>>) target(%dma_start3A_154 : memref<10112x128xf32, #tpu.memory_space<vmem_shared>>) offsets(%arg10 : memref<80xi32, #tpu.memory_space<vmem>>) semaphore(%arg16 : memref<!tpu.dma_semaphore, #tpu.memory_space<semaphore_mem>>) {add = true}
    %dma_wait3A_155 = arith.constant 80 : i32
    %dma_wait3A_156 = tpu.memref_slice %arg6[%dma_wait3A_155] : memref<12960xi32, #tpu.memory_space<vmem>> -> memref<80xi32, #tpu.memory_space<vmem>>
    %dma_wait3A_157 = arith.constant 0 : i32
    %dma_wait3A_158 = arith.constant 0 : i32
    %dma_wait3A_159 = tpu.memref_slice %arg2[%dma_wait3A_157, %dma_wait3A_158] : memref<10000x128xf32, #tpu.memory_space<hbm>> -> memref<10000x128xf32, #tpu.memory_space<hbm>>
    tpu.wait_indirect_dma semaphore(%arg14 : memref<!tpu.dma_semaphore, #tpu.memory_space<semaphore_mem>>) src(%dma_wait3A_159 : memref<10000x128xf32, #tpu.memory_space<hbm>>) dst(%arg8 : memref<80x128xf32, #tpu.memory_space<vmem>>)
    %mul3A_160 = arith.constant 162 : i32
    %mul3A_161 = arith.muli %add3A, %mul3A_160 : i32
    %add3A_162 = arith.constant 1 : i32
    %add3A_163 = arith.addi %mul3A_161, %add3A_162 : i32
    %mul3A_164 = arith.constant 80 : i32
    %mul3A_165 = arith.muli %add3A_163, %mul3A_164 : i32
    %dma_wait3A_166 = tpu.memref_slice %arg4[%mul3A_165] : memref<414720xi32, #tpu.memory_space<hbm>> -> memref<80xi32, #tpu.memory_space<hbm>>
    %dma_wait3A_167 = tpu.memref_slice %arg4[%mul3A_165] : memref<414720xi32, #tpu.memory_space<hbm>> -> memref<80xi32, #tpu.memory_space<hbm>>
    tpu.wait_dma2 semaphore(%arg14 : memref<!tpu.dma_semaphore, #tpu.memory_space<semaphore_mem>>) src(%dma_wait3A_167 : memref<80xi32, #tpu.memory_space<hbm>>) dst(%arg11 : memref<80xi32, #tpu.memory_space<vmem>>)
    %dma_start3A_168 = arith.constant 0 : i32
    %dma_start3A_169 = arith.constant 0 : i32
    %dma_start3A_170 = tpu.memref_slice %arg19[%dma_start3A_168, %dma_start3A_169] : memref<10112x128xf32, #tpu.memory_space<vmem_shared>> -> memref<10112x128xf32, #tpu.memory_space<vmem_shared>>
    tpu.enqueue_indirect_dma source(%arg8 : memref<80x128xf32, #tpu.memory_space<vmem>>) target(%dma_start3A_170 : memref<10112x128xf32, #tpu.memory_space<vmem_shared>>) offsets(%arg11 : memref<80xi32, #tpu.memory_space<vmem>>) semaphore(%arg17 : memref<!tpu.dma_semaphore, #tpu.memory_space<semaphore_mem>>) {add = true}
    %dma_wait3A_171 = arith.constant 160 : i32
    %dma_wait3A_172 = tpu.memref_slice %arg6[%dma_wait3A_171] : memref<12960xi32, #tpu.memory_space<vmem>> -> memref<80xi32, #tpu.memory_space<vmem>>
    %dma_wait3A_173 = arith.constant 0 : i32
    %dma_wait3A_174 = arith.constant 0 : i32
    %dma_wait3A_175 = tpu.memref_slice %arg2[%dma_wait3A_173, %dma_wait3A_174] : memref<10000x128xf32, #tpu.memory_space<hbm>> -> memref<10000x128xf32, #tpu.memory_space<hbm>>
    tpu.wait_indirect_dma semaphore(%arg15 : memref<!tpu.dma_semaphore, #tpu.memory_space<semaphore_mem>>) src(%dma_wait3A_175 : memref<10000x128xf32, #tpu.memory_space<hbm>>) dst(%arg9 : memref<80x128xf32, #tpu.memory_space<vmem>>)
    %mul3A_176 = arith.constant 162 : i32
    %mul3A_177 = arith.muli %add3A, %mul3A_176 : i32
    %add3A_178 = arith.constant 2 : i32
    %add3A_179 = arith.addi %mul3A_177, %add3A_178 : i32
    %mul3A_180 = arith.constant 80 : i32
    %mul3A_181 = arith.muli %add3A_179, %mul3A_180 : i32
    %dma_wait3A_182 = tpu.memref_slice %arg4[%mul3A_181] : memref<414720xi32, #tpu.memory_space<hbm>> -> memref<80xi32, #tpu.memory_space<hbm>>
    %dma_wait3A_183 = tpu.memref_slice %arg4[%mul3A_181] : memref<414720xi32, #tpu.memory_space<hbm>> -> memref<80xi32, #tpu.memory_space<hbm>>
    tpu.wait_dma2 semaphore(%arg15 : memref<!tpu.dma_semaphore, #tpu.memory_space<semaphore_mem>>) src(%dma_wait3A_183 : memref<80xi32, #tpu.memory_space<hbm>>) dst(%arg12 : memref<80xi32, #tpu.memory_space<vmem>>)
    %dma_start3A_184 = arith.constant 0 : i32
    %dma_start3A_185 = arith.constant 0 : i32
    %dma_start3A_186 = tpu.memref_slice %arg19[%dma_start3A_184, %dma_start3A_185] : memref<10112x128xf32, #tpu.memory_space<vmem_shared>> -> memref<10112x128xf32, #tpu.memory_space<vmem_shared>>
    tpu.enqueue_indirect_dma source(%arg9 : memref<80x128xf32, #tpu.memory_space<vmem>>) target(%dma_start3A_186 : memref<10112x128xf32, #tpu.memory_space<vmem_shared>>) offsets(%arg12 : memref<80xi32, #tpu.memory_space<vmem>>) semaphore(%arg18 : memref<!tpu.dma_semaphore, #tpu.memory_space<semaphore_mem>>) {add = true}
    %jit3A_187 = arith.constant 3 : i32
    %div3A = arith.divsi %select_n3A, %jit3A_187 : i32
    %sign3A = arith.constant 0 : i32
    %sign3A_188 = arith.cmpi sgt, %select_n3A, %sign3A : i32
    %sign3A_189 = arith.extui %sign3A_188 : i1 to i32
    %sign3A_190 = arith.constant 0 : i32
    %sign3A_191 = arith.cmpi slt, %select_n3A, %sign3A_190 : i32
    %sign3A_192 = arith.extui %sign3A_191 : i1 to i32
    %sign3A_193 = arith.subi %sign3A_189, %sign3A_192 : i32
    %sign3A_194 = arith.constant 0 : i32
    %sign3A_195 = arith.cmpi sgt, %jit3A_187, %sign3A_194 : i32
    %sign3A_196 = arith.extui %sign3A_195 : i1 to i32
    %sign3A_197 = arith.constant 0 : i32
    %sign3A_198 = arith.cmpi slt, %jit3A_187, %sign3A_197 : i32
    %sign3A_199 = arith.extui %sign3A_198 : i1 to i32
    %sign3A_200 = arith.subi %sign3A_196, %sign3A_199 : i32
    %ne3A = arith.cmpi ne, %sign3A_193, %sign3A_200 : i32
    %rem3A = arith.remsi %select_n3A, %jit3A_187 : i32
    %ne3A_201 = arith.constant 0 : i32
    %ne3A_202 = arith.cmpi ne, %rem3A, %ne3A_201 : i32
    %and3A = arith.andi %ne3A, %ne3A_202 : i1
    %sub3A = arith.constant 1 : i32
    %sub3A_203 = arith.subi %div3A, %sub3A : i32
    %select_n3A_204 = arith.select %and3A, %sub3A_203, %div3A : i32
    %while3A = arith.constant 0 : i32
    %while3A_205 = arith.constant 1 : i32
    %while3A_206 = arith.subi %select_n3A_204, %while3A_205 : i32
    %while3A_207 = arith.addi %while3A_205, %while3A_206 : i32
    %while3A_208 = arith.constant 1 : i32
    %while3A_209 = arith.divsi %while3A_206, %while3A_208 : i32
    %while3A_210 = arith.muli %while3A_209, %while3A_208 : i32
    %while3A_211 = arith.addi %while3A_205, %while3A_210 : i32
    %while3A_212 = arith.constant 1 : i32
    scf.for %while3A_228 = %while3A_205 to %while3A_211 step %while3A_212  : i32 {
      %mul3A_229 = arith.constant 3 : i32
      %mul3A_230 = arith.muli %while3A_228, %mul3A_229 : i32
      %dma_wait3A_231 = arith.constant 0 : i32
      %dma_wait3A_232 = arith.constant 0 : i32
      %dma_wait3A_233 = tpu.memref_slice %arg19[%dma_wait3A_231, %dma_wait3A_232] : memref<10112x128xf32, #tpu.memory_space<vmem_shared>> -> memref<10112x128xf32, #tpu.memory_space<vmem_shared>>
      tpu.wait_indirect_dma semaphore(%arg16 : memref<!tpu.dma_semaphore, #tpu.memory_space<semaphore_mem>>) src(%arg7 : memref<80x128xf32, #tpu.memory_space<vmem>>) dst(%dma_wait3A_233 : memref<10112x128xf32, #tpu.memory_space<vmem_shared>>)
      %add3A_234 = arith.constant 0 : i32
      %add3A_235 = arith.addi %mul3A_230, %add3A_234 : i32
      %mul3A_236 = arith.constant 80 : i32
      %mul3A_237 = arith.muli %add3A_235, %mul3A_236 : i32
      %dma_start3A_238 = tpu.memref_slice %arg6[%mul3A_237] : memref<12960xi32, #tpu.memory_space<vmem>> -> memref<80xi32, #tpu.memory_space<vmem>>
      %dma_start3A_239 = arith.constant 0 : i32
      %dma_start3A_240 = arith.constant 0 : i32
      %dma_start3A_241 = tpu.memref_slice %arg2[%dma_start3A_239, %dma_start3A_240] : memref<10000x128xf32, #tpu.memory_space<hbm>> -> memref<10000x128xf32, #tpu.memory_space<hbm>>
      tpu.enqueue_indirect_dma source(%dma_start3A_241 : memref<10000x128xf32, #tpu.memory_space<hbm>>) target(%arg7 : memref<80x128xf32, #tpu.memory_space<vmem>>) offsets(%dma_start3A_238 : memref<80xi32, #tpu.memory_space<vmem>>) semaphore(%arg13 : memref<!tpu.dma_semaphore, #tpu.memory_space<semaphore_mem>>)
      %mul3A_242 = arith.constant 162 : i32
      %mul3A_243 = arith.muli %add3A, %mul3A_242 : i32
      %add3A_244 = arith.addi %mul3A_243, %add3A_235 : i32
      %mul3A_245 = arith.constant 80 : i32
      %mul3A_246 = arith.muli %add3A_244, %mul3A_245 : i32
      %dma_start3A_247 = tpu.memref_slice %arg4[%mul3A_246] : memref<414720xi32, #tpu.memory_space<hbm>> -> memref<80xi32, #tpu.memory_space<hbm>>
      %dma_start3A_248 = tpu.memref_slice %arg4[%mul3A_246] : memref<414720xi32, #tpu.memory_space<hbm>> -> memref<80xi32, #tpu.memory_space<hbm>>
      tpu.enqueue_dma source(%dma_start3A_248 : memref<80xi32, #tpu.memory_space<hbm>>) target(%arg10 : memref<80xi32, #tpu.memory_space<vmem>>) target_semaphore(%arg13 : memref<!tpu.dma_semaphore, #tpu.memory_space<semaphore_mem>>)
      %dma_wait3A_249 = arith.constant 0 : i32
      %dma_wait3A_250 = arith.constant 0 : i32
      %dma_wait3A_251 = tpu.memref_slice %arg19[%dma_wait3A_249, %dma_wait3A_250] : memref<10112x128xf32, #tpu.memory_space<vmem_shared>> -> memref<10112x128xf32, #tpu.memory_space<vmem_shared>>
      tpu.wait_indirect_dma semaphore(%arg17 : memref<!tpu.dma_semaphore, #tpu.memory_space<semaphore_mem>>) src(%arg8 : memref<80x128xf32, #tpu.memory_space<vmem>>) dst(%dma_wait3A_251 : memref<10112x128xf32, #tpu.memory_space<vmem_shared>>)
      %add3A_252 = arith.constant 1 : i32
      %add3A_253 = arith.addi %mul3A_230, %add3A_252 : i32
      %mul3A_254 = arith.constant 80 : i32
      %mul3A_255 = arith.muli %add3A_253, %mul3A_254 : i32
      %dma_start3A_256 = tpu.memref_slice %arg6[%mul3A_255] : memref<12960xi32, #tpu.memory_space<vmem>> -> memref<80xi32, #tpu.memory_space<vmem>>
      %dma_start3A_257 = arith.constant 0 : i32
      %dma_start3A_258 = arith.constant 0 : i32
      %dma_start3A_259 = tpu.memref_slice %arg2[%dma_start3A_257, %dma_start3A_258] : memref<10000x128xf32, #tpu.memory_space<hbm>> -> memref<10000x128xf32, #tpu.memory_space<hbm>>
      tpu.enqueue_indirect_dma source(%dma_start3A_259 : memref<10000x128xf32, #tpu.memory_space<hbm>>) target(%arg8 : memref<80x128xf32, #tpu.memory_space<vmem>>) offsets(%dma_start3A_256 : memref<80xi32, #tpu.memory_space<vmem>>) semaphore(%arg14 : memref<!tpu.dma_semaphore, #tpu.memory_space<semaphore_mem>>)
      %mul3A_260 = arith.constant 162 : i32
      %mul3A_261 = arith.muli %add3A, %mul3A_260 : i32
      %add3A_262 = arith.addi %mul3A_261, %add3A_253 : i32
      %mul3A_263 = arith.constant 80 : i32
      %mul3A_264 = arith.muli %add3A_262, %mul3A_263 : i32
      %dma_start3A_265 = tpu.memref_slice %arg4[%mul3A_264] : memref<414720xi32, #tpu.memory_space<hbm>> -> memref<80xi32, #tpu.memory_space<hbm>>
      %dma_start3A_266 = tpu.memref_slice %arg4[%mul3A_264] : memref<414720xi32, #tpu.memory_space<hbm>> -> memref<80xi32, #tpu.memory_space<hbm>>
      tpu.enqueue_dma source(%dma_start3A_266 : memref<80xi32, #tpu.memory_space<hbm>>) target(%arg11 : memref<80xi32, #tpu.memory_space<vmem>>) target_semaphore(%arg14 : memref<!tpu.dma_semaphore, #tpu.memory_space<semaphore_mem>>)
      %dma_wait3A_267 = arith.constant 0 : i32
      %dma_wait3A_268 = arith.constant 0 : i32
      %dma_wait3A_269 = tpu.memref_slice %arg19[%dma_wait3A_267, %dma_wait3A_268] : memref<10112x128xf32, #tpu.memory_space<vmem_shared>> -> memref<10112x128xf32, #tpu.memory_space<vmem_shared>>
      tpu.wait_indirect_dma semaphore(%arg18 : memref<!tpu.dma_semaphore, #tpu.memory_space<semaphore_mem>>) src(%arg9 : memref<80x128xf32, #tpu.memory_space<vmem>>) dst(%dma_wait3A_269 : memref<10112x128xf32, #tpu.memory_space<vmem_shared>>)
      %add3A_270 = arith.constant 2 : i32
      %add3A_271 = arith.addi %mul3A_230, %add3A_270 : i32
      %mul3A_272 = arith.constant 80 : i32
      %mul3A_273 = arith.muli %add3A_271, %mul3A_272 : i32
      %dma_start3A_274 = tpu.memref_slice %arg6[%mul3A_273] : memref<12960xi32, #tpu.memory_space<vmem>> -> memref<80xi32, #tpu.memory_space<vmem>>
      %dma_start3A_275 = arith.constant 0 : i32
      %dma_start3A_276 = arith.constant 0 : i32
      %dma_start3A_277 = tpu.memref_slice %arg2[%dma_start3A_275, %dma_start3A_276] : memref<10000x128xf32, #tpu.memory_space<hbm>> -> memref<10000x128xf32, #tpu.memory_space<hbm>>
      tpu.enqueue_indirect_dma source(%dma_start3A_277 : memref<10000x128xf32, #tpu.memory_space<hbm>>) target(%arg9 : memref<80x128xf32, #tpu.memory_space<vmem>>) offsets(%dma_start3A_274 : memref<80xi32, #tpu.memory_space<vmem>>) semaphore(%arg15 : memref<!tpu.dma_semaphore, #tpu.memory_space<semaphore_mem>>)
      %mul3A_278 = arith.constant 162 : i32
      %mul3A_279 = arith.muli %add3A, %mul3A_278 : i32
      %add3A_280 = arith.addi %mul3A_279, %add3A_271 : i32
      %mul3A_281 = arith.constant 80 : i32
      %mul3A_282 = arith.muli %add3A_280, %mul3A_281 : i32
      %dma_start3A_283 = tpu.memref_slice %arg4[%mul3A_282] : memref<414720xi32, #tpu.memory_space<hbm>> -> memref<80xi32, #tpu.memory_space<hbm>>
      %dma_start3A_284 = tpu.memref_slice %arg4[%mul3A_282] : memref<414720xi32, #tpu.memory_space<hbm>> -> memref<80xi32, #tpu.memory_space<hbm>>
      tpu.enqueue_dma source(%dma_start3A_284 : memref<80xi32, #tpu.memory_space<hbm>>) target(%arg12 : memref<80xi32, #tpu.memory_space<vmem>>) target_semaphore(%arg15 : memref<!tpu.dma_semaphore, #tpu.memory_space<semaphore_mem>>)
      %add3A_285 = arith.constant 0 : i32
      %add3A_286 = arith.addi %mul3A_230, %add3A_285 : i32
      %mul3A_287 = arith.constant 80 : i32
      %mul3A_288 = arith.muli %add3A_286, %mul3A_287 : i32
      %dma_wait3A_289 = tpu.memref_slice %arg6[%mul3A_288] : memref<12960xi32, #tpu.memory_space<vmem>> -> memref<80xi32, #tpu.memory_space<vmem>>
      %dma_wait3A_290 = arith.constant 0 : i32
      %dma_wait3A_291 = arith.constant 0 : i32
      %dma_wait3A_292 = tpu.memref_slice %arg2[%dma_wait3A_290, %dma_wait3A_291] : memref<10000x128xf32, #tpu.memory_space<hbm>> -> memref<10000x128xf32, #tpu.memory_space<hbm>>
      tpu.wait_indirect_dma semaphore(%arg13 : memref<!tpu.dma_semaphore, #tpu.memory_space<semaphore_mem>>) src(%dma_wait3A_292 : memref<10000x128xf32, #tpu.memory_space<hbm>>) dst(%arg7 : memref<80x128xf32, #tpu.memory_space<vmem>>)
      %mul3A_293 = arith.constant 162 : i32
      %mul3A_294 = arith.muli %add3A, %mul3A_293 : i32
      %add3A_295 = arith.addi %mul3A_294, %add3A_286 : i32
      %mul3A_296 = arith.constant 80 : i32
      %mul3A_297 = arith.muli %add3A_295, %mul3A_296 : i32
      %dma_wait3A_298 = tpu.memref_slice %arg4[%mul3A_297] : memref<414720xi32, #tpu.memory_space<hbm>> -> memref<80xi32, #tpu.memory_space<hbm>>
      %dma_wait3A_299 = tpu.memref_slice %arg4[%mul3A_297] : memref<414720xi32, #tpu.memory_space<hbm>> -> memref<80xi32, #tpu.memory_space<hbm>>
      tpu.wait_dma2 semaphore(%arg13 : memref<!tpu.dma_semaphore, #tpu.memory_space<semaphore_mem>>) src(%dma_wait3A_299 : memref<80xi32, #tpu.memory_space<hbm>>) dst(%arg10 : memref<80xi32, #tpu.memory_space<vmem>>)
      %dma_start3A_300 = arith.constant 0 : i32
      %dma_start3A_301 = arith.constant 0 : i32
      %dma_start3A_302 = tpu.memref_slice %arg19[%dma_start3A_300, %dma_start3A_301] : memref<10112x128xf32, #tpu.memory_space<vmem_shared>> -> memref<10112x128xf32, #tpu.memory_space<vmem_shared>>
      tpu.enqueue_indirect_dma source(%arg7 : memref<80x128xf32, #tpu.memory_space<vmem>>) target(%dma_start3A_302 : memref<10112x128xf32, #tpu.memory_space<vmem_shared>>) offsets(%arg10 : memref<80xi32, #tpu.memory_space<vmem>>) semaphore(%arg16 : memref<!tpu.dma_semaphore, #tpu.memory_space<semaphore_mem>>) {add = true}
      %add3A_303 = arith.constant 1 : i32
      %add3A_304 = arith.addi %mul3A_230, %add3A_303 : i32
      %mul3A_305 = arith.constant 80 : i32
      %mul3A_306 = arith.muli %add3A_304, %mul3A_305 : i32
      %dma_wait3A_307 = tpu.memref_slice %arg6[%mul3A_306] : memref<12960xi32, #tpu.memory_space<vmem>> -> memref<80xi32, #tpu.memory_space<vmem>>
      %dma_wait3A_308 = arith.constant 0 : i32
      %dma_wait3A_309 = arith.constant 0 : i32
      %dma_wait3A_310 = tpu.memref_slice %arg2[%dma_wait3A_308, %dma_wait3A_309] : memref<10000x128xf32, #tpu.memory_space<hbm>> -> memref<10000x128xf32, #tpu.memory_space<hbm>>
      tpu.wait_indirect_dma semaphore(%arg14 : memref<!tpu.dma_semaphore, #tpu.memory_space<semaphore_mem>>) src(%dma_wait3A_310 : memref<10000x128xf32, #tpu.memory_space<hbm>>) dst(%arg8 : memref<80x128xf32, #tpu.memory_space<vmem>>)
      %mul3A_311 = arith.constant 162 : i32
      %mul3A_312 = arith.muli %add3A, %mul3A_311 : i32
      %add3A_313 = arith.addi %mul3A_312, %add3A_304 : i32
      %mul3A_314 = arith.constant 80 : i32
      %mul3A_315 = arith.muli %add3A_313, %mul3A_314 : i32
      %dma_wait3A_316 = tpu.memref_slice %arg4[%mul3A_315] : memref<414720xi32, #tpu.memory_space<hbm>> -> memref<80xi32, #tpu.memory_space<hbm>>
      %dma_wait3A_317 = tpu.memref_slice %arg4[%mul3A_315] : memref<414720xi32, #tpu.memory_space<hbm>> -> memref<80xi32, #tpu.memory_space<hbm>>
      tpu.wait_dma2 semaphore(%arg14 : memref<!tpu.dma_semaphore, #tpu.memory_space<semaphore_mem>>) src(%dma_wait3A_317 : memref<80xi32, #tpu.memory_space<hbm>>) dst(%arg11 : memref<80xi32, #tpu.memory_space<vmem>>)
      %dma_start3A_318 = arith.constant 0 : i32
      %dma_start3A_319 = arith.constant 0 : i32
      %dma_start3A_320 = tpu.memref_slice %arg19[%dma_start3A_318, %dma_start3A_319] : memref<10112x128xf32, #tpu.memory_space<vmem_shared>> -> memref<10112x128xf32, #tpu.memory_space<vmem_shared>>
      tpu.enqueue_indirect_dma source(%arg8 : memref<80x128xf32, #tpu.memory_space<vmem>>) target(%dma_start3A_320 : memref<10112x128xf32, #tpu.memory_space<vmem_shared>>) offsets(%arg11 : memref<80xi32, #tpu.memory_space<vmem>>) semaphore(%arg17 : memref<!tpu.dma_semaphore, #tpu.memory_space<semaphore_mem>>) {add = true}
      %add3A_321 = arith.constant 2 : i32
      %add3A_322 = arith.addi %mul3A_230, %add3A_321 : i32
      %mul3A_323 = arith.constant 80 : i32
      %mul3A_324 = arith.muli %add3A_322, %mul3A_323 : i32
      %dma_wait3A_325 = tpu.memref_slice %arg6[%mul3A_324] : memref<12960xi32, #tpu.memory_space<vmem>> -> memref<80xi32, #tpu.memory_space<vmem>>
      %dma_wait3A_326 = arith.constant 0 : i32
      %dma_wait3A_327 = arith.constant 0 : i32
      %dma_wait3A_328 = tpu.memref_slice %arg2[%dma_wait3A_326, %dma_wait3A_327] : memref<10000x128xf32, #tpu.memory_space<hbm>> -> memref<10000x128xf32, #tpu.memory_space<hbm>>
      tpu.wait_indirect_dma semaphore(%arg15 : memref<!tpu.dma_semaphore, #tpu.memory_space<semaphore_mem>>) src(%dma_wait3A_328 : memref<10000x128xf32, #tpu.memory_space<hbm>>) dst(%arg9 : memref<80x128xf32, #tpu.memory_space<vmem>>)
      %mul3A_329 = arith.constant 162 : i32
      %mul3A_330 = arith.muli %add3A, %mul3A_329 : i32
      %add3A_331 = arith.addi %mul3A_330, %add3A_322 : i32
      %mul3A_332 = arith.constant 80 : i32
      %mul3A_333 = arith.muli %add3A_331, %mul3A_332 : i32
      %dma_wait3A_334 = tpu.memref_slice %arg4[%mul3A_333] : memref<414720xi32, #tpu.memory_space<hbm>> -> memref<80xi32, #tpu.memory_space<hbm>>
      %dma_wait3A_335 = tpu.memref_slice %arg4[%mul3A_333] : memref<414720xi32, #tpu.memory_space<hbm>> -> memref<80xi32, #tpu.memory_space<hbm>>
      tpu.wait_dma2 semaphore(%arg15 : memref<!tpu.dma_semaphore, #tpu.memory_space<semaphore_mem>>) src(%dma_wait3A_335 : memref<80xi32, #tpu.memory_space<hbm>>) dst(%arg12 : memref<80xi32, #tpu.memory_space<vmem>>)
      %dma_start3A_336 = arith.constant 0 : i32
      %dma_start3A_337 = arith.constant 0 : i32
      %dma_start3A_338 = tpu.memref_slice %arg19[%dma_start3A_336, %dma_start3A_337] : memref<10112x128xf32, #tpu.memory_space<vmem_shared>> -> memref<10112x128xf32, #tpu.memory_space<vmem_shared>>
      tpu.enqueue_indirect_dma source(%arg9 : memref<80x128xf32, #tpu.memory_space<vmem>>) target(%dma_start3A_338 : memref<10112x128xf32, #tpu.memory_space<vmem_shared>>) offsets(%arg12 : memref<80xi32, #tpu.memory_space<vmem>>) semaphore(%arg18 : memref<!tpu.dma_semaphore, #tpu.memory_space<semaphore_mem>>) {add = true}
    }
    %while3A_213 = arith.constant 1 : i32
    scf.for %while3A_228 = %while3A_211 to %while3A_207 step %while3A_213  : i32 {
      %mul3A_229 = arith.constant 3 : i32
      %mul3A_230 = arith.muli %while3A_228, %mul3A_229 : i32
      %dma_wait3A_231 = arith.constant 0 : i32
      %dma_wait3A_232 = arith.constant 0 : i32
      %dma_wait3A_233 = tpu.memref_slice %arg19[%dma_wait3A_231, %dma_wait3A_232] : memref<10112x128xf32, #tpu.memory_space<vmem_shared>> -> memref<10112x128xf32, #tpu.memory_space<vmem_shared>>
      tpu.wait_indirect_dma semaphore(%arg16 : memref<!tpu.dma_semaphore, #tpu.memory_space<semaphore_mem>>) src(%arg7 : memref<80x128xf32, #tpu.memory_space<vmem>>) dst(%dma_wait3A_233 : memref<10112x128xf32, #tpu.memory_space<vmem_shared>>)
      %add3A_234 = arith.constant 0 : i32
      %add3A_235 = arith.addi %mul3A_230, %add3A_234 : i32
      %mul3A_236 = arith.constant 80 : i32
      %mul3A_237 = arith.muli %add3A_235, %mul3A_236 : i32
      %dma_start3A_238 = tpu.memref_slice %arg6[%mul3A_237] : memref<12960xi32, #tpu.memory_space<vmem>> -> memref<80xi32, #tpu.memory_space<vmem>>
      %dma_start3A_239 = arith.constant 0 : i32
      %dma_start3A_240 = arith.constant 0 : i32
      %dma_start3A_241 = tpu.memref_slice %arg2[%dma_start3A_239, %dma_start3A_240] : memref<10000x128xf32, #tpu.memory_space<hbm>> -> memref<10000x128xf32, #tpu.memory_space<hbm>>
      tpu.enqueue_indirect_dma source(%dma_start3A_241 : memref<10000x128xf32, #tpu.memory_space<hbm>>) target(%arg7 : memref<80x128xf32, #tpu.memory_space<vmem>>) offsets(%dma_start3A_238 : memref<80xi32, #tpu.memory_space<vmem>>) semaphore(%arg13 : memref<!tpu.dma_semaphore, #tpu.memory_space<semaphore_mem>>)
      %mul3A_242 = arith.constant 162 : i32
      %mul3A_243 = arith.muli %add3A, %mul3A_242 : i32
      %add3A_244 = arith.addi %mul3A_243, %add3A_235 : i32
      %mul3A_245 = arith.constant 80 : i32
      %mul3A_246 = arith.muli %add3A_244, %mul3A_245 : i32
      %dma_start3A_247 = tpu.memref_slice %arg4[%mul3A_246] : memref<414720xi32, #tpu.memory_space<hbm>> -> memref<80xi32, #tpu.memory_space<hbm>>
      %dma_start3A_248 = tpu.memref_slice %arg4[%mul3A_246] : memref<414720xi32, #tpu.memory_space<hbm>> -> memref<80xi32, #tpu.memory_space<hbm>>
      tpu.enqueue_dma source(%dma_start3A_248 : memref<80xi32, #tpu.memory_space<hbm>>) target(%arg10 : memref<80xi32, #tpu.memory_space<vmem>>) target_semaphore(%arg13 : memref<!tpu.dma_semaphore, #tpu.memory_space<semaphore_mem>>)
      %dma_wait3A_249 = arith.constant 0 : i32
      %dma_wait3A_250 = arith.constant 0 : i32
      %dma_wait3A_251 = tpu.memref_slice %arg19[%dma_wait3A_249, %dma_wait3A_250] : memref<10112x128xf32, #tpu.memory_space<vmem_shared>> -> memref<10112x128xf32, #tpu.memory_space<vmem_shared>>
      tpu.wait_indirect_dma semaphore(%arg17 : memref<!tpu.dma_semaphore, #tpu.memory_space<semaphore_mem>>) src(%arg8 : memref<80x128xf32, #tpu.memory_space<vmem>>) dst(%dma_wait3A_251 : memref<10112x128xf32, #tpu.memory_space<vmem_shared>>)
      %add3A_252 = arith.constant 1 : i32
      %add3A_253 = arith.addi %mul3A_230, %add3A_252 : i32
      %mul3A_254 = arith.constant 80 : i32
      %mul3A_255 = arith.muli %add3A_253, %mul3A_254 : i32
      %dma_start3A_256 = tpu.memref_slice %arg6[%mul3A_255] : memref<12960xi32, #tpu.memory_space<vmem>> -> memref<80xi32, #tpu.memory_space<vmem>>
      %dma_start3A_257 = arith.constant 0 : i32
      %dma_start3A_258 = arith.constant 0 : i32
      %dma_start3A_259 = tpu.memref_slice %arg2[%dma_start3A_257, %dma_start3A_258] : memref<10000x128xf32, #tpu.memory_space<hbm>> -> memref<10000x128xf32, #tpu.memory_space<hbm>>
      tpu.enqueue_indirect_dma source(%dma_start3A_259 : memref<10000x128xf32, #tpu.memory_space<hbm>>) target(%arg8 : memref<80x128xf32, #tpu.memory_space<vmem>>) offsets(%dma_start3A_256 : memref<80xi32, #tpu.memory_space<vmem>>) semaphore(%arg14 : memref<!tpu.dma_semaphore, #tpu.memory_space<semaphore_mem>>)
      %mul3A_260 = arith.constant 162 : i32
      %mul3A_261 = arith.muli %add3A, %mul3A_260 : i32
      %add3A_262 = arith.addi %mul3A_261, %add3A_253 : i32
      %mul3A_263 = arith.constant 80 : i32
      %mul3A_264 = arith.muli %add3A_262, %mul3A_263 : i32
      %dma_start3A_265 = tpu.memref_slice %arg4[%mul3A_264] : memref<414720xi32, #tpu.memory_space<hbm>> -> memref<80xi32, #tpu.memory_space<hbm>>
      %dma_start3A_266 = tpu.memref_slice %arg4[%mul3A_264] : memref<414720xi32, #tpu.memory_space<hbm>> -> memref<80xi32, #tpu.memory_space<hbm>>
      tpu.enqueue_dma source(%dma_start3A_266 : memref<80xi32, #tpu.memory_space<hbm>>) target(%arg11 : memref<80xi32, #tpu.memory_space<vmem>>) target_semaphore(%arg14 : memref<!tpu.dma_semaphore, #tpu.memory_space<semaphore_mem>>)
      %dma_wait3A_267 = arith.constant 0 : i32
      %dma_wait3A_268 = arith.constant 0 : i32
      %dma_wait3A_269 = tpu.memref_slice %arg19[%dma_wait3A_267, %dma_wait3A_268] : memref<10112x128xf32, #tpu.memory_space<vmem_shared>> -> memref<10112x128xf32, #tpu.memory_space<vmem_shared>>
      tpu.wait_indirect_dma semaphore(%arg18 : memref<!tpu.dma_semaphore, #tpu.memory_space<semaphore_mem>>) src(%arg9 : memref<80x128xf32, #tpu.memory_space<vmem>>) dst(%dma_wait3A_269 : memref<10112x128xf32, #tpu.memory_space<vmem_shared>>)
      %add3A_270 = arith.constant 2 : i32
      %add3A_271 = arith.addi %mul3A_230, %add3A_270 : i32
      %mul3A_272 = arith.constant 80 : i32
      %mul3A_273 = arith.muli %add3A_271, %mul3A_272 : i32
      %dma_start3A_274 = tpu.memref_slice %arg6[%mul3A_273] : memref<12960xi32, #tpu.memory_space<vmem>> -> memref<80xi32, #tpu.memory_space<vmem>>
      %dma_start3A_275 = arith.constant 0 : i32
      %dma_start3A_276 = arith.constant 0 : i32
      %dma_start3A_277 = tpu.memref_slice %arg2[%dma_start3A_275, %dma_start3A_276] : memref<10000x128xf32, #tpu.memory_space<hbm>> -> memref<10000x128xf32, #tpu.memory_space<hbm>>
      tpu.enqueue_indirect_dma source(%dma_start3A_277 : memref<10000x128xf32, #tpu.memory_space<hbm>>) target(%arg9 : memref<80x128xf32, #tpu.memory_space<vmem>>) offsets(%dma_start3A_274 : memref<80xi32, #tpu.memory_space<vmem>>) semaphore(%arg15 : memref<!tpu.dma_semaphore, #tpu.memory_space<semaphore_mem>>)
      %mul3A_278 = arith.constant 162 : i32
      %mul3A_279 = arith.muli %add3A, %mul3A_278 : i32
      %add3A_280 = arith.addi %mul3A_279, %add3A_271 : i32
      %mul3A_281 = arith.constant 80 : i32
      %mul3A_282 = arith.muli %add3A_280, %mul3A_281 : i32
      %dma_start3A_283 = tpu.memref_slice %arg4[%mul3A_282] : memref<414720xi32, #tpu.memory_space<hbm>> -> memref<80xi32, #tpu.memory_space<hbm>>
      %dma_start3A_284 = tpu.memref_slice %arg4[%mul3A_282] : memref<414720xi32, #tpu.memory_space<hbm>> -> memref<80xi32, #tpu.memory_space<hbm>>
      tpu.enqueue_dma source(%dma_start3A_284 : memref<80xi32, #tpu.memory_space<hbm>>) target(%arg12 : memref<80xi32, #tpu.memory_space<vmem>>) target_semaphore(%arg15 : memref<!tpu.dma_semaphore, #tpu.memory_space<semaphore_mem>>)
      %add3A_285 = arith.constant 0 : i32
      %add3A_286 = arith.addi %mul3A_230, %add3A_285 : i32
      %mul3A_287 = arith.constant 80 : i32
      %mul3A_288 = arith.muli %add3A_286, %mul3A_287 : i32
      %dma_wait3A_289 = tpu.memref_slice %arg6[%mul3A_288] : memref<12960xi32, #tpu.memory_space<vmem>> -> memref<80xi32, #tpu.memory_space<vmem>>
      %dma_wait3A_290 = arith.constant 0 : i32
      %dma_wait3A_291 = arith.constant 0 : i32
      %dma_wait3A_292 = tpu.memref_slice %arg2[%dma_wait3A_290, %dma_wait3A_291] : memref<10000x128xf32, #tpu.memory_space<hbm>> -> memref<10000x128xf32, #tpu.memory_space<hbm>>
      tpu.wait_indirect_dma semaphore(%arg13 : memref<!tpu.dma_semaphore, #tpu.memory_space<semaphore_mem>>) src(%dma_wait3A_292 : memref<10000x128xf32, #tpu.memory_space<hbm>>) dst(%arg7 : memref<80x128xf32, #tpu.memory_space<vmem>>)
      %mul3A_293 = arith.constant 162 : i32
      %mul3A_294 = arith.muli %add3A, %mul3A_293 : i32
      %add3A_295 = arith.addi %mul3A_294, %add3A_286 : i32
      %mul3A_296 = arith.constant 80 : i32
      %mul3A_297 = arith.muli %add3A_295, %mul3A_296 : i32
      %dma_wait3A_298 = tpu.memref_slice %arg4[%mul3A_297] : memref<414720xi32, #tpu.memory_space<hbm>> -> memref<80xi32, #tpu.memory_space<hbm>>
      %dma_wait3A_299 = tpu.memref_slice %arg4[%mul3A_297] : memref<414720xi32, #tpu.memory_space<hbm>> -> memref<80xi32, #tpu.memory_space<hbm>>
      tpu.wait_dma2 semaphore(%arg13 : memref<!tpu.dma_semaphore, #tpu.memory_space<semaphore_mem>>) src(%dma_wait3A_299 : memref<80xi32, #tpu.memory_space<hbm>>) dst(%arg10 : memref<80xi32, #tpu.memory_space<vmem>>)
      %dma_start3A_300 = arith.constant 0 : i32
      %dma_start3A_301 = arith.constant 0 : i32
      %dma_start3A_302 = tpu.memref_slice %arg19[%dma_start3A_300, %dma_start3A_301] : memref<10112x128xf32, #tpu.memory_space<vmem_shared>> -> memref<10112x128xf32, #tpu.memory_space<vmem_shared>>
      tpu.enqueue_indirect_dma source(%arg7 : memref<80x128xf32, #tpu.memory_space<vmem>>) target(%dma_start3A_302 : memref<10112x128xf32, #tpu.memory_space<vmem_shared>>) offsets(%arg10 : memref<80xi32, #tpu.memory_space<vmem>>) semaphore(%arg16 : memref<!tpu.dma_semaphore, #tpu.memory_space<semaphore_mem>>) {add = true}
      %add3A_303 = arith.constant 1 : i32
      %add3A_304 = arith.addi %mul3A_230, %add3A_303 : i32
      %mul3A_305 = arith.constant 80 : i32
      %mul3A_306 = arith.muli %add3A_304, %mul3A_305 : i32
      %dma_wait3A_307 = tpu.memref_slice %arg6[%mul3A_306] : memref<12960xi32, #tpu.memory_space<vmem>> -> memref<80xi32, #tpu.memory_space<vmem>>
      %dma_wait3A_308 = arith.constant 0 : i32
      %dma_wait3A_309 = arith.constant 0 : i32
      %dma_wait3A_310 = tpu.memref_slice %arg2[%dma_wait3A_308, %dma_wait3A_309] : memref<10000x128xf32, #tpu.memory_space<hbm>> -> memref<10000x128xf32, #tpu.memory_space<hbm>>
      tpu.wait_indirect_dma semaphore(%arg14 : memref<!tpu.dma_semaphore, #tpu.memory_space<semaphore_mem>>) src(%dma_wait3A_310 : memref<10000x128xf32, #tpu.memory_space<hbm>>) dst(%arg8 : memref<80x128xf32, #tpu.memory_space<vmem>>)
      %mul3A_311 = arith.constant 162 : i32
      %mul3A_312 = arith.muli %add3A, %mul3A_311 : i32
      %add3A_313 = arith.addi %mul3A_312, %add3A_304 : i32
      %mul3A_314 = arith.constant 80 : i32
      %mul3A_315 = arith.muli %add3A_313, %mul3A_314 : i32
      %dma_wait3A_316 = tpu.memref_slice %arg4[%mul3A_315] : memref<414720xi32, #tpu.memory_space<hbm>> -> memref<80xi32, #tpu.memory_space<hbm>>
      %dma_wait3A_317 = tpu.memref_slice %arg4[%mul3A_315] : memref<414720xi32, #tpu.memory_space<hbm>> -> memref<80xi32, #tpu.memory_space<hbm>>
      tpu.wait_dma2 semaphore(%arg14 : memref<!tpu.dma_semaphore, #tpu.memory_space<semaphore_mem>>) src(%dma_wait3A_317 : memref<80xi32, #tpu.memory_space<hbm>>) dst(%arg11 : memref<80xi32, #tpu.memory_space<vmem>>)
      %dma_start3A_318 = arith.constant 0 : i32
      %dma_start3A_319 = arith.constant 0 : i32
      %dma_start3A_320 = tpu.memref_slice %arg19[%dma_start3A_318, %dma_start3A_319] : memref<10112x128xf32, #tpu.memory_space<vmem_shared>> -> memref<10112x128xf32, #tpu.memory_space<vmem_shared>>
      tpu.enqueue_indirect_dma source(%arg8 : memref<80x128xf32, #tpu.memory_space<vmem>>) target(%dma_start3A_320 : memref<10112x128xf32, #tpu.memory_space<vmem_shared>>) offsets(%arg11 : memref<80xi32, #tpu.memory_space<vmem>>) semaphore(%arg17 : memref<!tpu.dma_semaphore, #tpu.memory_space<semaphore_mem>>) {add = true}
      %add3A_321 = arith.constant 2 : i32
      %add3A_322 = arith.addi %mul3A_230, %add3A_321 : i32
      %mul3A_323 = arith.constant 80 : i32
      %mul3A_324 = arith.muli %add3A_322, %mul3A_323 : i32
      %dma_wait3A_325 = tpu.memref_slice %arg6[%mul3A_324] : memref<12960xi32, #tpu.memory_space<vmem>> -> memref<80xi32, #tpu.memory_space<vmem>>
      %dma_wait3A_326 = arith.constant 0 : i32
      %dma_wait3A_327 = arith.constant 0 : i32
      %dma_wait3A_328 = tpu.memref_slice %arg2[%dma_wait3A_326, %dma_wait3A_327] : memref<10000x128xf32, #tpu.memory_space<hbm>> -> memref<10000x128xf32, #tpu.memory_space<hbm>>
      tpu.wait_indirect_dma semaphore(%arg15 : memref<!tpu.dma_semaphore, #tpu.memory_space<semaphore_mem>>) src(%dma_wait3A_328 : memref<10000x128xf32, #tpu.memory_space<hbm>>) dst(%arg9 : memref<80x128xf32, #tpu.memory_space<vmem>>)
      %mul3A_329 = arith.constant 162 : i32
      %mul3A_330 = arith.muli %add3A, %mul3A_329 : i32
      %add3A_331 = arith.addi %mul3A_330, %add3A_322 : i32
      %mul3A_332 = arith.constant 80 : i32
      %mul3A_333 = arith.muli %add3A_331, %mul3A_332 : i32
      %dma_wait3A_334 = tpu.memref_slice %arg4[%mul3A_333] : memref<414720xi32, #tpu.memory_space<hbm>> -> memref<80xi32, #tpu.memory_space<hbm>>
      %dma_wait3A_335 = tpu.memref_slice %arg4[%mul3A_333] : memref<414720xi32, #tpu.memory_space<hbm>> -> memref<80xi32, #tpu.memory_space<hbm>>
      tpu.wait_dma2 semaphore(%arg15 : memref<!tpu.dma_semaphore, #tpu.memory_space<semaphore_mem>>) src(%dma_wait3A_335 : memref<80xi32, #tpu.memory_space<hbm>>) dst(%arg12 : memref<80xi32, #tpu.memory_space<vmem>>)
      %dma_start3A_336 = arith.constant 0 : i32
      %dma_start3A_337 = arith.constant 0 : i32
      %dma_start3A_338 = tpu.memref_slice %arg19[%dma_start3A_336, %dma_start3A_337] : memref<10112x128xf32, #tpu.memory_space<vmem_shared>> -> memref<10112x128xf32, #tpu.memory_space<vmem_shared>>
      tpu.enqueue_indirect_dma source(%arg9 : memref<80x128xf32, #tpu.memory_space<vmem>>) target(%dma_start3A_338 : memref<10112x128xf32, #tpu.memory_space<vmem_shared>>) offsets(%arg12 : memref<80xi32, #tpu.memory_space<vmem>>) semaphore(%arg18 : memref<!tpu.dma_semaphore, #tpu.memory_space<semaphore_mem>>) {add = true}
    }
    %dma_wait3A_214 = arith.constant 0 : i32
    %dma_wait3A_215 = arith.constant 0 : i32
    %dma_wait3A_216 = tpu.memref_slice %arg19[%dma_wait3A_214, %dma_wait3A_215] : memref<10112x128xf32, #tpu.memory_space<vmem_shared>> -> memref<10112x128xf32, #tpu.memory_space<vmem_shared>>
    tpu.wait_indirect_dma semaphore(%arg16 : memref<!tpu.dma_semaphore, #tpu.memory_space<semaphore_mem>>) src(%arg7 : memref<80x128xf32, #tpu.memory_space<vmem>>) dst(%dma_wait3A_216 : memref<10112x128xf32, #tpu.memory_space<vmem_shared>>)
    %dma_wait3A_217 = arith.constant 0 : i32
    %dma_wait3A_218 = arith.constant 0 : i32
    %dma_wait3A_219 = tpu.memref_slice %arg19[%dma_wait3A_217, %dma_wait3A_218] : memref<10112x128xf32, #tpu.memory_space<vmem_shared>> -> memref<10112x128xf32, #tpu.memory_space<vmem_shared>>
    tpu.wait_indirect_dma semaphore(%arg17 : memref<!tpu.dma_semaphore, #tpu.memory_space<semaphore_mem>>) src(%arg8 : memref<80x128xf32, #tpu.memory_space<vmem>>) dst(%dma_wait3A_219 : memref<10112x128xf32, #tpu.memory_space<vmem_shared>>)
    %dma_wait3A_220 = arith.constant 0 : i32
    %dma_wait3A_221 = arith.constant 0 : i32
    %dma_wait3A_222 = tpu.memref_slice %arg19[%dma_wait3A_220, %dma_wait3A_221] : memref<10112x128xf32, #tpu.memory_space<vmem_shared>> -> memref<10112x128xf32, #tpu.memory_space<vmem_shared>>
    tpu.wait_indirect_dma semaphore(%arg18 : memref<!tpu.dma_semaphore, #tpu.memory_space<semaphore_mem>>) src(%arg9 : memref<80x128xf32, #tpu.memory_space<vmem>>) dst(%dma_wait3A_222 : memref<10112x128xf32, #tpu.memory_space<vmem_shared>>)
    %barrier3A_223 = arith.constant 0 : index
    tpu.barrier barrier_id(%barrier3A_223)
    %mul3A_224 = arith.constant 632 : i32
    %mul3A_225 = arith.muli %arg1, %mul3A_224 : i32
    %mul3A_226 = arith.constant 632 : i32
    %mul3A_227 = arith.muli %arg1, %mul3A_226 : i32
    "tpu.region"() ({
      %run_scoped3A = tpu.sem_alloc : memref<!tpu.dma_semaphore, #tpu.memory_space<semaphore_mem>>
      %dma_start3A_228 = arith.constant 0 : i32
      %dma_start3A_229 = tpu.memref_slice %arg5[%arg0, %mul3A_227, %dma_start3A_228] : memref<2x10112x128xf32, #tpu.memory_space<hbm>> -> memref<1x632x128xf32, #tpu.memory_space<hbm>>
      %dma_start3A_230 = tpu.memref_squeeze %dma_start3A_229 : memref<1x632x128xf32, #tpu.memory_space<hbm>> -> memref<632x128xf32, #tpu.memory_space<hbm>>
      %dma_start3A_231 = arith.constant 0 : i32
      %dma_start3A_232 = tpu.memref_slice %arg19[%mul3A_225, %dma_start3A_231] : memref<10112x128xf32, #tpu.memory_space<vmem_shared>> -> memref<632x128xf32, #tpu.memory_space<vmem_shared>>
      tpu.enqueue_dma source(%dma_start3A_232 : memref<632x128xf32, #tpu.memory_space<vmem_shared>>) target(%dma_start3A_230 : memref<632x128xf32, #tpu.memory_space<hbm>>) target_semaphore(%run_scoped3A : memref<!tpu.dma_semaphore, #tpu.memory_space<semaphore_mem>>)
      %dma_wait3A_233 = arith.constant 0 : i32
      %dma_wait3A_234 = tpu.memref_slice %arg5[%arg0, %mul3A_227, %dma_wait3A_233] : memref<2x10112x128xf32, #tpu.memory_space<hbm>> -> memref<1x632x128xf32, #tpu.memory_space<hbm>>
      %dma_wait3A_235 = tpu.memref_squeeze %dma_wait3A_234 : memref<1x632x128xf32, #tpu.memory_space<hbm>> -> memref<632x128xf32, #tpu.memory_space<hbm>>
      %dma_wait3A_236 = arith.constant 0 : i32
      %dma_wait3A_237 = tpu.memref_slice %arg19[%mul3A_225, %dma_wait3A_236] : memref<10112x128xf32, #tpu.memory_space<vmem_shared>> -> memref<632x128xf32, #tpu.memory_space<vmem_shared>>
      tpu.wait_dma2 semaphore(%run_scoped3A : memref<!tpu.dma_semaphore, #tpu.memory_space<semaphore_mem>>) src(%dma_wait3A_237 : memref<632x128xf32, #tpu.memory_space<vmem_shared>>) dst(%dma_wait3A_235 : memref<632x128xf32, #tpu.memory_space<hbm>>)
      tpu.yield
    }) : () -> ()
    return
  }
}

#map = affine_map<(d0, d1) -> (0, 0)>
#map1 = affine_map<(d0, d1) -> (0)>
#map2 = affine_map<(d0, d1) -> (0, 0, 0)>
module attributes {stable_mosaic.version = 14 : i64} {
  func.func @body(%arg0: i32, %arg1: i32, %arg2: memref<10000x128xf32, #tpu.memory_space<hbm>>, %arg3: memref<32x13200xi32, #tpu.memory_space<hbm>>, %arg4: memref<422400xi32, #tpu.memory_space<hbm>>, %arg5: memref<20008xi32, #tpu.memory_space<hbm>>, %arg6: memref<16x128xf32, #tpu.memory_space<hbm>>, %arg7: memref<2x256x128xf32, #tpu.memory_space<hbm>>, %arg8: memref<13200xi32, #tpu.memory_space<vmem>>, %arg9: memref<80x128xf32, #tpu.memory_space<vmem>>, %arg10: memref<80x128xf32, #tpu.memory_space<vmem>>, %arg11: memref<80x128xf32, #tpu.memory_space<vmem>>, %arg12: memref<80xi32, #tpu.memory_space<vmem>>, %arg13: memref<80xi32, #tpu.memory_space<vmem>>, %arg14: memref<80xi32, #tpu.memory_space<vmem>>, %arg15: memref<!tpu.dma_semaphore, #tpu.memory_space<semaphore_mem>>, %arg16: memref<!tpu.dma_semaphore, #tpu.memory_space<semaphore_mem>>, %arg17: memref<!tpu.dma_semaphore, #tpu.memory_space<semaphore_mem>>, %arg18: memref<!tpu.dma_semaphore, #tpu.memory_space<semaphore_mem>>, %arg19: memref<!tpu.dma_semaphore, #tpu.memory_space<semaphore_mem>>, %arg20: memref<!tpu.dma_semaphore, #tpu.memory_space<semaphore_mem>>, %arg21: memref<256x128xf32, #tpu.memory_space<vmem_shared>>, %arg22: memref<80xi32, #tpu.memory_space<vmem>>, %arg23: memref<80xi32, #tpu.memory_space<vmem>>, %arg24: memref<80xi32, #tpu.memory_space<vmem>>, %arg25: memref<20008xi32, #tpu.memory_space<vmem>>) attributes {dimension_semantics = [#tpu.dimension_semantics<core_parallel>, #tpu.dimension_semantics<subcore_parallel>], iteration_bounds = array<i64: 2, 16>, scalar_prefetch = 0 : i64, scratch_operands = 18 : i64, tpu.core_type = #tpu.core_type<sc_vector_subcore>, window_params = [{transform_indices = #map}, {transform_indices = #map}, {transform_indices = #map1}, {transform_indices = #map1}, {transform_indices = #map}, {transform_indices = #map2}]} {
    %mul3A = arith.constant 2 : i32
    %mul3A_0 = arith.muli %arg1, %mul3A : i32
    %add3A = arith.addi %mul3A_0, %arg0 : i32
    "tpu.region"() ({
      %run_scoped3A = tpu.sem_alloc : memref<!tpu.dma_semaphore, #tpu.memory_space<semaphore_mem>>
      %dma_start3A_203 = arith.constant 0 : i32
      %dma_start3A_204 = tpu.memref_slice %arg3[%add3A, %dma_start3A_203] : memref<32x13200xi32, #tpu.memory_space<hbm>> -> memref<1x13200xi32, #tpu.memory_space<hbm>>
      %dma_start3A_205 = tpu.memref_squeeze %dma_start3A_204 : memref<1x13200xi32, #tpu.memory_space<hbm>> -> memref<13200xi32, #tpu.memory_space<hbm>>
      %dma_start3A_206 = arith.constant 0 : i32
      %dma_start3A_207 = tpu.memref_slice %arg3[%add3A, %dma_start3A_206] : memref<32x13200xi32, #tpu.memory_space<hbm>> -> memref<1x13200xi32, #tpu.memory_space<hbm>>
      %dma_start3A_208 = tpu.memref_squeeze %dma_start3A_207 : memref<1x13200xi32, #tpu.memory_space<hbm>> -> memref<13200xi32, #tpu.memory_space<hbm>>
      tpu.enqueue_dma source(%dma_start3A_208 : memref<13200xi32, #tpu.memory_space<hbm>>) target(%arg8 : memref<13200xi32, #tpu.memory_space<vmem>>) target_semaphore(%run_scoped3A : memref<!tpu.dma_semaphore, #tpu.memory_space<semaphore_mem>>)
      %dma_wait3A_209 = arith.constant 0 : i32
      %dma_wait3A_210 = tpu.memref_slice %arg3[%add3A, %dma_wait3A_209] : memref<32x13200xi32, #tpu.memory_space<hbm>> -> memref<1x13200xi32, #tpu.memory_space<hbm>>
      %dma_wait3A_211 = tpu.memref_squeeze %dma_wait3A_210 : memref<1x13200xi32, #tpu.memory_space<hbm>> -> memref<13200xi32, #tpu.memory_space<hbm>>
      %dma_wait3A_212 = arith.constant 0 : i32
      %dma_wait3A_213 = tpu.memref_slice %arg3[%add3A, %dma_wait3A_212] : memref<32x13200xi32, #tpu.memory_space<hbm>> -> memref<1x13200xi32, #tpu.memory_space<hbm>>
      %dma_wait3A_214 = tpu.memref_squeeze %dma_wait3A_213 : memref<1x13200xi32, #tpu.memory_space<hbm>> -> memref<13200xi32, #tpu.memory_space<hbm>>
      tpu.wait_dma2 semaphore(%run_scoped3A : memref<!tpu.dma_semaphore, #tpu.memory_space<semaphore_mem>>) src(%dma_wait3A_214 : memref<13200xi32, #tpu.memory_space<hbm>>) dst(%arg8 : memref<13200xi32, #tpu.memory_space<vmem>>)
      tpu.yield
    }) : () -> ()
    "tpu.region"() ({
      %run_scoped3A = tpu.sem_alloc : memref<!tpu.dma_semaphore, #tpu.memory_space<semaphore_mem>>
      tpu.enqueue_dma source(%arg5 : memref<20008xi32, #tpu.memory_space<hbm>>) target(%arg25 : memref<20008xi32, #tpu.memory_space<vmem>>) target_semaphore(%run_scoped3A : memref<!tpu.dma_semaphore, #tpu.memory_space<semaphore_mem>>)
      tpu.wait_dma2 semaphore(%run_scoped3A : memref<!tpu.dma_semaphore, #tpu.memory_space<semaphore_mem>>) src(%arg5 : memref<20008xi32, #tpu.memory_space<hbm>>) dst(%arg25 : memref<20008xi32, #tpu.memory_space<vmem>>)
      tpu.yield
    }) : () -> ()
    %mul3A_1 = arith.constant 16 : i32
    %mul3A_2 = arith.muli %arg1, %mul3A_1 : i32
    "tpu.region"() ({
      %run_scoped3A = tpu.sem_alloc : memref<!tpu.dma_semaphore, #tpu.memory_space<semaphore_mem>>
      %dma_start3A_203 = arith.constant 0 : i32
      %dma_start3A_204 = tpu.memref_slice %arg21[%mul3A_2, %dma_start3A_203] : memref<256x128xf32, #tpu.memory_space<vmem_shared>> -> memref<16x128xf32, #tpu.memory_space<vmem_shared>>
      tpu.enqueue_dma source(%arg6 : memref<16x128xf32, #tpu.memory_space<hbm>>) target(%dma_start3A_204 : memref<16x128xf32, #tpu.memory_space<vmem_shared>>) target_semaphore(%run_scoped3A : memref<!tpu.dma_semaphore, #tpu.memory_space<semaphore_mem>>)
      %dma_wait3A_205 = arith.constant 0 : i32
      %dma_wait3A_206 = tpu.memref_slice %arg21[%mul3A_2, %dma_wait3A_205] : memref<256x128xf32, #tpu.memory_space<vmem_shared>> -> memref<16x128xf32, #tpu.memory_space<vmem_shared>>
      tpu.wait_dma2 semaphore(%run_scoped3A : memref<!tpu.dma_semaphore, #tpu.memory_space<semaphore_mem>>) src(%arg6 : memref<16x128xf32, #tpu.memory_space<hbm>>) dst(%dma_wait3A_206 : memref<16x128xf32, #tpu.memory_space<vmem_shared>>)
      tpu.yield
    }) : () -> ()
    %barrier3A = arith.constant 0 : index
    tpu.barrier barrier_id(%barrier3A)
    %eq3A = arith.constant 0 : i32
    %eq3A_3 = arith.cmpi eq, %arg0, %eq3A : i32
    %jit3A = arith.constant 165 : i32
    %jit3A_4 = arith.constant 93 : i32
    %select_n3A = arith.select %eq3A_3, %jit3A, %jit3A_4 : i32
    %dma_start3A = arith.constant 0 : i32
    %dma_start3A_5 = tpu.memref_slice %arg8[%dma_start3A] : memref<13200xi32, #tpu.memory_space<vmem>> -> memref<80xi32, #tpu.memory_space<vmem>>
    %dma_start3A_6 = arith.constant 0 : i32
    %dma_start3A_7 = arith.constant 0 : i32
    %dma_start3A_8 = tpu.memref_slice %arg2[%dma_start3A_6, %dma_start3A_7] : memref<10000x128xf32, #tpu.memory_space<hbm>> -> memref<10000x128xf32, #tpu.memory_space<hbm>>
    tpu.enqueue_indirect_dma source(%dma_start3A_8 : memref<10000x128xf32, #tpu.memory_space<hbm>>) target(%arg9 : memref<80x128xf32, #tpu.memory_space<vmem>>) offsets(%dma_start3A_5 : memref<80xi32, #tpu.memory_space<vmem>>) semaphore(%arg15 : memref<!tpu.dma_semaphore, #tpu.memory_space<semaphore_mem>>)
    %mul3A_9 = arith.constant 165 : i32
    %mul3A_10 = arith.muli %add3A, %mul3A_9 : i32
    %add3A_11 = arith.constant 0 : i32
    %add3A_12 = arith.addi %mul3A_10, %add3A_11 : i32
    %mul3A_13 = arith.constant 80 : i32
    %mul3A_14 = arith.muli %add3A_12, %mul3A_13 : i32
    %dma_start3A_15 = tpu.memref_slice %arg4[%mul3A_14] : memref<422400xi32, #tpu.memory_space<hbm>> -> memref<80xi32, #tpu.memory_space<hbm>>
    %dma_start3A_16 = tpu.memref_slice %arg4[%mul3A_14] : memref<422400xi32, #tpu.memory_space<hbm>> -> memref<80xi32, #tpu.memory_space<hbm>>
    tpu.enqueue_dma source(%dma_start3A_16 : memref<80xi32, #tpu.memory_space<hbm>>) target(%arg12 : memref<80xi32, #tpu.memory_space<vmem>>) target_semaphore(%arg15 : memref<!tpu.dma_semaphore, #tpu.memory_space<semaphore_mem>>)
    %dma_start3A_17 = arith.constant 80 : i32
    %dma_start3A_18 = tpu.memref_slice %arg8[%dma_start3A_17] : memref<13200xi32, #tpu.memory_space<vmem>> -> memref<80xi32, #tpu.memory_space<vmem>>
    %dma_start3A_19 = arith.constant 0 : i32
    %dma_start3A_20 = arith.constant 0 : i32
    %dma_start3A_21 = tpu.memref_slice %arg2[%dma_start3A_19, %dma_start3A_20] : memref<10000x128xf32, #tpu.memory_space<hbm>> -> memref<10000x128xf32, #tpu.memory_space<hbm>>
    tpu.enqueue_indirect_dma source(%dma_start3A_21 : memref<10000x128xf32, #tpu.memory_space<hbm>>) target(%arg10 : memref<80x128xf32, #tpu.memory_space<vmem>>) offsets(%dma_start3A_18 : memref<80xi32, #tpu.memory_space<vmem>>) semaphore(%arg16 : memref<!tpu.dma_semaphore, #tpu.memory_space<semaphore_mem>>)
    %mul3A_22 = arith.constant 165 : i32
    %mul3A_23 = arith.muli %add3A, %mul3A_22 : i32
    %add3A_24 = arith.constant 1 : i32
    %add3A_25 = arith.addi %mul3A_23, %add3A_24 : i32
    %mul3A_26 = arith.constant 80 : i32
    %mul3A_27 = arith.muli %add3A_25, %mul3A_26 : i32
    %dma_start3A_28 = tpu.memref_slice %arg4[%mul3A_27] : memref<422400xi32, #tpu.memory_space<hbm>> -> memref<80xi32, #tpu.memory_space<hbm>>
    %dma_start3A_29 = tpu.memref_slice %arg4[%mul3A_27] : memref<422400xi32, #tpu.memory_space<hbm>> -> memref<80xi32, #tpu.memory_space<hbm>>
    tpu.enqueue_dma source(%dma_start3A_29 : memref<80xi32, #tpu.memory_space<hbm>>) target(%arg13 : memref<80xi32, #tpu.memory_space<vmem>>) target_semaphore(%arg16 : memref<!tpu.dma_semaphore, #tpu.memory_space<semaphore_mem>>)
    %dma_start3A_30 = arith.constant 160 : i32
    %dma_start3A_31 = tpu.memref_slice %arg8[%dma_start3A_30] : memref<13200xi32, #tpu.memory_space<vmem>> -> memref<80xi32, #tpu.memory_space<vmem>>
    %dma_start3A_32 = arith.constant 0 : i32
    %dma_start3A_33 = arith.constant 0 : i32
    %dma_start3A_34 = tpu.memref_slice %arg2[%dma_start3A_32, %dma_start3A_33] : memref<10000x128xf32, #tpu.memory_space<hbm>> -> memref<10000x128xf32, #tpu.memory_space<hbm>>
    tpu.enqueue_indirect_dma source(%dma_start3A_34 : memref<10000x128xf32, #tpu.memory_space<hbm>>) target(%arg11 : memref<80x128xf32, #tpu.memory_space<vmem>>) offsets(%dma_start3A_31 : memref<80xi32, #tpu.memory_space<vmem>>) semaphore(%arg17 : memref<!tpu.dma_semaphore, #tpu.memory_space<semaphore_mem>>)
    %mul3A_35 = arith.constant 165 : i32
    %mul3A_36 = arith.muli %add3A, %mul3A_35 : i32
    %add3A_37 = arith.constant 2 : i32
    %add3A_38 = arith.addi %mul3A_36, %add3A_37 : i32
    %mul3A_39 = arith.constant 80 : i32
    %mul3A_40 = arith.muli %add3A_38, %mul3A_39 : i32
    %dma_start3A_41 = tpu.memref_slice %arg4[%mul3A_40] : memref<422400xi32, #tpu.memory_space<hbm>> -> memref<80xi32, #tpu.memory_space<hbm>>
    %dma_start3A_42 = tpu.memref_slice %arg4[%mul3A_40] : memref<422400xi32, #tpu.memory_space<hbm>> -> memref<80xi32, #tpu.memory_space<hbm>>
    tpu.enqueue_dma source(%dma_start3A_42 : memref<80xi32, #tpu.memory_space<hbm>>) target(%arg14 : memref<80xi32, #tpu.memory_space<vmem>>) target_semaphore(%arg17 : memref<!tpu.dma_semaphore, #tpu.memory_space<semaphore_mem>>)
    %dma_wait3A = arith.constant 0 : i32
    %dma_wait3A_43 = tpu.memref_slice %arg8[%dma_wait3A] : memref<13200xi32, #tpu.memory_space<vmem>> -> memref<80xi32, #tpu.memory_space<vmem>>
    %dma_wait3A_44 = arith.constant 0 : i32
    %dma_wait3A_45 = arith.constant 0 : i32
    %dma_wait3A_46 = tpu.memref_slice %arg2[%dma_wait3A_44, %dma_wait3A_45] : memref<10000x128xf32, #tpu.memory_space<hbm>> -> memref<10000x128xf32, #tpu.memory_space<hbm>>
    tpu.wait_indirect_dma semaphore(%arg15 : memref<!tpu.dma_semaphore, #tpu.memory_space<semaphore_mem>>) src(%dma_wait3A_46 : memref<10000x128xf32, #tpu.memory_space<hbm>>) dst(%arg9 : memref<80x128xf32, #tpu.memory_space<vmem>>)
    %mul3A_47 = arith.constant 165 : i32
    %mul3A_48 = arith.muli %add3A, %mul3A_47 : i32
    %add3A_49 = arith.constant 0 : i32
    %add3A_50 = arith.addi %mul3A_48, %add3A_49 : i32
    %mul3A_51 = arith.constant 80 : i32
    %mul3A_52 = arith.muli %add3A_50, %mul3A_51 : i32
    %dma_wait3A_53 = tpu.memref_slice %arg4[%mul3A_52] : memref<422400xi32, #tpu.memory_space<hbm>> -> memref<80xi32, #tpu.memory_space<hbm>>
    %dma_wait3A_54 = tpu.memref_slice %arg4[%mul3A_52] : memref<422400xi32, #tpu.memory_space<hbm>> -> memref<80xi32, #tpu.memory_space<hbm>>
    tpu.wait_dma2 semaphore(%arg15 : memref<!tpu.dma_semaphore, #tpu.memory_space<semaphore_mem>>) src(%dma_wait3A_54 : memref<80xi32, #tpu.memory_space<hbm>>) dst(%arg12 : memref<80xi32, #tpu.memory_space<vmem>>)
    %get3A = arith.constant 0 : index
    %get3A_55 = tpu.vector_load %arg12[%get3A] {strides = array<i32>} : memref<80xi32, #tpu.memory_space<vmem>>, vector<16xi32>,
    %gather3A = tpu.vector_load_idx %arg25[%get3A_55] : memref<20008xi32, #tpu.memory_space<vmem>>[vector<16xi32>], vector<16xi32>,
    %swap3A = arith.constant 0 : index
    %swap3A_56 = tpu.vector_load %arg22[%swap3A] {strides = array<i32>} : memref<80xi32, #tpu.memory_space<vmem>>, vector<16xi32>,
    tpu.vector_store %arg22[%swap3A], %gather3A {strides = array<i32>} : memref<80xi32, #tpu.memory_space<vmem>>, vector<16xi32>,
    %get3A_57 = arith.constant 16 : index
    %get3A_58 = tpu.vector_load %arg12[%get3A_57] {strides = array<i32>} : memref<80xi32, #tpu.memory_space<vmem>>, vector<16xi32>,
    %gather3A_59 = tpu.vector_load_idx %arg25[%get3A_58] : memref<20008xi32, #tpu.memory_space<vmem>>[vector<16xi32>], vector<16xi32>,
    %swap3A_60 = arith.constant 16 : index
    %swap3A_61 = tpu.vector_load %arg22[%swap3A_60] {strides = array<i32>} : memref<80xi32, #tpu.memory_space<vmem>>, vector<16xi32>,
    tpu.vector_store %arg22[%swap3A_60], %gather3A_59 {strides = array<i32>} : memref<80xi32, #tpu.memory_space<vmem>>, vector<16xi32>,
    %get3A_62 = arith.constant 32 : index
    %get3A_63 = tpu.vector_load %arg12[%get3A_62] {strides = array<i32>} : memref<80xi32, #tpu.memory_space<vmem>>, vector<16xi32>,
    %gather3A_64 = tpu.vector_load_idx %arg25[%get3A_63] : memref<20008xi32, #tpu.memory_space<vmem>>[vector<16xi32>], vector<16xi32>,
    %swap3A_65 = arith.constant 32 : index
    %swap3A_66 = tpu.vector_load %arg22[%swap3A_65] {strides = array<i32>} : memref<80xi32, #tpu.memory_space<vmem>>, vector<16xi32>,
    tpu.vector_store %arg22[%swap3A_65], %gather3A_64 {strides = array<i32>} : memref<80xi32, #tpu.memory_space<vmem>>, vector<16xi32>,
    %get3A_67 = arith.constant 48 : index
    %get3A_68 = tpu.vector_load %arg12[%get3A_67] {strides = array<i32>} : memref<80xi32, #tpu.memory_space<vmem>>, vector<16xi32>,
    %gather3A_69 = tpu.vector_load_idx %arg25[%get3A_68] : memref<20008xi32, #tpu.memory_space<vmem>>[vector<16xi32>], vector<16xi32>,
    %swap3A_70 = arith.constant 48 : index
    %swap3A_71 = tpu.vector_load %arg22[%swap3A_70] {strides = array<i32>} : memref<80xi32, #tpu.memory_space<vmem>>, vector<16xi32>,
    tpu.vector_store %arg22[%swap3A_70], %gather3A_69 {strides = array<i32>} : memref<80xi32, #tpu.memory_space<vmem>>, vector<16xi32>,
    %get3A_72 = arith.constant 64 : index
    %get3A_73 = tpu.vector_load %arg12[%get3A_72] {strides = array<i32>} : memref<80xi32, #tpu.memory_space<vmem>>, vector<16xi32>,
    %gather3A_74 = tpu.vector_load_idx %arg25[%get3A_73] : memref<20008xi32, #tpu.memory_space<vmem>>[vector<16xi32>], vector<16xi32>,
    %swap3A_75 = arith.constant 64 : index
    %swap3A_76 = tpu.vector_load %arg22[%swap3A_75] {strides = array<i32>} : memref<80xi32, #tpu.memory_space<vmem>>, vector<16xi32>,
    tpu.vector_store %arg22[%swap3A_75], %gather3A_74 {strides = array<i32>} : memref<80xi32, #tpu.memory_space<vmem>>, vector<16xi32>,
    %dma_start3A_77 = arith.constant 0 : i32
    %dma_start3A_78 = arith.constant 0 : i32
    %dma_start3A_79 = tpu.memref_slice %arg21[%dma_start3A_77, %dma_start3A_78] : memref<256x128xf32, #tpu.memory_space<vmem_shared>> -> memref<256x128xf32, #tpu.memory_space<vmem_shared>>
    tpu.enqueue_indirect_dma source(%arg9 : memref<80x128xf32, #tpu.memory_space<vmem>>) target(%dma_start3A_79 : memref<256x128xf32, #tpu.memory_space<vmem_shared>>) offsets(%arg22 : memref<80xi32, #tpu.memory_space<vmem>>) semaphore(%arg18 : memref<!tpu.dma_semaphore, #tpu.memory_space<semaphore_mem>>) {add = true}
    %dma_wait3A_80 = arith.constant 80 : i32
    %dma_wait3A_81 = tpu.memref_slice %arg8[%dma_wait3A_80] : memref<13200xi32, #tpu.memory_space<vmem>> -> memref<80xi32, #tpu.memory_space<vmem>>
    %dma_wait3A_82 = arith.constant 0 : i32
    %dma_wait3A_83 = arith.constant 0 : i32
    %dma_wait3A_84 = tpu.memref_slice %arg2[%dma_wait3A_82, %dma_wait3A_83] : memref<10000x128xf32, #tpu.memory_space<hbm>> -> memref<10000x128xf32, #tpu.memory_space<hbm>>
    tpu.wait_indirect_dma semaphore(%arg16 : memref<!tpu.dma_semaphore, #tpu.memory_space<semaphore_mem>>) src(%dma_wait3A_84 : memref<10000x128xf32, #tpu.memory_space<hbm>>) dst(%arg10 : memref<80x128xf32, #tpu.memory_space<vmem>>)
    %mul3A_85 = arith.constant 165 : i32
    %mul3A_86 = arith.muli %add3A, %mul3A_85 : i32
    %add3A_87 = arith.constant 1 : i32
    %add3A_88 = arith.addi %mul3A_86, %add3A_87 : i32
    %mul3A_89 = arith.constant 80 : i32
    %mul3A_90 = arith.muli %add3A_88, %mul3A_89 : i32
    %dma_wait3A_91 = tpu.memref_slice %arg4[%mul3A_90] : memref<422400xi32, #tpu.memory_space<hbm>> -> memref<80xi32, #tpu.memory_space<hbm>>
    %dma_wait3A_92 = tpu.memref_slice %arg4[%mul3A_90] : memref<422400xi32, #tpu.memory_space<hbm>> -> memref<80xi32, #tpu.memory_space<hbm>>
    tpu.wait_dma2 semaphore(%arg16 : memref<!tpu.dma_semaphore, #tpu.memory_space<semaphore_mem>>) src(%dma_wait3A_92 : memref<80xi32, #tpu.memory_space<hbm>>) dst(%arg13 : memref<80xi32, #tpu.memory_space<vmem>>)
    %get3A_93 = arith.constant 0 : index
    %get3A_94 = tpu.vector_load %arg13[%get3A_93] {strides = array<i32>} : memref<80xi32, #tpu.memory_space<vmem>>, vector<16xi32>,
    %gather3A_95 = tpu.vector_load_idx %arg25[%get3A_94] : memref<20008xi32, #tpu.memory_space<vmem>>[vector<16xi32>], vector<16xi32>,
    %swap3A_96 = arith.constant 0 : index
    %swap3A_97 = tpu.vector_load %arg23[%swap3A_96] {strides = array<i32>} : memref<80xi32, #tpu.memory_space<vmem>>, vector<16xi32>,
    tpu.vector_store %arg23[%swap3A_96], %gather3A_95 {strides = array<i32>} : memref<80xi32, #tpu.memory_space<vmem>>, vector<16xi32>,
    %get3A_98 = arith.constant 16 : index
    %get3A_99 = tpu.vector_load %arg13[%get3A_98] {strides = array<i32>} : memref<80xi32, #tpu.memory_space<vmem>>, vector<16xi32>,
    %gather3A_100 = tpu.vector_load_idx %arg25[%get3A_99] : memref<20008xi32, #tpu.memory_space<vmem>>[vector<16xi32>], vector<16xi32>,
    %swap3A_101 = arith.constant 16 : index
    %swap3A_102 = tpu.vector_load %arg23[%swap3A_101] {strides = array<i32>} : memref<80xi32, #tpu.memory_space<vmem>>, vector<16xi32>,
    tpu.vector_store %arg23[%swap3A_101], %gather3A_100 {strides = array<i32>} : memref<80xi32, #tpu.memory_space<vmem>>, vector<16xi32>,
    %get3A_103 = arith.constant 32 : index
    %get3A_104 = tpu.vector_load %arg13[%get3A_103] {strides = array<i32>} : memref<80xi32, #tpu.memory_space<vmem>>, vector<16xi32>,
    %gather3A_105 = tpu.vector_load_idx %arg25[%get3A_104] : memref<20008xi32, #tpu.memory_space<vmem>>[vector<16xi32>], vector<16xi32>,
    %swap3A_106 = arith.constant 32 : index
    %swap3A_107 = tpu.vector_load %arg23[%swap3A_106] {strides = array<i32>} : memref<80xi32, #tpu.memory_space<vmem>>, vector<16xi32>,
    tpu.vector_store %arg23[%swap3A_106], %gather3A_105 {strides = array<i32>} : memref<80xi32, #tpu.memory_space<vmem>>, vector<16xi32>,
    %get3A_108 = arith.constant 48 : index
    %get3A_109 = tpu.vector_load %arg13[%get3A_108] {strides = array<i32>} : memref<80xi32, #tpu.memory_space<vmem>>, vector<16xi32>,
    %gather3A_110 = tpu.vector_load_idx %arg25[%get3A_109] : memref<20008xi32, #tpu.memory_space<vmem>>[vector<16xi32>], vector<16xi32>,
    %swap3A_111 = arith.constant 48 : index
    %swap3A_112 = tpu.vector_load %arg23[%swap3A_111] {strides = array<i32>} : memref<80xi32, #tpu.memory_space<vmem>>, vector<16xi32>,
    tpu.vector_store %arg23[%swap3A_111], %gather3A_110 {strides = array<i32>} : memref<80xi32, #tpu.memory_space<vmem>>, vector<16xi32>,
    %get3A_113 = arith.constant 64 : index
    %get3A_114 = tpu.vector_load %arg13[%get3A_113] {strides = array<i32>} : memref<80xi32, #tpu.memory_space<vmem>>, vector<16xi32>,
    %gather3A_115 = tpu.vector_load_idx %arg25[%get3A_114] : memref<20008xi32, #tpu.memory_space<vmem>>[vector<16xi32>], vector<16xi32>,
    %swap3A_116 = arith.constant 64 : index
    %swap3A_117 = tpu.vector_load %arg23[%swap3A_116] {strides = array<i32>} : memref<80xi32, #tpu.memory_space<vmem>>, vector<16xi32>,
    tpu.vector_store %arg23[%swap3A_116], %gather3A_115 {strides = array<i32>} : memref<80xi32, #tpu.memory_space<vmem>>, vector<16xi32>,
    %dma_start3A_118 = arith.constant 0 : i32
    %dma_start3A_119 = arith.constant 0 : i32
    %dma_start3A_120 = tpu.memref_slice %arg21[%dma_start3A_118, %dma_start3A_119] : memref<256x128xf32, #tpu.memory_space<vmem_shared>> -> memref<256x128xf32, #tpu.memory_space<vmem_shared>>
    tpu.enqueue_indirect_dma source(%arg10 : memref<80x128xf32, #tpu.memory_space<vmem>>) target(%dma_start3A_120 : memref<256x128xf32, #tpu.memory_space<vmem_shared>>) offsets(%arg23 : memref<80xi32, #tpu.memory_space<vmem>>) semaphore(%arg19 : memref<!tpu.dma_semaphore, #tpu.memory_space<semaphore_mem>>) {add = true}
    %dma_wait3A_121 = arith.constant 160 : i32
    %dma_wait3A_122 = tpu.memref_slice %arg8[%dma_wait3A_121] : memref<13200xi32, #tpu.memory_space<vmem>> -> memref<80xi32, #tpu.memory_space<vmem>>
    %dma_wait3A_123 = arith.constant 0 : i32
    %dma_wait3A_124 = arith.constant 0 : i32
    %dma_wait3A_125 = tpu.memref_slice %arg2[%dma_wait3A_123, %dma_wait3A_124] : memref<10000x128xf32, #tpu.memory_space<hbm>> -> memref<10000x128xf32, #tpu.memory_space<hbm>>
    tpu.wait_indirect_dma semaphore(%arg17 : memref<!tpu.dma_semaphore, #tpu.memory_space<semaphore_mem>>) src(%dma_wait3A_125 : memref<10000x128xf32, #tpu.memory_space<hbm>>) dst(%arg11 : memref<80x128xf32, #tpu.memory_space<vmem>>)
    %mul3A_126 = arith.constant 165 : i32
    %mul3A_127 = arith.muli %add3A, %mul3A_126 : i32
    %add3A_128 = arith.constant 2 : i32
    %add3A_129 = arith.addi %mul3A_127, %add3A_128 : i32
    %mul3A_130 = arith.constant 80 : i32
    %mul3A_131 = arith.muli %add3A_129, %mul3A_130 : i32
    %dma_wait3A_132 = tpu.memref_slice %arg4[%mul3A_131] : memref<422400xi32, #tpu.memory_space<hbm>> -> memref<80xi32, #tpu.memory_space<hbm>>
    %dma_wait3A_133 = tpu.memref_slice %arg4[%mul3A_131] : memref<422400xi32, #tpu.memory_space<hbm>> -> memref<80xi32, #tpu.memory_space<hbm>>
    tpu.wait_dma2 semaphore(%arg17 : memref<!tpu.dma_semaphore, #tpu.memory_space<semaphore_mem>>) src(%dma_wait3A_133 : memref<80xi32, #tpu.memory_space<hbm>>) dst(%arg14 : memref<80xi32, #tpu.memory_space<vmem>>)
    %get3A_134 = arith.constant 0 : index
    %get3A_135 = tpu.vector_load %arg14[%get3A_134] {strides = array<i32>} : memref<80xi32, #tpu.memory_space<vmem>>, vector<16xi32>,
    %gather3A_136 = tpu.vector_load_idx %arg25[%get3A_135] : memref<20008xi32, #tpu.memory_space<vmem>>[vector<16xi32>], vector<16xi32>,
    %swap3A_137 = arith.constant 0 : index
    %swap3A_138 = tpu.vector_load %arg24[%swap3A_137] {strides = array<i32>} : memref<80xi32, #tpu.memory_space<vmem>>, vector<16xi32>,
    tpu.vector_store %arg24[%swap3A_137], %gather3A_136 {strides = array<i32>} : memref<80xi32, #tpu.memory_space<vmem>>, vector<16xi32>,
    %get3A_139 = arith.constant 16 : index
    %get3A_140 = tpu.vector_load %arg14[%get3A_139] {strides = array<i32>} : memref<80xi32, #tpu.memory_space<vmem>>, vector<16xi32>,
    %gather3A_141 = tpu.vector_load_idx %arg25[%get3A_140] : memref<20008xi32, #tpu.memory_space<vmem>>[vector<16xi32>], vector<16xi32>,
    %swap3A_142 = arith.constant 16 : index
    %swap3A_143 = tpu.vector_load %arg24[%swap3A_142] {strides = array<i32>} : memref<80xi32, #tpu.memory_space<vmem>>, vector<16xi32>,
    tpu.vector_store %arg24[%swap3A_142], %gather3A_141 {strides = array<i32>} : memref<80xi32, #tpu.memory_space<vmem>>, vector<16xi32>,
    %get3A_144 = arith.constant 32 : index
    %get3A_145 = tpu.vector_load %arg14[%get3A_144] {strides = array<i32>} : memref<80xi32, #tpu.memory_space<vmem>>, vector<16xi32>,
    %gather3A_146 = tpu.vector_load_idx %arg25[%get3A_145] : memref<20008xi32, #tpu.memory_space<vmem>>[vector<16xi32>], vector<16xi32>,
    %swap3A_147 = arith.constant 32 : index
    %swap3A_148 = tpu.vector_load %arg24[%swap3A_147] {strides = array<i32>} : memref<80xi32, #tpu.memory_space<vmem>>, vector<16xi32>,
    tpu.vector_store %arg24[%swap3A_147], %gather3A_146 {strides = array<i32>} : memref<80xi32, #tpu.memory_space<vmem>>, vector<16xi32>,
    %get3A_149 = arith.constant 48 : index
    %get3A_150 = tpu.vector_load %arg14[%get3A_149] {strides = array<i32>} : memref<80xi32, #tpu.memory_space<vmem>>, vector<16xi32>,
    %gather3A_151 = tpu.vector_load_idx %arg25[%get3A_150] : memref<20008xi32, #tpu.memory_space<vmem>>[vector<16xi32>], vector<16xi32>,
    %swap3A_152 = arith.constant 48 : index
    %swap3A_153 = tpu.vector_load %arg24[%swap3A_152] {strides = array<i32>} : memref<80xi32, #tpu.memory_space<vmem>>, vector<16xi32>,
    tpu.vector_store %arg24[%swap3A_152], %gather3A_151 {strides = array<i32>} : memref<80xi32, #tpu.memory_space<vmem>>, vector<16xi32>,
    %get3A_154 = arith.constant 64 : index
    %get3A_155 = tpu.vector_load %arg14[%get3A_154] {strides = array<i32>} : memref<80xi32, #tpu.memory_space<vmem>>, vector<16xi32>,
    %gather3A_156 = tpu.vector_load_idx %arg25[%get3A_155] : memref<20008xi32, #tpu.memory_space<vmem>>[vector<16xi32>], vector<16xi32>,
    %swap3A_157 = arith.constant 64 : index
    %swap3A_158 = tpu.vector_load %arg24[%swap3A_157] {strides = array<i32>} : memref<80xi32, #tpu.memory_space<vmem>>, vector<16xi32>,
    tpu.vector_store %arg24[%swap3A_157], %gather3A_156 {strides = array<i32>} : memref<80xi32, #tpu.memory_space<vmem>>, vector<16xi32>,
    %dma_start3A_159 = arith.constant 0 : i32
    %dma_start3A_160 = arith.constant 0 : i32
    %dma_start3A_161 = tpu.memref_slice %arg21[%dma_start3A_159, %dma_start3A_160] : memref<256x128xf32, #tpu.memory_space<vmem_shared>> -> memref<256x128xf32, #tpu.memory_space<vmem_shared>>
    tpu.enqueue_indirect_dma source(%arg11 : memref<80x128xf32, #tpu.memory_space<vmem>>) target(%dma_start3A_161 : memref<256x128xf32, #tpu.memory_space<vmem_shared>>) offsets(%arg24 : memref<80xi32, #tpu.memory_space<vmem>>) semaphore(%arg20 : memref<!tpu.dma_semaphore, #tpu.memory_space<semaphore_mem>>) {add = true}
    %jit3A_162 = arith.constant 3 : i32
    %div3A = arith.divsi %select_n3A, %jit3A_162 : i32
    %sign3A = arith.constant 0 : i32
    %sign3A_163 = arith.cmpi sgt, %select_n3A, %sign3A : i32
    %sign3A_164 = arith.extui %sign3A_163 : i1 to i32
    %sign3A_165 = arith.constant 0 : i32
    %sign3A_166 = arith.cmpi slt, %select_n3A, %sign3A_165 : i32
    %sign3A_167 = arith.extui %sign3A_166 : i1 to i32
    %sign3A_168 = arith.subi %sign3A_164, %sign3A_167 : i32
    %sign3A_169 = arith.constant 0 : i32
    %sign3A_170 = arith.cmpi sgt, %jit3A_162, %sign3A_169 : i32
    %sign3A_171 = arith.extui %sign3A_170 : i1 to i32
    %sign3A_172 = arith.constant 0 : i32
    %sign3A_173 = arith.cmpi slt, %jit3A_162, %sign3A_172 : i32
    %sign3A_174 = arith.extui %sign3A_173 : i1 to i32
    %sign3A_175 = arith.subi %sign3A_171, %sign3A_174 : i32
    %ne3A = arith.cmpi ne, %sign3A_168, %sign3A_175 : i32
    %rem3A = arith.remsi %select_n3A, %jit3A_162 : i32
    %ne3A_176 = arith.constant 0 : i32
    %ne3A_177 = arith.cmpi ne, %rem3A, %ne3A_176 : i32
    %and3A = arith.andi %ne3A, %ne3A_177 : i1
    %sub3A = arith.constant 1 : i32
    %sub3A_178 = arith.subi %div3A, %sub3A : i32
    %select_n3A_179 = arith.select %and3A, %sub3A_178, %div3A : i32
    %while3A = arith.constant 0 : i32
    %while3A_180 = arith.constant 1 : i32
    %while3A_181 = arith.subi %select_n3A_179, %while3A_180 : i32
    %while3A_182 = arith.addi %while3A_180, %while3A_181 : i32
    %while3A_183 = arith.constant 1 : i32
    %while3A_184 = arith.divsi %while3A_181, %while3A_183 : i32
    %while3A_185 = arith.muli %while3A_184, %while3A_183 : i32
    %while3A_186 = arith.addi %while3A_180, %while3A_185 : i32
    %while3A_187 = arith.constant 1 : i32
    scf.for %while3A_203 = %while3A_180 to %while3A_186 step %while3A_187  : i32 {
      %mul3A_204 = arith.constant 3 : i32
      %mul3A_205 = arith.muli %while3A_203, %mul3A_204 : i32
      %dma_wait3A_206 = arith.constant 0 : i32
      %dma_wait3A_207 = arith.constant 0 : i32
      %dma_wait3A_208 = tpu.memref_slice %arg21[%dma_wait3A_206, %dma_wait3A_207] : memref<256x128xf32, #tpu.memory_space<vmem_shared>> -> memref<256x128xf32, #tpu.memory_space<vmem_shared>>
      tpu.wait_indirect_dma semaphore(%arg18 : memref<!tpu.dma_semaphore, #tpu.memory_space<semaphore_mem>>) src(%arg9 : memref<80x128xf32, #tpu.memory_space<vmem>>) dst(%dma_wait3A_208 : memref<256x128xf32, #tpu.memory_space<vmem_shared>>)
      %add3A_209 = arith.constant 0 : i32
      %add3A_210 = arith.addi %mul3A_205, %add3A_209 : i32
      %mul3A_211 = arith.constant 80 : i32
      %mul3A_212 = arith.muli %add3A_210, %mul3A_211 : i32
      %dma_start3A_213 = tpu.memref_slice %arg8[%mul3A_212] : memref<13200xi32, #tpu.memory_space<vmem>> -> memref<80xi32, #tpu.memory_space<vmem>>
      %dma_start3A_214 = arith.constant 0 : i32
      %dma_start3A_215 = arith.constant 0 : i32
      %dma_start3A_216 = tpu.memref_slice %arg2[%dma_start3A_214, %dma_start3A_215] : memref<10000x128xf32, #tpu.memory_space<hbm>> -> memref<10000x128xf32, #tpu.memory_space<hbm>>
      tpu.enqueue_indirect_dma source(%dma_start3A_216 : memref<10000x128xf32, #tpu.memory_space<hbm>>) target(%arg9 : memref<80x128xf32, #tpu.memory_space<vmem>>) offsets(%dma_start3A_213 : memref<80xi32, #tpu.memory_space<vmem>>) semaphore(%arg15 : memref<!tpu.dma_semaphore, #tpu.memory_space<semaphore_mem>>)
      %mul3A_217 = arith.constant 165 : i32
      %mul3A_218 = arith.muli %add3A, %mul3A_217 : i32
      %add3A_219 = arith.addi %mul3A_218, %add3A_210 : i32
      %mul3A_220 = arith.constant 80 : i32
      %mul3A_221 = arith.muli %add3A_219, %mul3A_220 : i32
      %dma_start3A_222 = tpu.memref_slice %arg4[%mul3A_221] : memref<422400xi32, #tpu.memory_space<hbm>> -> memref<80xi32, #tpu.memory_space<hbm>>
      %dma_start3A_223 = tpu.memref_slice %arg4[%mul3A_221] : memref<422400xi32, #tpu.memory_space<hbm>> -> memref<80xi32, #tpu.memory_space<hbm>>
      tpu.enqueue_dma source(%dma_start3A_223 : memref<80xi32, #tpu.memory_space<hbm>>) target(%arg12 : memref<80xi32, #tpu.memory_space<vmem>>) target_semaphore(%arg15 : memref<!tpu.dma_semaphore, #tpu.memory_space<semaphore_mem>>)
      %dma_wait3A_224 = arith.constant 0 : i32
      %dma_wait3A_225 = arith.constant 0 : i32
      %dma_wait3A_226 = tpu.memref_slice %arg21[%dma_wait3A_224, %dma_wait3A_225] : memref<256x128xf32, #tpu.memory_space<vmem_shared>> -> memref<256x128xf32, #tpu.memory_space<vmem_shared>>
      tpu.wait_indirect_dma semaphore(%arg19 : memref<!tpu.dma_semaphore, #tpu.memory_space<semaphore_mem>>) src(%arg10 : memref<80x128xf32, #tpu.memory_space<vmem>>) dst(%dma_wait3A_226 : memref<256x128xf32, #tpu.memory_space<vmem_shared>>)
      %add3A_227 = arith.constant 1 : i32
      %add3A_228 = arith.addi %mul3A_205, %add3A_227 : i32
      %mul3A_229 = arith.constant 80 : i32
      %mul3A_230 = arith.muli %add3A_228, %mul3A_229 : i32
      %dma_start3A_231 = tpu.memref_slice %arg8[%mul3A_230] : memref<13200xi32, #tpu.memory_space<vmem>> -> memref<80xi32, #tpu.memory_space<vmem>>
      %dma_start3A_232 = arith.constant 0 : i32
      %dma_start3A_233 = arith.constant 0 : i32
      %dma_start3A_234 = tpu.memref_slice %arg2[%dma_start3A_232, %dma_start3A_233] : memref<10000x128xf32, #tpu.memory_space<hbm>> -> memref<10000x128xf32, #tpu.memory_space<hbm>>
      tpu.enqueue_indirect_dma source(%dma_start3A_234 : memref<10000x128xf32, #tpu.memory_space<hbm>>) target(%arg10 : memref<80x128xf32, #tpu.memory_space<vmem>>) offsets(%dma_start3A_231 : memref<80xi32, #tpu.memory_space<vmem>>) semaphore(%arg16 : memref<!tpu.dma_semaphore, #tpu.memory_space<semaphore_mem>>)
      %mul3A_235 = arith.constant 165 : i32
      %mul3A_236 = arith.muli %add3A, %mul3A_235 : i32
      %add3A_237 = arith.addi %mul3A_236, %add3A_228 : i32
      %mul3A_238 = arith.constant 80 : i32
      %mul3A_239 = arith.muli %add3A_237, %mul3A_238 : i32
      %dma_start3A_240 = tpu.memref_slice %arg4[%mul3A_239] : memref<422400xi32, #tpu.memory_space<hbm>> -> memref<80xi32, #tpu.memory_space<hbm>>
      %dma_start3A_241 = tpu.memref_slice %arg4[%mul3A_239] : memref<422400xi32, #tpu.memory_space<hbm>> -> memref<80xi32, #tpu.memory_space<hbm>>
      tpu.enqueue_dma source(%dma_start3A_241 : memref<80xi32, #tpu.memory_space<hbm>>) target(%arg13 : memref<80xi32, #tpu.memory_space<vmem>>) target_semaphore(%arg16 : memref<!tpu.dma_semaphore, #tpu.memory_space<semaphore_mem>>)
      %dma_wait3A_242 = arith.constant 0 : i32
      %dma_wait3A_243 = arith.constant 0 : i32
      %dma_wait3A_244 = tpu.memref_slice %arg21[%dma_wait3A_242, %dma_wait3A_243] : memref<256x128xf32, #tpu.memory_space<vmem_shared>> -> memref<256x128xf32, #tpu.memory_space<vmem_shared>>
      tpu.wait_indirect_dma semaphore(%arg20 : memref<!tpu.dma_semaphore, #tpu.memory_space<semaphore_mem>>) src(%arg11 : memref<80x128xf32, #tpu.memory_space<vmem>>) dst(%dma_wait3A_244 : memref<256x128xf32, #tpu.memory_space<vmem_shared>>)
      %add3A_245 = arith.constant 2 : i32
      %add3A_246 = arith.addi %mul3A_205, %add3A_245 : i32
      %mul3A_247 = arith.constant 80 : i32
      %mul3A_248 = arith.muli %add3A_246, %mul3A_247 : i32
      %dma_start3A_249 = tpu.memref_slice %arg8[%mul3A_248] : memref<13200xi32, #tpu.memory_space<vmem>> -> memref<80xi32, #tpu.memory_space<vmem>>
      %dma_start3A_250 = arith.constant 0 : i32
      %dma_start3A_251 = arith.constant 0 : i32
      %dma_start3A_252 = tpu.memref_slice %arg2[%dma_start3A_250, %dma_start3A_251] : memref<10000x128xf32, #tpu.memory_space<hbm>> -> memref<10000x128xf32, #tpu.memory_space<hbm>>
      tpu.enqueue_indirect_dma source(%dma_start3A_252 : memref<10000x128xf32, #tpu.memory_space<hbm>>) target(%arg11 : memref<80x128xf32, #tpu.memory_space<vmem>>) offsets(%dma_start3A_249 : memref<80xi32, #tpu.memory_space<vmem>>) semaphore(%arg17 : memref<!tpu.dma_semaphore, #tpu.memory_space<semaphore_mem>>)
      %mul3A_253 = arith.constant 165 : i32
      %mul3A_254 = arith.muli %add3A, %mul3A_253 : i32
      %add3A_255 = arith.addi %mul3A_254, %add3A_246 : i32
      %mul3A_256 = arith.constant 80 : i32
      %mul3A_257 = arith.muli %add3A_255, %mul3A_256 : i32
      %dma_start3A_258 = tpu.memref_slice %arg4[%mul3A_257] : memref<422400xi32, #tpu.memory_space<hbm>> -> memref<80xi32, #tpu.memory_space<hbm>>
      %dma_start3A_259 = tpu.memref_slice %arg4[%mul3A_257] : memref<422400xi32, #tpu.memory_space<hbm>> -> memref<80xi32, #tpu.memory_space<hbm>>
      tpu.enqueue_dma source(%dma_start3A_259 : memref<80xi32, #tpu.memory_space<hbm>>) target(%arg14 : memref<80xi32, #tpu.memory_space<vmem>>) target_semaphore(%arg17 : memref<!tpu.dma_semaphore, #tpu.memory_space<semaphore_mem>>)
      %add3A_260 = arith.constant 0 : i32
      %add3A_261 = arith.addi %mul3A_205, %add3A_260 : i32
      %mul3A_262 = arith.constant 80 : i32
      %mul3A_263 = arith.muli %add3A_261, %mul3A_262 : i32
      %dma_wait3A_264 = tpu.memref_slice %arg8[%mul3A_263] : memref<13200xi32, #tpu.memory_space<vmem>> -> memref<80xi32, #tpu.memory_space<vmem>>
      %dma_wait3A_265 = arith.constant 0 : i32
      %dma_wait3A_266 = arith.constant 0 : i32
      %dma_wait3A_267 = tpu.memref_slice %arg2[%dma_wait3A_265, %dma_wait3A_266] : memref<10000x128xf32, #tpu.memory_space<hbm>> -> memref<10000x128xf32, #tpu.memory_space<hbm>>
      tpu.wait_indirect_dma semaphore(%arg15 : memref<!tpu.dma_semaphore, #tpu.memory_space<semaphore_mem>>) src(%dma_wait3A_267 : memref<10000x128xf32, #tpu.memory_space<hbm>>) dst(%arg9 : memref<80x128xf32, #tpu.memory_space<vmem>>)
      %mul3A_268 = arith.constant 165 : i32
      %mul3A_269 = arith.muli %add3A, %mul3A_268 : i32
      %add3A_270 = arith.addi %mul3A_269, %add3A_261 : i32
      %mul3A_271 = arith.constant 80 : i32
      %mul3A_272 = arith.muli %add3A_270, %mul3A_271 : i32
      %dma_wait3A_273 = tpu.memref_slice %arg4[%mul3A_272] : memref<422400xi32, #tpu.memory_space<hbm>> -> memref<80xi32, #tpu.memory_space<hbm>>
      %dma_wait3A_274 = tpu.memref_slice %arg4[%mul3A_272] : memref<422400xi32, #tpu.memory_space<hbm>> -> memref<80xi32, #tpu.memory_space<hbm>>
      tpu.wait_dma2 semaphore(%arg15 : memref<!tpu.dma_semaphore, #tpu.memory_space<semaphore_mem>>) src(%dma_wait3A_274 : memref<80xi32, #tpu.memory_space<hbm>>) dst(%arg12 : memref<80xi32, #tpu.memory_space<vmem>>)
      %get3A_275 = arith.constant 0 : index
      %get3A_276 = tpu.vector_load %arg12[%get3A_275] {strides = array<i32>} : memref<80xi32, #tpu.memory_space<vmem>>, vector<16xi32>,
      %gather3A_277 = tpu.vector_load_idx %arg25[%get3A_276] : memref<20008xi32, #tpu.memory_space<vmem>>[vector<16xi32>], vector<16xi32>,
      %swap3A_278 = arith.constant 0 : index
      %swap3A_279 = tpu.vector_load %arg22[%swap3A_278] {strides = array<i32>} : memref<80xi32, #tpu.memory_space<vmem>>, vector<16xi32>,
      tpu.vector_store %arg22[%swap3A_278], %gather3A_277 {strides = array<i32>} : memref<80xi32, #tpu.memory_space<vmem>>, vector<16xi32>,
      %get3A_280 = arith.constant 16 : index
      %get3A_281 = tpu.vector_load %arg12[%get3A_280] {strides = array<i32>} : memref<80xi32, #tpu.memory_space<vmem>>, vector<16xi32>,
      %gather3A_282 = tpu.vector_load_idx %arg25[%get3A_281] : memref<20008xi32, #tpu.memory_space<vmem>>[vector<16xi32>], vector<16xi32>,
      %swap3A_283 = arith.constant 16 : index
      %swap3A_284 = tpu.vector_load %arg22[%swap3A_283] {strides = array<i32>} : memref<80xi32, #tpu.memory_space<vmem>>, vector<16xi32>,
      tpu.vector_store %arg22[%swap3A_283], %gather3A_282 {strides = array<i32>} : memref<80xi32, #tpu.memory_space<vmem>>, vector<16xi32>,
      %get3A_285 = arith.constant 32 : index
      %get3A_286 = tpu.vector_load %arg12[%get3A_285] {strides = array<i32>} : memref<80xi32, #tpu.memory_space<vmem>>, vector<16xi32>,
      %gather3A_287 = tpu.vector_load_idx %arg25[%get3A_286] : memref<20008xi32, #tpu.memory_space<vmem>>[vector<16xi32>], vector<16xi32>,
      %swap3A_288 = arith.constant 32 : index
      %swap3A_289 = tpu.vector_load %arg22[%swap3A_288] {strides = array<i32>} : memref<80xi32, #tpu.memory_space<vmem>>, vector<16xi32>,
      tpu.vector_store %arg22[%swap3A_288], %gather3A_287 {strides = array<i32>} : memref<80xi32, #tpu.memory_space<vmem>>, vector<16xi32>,
      %get3A_290 = arith.constant 48 : index
      %get3A_291 = tpu.vector_load %arg12[%get3A_290] {strides = array<i32>} : memref<80xi32, #tpu.memory_space<vmem>>, vector<16xi32>,
      %gather3A_292 = tpu.vector_load_idx %arg25[%get3A_291] : memref<20008xi32, #tpu.memory_space<vmem>>[vector<16xi32>], vector<16xi32>,
      %swap3A_293 = arith.constant 48 : index
      %swap3A_294 = tpu.vector_load %arg22[%swap3A_293] {strides = array<i32>} : memref<80xi32, #tpu.memory_space<vmem>>, vector<16xi32>,
      tpu.vector_store %arg22[%swap3A_293], %gather3A_292 {strides = array<i32>} : memref<80xi32, #tpu.memory_space<vmem>>, vector<16xi32>,
      %get3A_295 = arith.constant 64 : index
      %get3A_296 = tpu.vector_load %arg12[%get3A_295] {strides = array<i32>} : memref<80xi32, #tpu.memory_space<vmem>>, vector<16xi32>,
      %gather3A_297 = tpu.vector_load_idx %arg25[%get3A_296] : memref<20008xi32, #tpu.memory_space<vmem>>[vector<16xi32>], vector<16xi32>,
      %swap3A_298 = arith.constant 64 : index
      %swap3A_299 = tpu.vector_load %arg22[%swap3A_298] {strides = array<i32>} : memref<80xi32, #tpu.memory_space<vmem>>, vector<16xi32>,
      tpu.vector_store %arg22[%swap3A_298], %gather3A_297 {strides = array<i32>} : memref<80xi32, #tpu.memory_space<vmem>>, vector<16xi32>,
      %dma_start3A_300 = arith.constant 0 : i32
      %dma_start3A_301 = arith.constant 0 : i32
      %dma_start3A_302 = tpu.memref_slice %arg21[%dma_start3A_300, %dma_start3A_301] : memref<256x128xf32, #tpu.memory_space<vmem_shared>> -> memref<256x128xf32, #tpu.memory_space<vmem_shared>>
      tpu.enqueue_indirect_dma source(%arg9 : memref<80x128xf32, #tpu.memory_space<vmem>>) target(%dma_start3A_302 : memref<256x128xf32, #tpu.memory_space<vmem_shared>>) offsets(%arg22 : memref<80xi32, #tpu.memory_space<vmem>>) semaphore(%arg18 : memref<!tpu.dma_semaphore, #tpu.memory_space<semaphore_mem>>) {add = true}
      %add3A_303 = arith.constant 1 : i32
      %add3A_304 = arith.addi %mul3A_205, %add3A_303 : i32
      %mul3A_305 = arith.constant 80 : i32
      %mul3A_306 = arith.muli %add3A_304, %mul3A_305 : i32
      %dma_wait3A_307 = tpu.memref_slice %arg8[%mul3A_306] : memref<13200xi32, #tpu.memory_space<vmem>> -> memref<80xi32, #tpu.memory_space<vmem>>
      %dma_wait3A_308 = arith.constant 0 : i32
      %dma_wait3A_309 = arith.constant 0 : i32
      %dma_wait3A_310 = tpu.memref_slice %arg2[%dma_wait3A_308, %dma_wait3A_309] : memref<10000x128xf32, #tpu.memory_space<hbm>> -> memref<10000x128xf32, #tpu.memory_space<hbm>>
      tpu.wait_indirect_dma semaphore(%arg16 : memref<!tpu.dma_semaphore, #tpu.memory_space<semaphore_mem>>) src(%dma_wait3A_310 : memref<10000x128xf32, #tpu.memory_space<hbm>>) dst(%arg10 : memref<80x128xf32, #tpu.memory_space<vmem>>)
      %mul3A_311 = arith.constant 165 : i32
      %mul3A_312 = arith.muli %add3A, %mul3A_311 : i32
      %add3A_313 = arith.addi %mul3A_312, %add3A_304 : i32
      %mul3A_314 = arith.constant 80 : i32
      %mul3A_315 = arith.muli %add3A_313, %mul3A_314 : i32
      %dma_wait3A_316 = tpu.memref_slice %arg4[%mul3A_315] : memref<422400xi32, #tpu.memory_space<hbm>> -> memref<80xi32, #tpu.memory_space<hbm>>
      %dma_wait3A_317 = tpu.memref_slice %arg4[%mul3A_315] : memref<422400xi32, #tpu.memory_space<hbm>> -> memref<80xi32, #tpu.memory_space<hbm>>
      tpu.wait_dma2 semaphore(%arg16 : memref<!tpu.dma_semaphore, #tpu.memory_space<semaphore_mem>>) src(%dma_wait3A_317 : memref<80xi32, #tpu.memory_space<hbm>>) dst(%arg13 : memref<80xi32, #tpu.memory_space<vmem>>)
      %get3A_318 = arith.constant 0 : index
      %get3A_319 = tpu.vector_load %arg13[%get3A_318] {strides = array<i32>} : memref<80xi32, #tpu.memory_space<vmem>>, vector<16xi32>,
      %gather3A_320 = tpu.vector_load_idx %arg25[%get3A_319] : memref<20008xi32, #tpu.memory_space<vmem>>[vector<16xi32>], vector<16xi32>,
      %swap3A_321 = arith.constant 0 : index
      %swap3A_322 = tpu.vector_load %arg23[%swap3A_321] {strides = array<i32>} : memref<80xi32, #tpu.memory_space<vmem>>, vector<16xi32>,
      tpu.vector_store %arg23[%swap3A_321], %gather3A_320 {strides = array<i32>} : memref<80xi32, #tpu.memory_space<vmem>>, vector<16xi32>,
      %get3A_323 = arith.constant 16 : index
      %get3A_324 = tpu.vector_load %arg13[%get3A_323] {strides = array<i32>} : memref<80xi32, #tpu.memory_space<vmem>>, vector<16xi32>,
      %gather3A_325 = tpu.vector_load_idx %arg25[%get3A_324] : memref<20008xi32, #tpu.memory_space<vmem>>[vector<16xi32>], vector<16xi32>,
      %swap3A_326 = arith.constant 16 : index
      %swap3A_327 = tpu.vector_load %arg23[%swap3A_326] {strides = array<i32>} : memref<80xi32, #tpu.memory_space<vmem>>, vector<16xi32>,
      tpu.vector_store %arg23[%swap3A_326], %gather3A_325 {strides = array<i32>} : memref<80xi32, #tpu.memory_space<vmem>>, vector<16xi32>,
      %get3A_328 = arith.constant 32 : index
      %get3A_329 = tpu.vector_load %arg13[%get3A_328] {strides = array<i32>} : memref<80xi32, #tpu.memory_space<vmem>>, vector<16xi32>,
      %gather3A_330 = tpu.vector_load_idx %arg25[%get3A_329] : memref<20008xi32, #tpu.memory_space<vmem>>[vector<16xi32>], vector<16xi32>,
      %swap3A_331 = arith.constant 32 : index
      %swap3A_332 = tpu.vector_load %arg23[%swap3A_331] {strides = array<i32>} : memref<80xi32, #tpu.memory_space<vmem>>, vector<16xi32>,
      tpu.vector_store %arg23[%swap3A_331], %gather3A_330 {strides = array<i32>} : memref<80xi32, #tpu.memory_space<vmem>>, vector<16xi32>,
      %get3A_333 = arith.constant 48 : index
      %get3A_334 = tpu.vector_load %arg13[%get3A_333] {strides = array<i32>} : memref<80xi32, #tpu.memory_space<vmem>>, vector<16xi32>,
      %gather3A_335 = tpu.vector_load_idx %arg25[%get3A_334] : memref<20008xi32, #tpu.memory_space<vmem>>[vector<16xi32>], vector<16xi32>,
      %swap3A_336 = arith.constant 48 : index
      %swap3A_337 = tpu.vector_load %arg23[%swap3A_336] {strides = array<i32>} : memref<80xi32, #tpu.memory_space<vmem>>, vector<16xi32>,
      tpu.vector_store %arg23[%swap3A_336], %gather3A_335 {strides = array<i32>} : memref<80xi32, #tpu.memory_space<vmem>>, vector<16xi32>,
      %get3A_338 = arith.constant 64 : index
      %get3A_339 = tpu.vector_load %arg13[%get3A_338] {strides = array<i32>} : memref<80xi32, #tpu.memory_space<vmem>>, vector<16xi32>,
      %gather3A_340 = tpu.vector_load_idx %arg25[%get3A_339] : memref<20008xi32, #tpu.memory_space<vmem>>[vector<16xi32>], vector<16xi32>,
      %swap3A_341 = arith.constant 64 : index
      %swap3A_342 = tpu.vector_load %arg23[%swap3A_341] {strides = array<i32>} : memref<80xi32, #tpu.memory_space<vmem>>, vector<16xi32>,
      tpu.vector_store %arg23[%swap3A_341], %gather3A_340 {strides = array<i32>} : memref<80xi32, #tpu.memory_space<vmem>>, vector<16xi32>,
      %dma_start3A_343 = arith.constant 0 : i32
      %dma_start3A_344 = arith.constant 0 : i32
      %dma_start3A_345 = tpu.memref_slice %arg21[%dma_start3A_343, %dma_start3A_344] : memref<256x128xf32, #tpu.memory_space<vmem_shared>> -> memref<256x128xf32, #tpu.memory_space<vmem_shared>>
      tpu.enqueue_indirect_dma source(%arg10 : memref<80x128xf32, #tpu.memory_space<vmem>>) target(%dma_start3A_345 : memref<256x128xf32, #tpu.memory_space<vmem_shared>>) offsets(%arg23 : memref<80xi32, #tpu.memory_space<vmem>>) semaphore(%arg19 : memref<!tpu.dma_semaphore, #tpu.memory_space<semaphore_mem>>) {add = true}
      %add3A_346 = arith.constant 2 : i32
      %add3A_347 = arith.addi %mul3A_205, %add3A_346 : i32
      %mul3A_348 = arith.constant 80 : i32
      %mul3A_349 = arith.muli %add3A_347, %mul3A_348 : i32
      %dma_wait3A_350 = tpu.memref_slice %arg8[%mul3A_349] : memref<13200xi32, #tpu.memory_space<vmem>> -> memref<80xi32, #tpu.memory_space<vmem>>
      %dma_wait3A_351 = arith.constant 0 : i32
      %dma_wait3A_352 = arith.constant 0 : i32
      %dma_wait3A_353 = tpu.memref_slice %arg2[%dma_wait3A_351, %dma_wait3A_352] : memref<10000x128xf32, #tpu.memory_space<hbm>> -> memref<10000x128xf32, #tpu.memory_space<hbm>>
      tpu.wait_indirect_dma semaphore(%arg17 : memref<!tpu.dma_semaphore, #tpu.memory_space<semaphore_mem>>) src(%dma_wait3A_353 : memref<10000x128xf32, #tpu.memory_space<hbm>>) dst(%arg11 : memref<80x128xf32, #tpu.memory_space<vmem>>)
      %mul3A_354 = arith.constant 165 : i32
      %mul3A_355 = arith.muli %add3A, %mul3A_354 : i32
      %add3A_356 = arith.addi %mul3A_355, %add3A_347 : i32
      %mul3A_357 = arith.constant 80 : i32
      %mul3A_358 = arith.muli %add3A_356, %mul3A_357 : i32
      %dma_wait3A_359 = tpu.memref_slice %arg4[%mul3A_358] : memref<422400xi32, #tpu.memory_space<hbm>> -> memref<80xi32, #tpu.memory_space<hbm>>
      %dma_wait3A_360 = tpu.memref_slice %arg4[%mul3A_358] : memref<422400xi32, #tpu.memory_space<hbm>> -> memref<80xi32, #tpu.memory_space<hbm>>
      tpu.wait_dma2 semaphore(%arg17 : memref<!tpu.dma_semaphore, #tpu.memory_space<semaphore_mem>>) src(%dma_wait3A_360 : memref<80xi32, #tpu.memory_space<hbm>>) dst(%arg14 : memref<80xi32, #tpu.memory_space<vmem>>)
      %get3A_361 = arith.constant 0 : index
      %get3A_362 = tpu.vector_load %arg14[%get3A_361] {strides = array<i32>} : memref<80xi32, #tpu.memory_space<vmem>>, vector<16xi32>,
      %gather3A_363 = tpu.vector_load_idx %arg25[%get3A_362] : memref<20008xi32, #tpu.memory_space<vmem>>[vector<16xi32>], vector<16xi32>,
      %swap3A_364 = arith.constant 0 : index
      %swap3A_365 = tpu.vector_load %arg24[%swap3A_364] {strides = array<i32>} : memref<80xi32, #tpu.memory_space<vmem>>, vector<16xi32>,
      tpu.vector_store %arg24[%swap3A_364], %gather3A_363 {strides = array<i32>} : memref<80xi32, #tpu.memory_space<vmem>>, vector<16xi32>,
      %get3A_366 = arith.constant 16 : index
      %get3A_367 = tpu.vector_load %arg14[%get3A_366] {strides = array<i32>} : memref<80xi32, #tpu.memory_space<vmem>>, vector<16xi32>,
      %gather3A_368 = tpu.vector_load_idx %arg25[%get3A_367] : memref<20008xi32, #tpu.memory_space<vmem>>[vector<16xi32>], vector<16xi32>,
      %swap3A_369 = arith.constant 16 : index
      %swap3A_370 = tpu.vector_load %arg24[%swap3A_369] {strides = array<i32>} : memref<80xi32, #tpu.memory_space<vmem>>, vector<16xi32>,
      tpu.vector_store %arg24[%swap3A_369], %gather3A_368 {strides = array<i32>} : memref<80xi32, #tpu.memory_space<vmem>>, vector<16xi32>,
      %get3A_371 = arith.constant 32 : index
      %get3A_372 = tpu.vector_load %arg14[%get3A_371] {strides = array<i32>} : memref<80xi32, #tpu.memory_space<vmem>>, vector<16xi32>,
      %gather3A_373 = tpu.vector_load_idx %arg25[%get3A_372] : memref<20008xi32, #tpu.memory_space<vmem>>[vector<16xi32>], vector<16xi32>,
      %swap3A_374 = arith.constant 32 : index
      %swap3A_375 = tpu.vector_load %arg24[%swap3A_374] {strides = array<i32>} : memref<80xi32, #tpu.memory_space<vmem>>, vector<16xi32>,
      tpu.vector_store %arg24[%swap3A_374], %gather3A_373 {strides = array<i32>} : memref<80xi32, #tpu.memory_space<vmem>>, vector<16xi32>,
      %get3A_376 = arith.constant 48 : index
      %get3A_377 = tpu.vector_load %arg14[%get3A_376] {strides = array<i32>} : memref<80xi32, #tpu.memory_space<vmem>>, vector<16xi32>,
      %gather3A_378 = tpu.vector_load_idx %arg25[%get3A_377] : memref<20008xi32, #tpu.memory_space<vmem>>[vector<16xi32>], vector<16xi32>,
      %swap3A_379 = arith.constant 48 : index
      %swap3A_380 = tpu.vector_load %arg24[%swap3A_379] {strides = array<i32>} : memref<80xi32, #tpu.memory_space<vmem>>, vector<16xi32>,
      tpu.vector_store %arg24[%swap3A_379], %gather3A_378 {strides = array<i32>} : memref<80xi32, #tpu.memory_space<vmem>>, vector<16xi32>,
      %get3A_381 = arith.constant 64 : index
      %get3A_382 = tpu.vector_load %arg14[%get3A_381] {strides = array<i32>} : memref<80xi32, #tpu.memory_space<vmem>>, vector<16xi32>,
      %gather3A_383 = tpu.vector_load_idx %arg25[%get3A_382] : memref<20008xi32, #tpu.memory_space<vmem>>[vector<16xi32>], vector<16xi32>,
      %swap3A_384 = arith.constant 64 : index
      %swap3A_385 = tpu.vector_load %arg24[%swap3A_384] {strides = array<i32>} : memref<80xi32, #tpu.memory_space<vmem>>, vector<16xi32>,
      tpu.vector_store %arg24[%swap3A_384], %gather3A_383 {strides = array<i32>} : memref<80xi32, #tpu.memory_space<vmem>>, vector<16xi32>,
      %dma_start3A_386 = arith.constant 0 : i32
      %dma_start3A_387 = arith.constant 0 : i32
      %dma_start3A_388 = tpu.memref_slice %arg21[%dma_start3A_386, %dma_start3A_387] : memref<256x128xf32, #tpu.memory_space<vmem_shared>> -> memref<256x128xf32, #tpu.memory_space<vmem_shared>>
      tpu.enqueue_indirect_dma source(%arg11 : memref<80x128xf32, #tpu.memory_space<vmem>>) target(%dma_start3A_388 : memref<256x128xf32, #tpu.memory_space<vmem_shared>>) offsets(%arg24 : memref<80xi32, #tpu.memory_space<vmem>>) semaphore(%arg20 : memref<!tpu.dma_semaphore, #tpu.memory_space<semaphore_mem>>) {add = true}
    }
    %while3A_188 = arith.constant 1 : i32
    scf.for %while3A_203 = %while3A_186 to %while3A_182 step %while3A_188  : i32 {
      %mul3A_204 = arith.constant 3 : i32
      %mul3A_205 = arith.muli %while3A_203, %mul3A_204 : i32
      %dma_wait3A_206 = arith.constant 0 : i32
      %dma_wait3A_207 = arith.constant 0 : i32
      %dma_wait3A_208 = tpu.memref_slice %arg21[%dma_wait3A_206, %dma_wait3A_207] : memref<256x128xf32, #tpu.memory_space<vmem_shared>> -> memref<256x128xf32, #tpu.memory_space<vmem_shared>>
      tpu.wait_indirect_dma semaphore(%arg18 : memref<!tpu.dma_semaphore, #tpu.memory_space<semaphore_mem>>) src(%arg9 : memref<80x128xf32, #tpu.memory_space<vmem>>) dst(%dma_wait3A_208 : memref<256x128xf32, #tpu.memory_space<vmem_shared>>)
      %add3A_209 = arith.constant 0 : i32
      %add3A_210 = arith.addi %mul3A_205, %add3A_209 : i32
      %mul3A_211 = arith.constant 80 : i32
      %mul3A_212 = arith.muli %add3A_210, %mul3A_211 : i32
      %dma_start3A_213 = tpu.memref_slice %arg8[%mul3A_212] : memref<13200xi32, #tpu.memory_space<vmem>> -> memref<80xi32, #tpu.memory_space<vmem>>
      %dma_start3A_214 = arith.constant 0 : i32
      %dma_start3A_215 = arith.constant 0 : i32
      %dma_start3A_216 = tpu.memref_slice %arg2[%dma_start3A_214, %dma_start3A_215] : memref<10000x128xf32, #tpu.memory_space<hbm>> -> memref<10000x128xf32, #tpu.memory_space<hbm>>
      tpu.enqueue_indirect_dma source(%dma_start3A_216 : memref<10000x128xf32, #tpu.memory_space<hbm>>) target(%arg9 : memref<80x128xf32, #tpu.memory_space<vmem>>) offsets(%dma_start3A_213 : memref<80xi32, #tpu.memory_space<vmem>>) semaphore(%arg15 : memref<!tpu.dma_semaphore, #tpu.memory_space<semaphore_mem>>)
      %mul3A_217 = arith.constant 165 : i32
      %mul3A_218 = arith.muli %add3A, %mul3A_217 : i32
      %add3A_219 = arith.addi %mul3A_218, %add3A_210 : i32
      %mul3A_220 = arith.constant 80 : i32
      %mul3A_221 = arith.muli %add3A_219, %mul3A_220 : i32
      %dma_start3A_222 = tpu.memref_slice %arg4[%mul3A_221] : memref<422400xi32, #tpu.memory_space<hbm>> -> memref<80xi32, #tpu.memory_space<hbm>>
      %dma_start3A_223 = tpu.memref_slice %arg4[%mul3A_221] : memref<422400xi32, #tpu.memory_space<hbm>> -> memref<80xi32, #tpu.memory_space<hbm>>
      tpu.enqueue_dma source(%dma_start3A_223 : memref<80xi32, #tpu.memory_space<hbm>>) target(%arg12 : memref<80xi32, #tpu.memory_space<vmem>>) target_semaphore(%arg15 : memref<!tpu.dma_semaphore, #tpu.memory_space<semaphore_mem>>)
      %dma_wait3A_224 = arith.constant 0 : i32
      %dma_wait3A_225 = arith.constant 0 : i32
      %dma_wait3A_226 = tpu.memref_slice %arg21[%dma_wait3A_224, %dma_wait3A_225] : memref<256x128xf32, #tpu.memory_space<vmem_shared>> -> memref<256x128xf32, #tpu.memory_space<vmem_shared>>
      tpu.wait_indirect_dma semaphore(%arg19 : memref<!tpu.dma_semaphore, #tpu.memory_space<semaphore_mem>>) src(%arg10 : memref<80x128xf32, #tpu.memory_space<vmem>>) dst(%dma_wait3A_226 : memref<256x128xf32, #tpu.memory_space<vmem_shared>>)
      %add3A_227 = arith.constant 1 : i32
      %add3A_228 = arith.addi %mul3A_205, %add3A_227 : i32
      %mul3A_229 = arith.constant 80 : i32
      %mul3A_230 = arith.muli %add3A_228, %mul3A_229 : i32
      %dma_start3A_231 = tpu.memref_slice %arg8[%mul3A_230] : memref<13200xi32, #tpu.memory_space<vmem>> -> memref<80xi32, #tpu.memory_space<vmem>>
      %dma_start3A_232 = arith.constant 0 : i32
      %dma_start3A_233 = arith.constant 0 : i32
      %dma_start3A_234 = tpu.memref_slice %arg2[%dma_start3A_232, %dma_start3A_233] : memref<10000x128xf32, #tpu.memory_space<hbm>> -> memref<10000x128xf32, #tpu.memory_space<hbm>>
      tpu.enqueue_indirect_dma source(%dma_start3A_234 : memref<10000x128xf32, #tpu.memory_space<hbm>>) target(%arg10 : memref<80x128xf32, #tpu.memory_space<vmem>>) offsets(%dma_start3A_231 : memref<80xi32, #tpu.memory_space<vmem>>) semaphore(%arg16 : memref<!tpu.dma_semaphore, #tpu.memory_space<semaphore_mem>>)
      %mul3A_235 = arith.constant 165 : i32
      %mul3A_236 = arith.muli %add3A, %mul3A_235 : i32
      %add3A_237 = arith.addi %mul3A_236, %add3A_228 : i32
      %mul3A_238 = arith.constant 80 : i32
      %mul3A_239 = arith.muli %add3A_237, %mul3A_238 : i32
      %dma_start3A_240 = tpu.memref_slice %arg4[%mul3A_239] : memref<422400xi32, #tpu.memory_space<hbm>> -> memref<80xi32, #tpu.memory_space<hbm>>
      %dma_start3A_241 = tpu.memref_slice %arg4[%mul3A_239] : memref<422400xi32, #tpu.memory_space<hbm>> -> memref<80xi32, #tpu.memory_space<hbm>>
      tpu.enqueue_dma source(%dma_start3A_241 : memref<80xi32, #tpu.memory_space<hbm>>) target(%arg13 : memref<80xi32, #tpu.memory_space<vmem>>) target_semaphore(%arg16 : memref<!tpu.dma_semaphore, #tpu.memory_space<semaphore_mem>>)
      %dma_wait3A_242 = arith.constant 0 : i32
      %dma_wait3A_243 = arith.constant 0 : i32
      %dma_wait3A_244 = tpu.memref_slice %arg21[%dma_wait3A_242, %dma_wait3A_243] : memref<256x128xf32, #tpu.memory_space<vmem_shared>> -> memref<256x128xf32, #tpu.memory_space<vmem_shared>>
      tpu.wait_indirect_dma semaphore(%arg20 : memref<!tpu.dma_semaphore, #tpu.memory_space<semaphore_mem>>) src(%arg11 : memref<80x128xf32, #tpu.memory_space<vmem>>) dst(%dma_wait3A_244 : memref<256x128xf32, #tpu.memory_space<vmem_shared>>)
      %add3A_245 = arith.constant 2 : i32
      %add3A_246 = arith.addi %mul3A_205, %add3A_245 : i32
      %mul3A_247 = arith.constant 80 : i32
      %mul3A_248 = arith.muli %add3A_246, %mul3A_247 : i32
      %dma_start3A_249 = tpu.memref_slice %arg8[%mul3A_248] : memref<13200xi32, #tpu.memory_space<vmem>> -> memref<80xi32, #tpu.memory_space<vmem>>
      %dma_start3A_250 = arith.constant 0 : i32
      %dma_start3A_251 = arith.constant 0 : i32
      %dma_start3A_252 = tpu.memref_slice %arg2[%dma_start3A_250, %dma_start3A_251] : memref<10000x128xf32, #tpu.memory_space<hbm>> -> memref<10000x128xf32, #tpu.memory_space<hbm>>
      tpu.enqueue_indirect_dma source(%dma_start3A_252 : memref<10000x128xf32, #tpu.memory_space<hbm>>) target(%arg11 : memref<80x128xf32, #tpu.memory_space<vmem>>) offsets(%dma_start3A_249 : memref<80xi32, #tpu.memory_space<vmem>>) semaphore(%arg17 : memref<!tpu.dma_semaphore, #tpu.memory_space<semaphore_mem>>)
      %mul3A_253 = arith.constant 165 : i32
      %mul3A_254 = arith.muli %add3A, %mul3A_253 : i32
      %add3A_255 = arith.addi %mul3A_254, %add3A_246 : i32
      %mul3A_256 = arith.constant 80 : i32
      %mul3A_257 = arith.muli %add3A_255, %mul3A_256 : i32
      %dma_start3A_258 = tpu.memref_slice %arg4[%mul3A_257] : memref<422400xi32, #tpu.memory_space<hbm>> -> memref<80xi32, #tpu.memory_space<hbm>>
      %dma_start3A_259 = tpu.memref_slice %arg4[%mul3A_257] : memref<422400xi32, #tpu.memory_space<hbm>> -> memref<80xi32, #tpu.memory_space<hbm>>
      tpu.enqueue_dma source(%dma_start3A_259 : memref<80xi32, #tpu.memory_space<hbm>>) target(%arg14 : memref<80xi32, #tpu.memory_space<vmem>>) target_semaphore(%arg17 : memref<!tpu.dma_semaphore, #tpu.memory_space<semaphore_mem>>)
      %add3A_260 = arith.constant 0 : i32
      %add3A_261 = arith.addi %mul3A_205, %add3A_260 : i32
      %mul3A_262 = arith.constant 80 : i32
      %mul3A_263 = arith.muli %add3A_261, %mul3A_262 : i32
      %dma_wait3A_264 = tpu.memref_slice %arg8[%mul3A_263] : memref<13200xi32, #tpu.memory_space<vmem>> -> memref<80xi32, #tpu.memory_space<vmem>>
      %dma_wait3A_265 = arith.constant 0 : i32
      %dma_wait3A_266 = arith.constant 0 : i32
      %dma_wait3A_267 = tpu.memref_slice %arg2[%dma_wait3A_265, %dma_wait3A_266] : memref<10000x128xf32, #tpu.memory_space<hbm>> -> memref<10000x128xf32, #tpu.memory_space<hbm>>
      tpu.wait_indirect_dma semaphore(%arg15 : memref<!tpu.dma_semaphore, #tpu.memory_space<semaphore_mem>>) src(%dma_wait3A_267 : memref<10000x128xf32, #tpu.memory_space<hbm>>) dst(%arg9 : memref<80x128xf32, #tpu.memory_space<vmem>>)
      %mul3A_268 = arith.constant 165 : i32
      %mul3A_269 = arith.muli %add3A, %mul3A_268 : i32
      %add3A_270 = arith.addi %mul3A_269, %add3A_261 : i32
      %mul3A_271 = arith.constant 80 : i32
      %mul3A_272 = arith.muli %add3A_270, %mul3A_271 : i32
      %dma_wait3A_273 = tpu.memref_slice %arg4[%mul3A_272] : memref<422400xi32, #tpu.memory_space<hbm>> -> memref<80xi32, #tpu.memory_space<hbm>>
      %dma_wait3A_274 = tpu.memref_slice %arg4[%mul3A_272] : memref<422400xi32, #tpu.memory_space<hbm>> -> memref<80xi32, #tpu.memory_space<hbm>>
      tpu.wait_dma2 semaphore(%arg15 : memref<!tpu.dma_semaphore, #tpu.memory_space<semaphore_mem>>) src(%dma_wait3A_274 : memref<80xi32, #tpu.memory_space<hbm>>) dst(%arg12 : memref<80xi32, #tpu.memory_space<vmem>>)
      %get3A_275 = arith.constant 0 : index
      %get3A_276 = tpu.vector_load %arg12[%get3A_275] {strides = array<i32>} : memref<80xi32, #tpu.memory_space<vmem>>, vector<16xi32>,
      %gather3A_277 = tpu.vector_load_idx %arg25[%get3A_276] : memref<20008xi32, #tpu.memory_space<vmem>>[vector<16xi32>], vector<16xi32>,
      %swap3A_278 = arith.constant 0 : index
      %swap3A_279 = tpu.vector_load %arg22[%swap3A_278] {strides = array<i32>} : memref<80xi32, #tpu.memory_space<vmem>>, vector<16xi32>,
      tpu.vector_store %arg22[%swap3A_278], %gather3A_277 {strides = array<i32>} : memref<80xi32, #tpu.memory_space<vmem>>, vector<16xi32>,
      %get3A_280 = arith.constant 16 : index
      %get3A_281 = tpu.vector_load %arg12[%get3A_280] {strides = array<i32>} : memref<80xi32, #tpu.memory_space<vmem>>, vector<16xi32>,
      %gather3A_282 = tpu.vector_load_idx %arg25[%get3A_281] : memref<20008xi32, #tpu.memory_space<vmem>>[vector<16xi32>], vector<16xi32>,
      %swap3A_283 = arith.constant 16 : index
      %swap3A_284 = tpu.vector_load %arg22[%swap3A_283] {strides = array<i32>} : memref<80xi32, #tpu.memory_space<vmem>>, vector<16xi32>,
      tpu.vector_store %arg22[%swap3A_283], %gather3A_282 {strides = array<i32>} : memref<80xi32, #tpu.memory_space<vmem>>, vector<16xi32>,
      %get3A_285 = arith.constant 32 : index
      %get3A_286 = tpu.vector_load %arg12[%get3A_285] {strides = array<i32>} : memref<80xi32, #tpu.memory_space<vmem>>, vector<16xi32>,
      %gather3A_287 = tpu.vector_load_idx %arg25[%get3A_286] : memref<20008xi32, #tpu.memory_space<vmem>>[vector<16xi32>], vector<16xi32>,
      %swap3A_288 = arith.constant 32 : index
      %swap3A_289 = tpu.vector_load %arg22[%swap3A_288] {strides = array<i32>} : memref<80xi32, #tpu.memory_space<vmem>>, vector<16xi32>,
      tpu.vector_store %arg22[%swap3A_288], %gather3A_287 {strides = array<i32>} : memref<80xi32, #tpu.memory_space<vmem>>, vector<16xi32>,
      %get3A_290 = arith.constant 48 : index
      %get3A_291 = tpu.vector_load %arg12[%get3A_290] {strides = array<i32>} : memref<80xi32, #tpu.memory_space<vmem>>, vector<16xi32>,
      %gather3A_292 = tpu.vector_load_idx %arg25[%get3A_291] : memref<20008xi32, #tpu.memory_space<vmem>>[vector<16xi32>], vector<16xi32>,
      %swap3A_293 = arith.constant 48 : index
      %swap3A_294 = tpu.vector_load %arg22[%swap3A_293] {strides = array<i32>} : memref<80xi32, #tpu.memory_space<vmem>>, vector<16xi32>,
      tpu.vector_store %arg22[%swap3A_293], %gather3A_292 {strides = array<i32>} : memref<80xi32, #tpu.memory_space<vmem>>, vector<16xi32>,
      %get3A_295 = arith.constant 64 : index
      %get3A_296 = tpu.vector_load %arg12[%get3A_295] {strides = array<i32>} : memref<80xi32, #tpu.memory_space<vmem>>, vector<16xi32>,
      %gather3A_297 = tpu.vector_load_idx %arg25[%get3A_296] : memref<20008xi32, #tpu.memory_space<vmem>>[vector<16xi32>], vector<16xi32>,
      %swap3A_298 = arith.constant 64 : index
      %swap3A_299 = tpu.vector_load %arg22[%swap3A_298] {strides = array<i32>} : memref<80xi32, #tpu.memory_space<vmem>>, vector<16xi32>,
      tpu.vector_store %arg22[%swap3A_298], %gather3A_297 {strides = array<i32>} : memref<80xi32, #tpu.memory_space<vmem>>, vector<16xi32>,
      %dma_start3A_300 = arith.constant 0 : i32
      %dma_start3A_301 = arith.constant 0 : i32
      %dma_start3A_302 = tpu.memref_slice %arg21[%dma_start3A_300, %dma_start3A_301] : memref<256x128xf32, #tpu.memory_space<vmem_shared>> -> memref<256x128xf32, #tpu.memory_space<vmem_shared>>
      tpu.enqueue_indirect_dma source(%arg9 : memref<80x128xf32, #tpu.memory_space<vmem>>) target(%dma_start3A_302 : memref<256x128xf32, #tpu.memory_space<vmem_shared>>) offsets(%arg22 : memref<80xi32, #tpu.memory_space<vmem>>) semaphore(%arg18 : memref<!tpu.dma_semaphore, #tpu.memory_space<semaphore_mem>>) {add = true}
      %add3A_303 = arith.constant 1 : i32
      %add3A_304 = arith.addi %mul3A_205, %add3A_303 : i32
      %mul3A_305 = arith.constant 80 : i32
      %mul3A_306 = arith.muli %add3A_304, %mul3A_305 : i32
      %dma_wait3A_307 = tpu.memref_slice %arg8[%mul3A_306] : memref<13200xi32, #tpu.memory_space<vmem>> -> memref<80xi32, #tpu.memory_space<vmem>>
      %dma_wait3A_308 = arith.constant 0 : i32
      %dma_wait3A_309 = arith.constant 0 : i32
      %dma_wait3A_310 = tpu.memref_slice %arg2[%dma_wait3A_308, %dma_wait3A_309] : memref<10000x128xf32, #tpu.memory_space<hbm>> -> memref<10000x128xf32, #tpu.memory_space<hbm>>
      tpu.wait_indirect_dma semaphore(%arg16 : memref<!tpu.dma_semaphore, #tpu.memory_space<semaphore_mem>>) src(%dma_wait3A_310 : memref<10000x128xf32, #tpu.memory_space<hbm>>) dst(%arg10 : memref<80x128xf32, #tpu.memory_space<vmem>>)
      %mul3A_311 = arith.constant 165 : i32
      %mul3A_312 = arith.muli %add3A, %mul3A_311 : i32
      %add3A_313 = arith.addi %mul3A_312, %add3A_304 : i32
      %mul3A_314 = arith.constant 80 : i32
      %mul3A_315 = arith.muli %add3A_313, %mul3A_314 : i32
      %dma_wait3A_316 = tpu.memref_slice %arg4[%mul3A_315] : memref<422400xi32, #tpu.memory_space<hbm>> -> memref<80xi32, #tpu.memory_space<hbm>>
      %dma_wait3A_317 = tpu.memref_slice %arg4[%mul3A_315] : memref<422400xi32, #tpu.memory_space<hbm>> -> memref<80xi32, #tpu.memory_space<hbm>>
      tpu.wait_dma2 semaphore(%arg16 : memref<!tpu.dma_semaphore, #tpu.memory_space<semaphore_mem>>) src(%dma_wait3A_317 : memref<80xi32, #tpu.memory_space<hbm>>) dst(%arg13 : memref<80xi32, #tpu.memory_space<vmem>>)
      %get3A_318 = arith.constant 0 : index
      %get3A_319 = tpu.vector_load %arg13[%get3A_318] {strides = array<i32>} : memref<80xi32, #tpu.memory_space<vmem>>, vector<16xi32>,
      %gather3A_320 = tpu.vector_load_idx %arg25[%get3A_319] : memref<20008xi32, #tpu.memory_space<vmem>>[vector<16xi32>], vector<16xi32>,
      %swap3A_321 = arith.constant 0 : index
      %swap3A_322 = tpu.vector_load %arg23[%swap3A_321] {strides = array<i32>} : memref<80xi32, #tpu.memory_space<vmem>>, vector<16xi32>,
      tpu.vector_store %arg23[%swap3A_321], %gather3A_320 {strides = array<i32>} : memref<80xi32, #tpu.memory_space<vmem>>, vector<16xi32>,
      %get3A_323 = arith.constant 16 : index
      %get3A_324 = tpu.vector_load %arg13[%get3A_323] {strides = array<i32>} : memref<80xi32, #tpu.memory_space<vmem>>, vector<16xi32>,
      %gather3A_325 = tpu.vector_load_idx %arg25[%get3A_324] : memref<20008xi32, #tpu.memory_space<vmem>>[vector<16xi32>], vector<16xi32>,
      %swap3A_326 = arith.constant 16 : index
      %swap3A_327 = tpu.vector_load %arg23[%swap3A_326] {strides = array<i32>} : memref<80xi32, #tpu.memory_space<vmem>>, vector<16xi32>,
      tpu.vector_store %arg23[%swap3A_326], %gather3A_325 {strides = array<i32>} : memref<80xi32, #tpu.memory_space<vmem>>, vector<16xi32>,
      %get3A_328 = arith.constant 32 : index
      %get3A_329 = tpu.vector_load %arg13[%get3A_328] {strides = array<i32>} : memref<80xi32, #tpu.memory_space<vmem>>, vector<16xi32>,
      %gather3A_330 = tpu.vector_load_idx %arg25[%get3A_329] : memref<20008xi32, #tpu.memory_space<vmem>>[vector<16xi32>], vector<16xi32>,
      %swap3A_331 = arith.constant 32 : index
      %swap3A_332 = tpu.vector_load %arg23[%swap3A_331] {strides = array<i32>} : memref<80xi32, #tpu.memory_space<vmem>>, vector<16xi32>,
      tpu.vector_store %arg23[%swap3A_331], %gather3A_330 {strides = array<i32>} : memref<80xi32, #tpu.memory_space<vmem>>, vector<16xi32>,
      %get3A_333 = arith.constant 48 : index
      %get3A_334 = tpu.vector_load %arg13[%get3A_333] {strides = array<i32>} : memref<80xi32, #tpu.memory_space<vmem>>, vector<16xi32>,
      %gather3A_335 = tpu.vector_load_idx %arg25[%get3A_334] : memref<20008xi32, #tpu.memory_space<vmem>>[vector<16xi32>], vector<16xi32>,
      %swap3A_336 = arith.constant 48 : index
      %swap3A_337 = tpu.vector_load %arg23[%swap3A_336] {strides = array<i32>} : memref<80xi32, #tpu.memory_space<vmem>>, vector<16xi32>,
      tpu.vector_store %arg23[%swap3A_336], %gather3A_335 {strides = array<i32>} : memref<80xi32, #tpu.memory_space<vmem>>, vector<16xi32>,
      %get3A_338 = arith.constant 64 : index
      %get3A_339 = tpu.vector_load %arg13[%get3A_338] {strides = array<i32>} : memref<80xi32, #tpu.memory_space<vmem>>, vector<16xi32>,
      %gather3A_340 = tpu.vector_load_idx %arg25[%get3A_339] : memref<20008xi32, #tpu.memory_space<vmem>>[vector<16xi32>], vector<16xi32>,
      %swap3A_341 = arith.constant 64 : index
      %swap3A_342 = tpu.vector_load %arg23[%swap3A_341] {strides = array<i32>} : memref<80xi32, #tpu.memory_space<vmem>>, vector<16xi32>,
      tpu.vector_store %arg23[%swap3A_341], %gather3A_340 {strides = array<i32>} : memref<80xi32, #tpu.memory_space<vmem>>, vector<16xi32>,
      %dma_start3A_343 = arith.constant 0 : i32
      %dma_start3A_344 = arith.constant 0 : i32
      %dma_start3A_345 = tpu.memref_slice %arg21[%dma_start3A_343, %dma_start3A_344] : memref<256x128xf32, #tpu.memory_space<vmem_shared>> -> memref<256x128xf32, #tpu.memory_space<vmem_shared>>
      tpu.enqueue_indirect_dma source(%arg10 : memref<80x128xf32, #tpu.memory_space<vmem>>) target(%dma_start3A_345 : memref<256x128xf32, #tpu.memory_space<vmem_shared>>) offsets(%arg23 : memref<80xi32, #tpu.memory_space<vmem>>) semaphore(%arg19 : memref<!tpu.dma_semaphore, #tpu.memory_space<semaphore_mem>>) {add = true}
      %add3A_346 = arith.constant 2 : i32
      %add3A_347 = arith.addi %mul3A_205, %add3A_346 : i32
      %mul3A_348 = arith.constant 80 : i32
      %mul3A_349 = arith.muli %add3A_347, %mul3A_348 : i32
      %dma_wait3A_350 = tpu.memref_slice %arg8[%mul3A_349] : memref<13200xi32, #tpu.memory_space<vmem>> -> memref<80xi32, #tpu.memory_space<vmem>>
      %dma_wait3A_351 = arith.constant 0 : i32
      %dma_wait3A_352 = arith.constant 0 : i32
      %dma_wait3A_353 = tpu.memref_slice %arg2[%dma_wait3A_351, %dma_wait3A_352] : memref<10000x128xf32, #tpu.memory_space<hbm>> -> memref<10000x128xf32, #tpu.memory_space<hbm>>
      tpu.wait_indirect_dma semaphore(%arg17 : memref<!tpu.dma_semaphore, #tpu.memory_space<semaphore_mem>>) src(%dma_wait3A_353 : memref<10000x128xf32, #tpu.memory_space<hbm>>) dst(%arg11 : memref<80x128xf32, #tpu.memory_space<vmem>>)
      %mul3A_354 = arith.constant 165 : i32
      %mul3A_355 = arith.muli %add3A, %mul3A_354 : i32
      %add3A_356 = arith.addi %mul3A_355, %add3A_347 : i32
      %mul3A_357 = arith.constant 80 : i32
      %mul3A_358 = arith.muli %add3A_356, %mul3A_357 : i32
      %dma_wait3A_359 = tpu.memref_slice %arg4[%mul3A_358] : memref<422400xi32, #tpu.memory_space<hbm>> -> memref<80xi32, #tpu.memory_space<hbm>>
      %dma_wait3A_360 = tpu.memref_slice %arg4[%mul3A_358] : memref<422400xi32, #tpu.memory_space<hbm>> -> memref<80xi32, #tpu.memory_space<hbm>>
      tpu.wait_dma2 semaphore(%arg17 : memref<!tpu.dma_semaphore, #tpu.memory_space<semaphore_mem>>) src(%dma_wait3A_360 : memref<80xi32, #tpu.memory_space<hbm>>) dst(%arg14 : memref<80xi32, #tpu.memory_space<vmem>>)
      %get3A_361 = arith.constant 0 : index
      %get3A_362 = tpu.vector_load %arg14[%get3A_361] {strides = array<i32>} : memref<80xi32, #tpu.memory_space<vmem>>, vector<16xi32>,
      %gather3A_363 = tpu.vector_load_idx %arg25[%get3A_362] : memref<20008xi32, #tpu.memory_space<vmem>>[vector<16xi32>], vector<16xi32>,
      %swap3A_364 = arith.constant 0 : index
      %swap3A_365 = tpu.vector_load %arg24[%swap3A_364] {strides = array<i32>} : memref<80xi32, #tpu.memory_space<vmem>>, vector<16xi32>,
      tpu.vector_store %arg24[%swap3A_364], %gather3A_363 {strides = array<i32>} : memref<80xi32, #tpu.memory_space<vmem>>, vector<16xi32>,
      %get3A_366 = arith.constant 16 : index
      %get3A_367 = tpu.vector_load %arg14[%get3A_366] {strides = array<i32>} : memref<80xi32, #tpu.memory_space<vmem>>, vector<16xi32>,
      %gather3A_368 = tpu.vector_load_idx %arg25[%get3A_367] : memref<20008xi32, #tpu.memory_space<vmem>>[vector<16xi32>], vector<16xi32>,
      %swap3A_369 = arith.constant 16 : index
      %swap3A_370 = tpu.vector_load %arg24[%swap3A_369] {strides = array<i32>} : memref<80xi32, #tpu.memory_space<vmem>>, vector<16xi32>,
      tpu.vector_store %arg24[%swap3A_369], %gather3A_368 {strides = array<i32>} : memref<80xi32, #tpu.memory_space<vmem>>, vector<16xi32>,
      %get3A_371 = arith.constant 32 : index
      %get3A_372 = tpu.vector_load %arg14[%get3A_371] {strides = array<i32>} : memref<80xi32, #tpu.memory_space<vmem>>, vector<16xi32>,
      %gather3A_373 = tpu.vector_load_idx %arg25[%get3A_372] : memref<20008xi32, #tpu.memory_space<vmem>>[vector<16xi32>], vector<16xi32>,
      %swap3A_374 = arith.constant 32 : index
      %swap3A_375 = tpu.vector_load %arg24[%swap3A_374] {strides = array<i32>} : memref<80xi32, #tpu.memory_space<vmem>>, vector<16xi32>,
      tpu.vector_store %arg24[%swap3A_374], %gather3A_373 {strides = array<i32>} : memref<80xi32, #tpu.memory_space<vmem>>, vector<16xi32>,
      %get3A_376 = arith.constant 48 : index
      %get3A_377 = tpu.vector_load %arg14[%get3A_376] {strides = array<i32>} : memref<80xi32, #tpu.memory_space<vmem>>, vector<16xi32>,
      %gather3A_378 = tpu.vector_load_idx %arg25[%get3A_377] : memref<20008xi32, #tpu.memory_space<vmem>>[vector<16xi32>], vector<16xi32>,
      %swap3A_379 = arith.constant 48 : index
      %swap3A_380 = tpu.vector_load %arg24[%swap3A_379] {strides = array<i32>} : memref<80xi32, #tpu.memory_space<vmem>>, vector<16xi32>,
      tpu.vector_store %arg24[%swap3A_379], %gather3A_378 {strides = array<i32>} : memref<80xi32, #tpu.memory_space<vmem>>, vector<16xi32>,
      %get3A_381 = arith.constant 64 : index
      %get3A_382 = tpu.vector_load %arg14[%get3A_381] {strides = array<i32>} : memref<80xi32, #tpu.memory_space<vmem>>, vector<16xi32>,
      %gather3A_383 = tpu.vector_load_idx %arg25[%get3A_382] : memref<20008xi32, #tpu.memory_space<vmem>>[vector<16xi32>], vector<16xi32>,
      %swap3A_384 = arith.constant 64 : index
      %swap3A_385 = tpu.vector_load %arg24[%swap3A_384] {strides = array<i32>} : memref<80xi32, #tpu.memory_space<vmem>>, vector<16xi32>,
      tpu.vector_store %arg24[%swap3A_384], %gather3A_383 {strides = array<i32>} : memref<80xi32, #tpu.memory_space<vmem>>, vector<16xi32>,
      %dma_start3A_386 = arith.constant 0 : i32
      %dma_start3A_387 = arith.constant 0 : i32
      %dma_start3A_388 = tpu.memref_slice %arg21[%dma_start3A_386, %dma_start3A_387] : memref<256x128xf32, #tpu.memory_space<vmem_shared>> -> memref<256x128xf32, #tpu.memory_space<vmem_shared>>
      tpu.enqueue_indirect_dma source(%arg11 : memref<80x128xf32, #tpu.memory_space<vmem>>) target(%dma_start3A_388 : memref<256x128xf32, #tpu.memory_space<vmem_shared>>) offsets(%arg24 : memref<80xi32, #tpu.memory_space<vmem>>) semaphore(%arg20 : memref<!tpu.dma_semaphore, #tpu.memory_space<semaphore_mem>>) {add = true}
    }
    %dma_wait3A_189 = arith.constant 0 : i32
    %dma_wait3A_190 = arith.constant 0 : i32
    %dma_wait3A_191 = tpu.memref_slice %arg21[%dma_wait3A_189, %dma_wait3A_190] : memref<256x128xf32, #tpu.memory_space<vmem_shared>> -> memref<256x128xf32, #tpu.memory_space<vmem_shared>>
    tpu.wait_indirect_dma semaphore(%arg18 : memref<!tpu.dma_semaphore, #tpu.memory_space<semaphore_mem>>) src(%arg9 : memref<80x128xf32, #tpu.memory_space<vmem>>) dst(%dma_wait3A_191 : memref<256x128xf32, #tpu.memory_space<vmem_shared>>)
    %dma_wait3A_192 = arith.constant 0 : i32
    %dma_wait3A_193 = arith.constant 0 : i32
    %dma_wait3A_194 = tpu.memref_slice %arg21[%dma_wait3A_192, %dma_wait3A_193] : memref<256x128xf32, #tpu.memory_space<vmem_shared>> -> memref<256x128xf32, #tpu.memory_space<vmem_shared>>
    tpu.wait_indirect_dma semaphore(%arg19 : memref<!tpu.dma_semaphore, #tpu.memory_space<semaphore_mem>>) src(%arg10 : memref<80x128xf32, #tpu.memory_space<vmem>>) dst(%dma_wait3A_194 : memref<256x128xf32, #tpu.memory_space<vmem_shared>>)
    %dma_wait3A_195 = arith.constant 0 : i32
    %dma_wait3A_196 = arith.constant 0 : i32
    %dma_wait3A_197 = tpu.memref_slice %arg21[%dma_wait3A_195, %dma_wait3A_196] : memref<256x128xf32, #tpu.memory_space<vmem_shared>> -> memref<256x128xf32, #tpu.memory_space<vmem_shared>>
    tpu.wait_indirect_dma semaphore(%arg20 : memref<!tpu.dma_semaphore, #tpu.memory_space<semaphore_mem>>) src(%arg11 : memref<80x128xf32, #tpu.memory_space<vmem>>) dst(%dma_wait3A_197 : memref<256x128xf32, #tpu.memory_space<vmem_shared>>)
    %barrier3A_198 = arith.constant 0 : index
    tpu.barrier barrier_id(%barrier3A_198)
    %mul3A_199 = arith.constant 16 : i32
    %mul3A_200 = arith.muli %arg1, %mul3A_199 : i32
    %mul3A_201 = arith.constant 16 : i32
    %mul3A_202 = arith.muli %arg1, %mul3A_201 : i32
    "tpu.region"() ({
      %run_scoped3A = tpu.sem_alloc : memref<!tpu.dma_semaphore, #tpu.memory_space<semaphore_mem>>
      %dma_start3A_203 = arith.constant 0 : i32
      %dma_start3A_204 = tpu.memref_slice %arg7[%arg0, %mul3A_202, %dma_start3A_203] : memref<2x256x128xf32, #tpu.memory_space<hbm>> -> memref<1x16x128xf32, #tpu.memory_space<hbm>>
      %dma_start3A_205 = tpu.memref_squeeze %dma_start3A_204 : memref<1x16x128xf32, #tpu.memory_space<hbm>> -> memref<16x128xf32, #tpu.memory_space<hbm>>
      %dma_start3A_206 = arith.constant 0 : i32
      %dma_start3A_207 = tpu.memref_slice %arg21[%mul3A_200, %dma_start3A_206] : memref<256x128xf32, #tpu.memory_space<vmem_shared>> -> memref<16x128xf32, #tpu.memory_space<vmem_shared>>
      tpu.enqueue_dma source(%dma_start3A_207 : memref<16x128xf32, #tpu.memory_space<vmem_shared>>) target(%dma_start3A_205 : memref<16x128xf32, #tpu.memory_space<hbm>>) target_semaphore(%run_scoped3A : memref<!tpu.dma_semaphore, #tpu.memory_space<semaphore_mem>>)
      %dma_wait3A_208 = arith.constant 0 : i32
      %dma_wait3A_209 = tpu.memref_slice %arg7[%arg0, %mul3A_202, %dma_wait3A_208] : memref<2x256x128xf32, #tpu.memory_space<hbm>> -> memref<1x16x128xf32, #tpu.memory_space<hbm>>
      %dma_wait3A_210 = tpu.memref_squeeze %dma_wait3A_209 : memref<1x16x128xf32, #tpu.memory_space<hbm>> -> memref<16x128xf32, #tpu.memory_space<hbm>>
      %dma_wait3A_211 = arith.constant 0 : i32
      %dma_wait3A_212 = tpu.memref_slice %arg21[%mul3A_200, %dma_wait3A_211] : memref<256x128xf32, #tpu.memory_space<vmem_shared>> -> memref<16x128xf32, #tpu.memory_space<vmem_shared>>
      tpu.wait_dma2 semaphore(%run_scoped3A : memref<!tpu.dma_semaphore, #tpu.memory_space<semaphore_mem>>) src(%dma_wait3A_212 : memref<16x128xf32, #tpu.memory_space<vmem_shared>>) dst(%dma_wait3A_210 : memref<16x128xf32, #tpu.memory_space<hbm>>)
      tpu.yield
    }) : () -> ()
    return
  }
}

module attributes {stable_mosaic.version = 14 : i64} {
  func.func @body(%arg0: i32, %arg1: memref<2x2000x128xf32, #tpu.memory_space<vmem>>, %arg2: memref<2000x128xf32, #tpu.memory_space<vmem>>, %arg3: memref<128x128xf32, #tpu.memory_space<vmem>>, %arg4: memref<128x128xf32, #tpu.memory_space<vmem>>, %arg5: memref<1x128xf32, #tpu.memory_space<vmem>>, %arg6: memref<1x128xf32, #tpu.memory_space<vmem>>, %arg7: memref<1x128xf32, #tpu.memory_space<vmem>>, %arg8: memref<2000x128xf32, #tpu.memory_space<vmem>>) attributes {dimension_semantics = [#tpu.dimension_semantics<arbitrary>], iteration_bounds = array<i64: 5>, scalar_prefetch = 0 : i64, scratch_operands = 0 : i64, tpu.core_type = #tpu.core_type<tc>, window_params = [{transform_indices = @transform_0, window_bounds = array<i64: 2, 2000, 128>}, {transform_indices = @transform_1, window_bounds = array<i64: 2000, 128>}, {pipeline_mode = #tpu.pipeline_mode<synchronous>, transform_indices = @transform_2, window_bounds = array<i64: 128, 128>}, {pipeline_mode = #tpu.pipeline_mode<synchronous>, transform_indices = @transform_3, window_bounds = array<i64: 128, 128>}, {pipeline_mode = #tpu.pipeline_mode<synchronous>, transform_indices = @transform_4, window_bounds = array<i64: 1, 128>}, {pipeline_mode = #tpu.pipeline_mode<synchronous>, transform_indices = @transform_5, window_bounds = array<i64: 1, 128>}, {pipeline_mode = #tpu.pipeline_mode<synchronous>, transform_indices = @transform_6, window_bounds = array<i64: 1, 128>}, {transform_indices = @transform_7, window_bounds = array<i64: 2000, 128>}]} {
    %get3A = arith.constant 0 : index
    %get3A_0 = arith.constant 0 : index
    %get3A_1 = arith.constant 0 : index
    %get3A_2 = vector.load %arg1[%get3A, %get3A_0, %get3A_1] : memref<2x2000x128xf32, #tpu.memory_space<vmem>>, vector<1x2000x128xf32>
    %get3A_3 = vector.shape_cast %get3A_2 : vector<1x2000x128xf32> to vector<2000x128xf32>
    %get3A_4 = arith.constant 1 : index
    %get3A_5 = arith.constant 0 : index
    %get3A_6 = arith.constant 0 : index
    %get3A_7 = vector.load %arg1[%get3A_4, %get3A_5, %get3A_6] : memref<2x2000x128xf32, #tpu.memory_space<vmem>>, vector<1x2000x128xf32>
    %get3A_8 = vector.shape_cast %get3A_7 : vector<1x2000x128xf32> to vector<2000x128xf32>
    %add3A = arith.addf %get3A_3, %get3A_8 : vector<2000x128xf32>
    %get3A_9 = arith.constant 0 : index
    %get3A_10 = arith.constant 0 : index
    %get3A_11 = vector.load %arg3[%get3A_9, %get3A_10] : memref<128x128xf32, #tpu.memory_space<vmem>>, vector<128x128xf32>
    %dot_general3A = arith.constant dense<0.000000e+00> : vector<2000x128xf32>
    %dot_general3A_12 = tpu.matmul %add3A, %get3A_11, %dot_general3A {dimension_numbers = #tpu.dot_dimension_numbers<[1], [0], [0], [1], [0, 0, 1, 1], [], []>, transpose_lhs_hint = false} : vector<2000x128xf32>, vector<128x128xf32>, vector<2000x128xf32> -> vector<2000x128xf32>
    %get3A_13 = arith.constant 0 : index
    %get3A_14 = arith.constant 0 : index
    %get3A_15 = vector.load %arg2[%get3A_13, %get3A_14] : memref<2000x128xf32, #tpu.memory_space<vmem>>, vector<2000x128xf32>
    %get3A_16 = arith.constant 0 : index
    %get3A_17 = arith.constant 0 : index
    %get3A_18 = vector.load %arg4[%get3A_16, %get3A_17] : memref<128x128xf32, #tpu.memory_space<vmem>>, vector<128x128xf32>
    %dot_general3A_19 = arith.constant dense<0.000000e+00> : vector<2000x128xf32>
    %dot_general3A_20 = tpu.matmul %get3A_15, %get3A_18, %dot_general3A_19 {dimension_numbers = #tpu.dot_dimension_numbers<[1], [0], [0], [1], [0, 0, 1, 1], [], []>, transpose_lhs_hint = false} : vector<2000x128xf32>, vector<128x128xf32>, vector<2000x128xf32> -> vector<2000x128xf32>
    %add3A_21 = arith.addf %dot_general3A_12, %dot_general3A_20 : vector<2000x128xf32>
    %get3A_22 = arith.constant 0 : index
    %get3A_23 = arith.constant 0 : index
    %get3A_24 = vector.load %arg5[%get3A_22, %get3A_23] : memref<1x128xf32, #tpu.memory_space<vmem>>, vector<1x128xf32>
    %add3A_25 = vector.broadcast %get3A_24 : vector<1x128xf32> to vector<2000x128xf32>
    %add3A_26 = arith.addf %add3A_21, %add3A_25 : vector<2000x128xf32>
    %max3A = arith.constant 0.000000e+00 : f32
    %max3A_27 = vector.broadcast %max3A : f32 to vector<2000x128xf32>
    %max3A_28 = arith.maximumf %add3A_26, %max3A_27 : vector<2000x128xf32>
    %get3A_29 = arith.constant 0 : index
    %get3A_30 = arith.constant 0 : index
    %get3A_31 = vector.load %arg6[%get3A_29, %get3A_30] : memref<1x128xf32, #tpu.memory_space<vmem>>, vector<1x128xf32>
    %mul3A = vector.broadcast %get3A_31 : vector<1x128xf32> to vector<2000x128xf32>
    %mul3A_32 = arith.mulf %max3A_28, %mul3A : vector<2000x128xf32>
    %get3A_33 = arith.constant 0 : index
    %get3A_34 = arith.constant 0 : index
    %get3A_35 = vector.load %arg7[%get3A_33, %get3A_34] : memref<1x128xf32, #tpu.memory_space<vmem>>, vector<1x128xf32>
    %add3A_36 = vector.broadcast %get3A_35 : vector<1x128xf32> to vector<2000x128xf32>
    %add3A_37 = arith.addf %mul3A_32, %add3A_36 : vector<2000x128xf32>
    %swap3A = arith.constant 0 : index
    %swap3A_38 = arith.constant 0 : index
    %swap3A_39 = vector.load %arg8[%swap3A, %swap3A_38] : memref<2000x128xf32, #tpu.memory_space<vmem>>, vector<2000x128xf32>
    tpu.vector_store %arg8[%swap3A, %swap3A_38], %add3A_37 {strides = array<i32>} : memref<2000x128xf32, #tpu.memory_space<vmem>>, vector<2000x128xf32>,
    return
  }
  func.func @transform_0(%arg0: i32) -> (i32, i32, i32) {
    %c0_i32 = arith.constant 0 : i32
    %c0_i32_0 = arith.constant 0 : i32
    %c0_i32_1 = arith.constant 0 : i32
    return %c0_i32, %arg0, %c0_i32_0 : i32, i32, i32
  }
  func.func @transform_1(%arg0: i32) -> (i32, i32) {
    %c0_i32 = arith.constant 0 : i32
    %c0_i32_0 = arith.constant 0 : i32
    return %arg0, %c0_i32 : i32, i32
  }
  func.func @transform_2(%arg0: i32) -> (i32, i32) {
    %c0_i32 = arith.constant 0 : i32
    %c0_i32_0 = arith.constant 0 : i32
    %c0_i32_1 = arith.constant 0 : i32
    return %c0_i32, %c0_i32_0 : i32, i32
  }
  func.func @transform_3(%arg0: i32) -> (i32, i32) {
    %c0_i32 = arith.constant 0 : i32
    %c0_i32_0 = arith.constant 0 : i32
    %c0_i32_1 = arith.constant 0 : i32
    return %c0_i32, %c0_i32_0 : i32, i32
  }
  func.func @transform_4(%arg0: i32) -> (i32, i32) {
    %c0_i32 = arith.constant 0 : i32
    %c0_i32_0 = arith.constant 0 : i32
    %c0_i32_1 = arith.constant 0 : i32
    return %c0_i32, %c0_i32_0 : i32, i32
  }
  func.func @transform_5(%arg0: i32) -> (i32, i32) {
    %c0_i32 = arith.constant 0 : i32
    %c0_i32_0 = arith.constant 0 : i32
    %c0_i32_1 = arith.constant 0 : i32
    return %c0_i32, %c0_i32_0 : i32, i32
  }
  func.func @transform_6(%arg0: i32) -> (i32, i32) {
    %c0_i32 = arith.constant 0 : i32
    %c0_i32_0 = arith.constant 0 : i32
    %c0_i32_1 = arith.constant 0 : i32
    return %c0_i32, %c0_i32_0 : i32, i32
  }
  func.func @transform_7(%arg0: i32) -> (i32, i32) {
    %c0_i32 = arith.constant 0 : i32
    %c0_i32_0 = arith.constant 0 : i32
    return %arg0, %c0_i32 : i32, i32
  }
}

module attributes {stable_mosaic.version = 14 : i64} {
  func.func @body(%arg0: memref<2x64x128xf32, #tpu.memory_space<vmem>>, %arg1: memref<2x64x128xf32, #tpu.memory_space<vmem>>, %arg2: memref<1x10240xi32, #tpu.memory_space<vmem>>, %arg3: memref<128x128xf32, #tpu.memory_space<vmem>>, %arg4: memref<1x128xf32, #tpu.memory_space<vmem>>, %arg5: memref<128x128xf32, #tpu.memory_space<vmem>>, %arg6: memref<1x128xf32, #tpu.memory_space<vmem>>, %arg7: memref<1x128xf32, #tpu.memory_space<vmem>>, %arg8: memref<128x10xf32, #tpu.memory_space<vmem>>, %arg9: memref<1x10xf32, #tpu.memory_space<vmem>>, %arg10: memref<64x10xf32, #tpu.memory_space<vmem>>) attributes {dimension_semantics = [], scalar_prefetch = 0 : i64, scratch_operands = 0 : i64, tpu.core_type = #tpu.core_type<tc>} {
    %get3A = arith.constant 0 : index
    %get3A_0 = arith.constant 0 : index
    %get3A_1 = arith.constant 0 : index
    %get3A_2 = vector.load %arg0[%get3A, %get3A_0, %get3A_1] : memref<2x64x128xf32, #tpu.memory_space<vmem>>, vector<1x64x128xf32>
    %get3A_3 = vector.shape_cast %get3A_2 : vector<1x64x128xf32> to vector<64x128xf32>
    %get3A_4 = arith.constant 1 : index
    %get3A_5 = arith.constant 0 : index
    %get3A_6 = arith.constant 0 : index
    %get3A_7 = vector.load %arg0[%get3A_4, %get3A_5, %get3A_6] : memref<2x64x128xf32, #tpu.memory_space<vmem>>, vector<1x64x128xf32>
    %get3A_8 = vector.shape_cast %get3A_7 : vector<1x64x128xf32> to vector<64x128xf32>
    %add3A = arith.addf %get3A_3, %get3A_8 : vector<64x128xf32>
    %get3A_9 = arith.constant 0 : index
    %get3A_10 = arith.constant 0 : index
    %get3A_11 = arith.constant 0 : index
    %get3A_12 = vector.load %arg1[%get3A_9, %get3A_10, %get3A_11] : memref<2x64x128xf32, #tpu.memory_space<vmem>>, vector<1x64x128xf32>
    %get3A_13 = vector.shape_cast %get3A_12 : vector<1x64x128xf32> to vector<64x128xf32>
    %get3A_14 = arith.constant 1 : index
    %get3A_15 = arith.constant 0 : index
    %get3A_16 = arith.constant 0 : index
    %get3A_17 = vector.load %arg1[%get3A_14, %get3A_15, %get3A_16] : memref<2x64x128xf32, #tpu.memory_space<vmem>>, vector<1x64x128xf32>
    %get3A_18 = vector.shape_cast %get3A_17 : vector<1x64x128xf32> to vector<64x128xf32>
    %add3A_19 = arith.addf %get3A_13, %get3A_18 : vector<64x128xf32>
    %iota3A = tpu.iota {dimensions = array<i32: 0>} : vector<64x10240xi32>
    %get3A_20 = arith.constant 0 : index
    %get3A_21 = arith.constant 0 : index
    %get3A_22 = vector.load %arg2[%get3A_20, %get3A_21] : memref<1x10240xi32, #tpu.memory_space<vmem>>, vector<1x10240xi32>
    %eq3A = vector.broadcast %get3A_22 : vector<1x10240xi32> to vector<64x10240xi32>
    %eq3A_23 = arith.cmpi eq, %eq3A, %iota3A : vector<64x10240xi32>
    %convert_element_type3A = arith.extui %eq3A_23 : vector<64x10240xi1> to vector<64x10240xi32>
    %convert_element_type3A_24 = arith.sitofp %convert_element_type3A : vector<64x10240xi32> to vector<64x10240xf32>
    %reduce_sum3A = arith.constant dense<0.000000e+00> : vector<64xf32>
    %reduce_sum3A_25 = vector.multi_reduction <add>, %convert_element_type3A_24, %reduce_sum3A [1] : vector<64x10240xf32> to vector<64xf32>
    %broadcast_in_dim3A = vector.shape_cast %reduce_sum3A_25 : vector<64xf32> to vector<64x1xf32>
    %max3A = arith.constant 1.000000e+00 : f32
    %max3A_26 = vector.broadcast %max3A : f32 to vector<64x1xf32>
    %max3A_27 = arith.maximumf %broadcast_in_dim3A, %max3A_26 : vector<64x1xf32>
    %div3A = vector.broadcast %max3A_27 : vector<64x1xf32> to vector<64x128xf32>
    %div3A_28 = arith.divf %add3A, %div3A : vector<64x128xf32>
    %get3A_29 = arith.constant 0 : index
    %get3A_30 = arith.constant 0 : index
    %get3A_31 = vector.load %arg3[%get3A_29, %get3A_30] : memref<128x128xf32, #tpu.memory_space<vmem>>, vector<128x128xf32>
    %dot_general3A = arith.constant dense<0.000000e+00> : vector<64x128xf32>
    %dot_general3A_32 = tpu.matmul %div3A_28, %get3A_31, %dot_general3A {dimension_numbers = #tpu.dot_dimension_numbers<[1], [0], [0], [1], [0, 0, 1, 1], [], []>, transpose_lhs_hint = false} : vector<64x128xf32>, vector<128x128xf32>, vector<64x128xf32> -> vector<64x128xf32>
    %get3A_33 = arith.constant 0 : index
    %get3A_34 = arith.constant 0 : index
    %get3A_35 = vector.load %arg4[%get3A_33, %get3A_34] : memref<1x128xf32, #tpu.memory_space<vmem>>, vector<1x128xf32>
    %add3A_36 = vector.broadcast %get3A_35 : vector<1x128xf32> to vector<64x128xf32>
    %add3A_37 = arith.addf %dot_general3A_32, %add3A_36 : vector<64x128xf32>
    %div3A_38 = vector.broadcast %max3A_27 : vector<64x1xf32> to vector<64x128xf32>
    %div3A_39 = arith.divf %add3A_19, %div3A_38 : vector<64x128xf32>
    %get3A_40 = arith.constant 0 : index
    %get3A_41 = arith.constant 0 : index
    %get3A_42 = vector.load %arg5[%get3A_40, %get3A_41] : memref<128x128xf32, #tpu.memory_space<vmem>>, vector<128x128xf32>
    %dot_general3A_43 = arith.constant dense<0.000000e+00> : vector<64x128xf32>
    %dot_general3A_44 = tpu.matmul %div3A_39, %get3A_42, %dot_general3A_43 {dimension_numbers = #tpu.dot_dimension_numbers<[1], [0], [0], [1], [0, 0, 1, 1], [], []>, transpose_lhs_hint = false} : vector<64x128xf32>, vector<128x128xf32>, vector<64x128xf32> -> vector<64x128xf32>
    %add3A_45 = arith.addf %add3A_37, %dot_general3A_44 : vector<64x128xf32>
    %get3A_46 = arith.constant 0 : index
    %get3A_47 = arith.constant 0 : index
    %get3A_48 = vector.load %arg6[%get3A_46, %get3A_47] : memref<1x128xf32, #tpu.memory_space<vmem>>, vector<1x128xf32>
    %mul3A = vector.broadcast %get3A_48 : vector<1x128xf32> to vector<64x128xf32>
    %mul3A_49 = arith.mulf %add3A_45, %mul3A : vector<64x128xf32>
    %get3A_50 = arith.constant 0 : index
    %get3A_51 = arith.constant 0 : index
    %get3A_52 = vector.load %arg7[%get3A_50, %get3A_51] : memref<1x128xf32, #tpu.memory_space<vmem>>, vector<1x128xf32>
    %add3A_53 = vector.broadcast %get3A_52 : vector<1x128xf32> to vector<64x128xf32>
    %add3A_54 = arith.addf %mul3A_49, %add3A_53 : vector<64x128xf32>
    %get3A_55 = arith.constant 0 : index
    %get3A_56 = arith.constant 0 : index
    %get3A_57 = vector.load %arg8[%get3A_55, %get3A_56] : memref<128x10xf32, #tpu.memory_space<vmem>>, vector<128x10xf32>
    %dot_general3A_58 = arith.constant dense<0.000000e+00> : vector<64x10xf32>
    %dot_general3A_59 = tpu.matmul %add3A_54, %get3A_57, %dot_general3A_58 {dimension_numbers = #tpu.dot_dimension_numbers<[1], [0], [0], [1], [0, 0, 1, 1], [], []>, transpose_lhs_hint = false} : vector<64x128xf32>, vector<128x10xf32>, vector<64x10xf32> -> vector<64x10xf32>
    %get3A_60 = arith.constant 0 : index
    %get3A_61 = arith.constant 0 : index
    %get3A_62 = vector.load %arg9[%get3A_60, %get3A_61] : memref<1x10xf32, #tpu.memory_space<vmem>>, vector<1x10xf32>
    %add3A_63 = vector.broadcast %get3A_62 : vector<1x10xf32> to vector<64x10xf32>
    %add3A_64 = arith.addf %dot_general3A_59, %add3A_63 : vector<64x10xf32>
    %swap3A = arith.constant 0 : index
    %swap3A_65 = arith.constant 0 : index
    %swap3A_66 = vector.load %arg10[%swap3A, %swap3A_65] : memref<64x10xf32, #tpu.memory_space<vmem>>, vector<64x10xf32>
    tpu.vector_store %arg10[%swap3A, %swap3A_65], %add3A_64 {strides = array<i32>} : memref<64x10xf32, #tpu.memory_space<vmem>>, vector<64x10xf32>,
    return
  }
}

</mosaic_0001>

<sc_bundles>
// kernel: kernel.11.cloned.1.call-start
scs
__scs_entry_jumppad:
0x0: {  	(pc) =	sbr.rel $0x88, $3  }
0x1: {  	(tag) =	ssettag $0x0;
	lr =	simm.s32 $0x1  }
0x2: {  	[smem:$0x3F87] =	sst lr;
	_ =	strace $0xD0000000  }
0x3: {  	_ = 	snop  }
0x4: {  	_ = 	snop  }
0x5: {  	_ = 	snop  }
0x6: {  	_ = 	snop  }
0x7: {  	_ = 	snop  }
__scs_overlays_trampoline_lowered:
0x8: {  	[smem:$0x3F96] =	sst s0  }
0x9: {  	[smem:$0x3F97] =	sst s1  }
0xa: {  	[smem:$0x3F98] =	sst s2  }
0xb: {  	[smem:$0x3F99] =	sst s3  }
0xc: {  	[smem:$0x3F9A] =	sst s4  }
0xd: {  	[smem:$0x3F9B] =	sst s5  }
0xe: {  	[smem:$0x3F9C] =	sst s6  }
0xf: {  	[smem:$0x3F9D] =	sst s7  }
0x10: {  	[smem:$0x3F9E] =	sst s8  }
0x11: {  	[smem:$0x3F9F] =	sst s9;
	s0 =	simm.s32 @!p0 $0x0  }
0x12: {  	s1 =	sld [smem:$0x3F85];
	s0 =	simm.s32 @p0 $0x1  }
0x13: {  	[smem:$0x3FA0] =	sst s0;
	s0 =	simm.s32 @!p1 $0x0  }
0x14: {  	s2 =	sld [smem:$0x3F84];
	s0 =	simm.s32 @p1 $0x1  }
0x15: {  	[smem:$0x3FA1] =	sst s0;
	s0 =	simm.s32 @!p2 $0x0  }
0x16: {  	s3 =	sld [smem:$0x3FDB];
	s0 =	simm.s32 @p2 $0x1  }
0x17: {  	s4 =	simm.s32 $0x1BF5;
	[smem:$0x3FA3] =	sst s0  }
0x18: {  	s0 =	sld [smem:$0x3F86];
	_ =	swait.ge [sflag:s4], $0x0  }
0x19: {  	s7 =	sld [smem:$0x3F87]  }
0x1a: {  	s8 =	sadd.s32 $0xFFFFE003, lr  }
0x1b: {  	s9 =	sadd.s32 $0xFFFFFEF7, lr;
	s5 =	simm.s32 $0xFFFFFFFF;
	p2 =	slt.u32 s8, $0xFFFFF086  }
0x1c: {  	p1 =	slt.u32 s9, $0xF7A;
	s5 =	simm.s32 @!p2 $0x0  }
0x1d: {  	s5 =	simm.s32 @p1 $0x1;
	p0 =	seq.s32 s7, s2  }
0x1e: {  	s7 =	smul.u32 @!p0 $0xF7A, s2;
	p2 =	seq.s32 @!p0 s5, $0x0  }
0x1f: {  	s9 =	smul.u32 $0xF7A, s1;
	s8 =	simm.s32 @!p0 $0x1BF5;
	p2 =	por !p2, p0  }
0x20: {  	[sflag:s8] =	ssyncset.s32 @!p0 $0xFFFFF086;
	s6 =	sadd.s32 @!p0 s3, s7;
	s7 =	simm.s32 @!p0 $0x108  }
0x21: {  	s3 =	sadd.s32 s3, s9;
	s6 =	sadd.s32 @!p0 $0x88, s6;
	s7 =	simm.s32 @p2 $0x1082  }
0x22: {  	[simem:s7], [sflag:s8] =	dma.local @!p0 [hbm:s6], $0xF7A  }
0x23: {  	s9 =	sor.u32 $0xD0000000, s2;
	s6 =	simm.s32 $0x108;
	_ =	swait.ge @!p0 [sflag:s8], $0x0  }
0x24: {  	s3 =	sadd.s32 $0x88, s3;
	s6 =	simm.s32 @!p1 $0x1082;
	[sflag:s4] =	ssyncset.s32 $0xFFFFF086  }
0x25: {  	[simem:s6], [sflag:s4] =	dma.local [hbm:s3], $0xF7A  }
0x26: {  	[smem:$0x3F87] =	sst s1;
	(tag) =	ssettag s2;
	_ =	strace s9  }
0x27: {  	s1 =	sld [smem:$0x3F97]  }
0x28: {  	s2 =	sld [smem:$0x3F98]  }
0x29: {  	s4 =	sld [smem:$0x3F9A]  }
0x2a: {  	p0 =	seq.s32 s5, $0x0;
	s5 =	sld [smem:$0x3F9B]  }
0x2b: {  	s6 =	sld [smem:$0x3F9C]  }
0x2c: {  	s7 =	sld [smem:$0x3F9D]  }
0x2d: {  	s3 =	simm.s32 $0x108;
	s8 =	sld [smem:$0x3F9E]  }
0x2e: {  	s3 =	simm.s32 @!p0 $0x1082;
	s9 =	sld [smem:$0x3F9F]  }
0x2f: {  	lr =	sadd.s32 s0, s3;
	s0 =	sld [smem:$0x3F96]  }
0x30: {  	s3 =	sld [smem:$0x3F99]  }
0x31: {  	[smem:$0x3FA2] =	sst s10  }
0x32: {  	s10 =	sld [smem:$0x3FA0];
	_ =	sdelay $0x3  }
0x33: {  	p0 =	seq.s32 s10, $0x1;
	s10 =	sld [smem:$0x3FA2];
	_ =	sdelay $0x3  }
0x34: {  	[smem:$0x3FA2] =	sst s10  }
0x35: {  	s10 =	sld [smem:$0x3FA1];
	_ =	sdelay $0x3  }
0x36: {  	p1 =	seq.s32 s10, $0x1;
	s10 =	sld [smem:$0x3FA2];
	_ =	sdelay $0x3  }
0x37: {  	[smem:$0x3FA2] =	sst s10  }
0x38: {  	s10 =	sld [smem:$0x3FA3]  }
0x39: {  	_ = 	snop;
	(pc) =	sbr.ind lr, $3  }
0x3a: {  	_ = 	snop  }
0x3b: {  	_ = 	snop  }
0x3c: {  	p2 =	seq.s32 s10, $0x1;
	s10 =	sld [smem:$0x3FA2]  }
0x3d: {  	_ =	shalt  }
0x3e: {  	_ =	shalt  }
0x3f: {  	_ =	shalt  }
0x40: {  	_ =	shalt  }
0x41: {  	_ =	shalt  }
0x42: {  	_ =	shalt  }
0x43: {  	_ =	shalt  }
0x44: {  	_ =	shalt  }
0x45: {  	_ =	shalt  }
0x46: {  	_ =	shalt  }
0x47: {  	_ =	shalt  }
0x48: {  	_ =	shalt  }
0x49: {  	_ =	shalt  }
0x4a: {  	_ =	shalt  }
0x4b: {  	_ =	shalt  }
0x4c: {  	_ =	shalt  }
0x4d: {  	_ =	shalt  }
0x4e: {  	_ =	shalt  }
0x4f: {  	_ =	shalt  }
0x50: {  	_ =	shalt  }
0x51: {  	_ =	shalt  }
0x52: {  	_ =	shalt  }
0x53: {  	_ =	shalt  }
0x54: {  	_ =	shalt  }
0x55: {  	_ =	shalt  }
0x56: {  	_ =	shalt  }
0x57: {  	_ =	shalt  }
0x58: {  	_ =	shalt  }
0x59: {  	_ =	shalt  }
0x5a: {  	_ =	shalt  }
0x5b: {  	_ =	shalt  }
0x5c: {  	_ =	shalt  }
0x5d: {  	_ =	shalt  }
0x5e: {  	_ =	shalt  }
0x5f: {  	_ =	shalt  }
0x60: {  	_ =	shalt  }
0x61: {  	_ =	shalt  }
0x62: {  	_ =	shalt  }
0x63: {  	_ =	shalt  }
0x64: {  	_ =	shalt  }
0x65: {  	_ =	shalt  }
0x66: {  	_ =	shalt  }
0x67: {  	_ =	shalt  }
0x68: {  	_ =	shalt  }
0x69: {  	_ =	shalt  }
0x6a: {  	_ =	shalt  }
0x6b: {  	_ =	shalt  }
0x6c: {  	_ =	shalt  }
0x6d: {  	_ =	shalt  }
0x6e: {  	_ =	shalt  }
0x6f: {  	_ =	shalt  }
0x70: {  	_ =	shalt  }
0x71: {  	_ =	shalt  }
0x72: {  	_ =	shalt  }
0x73: {  	_ =	shalt  }
0x74: {  	_ =	shalt  }
0x75: {  	_ =	shalt  }
0x76: {  	_ =	shalt  }
0x77: {  	_ =	shalt  }
0x78: {  	_ =	shalt  }
0x79: {  	_ =	shalt  }
0x7a: {  	_ =	shalt  }
0x7b: {  	_ =	shalt  }
0x7c: {  	_ =	shalt  }
0x7d: {  	_ =	shalt  }
0x7e: {  	_ =	shalt  }
0x7f: {  	_ =	shalt  }
0x80: {  	_ =	shalt  }
0x81: {  	_ =	shalt  }
0x82: {  	_ =	shalt  }
0x83: {  	_ =	shalt  }
0x84: {  	_ =	shalt  }
0x85: {  	_ =	shalt  }
0x86: {  	_ =	shalt  }
0x87: {  	_ =	shalt  }
.Lfunc_end0:
.L_simem_size_0:
called_computation.1_lowered:
.L_overlay_start_0:
0x88: {  	s2 =	sld [smem:$0x3FD9]  }
0x89: {  	s3 =	sld [smem:$0x3FFE];
	_ =	sdelay $0x1  }
0x8a: {  	s1 =	srdreg.scid  }
0x8b: {  	s0 =	sand.u32 $0x1, s1  }
0x8c: {  	s16 =	sshll.u32 s0, $0xA;
	s2 =	sadd.s32 s3, s2  }
0x8d: {  	s2 =	sadd.s32 s2, s16  }
0x8e: {  	[smem:$0x3FAE] =	sst s2  }
0x8f: {  	_ = 	snop  }
0x90: {  	(tm) =	ssettm $0x1  }
0x91: {  	s17 =	sld [smem:$0x3FFB];
	_ =	sdelay $0x3  }
0x92: {  	_ =	strace s17  }
0x93: {  	s2 =	sld [smem:$0x3FFC];
	_ =	sdelay $0x3  }
0x94: {  	_ =	strace s2  }
0x95: {  	s2 =	sld [smem:$0x3FFD];
	_ =	sdelay $0x3  }
0x96: {  	_ =	strace s2  }
0x97: {  	_ =	strace $0x8FFFFFFF  }
0x98: {  	s18 =	sld [smem:$0x3FDB];
	_ =	sdelay $0x1  }
0x99: {  	s19 =	simm.s32 $_scs_section_size  }
0x9a: {  	s4 =	simm.s32 $_size__tile_overlayer_lowered;
	s5 =	simm.s32 $_tile_overlayer_lowered  }
0x9b: {  	s22 =	simm.s32 $0x1BFF;
	s21 =	sshll.u32 s5, $0x1;
	s2 =	sadd.s32 s19, s18  }
0x9c: {  	s6 =	simm.s32 $0x0;
	s20 =	sshll.u32 s4, $0x1;
	s4 =	sadd.s32 s21, s2  }
0x9d: {  	[timem:s6], [sflag:s22] =	dma.local [hbm:s4], s20  }
0x9e: {  	_ =	swait.ge [sflag:s22], s20  }
0x9f: {  	s3 =	ssub.s32 $0x0, s20;
	[sflag:s22] =	ssyncset.done $0x0  }
0xa0: {  	[sflag:s22] =	ssyncadd.s32 s3;
	_ =	sdelay $0x1  }
0xa1: {  	s23 =	simm.s32 $0x1B8B  }
0xa2: {  	_ =	swait.ge [sflag:s23], $0x1  }
0xa3: {  	[sflag:s23] =	ssyncset.done $0x0  }
0xa4: {  	s25 =	simm.s32 $0x1B8E;
	s24 =	sld [smem:$0x3FFE];
	[sflag:s23] =	ssyncadd.s32 $0xFFFFFFFF  }
0xa5: {  	s26 =	simm.s32 $execute0_lowered;
	[smem:$0x3FD2] =	sst s25  }
0xa6: {  	s4 =	sshll.u32 s26, $0x1;
	_ =	strace $0x80000049;
	[dreg:$0x1] =	wrdreg $0xFFFFFFFF  }
0xa7: {  	s28 =	simm.s32 $_size_execute0_lowered;
	s2 =	sadd.s32 s2, s4;
	[dreg:$0x0] =	wrdreg $0x0  }
0xa8: {  	s4 =	sshll.u32 s28, $0x1;
	[dreg:$0x2] =	wrdreg s2  }
0xa9: {  	[dreg:$0x3] =	wrdreg s4  }
0xaa: {  	[dreg:$0x4] =	wrdreg $0xC0  }
0xab: {  	_ =	task [dreg:s6], $0x5FFFF  }
0xac: {  	[dreg:$0x1] =	wrdreg $0xFFFFFFFF  }
0xad: {  	[dreg:$0x0] =	wrdreg $0x60  }
0xae: {  	[dreg:$0x2] =	wrdreg s24  }
0xaf: {  	[dreg:$0x3] =	wrdreg $0xAC800  }
0xb0: {  	[dreg:$0x4] =	wrdreg $0x9  }
0xb1: {  	_ =	task.clear_ibuf [dreg:s6], $0x5FFFF;
	_ =	strace $0x90000049  }
0xb2: {  	s29 =	simm.s32 $0x9;
	_ =	strace $0x8000004B  }
0xb3: {  	_ =	swait.ge [sflag:s29], $0x1  }
0xb4: {  	[sflag:s29] =	ssyncadd.s32 $0xFFFFFFFF  }
0xb5: {  	_ =	strace $0x9000004B  }
0xb6: {  	_ =	sfence  }
0xb7: {  	s30 =	sld [smem:$0x0];
	_ =	sdelay $0x2  }
0xb8: {  	s31 =	sshll.u32 s1, $0xD;
	s1 =	sshrl.u32 s1, $0x2  }
0xb9: {  	s3 =	sand.u32 $0x4000, s31;
	s1 =	sadd.s32 s1, s30  }
0xba: {  	s0 =	sor.u32 s3, s0;
	s1 =	sshll.u32 s1, $0x11  }
0xbb: {  	s0 =	sor.u32 s1, s0  }
0xbc: {  	s0 =	sadd.s32 $0x8F2B, s0  }
0xbd: {  	[sflag:s0] =	ssyncadd.remote.s32 $0x1  }
0xbe: {  	_ =	sfence.sel $0xFFFF  }
0xbf: {  	[dreg:$0x0] =	wrdreg $0xFFFFFFFF;
	(pc) =	sbr.abs _section_cstart, $3  }
0xc0: {  	[dreg:$0x1] =	wrdreg $0xFFFFFFFF  }
0xc1: {  	_ =	task.clear_ibuf [dreg:s6], $0x2FFFF;
	_ =	strace $0x9FFFFFFF  }
0xc2: {  	(tm) =	ssettm $0x7FFFFFFF  }
0xc3: {  	_ =	shalt  }
tec
execute0_lowered:
.L_overlay_start_1:
0x0: {  	(tag) =	ssettag $0x1  }
0x1: {  	s0 =	srdreg.scid;
	s1 =	rddreg [dreg:$0x0]  }
0x2: {  	s11 =	stileid.u32;
	s2 =	rddreg [dreg:$0x1];
	s28 =	simm.s32 $0xAB00  }
0x3: {  	s29 =	simm.s32 $0x5B00;
	s30 =	simm.s32 $0xAB80;
	s8 =	smul.u32 $0x13C00, s11  }
0x4: {  	s31 =	simm.s32 $0x4;
	s0 =	sand.u32 $0x1, s0;
	s16 =	smul.u32 $0x4F000, s11  }
0x5: {  	s3 =	sshll.u32 s11, $0x1;
	s15 =	sshrl.u32 s11, $0x2;
	s24 =	smul.u32 $0xCA8, s11  }
0x6: {  	s9 =	sadd.s32 $0x6000, s1;
	s5 =	sor.u32 s0, s3;
	s4 =	smul.u32 $0x19800, s15  }
0x7: {  	s3 =	simm.s32 $0x0;
	s7 =	smul.u32 $0x13C000, s0;
	s10 =	ssub.s32 $0x2, s0  }
0x8: {  	p0 =	seq.s32 s0, $0x0;
	s0 =	smul.u32 $0x654, s0;
	s6 =	sshll.u32 s5, $0x7  }
0x9: {  	[smem:$0x7FF] =	sst s3;
	s22 =	smul.u32 $0x32A0, s5;
	s6 =	sand.u32 $0x380, s6  }
0xa: {  	s17 =	sshrl.u32 s10, $0x1;
	s5 =	smul.u32 $0x654, s5;
	s6 =	sor.u32 s4, s6  }
0xb: {  	s26 =	sadd.s32 s24, s9;
	s24 =	simm.s32 $0x3300;
	s6 =	sshrl.u32 s6, $0x3  }
0xc: {  	_ =	strace $0x8000004A;
	s7 =	sadd.s32 s8, s7;
	s6 =	sadd.s32 s6, s1  }
0xd: {  	s8 =	sshrl.u32 s16, $0x2;
	s16 =	simm.s32 $0xC6C0;
	s6 =	sadd.s32 $0x12C00, s6  }
0xe: {  	s0 =	sadd.s32 s0, s26;
	[dreg:$0x3] =	wrdreg s6;
	s6 =	sadd.s32 s8, s2  }
0xf: {  	s26 =	simm.s32 $0x50;
	s4 =	sadd.s32 $0x1F800, s1;
	s8 =	sadd.s32 $0x2800, s6  }
0x10: {  	s7 =	sshrl.u32 s7, $0x3;
	s18 =	sadd.s32 $0x5000, s6;
	[dreg:$0x4] =	wrdreg s8  }
0x11: {  	s14 =	sadd.s32 s9, s5;
	s19 =	sadd.s32 $0x7800, s6;
	[dreg:$0x5] =	wrdreg s18  }
0x12: {  	s16 =	simm.s32 @!p0 $0x6CC0;
	s20 =	sadd.s32 $0xA000, s6;
	[dreg:$0x6] =	wrdreg s19  }
0x13: {  	s5 =	simm.s32 $0x5;
	s21 =	sadd.s32 $0xC800, s6;
	[dreg:$0x7] =	wrdreg s20  }
0x14: {  	s1 =	sadd.s32 s7, s1;
	s23 =	sadd.s32 $0xF000, s6;
	[dreg:$0x8] =	wrdreg s21  }
0x15: {  	s7 =	ssub.s32 s10, s17;
	s13 =	sadd.s32 $0x11800, s6;
	[dreg:$0x9] =	wrdreg s23  }
0x16: {  	s8 =	sshrl.u32 s22, $0x3;
	s18 =	sadd.s32 $0x46A00, s1;
	s19 =	smax.u32 s7, $0x1  }
0x17: {  	s20 =	sadd.s32 $0x32, s0;
	s23 =	simm.s32 $0x7;
	s1 =	simm.s32 $0x8300  }
0x18: {  	s0 =	simm.s32 $0xAC00;
	s21 =	simm.s32 $0x2;
	s22 =	simm.s32 $0x3  }
0x19: {  	s7 =	simm.s32 $0x6;
	s25 =	sadd.s32 s9, s8;
	s8 =	simm.s32 $0x0  }
0x1a: {  	v0 =	vimm.f32 $0.0e+00;
	s15 =	sadd.s32 $0xA, s25;
	s17 =	sadd.s32 $0x14, s25;
	s25 =	simm.s32 $0x1  }
.LBB2_1:
0x1b: {  	s9 =	rddreg [dreg:$0x3];
	s10 =	simm.s32 $0x80;
	s11 =	simm.s32 $0x400  }
0x1c: {  	[tilespmem:s3], [sflag:$0x7] =	stream.strided.gather [hbm4b:s9+s10], $0x3300, s11, s10, $0x38;
	[tilespmem:$0x1E880] =	vst v63  }
0x1d: {  	_ =	swait.ge [sflag:s23], $0x3300  }
0x1e: {  	[sflag:s23] =	ssyncset.done $0x0  }
0x1f: {  	s9 =	simm.s32 $0x0;
	s10 =	simm.s32 $0x200;
	[sflag:s23] =	ssyncadd.s32 $0xFFFFCD00  }
.LBB2_2:
0x20: {  	p0 =	sne.s32 s10, $0x9E00;
	[tilespmem:s9+$0x3370] =	vst v0  }
0x21: {  	[tilespmem:s9+$0x3300] =	vst v0  }
0x22: {  	[tilespmem:s9+$0x3310] =	vst v0  }
.Ltmp0:
0x23: {  	[tilespmem:s9+$0x3320] =	vst v0;
	(pc) =	sbr.rel @p0 .LBB2_2-.Ltmp0, $4  }
0x24: {  	[tilespmem:s9+$0x3330] =	vst v0  }
0x25: {  	[tilespmem:s9+$0x3340] =	vst v0  }
0x26: {  	[tilespmem:s9+$0x3350] =	vst v0  }
0x27: {  	[tilespmem:s9+$0x3360] =	vst v0;
	s9 =	sshra.s32 s10, $0x2;
	s10 =	sadd.s32 $0x200, s10  }
0x28: {  	[tilespmem:s9+$0x3370] =	vst v0  }
0x29: {  	[tilespmem:s9+$0x3300] =	vst v0  }
0x2a: {  	[tilespmem:s9+$0x3310] =	vst v0  }
0x2b: {  	[tilespmem:s9+$0x3320] =	vst v0  }
0x2c: {  	[tilespmem:s9+$0x3330] =	vst v0  }
0x2d: {  	[tilespmem:s9+$0x3340] =	vst v0  }
0x2e: {  	[tilespmem:s9+$0x3350] =	vst v0  }
0x2f: {  	[tilespmem:s9+$0x3360] =	vst v0  }
0x30: {  	[spmem:s6] =	stream.linear.scatter [tilespmem:s24], [sflag:$0x1], $0x2800, $0x38;
	[tilespmem:$0x1E880] =	vst v63  }
0x31: {  	s12 =	rddreg [dreg:$0x4]  }
0x32: {  	[spmem:s12] =	stream.linear.scatter [tilespmem:s24], [sflag:$0x1], $0x2800, $0x38;
	[tilespmem:$0x1E880] =	vst v63  }
0x33: {  	s10 =	rddreg [dreg:$0x5]  }
0x34: {  	[spmem:s10] =	stream.linear.scatter [tilespmem:s24], [sflag:$0x1], $0x2800, $0x38;
	[tilespmem:$0x1E880] =	vst v63  }
0x35: {  	s11 =	rddreg [dreg:$0x6]  }
0x36: {  	[spmem:s11] =	stream.linear.scatter [tilespmem:s24], [sflag:$0x1], $0x2800, $0x38;
	[tilespmem:$0x1E880] =	vst v63  }
0x37: {  	s12 =	rddreg [dreg:$0x7]  }
0x38: {  	[spmem:s12] =	stream.linear.scatter [tilespmem:s24], [sflag:$0x1], $0x2800, $0x38;
	[tilespmem:$0x1E880] =	vst v63  }
0x39: {  	s10 =	rddreg [dreg:$0x8]  }
0x3a: {  	[spmem:s10] =	stream.linear.scatter [tilespmem:s24], [sflag:$0x1], $0x2800, $0x38;
	[tilespmem:$0x1E880] =	vst v63  }
0x3b: {  	s11 =	rddreg [dreg:$0x9]  }
0x3c: {  	[spmem:s11] =	stream.linear.scatter [tilespmem:s24], [sflag:$0x1], $0x2800, $0x38;
	[tilespmem:$0x1E880] =	vst v63  }
0x3d: {  	_ = 	snop  }
0x3e: {  	[spmem:s13] =	stream.linear.scatter [tilespmem:s24], [sflag:$0x1], $0x2400, $0x38;
	[tilespmem:$0x1E880] =	vst v63  }
0x3f: {  	_ =	swait.ge [sflag:s25], $0x2800  }
0x40: {  	[sflag:s25] =	ssyncset.done $0x0  }
0x41: {  	[sflag:s25] =	ssyncadd.s32 $0xFFFFD800  }
0x42: {  	_ =	swait.ge [sflag:s25], $0x2800  }
0x43: {  	[sflag:s25] =	ssyncset.done $0x0  }
0x44: {  	[sflag:s25] =	ssyncadd.s32 $0xFFFFD800  }
0x45: {  	_ =	swait.ge [sflag:s25], $0x2800  }
0x46: {  	[sflag:s25] =	ssyncset.done $0x0  }
0x47: {  	[sflag:s25] =	ssyncadd.s32 $0xFFFFD800  }
0x48: {  	_ =	swait.ge [sflag:s25], $0x2800  }
0x49: {  	[sflag:s25] =	ssyncset.done $0x0  }
0x4a: {  	[sflag:s25] =	ssyncadd.s32 $0xFFFFD800  }
0x4b: {  	_ =	swait.ge [sflag:s25], $0x2800  }
0x4c: {  	[sflag:s25] =	ssyncset.done $0x0  }
0x4d: {  	[sflag:s25] =	ssyncadd.s32 $0xFFFFD800  }
0x4e: {  	_ =	swait.ge [sflag:s25], $0x2800  }
0x4f: {  	[sflag:s25] =	ssyncset.done $0x0  }
0x50: {  	[sflag:s25] =	ssyncadd.s32 $0xFFFFD800  }
0x51: {  	_ =	swait.ge [sflag:s25], $0x2800  }
0x52: {  	[sflag:s25] =	ssyncset.done $0x0  }
0x53: {  	[sflag:s25] =	ssyncadd.s32 $0xFFFFD800  }
0x54: {  	_ =	swait.ge [sflag:s25], $0x2400  }
0x55: {  	[sflag:s25] =	ssyncset.done $0x0  }
0x56: {  	[sflag:s25] =	ssyncadd.s32 $0xFFFFDC00  }
0x57: {  	s12 =	simm.s32 $0x0;
	[bflag:$0x0] =	sbarrier.arrive $0xFFFF  }
0x58: {  	[tilespmem:s24], [sflag:$0x1] =	stream.indirect.gather [hbm4b:s4+s26], $0x80, s12, s26, $0xb8;
	[tilespmem:$0x1E880] =	vst v63  }
0x59: {  	_ = 	snop  }
0x5a: {  	[tilespmem:s28], [sflag:$0x1] =	stream.linear.gather [hbm4b:s14+s12], $0x50, $0x38;
	[tilespmem:$0x1E880] =	vst v63  }
0x5b: {  	_ = 	snop  }
0x5c: {  	[tilespmem:s29], [sflag:$0x2] =	stream.indirect.gather [hbm4b:s4+s26], $0x80, s26, s26, $0xb8;
	[tilespmem:$0x1E880] =	vst v63  }
0x5d: {  	_ = 	snop  }
0x5e: {  	[tilespmem:s30], [sflag:$0x2] =	stream.linear.gather [hbm4b:s15+s12], $0x50, $0x38;
	[tilespmem:$0x1E880] =	vst v63  }
0x5f: {  	s10 =	simm.s32 $0xA0  }
0x60: {  	[tilespmem:s1], [sflag:$0x3] =	stream.indirect.gather [hbm4b:s4+s26], $0x80, s10, s26, $0xb8;
	[tilespmem:$0x1E880] =	vst v63  }
0x61: {  	_ = 	snop  }
0x62: {  	[tilespmem:s0], [sflag:$0x3] =	stream.linear.gather [hbm4b:s17+s12], $0x50, $0x38;
	[tilespmem:$0x1E880] =	vst v63  }
0x63: {  	_ =	swait.ge [sflag:s25], $0x2800  }
0x64: {  	[sflag:s25] =	ssyncset.done $0x0  }
0x65: {  	[sflag:s25] =	ssyncadd.s32 $0xFFFFD800  }
0x66: {  	_ =	swait.ge [sflag:s25], $0x50  }
0x67: {  	[sflag:s25] =	ssyncset.done $0x0  }
0x68: {  	[sflag:s25] =	ssyncadd.s32 $0xFFFFFFB0  }
0x69: {  	[spmem:s2] =	stream.indirect.scatter.add.f32 [tilespmem:s24], [sflag:$0x4], $0x80, s28, s26, $0xb8;
	[tilespmem:$0x1E880] =	vst v63  }
0x6a: {  	_ =	swait.ge [sflag:s21], $0x2800  }
0x6b: {  	[sflag:s21] =	ssyncset.done $0x0  }
0x6c: {  	[sflag:s21] =	ssyncadd.s32 $0xFFFFD800  }
0x6d: {  	_ =	swait.ge [sflag:s21], $0x50  }
0x6e: {  	[sflag:s21] =	ssyncset.done $0x0  }
0x6f: {  	[sflag:s21] =	ssyncadd.s32 $0xFFFFFFB0  }
0x70: {  	[spmem:s2] =	stream.indirect.scatter.add.f32 [tilespmem:s29], [sflag:$0x5], $0x80, s30, s26, $0xb8;
	[tilespmem:$0x1E880] =	vst v63  }
0x71: {  	_ =	swait.ge [sflag:s22], $0x2800  }
0x72: {  	[sflag:s22] =	ssyncset.done $0x0  }
0x73: {  	[sflag:s22] =	ssyncadd.s32 $0xFFFFD800  }
0x74: {  	_ =	swait.ge [sflag:s22], $0x50  }
0x75: {  	[sflag:s22] =	ssyncset.done $0x0  }
0x76: {  	[sflag:s22] =	ssyncadd.s32 $0xFFFFFFB0  }
0x77: {  	[spmem:s2] =	stream.indirect.scatter.add.f32 [tilespmem:s1], [sflag:$0x6], $0x80, s0, s26, $0xb8;
	[tilespmem:$0x1E880] =	vst v63  }
0x78: {  	_ =	swait.ge [sflag:s31], $0x2800  }
0x79: {  	[sflag:s31] =	ssyncset.done $0x0  }
0x7a: {  	s11 =	simm.s32 $0xF0;
	[sflag:s31] =	ssyncadd.s32 $0xFFFFD800  }
0x7b: {  	[tilespmem:s24], [sflag:$0x1] =	stream.indirect.gather [hbm4b:s4+s26], $0x80, s11, s26, $0xb8;
	[tilespmem:$0x1E880] =	vst v63  }
0x7c: {  	s12 =	sadd.s32 $0xFFFFFFEC, s20  }
0x7d: {  	[tilespmem:s28], [sflag:$0x1] =	stream.linear.gather [hbm4b:s12+s3], $0x50, $0x38;
	[tilespmem:$0x1E880] =	vst v63  }
0x7e: {  	_ =	swait.ge [sflag:s5], $0x2800  }
0x7f: {  	[sflag:s5] =	ssyncset.done $0x0  }
0x80: {  	s10 =	simm.s32 $0x140;
	[sflag:s5] =	ssyncadd.s32 $0xFFFFD800  }
0x81: {  	[tilespmem:s29], [sflag:$0x2] =	stream.indirect.gather [hbm4b:s4+s26], $0x80, s10, s26, $0xb8;
	[tilespmem:$0x1E880] =	vst v63  }
0x82: {  	s11 =	sadd.s32 $0xFFFFFFF6, s20  }
0x83: {  	[tilespmem:s30], [sflag:$0x2] =	stream.linear.gather [hbm4b:s11+s3], $0x50, $0x38;
	[tilespmem:$0x1E880] =	vst v63  }
0x84: {  	_ =	swait.ge [sflag:s7], $0x2800  }
0x85: {  	[sflag:s7] =	ssyncset.done $0x0  }
0x86: {  	s12 =	simm.s32 $0x190;
	[sflag:s7] =	ssyncadd.s32 $0xFFFFD800  }
0x87: {  	[tilespmem:s1], [sflag:$0x3] =	stream.indirect.gather [hbm4b:s4+s26], $0x80, s12, s26, $0xb8;
	[tilespmem:$0x1E880] =	vst v63  }
0x88: {  	_ = 	snop  }
0x89: {  	[tilespmem:s0], [sflag:$0x3] =	stream.linear.gather [hbm4b:s20+s3], $0x50, $0x38;
	[tilespmem:$0x1E880] =	vst v63  }
0x8a: {  	_ =	swait.ge [sflag:s25], $0x2800  }
0x8b: {  	[sflag:s25] =	ssyncset.done $0x0  }
0x8c: {  	[sflag:s25] =	ssyncadd.s32 $0xFFFFD800  }
0x8d: {  	_ =	swait.ge [sflag:s25], $0x50  }
0x8e: {  	[sflag:s25] =	ssyncset.done $0x0  }
0x8f: {  	[sflag:s25] =	ssyncadd.s32 $0xFFFFFFB0  }
0x90: {  	[spmem:s2] =	stream.indirect.scatter.add.f32 [tilespmem:s24], [sflag:$0x4], $0x80, s28, s26, $0xb8;
	[tilespmem:$0x1E880] =	vst v63  }
0x91: {  	_ =	swait.ge [sflag:s21], $0x2800  }
0x92: {  	[sflag:s21] =	ssyncset.done $0x0  }
0x93: {  	[sflag:s21] =	ssyncadd.s32 $0xFFFFD800  }
0x94: {  	_ =	swait.ge [sflag:s21], $0x50  }
0x95: {  	[sflag:s21] =	ssyncset.done $0x0  }
0x96: {  	[sflag:s21] =	ssyncadd.s32 $0xFFFFFFB0  }
0x97: {  	[spmem:s2] =	stream.indirect.scatter.add.f32 [tilespmem:s29], [sflag:$0x5], $0x80, s30, s26, $0xb8;
	[tilespmem:$0x1E880] =	vst v63  }
0x98: {  	p0 =	sne.s32 s16, $0x3C0;
	_ =	swait.ge [sflag:s22], $0x2800  }
.Ltmp1:
0x99: {  	[sflag:s22] =	ssyncset.done $0x0;
	(pc) =	sbr.rel @!p0 .LBB2_5-.Ltmp1, $4  }
0x9a: {  	[sflag:s22] =	ssyncadd.s32 $0xFFFFD800  }
0x9b: {  	_ =	swait.ge [sflag:s22], $0x50  }
0x9c: {  	[sflag:s22] =	ssyncset.done $0x0  }
0x9d: {  	s9 =	simm.s32 $0x3C0;
	s10 =	sadd.s32 $0x1E, s20;
	[sflag:s22] =	ssyncadd.s32 $0xFFFFFFB0  }
.LBB2_4:
0x9e: {  	[spmem:s2] =	stream.indirect.scatter.add.f32 [tilespmem:s1], [sflag:$0x6], $0x80, s0, s26, $0xb8;
	[tilespmem:$0x1E880] =	vst v63  }
0x9f: {  	s11 =	smov.u32 s9;
	s9 =	sadd.s32 $0x3C0, s9;
	_ =	swait.ge [sflag:s31], $0x2800  }
0xa0: {  	s11 =	sshra.s32 s11, $0x2;
	p0 =	sne.s32 s16, s9;
	[sflag:s31] =	ssyncset.done $0x0  }
0xa1: {  	s12 =	sadd.s32 $0xF0, s11;
	[sflag:s31] =	ssyncadd.s32 $0xFFFFD800  }
0xa2: {  	[tilespmem:s24], [sflag:$0x1] =	stream.indirect.gather [hbm4b:s4+s26], $0x80, s12, s26, $0xb8;
	[tilespmem:$0x1E880] =	vst v63  }
0xa3: {  	s12 =	sadd.s32 $0xFFFFFFEC, s10  }
0xa4: {  	[tilespmem:s28], [sflag:$0x1] =	stream.linear.gather [hbm4b:s12+s3], $0x50, $0x38;
	[tilespmem:$0x1E880] =	vst v63  }
0xa5: {  	_ =	swait.ge [sflag:s5], $0x2800  }
0xa6: {  	[sflag:s5] =	ssyncset.done $0x0  }
0xa7: {  	s12 =	sadd.s32 $0x140, s11;
	[sflag:s5] =	ssyncadd.s32 $0xFFFFD800  }
0xa8: {  	[tilespmem:s29], [sflag:$0x2] =	stream.indirect.gather [hbm4b:s4+s26], $0x80, s12, s26, $0xb8;
	[tilespmem:$0x1E880] =	vst v63  }
0xa9: {  	s12 =	sadd.s32 $0xFFFFFFF6, s10  }
0xaa: {  	[tilespmem:s30], [sflag:$0x2] =	stream.linear.gather [hbm4b:s12+s3], $0x50, $0x38;
	[tilespmem:$0x1E880] =	vst v63  }
0xab: {  	_ =	swait.ge [sflag:s7], $0x2800  }
0xac: {  	[sflag:s7] =	ssyncset.done $0x0  }
0xad: {  	s11 =	sadd.s32 $0x190, s11;
	[sflag:s7] =	ssyncadd.s32 $0xFFFFD800  }
0xae: {  	[tilespmem:s1], [sflag:$0x3] =	stream.indirect.gather [hbm4b:s4+s26], $0x80, s11, s26, $0xb8;
	[tilespmem:$0x1E880] =	vst v63  }
0xaf: {  	_ = 	snop  }
0xb0: {  	[tilespmem:s0], [sflag:$0x3] =	stream.linear.gather [hbm4b:s10+s3], $0x50, $0x38;
	[tilespmem:$0x1E880] =	vst v63  }
0xb1: {  	_ =	swait.ge [sflag:s25], $0x2800  }
0xb2: {  	[sflag:s25] =	ssyncset.done $0x0  }
0xb3: {  	[sflag:s25] =	ssyncadd.s32 $0xFFFFD800  }
0xb4: {  	_ =	swait.ge [sflag:s25], $0x50  }
0xb5: {  	[sflag:s25] =	ssyncset.done $0x0  }
0xb6: {  	[sflag:s25] =	ssyncadd.s32 $0xFFFFFFB0  }
0xb7: {  	[spmem:s2] =	stream.indirect.scatter.add.f32 [tilespmem:s24], [sflag:$0x4], $0x80, s28, s26, $0xb8;
	[tilespmem:$0x1E880] =	vst v63  }
0xb8: {  	_ =	swait.ge [sflag:s21], $0x2800  }
0xb9: {  	[sflag:s21] =	ssyncset.done $0x0  }
0xba: {  	[sflag:s21] =	ssyncadd.s32 $0xFFFFD800  }
0xbb: {  	_ =	swait.ge [sflag:s21], $0x50  }
0xbc: {  	[sflag:s21] =	ssyncset.done $0x0  }
0xbd: {  	[sflag:s21] =	ssyncadd.s32 $0xFFFFFFB0  }
0xbe: {  	[spmem:s2] =	stream.indirect.scatter.add.f32 [tilespmem:s29], [sflag:$0x5], $0x80, s30, s26, $0xb8;
	[tilespmem:$0x1E880] =	vst v63  }
0xbf: {  	_ =	swait.ge [sflag:s22], $0x2800  }
.Ltmp2:
0xc0: {  	[sflag:s22] =	ssyncset.done $0x0;
	(pc) =	sbr.rel @p0 .LBB2_4-.Ltmp2, $4  }
0xc1: {  	[sflag:s22] =	ssyncadd.s32 $0xFFFFD800  }
0xc2: {  	_ =	swait.ge [sflag:s22], $0x50  }
0xc3: {  	[sflag:s22] =	ssyncset.done $0x0  }
0xc4: {  	s10 =	sadd.s32 $0x1E, s10;
	[sflag:s22] =	ssyncadd.s32 $0xFFFFFFB0  }
.LBB2_5:
0xc5: {  	[spmem:s2] =	stream.indirect.scatter.add.f32 [tilespmem:s1], [sflag:$0x6], $0x80, s0, s26, $0xb8;
	[tilespmem:$0x1E880] =	vst v63  }
0xc6: {  	_ =	swait.ge [sflag:s31], $0x2800  }
0xc7: {  	[sflag:s31] =	ssyncset.done $0x0  }
0xc8: {  	[sflag:s31] =	ssyncadd.s32 $0xFFFFD800  }
0xc9: {  	_ =	swait.ge [sflag:s5], $0x2800  }
0xca: {  	[sflag:s5] =	ssyncset.done $0x0  }
0xcb: {  	[sflag:s5] =	ssyncadd.s32 $0xFFFFD800  }
0xcc: {  	s9 =	stileid.u32;
	_ =	swait.ge [sflag:s7], $0x2800  }
0xcd: {  	s10 =	sshrl.u32 s6, $0x3;
	s8 =	sadd.s32 $0x1, s8;
	[sflag:s7] =	ssyncset.done $0x0  }
0xce: {  	s9 =	sshll.u32 s9, $0x6;
	p0 =	sne.s32 s8, s19;
	[sflag:s7] =	ssyncadd.s32 $0xFFFFD800  }
.Ltmp3:
0xcf: {  	s9 =	sor.u32 $0x1C07, s9;
	[bflag:$0x0] =	sbarrier.arrive $0xFFFF;
	(pc) =	sbr.rel @p0 .LBB2_1-.Ltmp3, $4  }
0xd0: {  	[hbm:s18], [sflag:s9] =	dma.local [spmem:s10], $0x2780  }
0xd1: {  	_ =	swait.ge [sflag:s23], $0x2780  }
0xd2: {  	[sflag:s23] =	ssyncset.done $0x0  }
0xd3: {  	[sflag:s23] =	ssyncadd.s32 $0xFFFFD880  }
0xd4: {  	_ =	sfence.sel $0x180000  }
0xd5: {  	[bflag:$0x0] =	sbarrier.arrive $0xFFFF  }
0xd6: {  	_ =	strace $0x9000004A  }
0xd7: {  	s0 =	stileid.u32;
	[bflag:$0x2] =	sbarrier.arrive $0xFFFF  }
0xd8: {  	p0 =	sne.s32 s0, $0x0;
	s0 =	rddreg [dreg:$0x2]  }
0xd9: {  	s0 =	sadd.s32 @!p0 $0x100000, s0  }
0xda: {  	[sflag:s0] =	ssyncadd.tile.s32 @!p0 $0x1;
	_ =	shalt  }
.Lfunc_end2:
_tile_overlayer_lowered:
.L_overlay_start_2:
0xdb: {  	(tag) =	ssettag $0x2  }
0xdc: {  	s0 =	rddreg [dreg:$0x0];
	s2 =	stileid.u32  }
0xdd: {  	s1 =	rddreg [dreg:$0x1];
	p0 =	sne.s32 s2, $0x0  }
0xde: {  	s3 =	rddreg [dreg:$0x2];
	[bflag:$0x3] =	sbarrier.arrive $0xFFFF;
	s2 =	simm.s32 @!p0 $0x1C07  }
0xdf: {  	[timem:s3], [sflag:s2] =	dma.local @!p0 [hbm:s0], s1  }
0xe0: {  	s0 =	simm.s32 @!p0 $0x7  }
0xe1: {  	_ =	swait.ge @!p0 [sflag:s0], s1  }
0xe2: {  	s1 =	ssub.s32 @!p0 $0x0, s1;
	[sflag:s0] =	ssyncset.done @!p0 $0x0  }
0xe3: {  	[sflag:s0] =	ssyncadd.s32 @!p0 s1  }
0xe4: {  	[bflag:$0x3] =	sbarrier.arrive $0xFFFF  }
0xe5: {  	_ =	shalt  }

// kernel: kernel.14.cloned.1.call-start
scs
__scs_entry_jumppad:
0x0: {  	(pc) =	sbr.rel $0x88, $3  }
0x1: {  	(tag) =	ssettag $0x0;
	lr =	simm.s32 $0x1  }
0x2: {  	[smem:$0x3F87] =	sst lr;
	_ =	strace $0xD0000000  }
0x3: {  	_ = 	snop  }
0x4: {  	_ = 	snop  }
0x5: {  	_ = 	snop  }
0x6: {  	_ = 	snop  }
0x7: {  	_ = 	snop  }
__scs_overlays_trampoline_lowered:
0x8: {  	[smem:$0x3F96] =	sst s0  }
0x9: {  	[smem:$0x3F97] =	sst s1  }
0xa: {  	[smem:$0x3F98] =	sst s2  }
0xb: {  	[smem:$0x3F99] =	sst s3  }
0xc: {  	[smem:$0x3F9A] =	sst s4  }
0xd: {  	[smem:$0x3F9B] =	sst s5  }
0xe: {  	[smem:$0x3F9C] =	sst s6  }
0xf: {  	[smem:$0x3F9D] =	sst s7  }
0x10: {  	[smem:$0x3F9E] =	sst s8  }
0x11: {  	[smem:$0x3F9F] =	sst s9;
	s0 =	simm.s32 @!p0 $0x0  }
0x12: {  	s1 =	sld [smem:$0x3F85];
	s0 =	simm.s32 @p0 $0x1  }
0x13: {  	[smem:$0x3FA0] =	sst s0;
	s0 =	simm.s32 @!p1 $0x0  }
0x14: {  	s2 =	sld [smem:$0x3F84];
	s0 =	simm.s32 @p1 $0x1  }
0x15: {  	[smem:$0x3FA1] =	sst s0;
	s0 =	simm.s32 @!p2 $0x0  }
0x16: {  	s3 =	sld [smem:$0x3FDB];
	s0 =	simm.s32 @p2 $0x1  }
0x17: {  	s4 =	simm.s32 $0x1BF5;
	[smem:$0x3FA3] =	sst s0  }
0x18: {  	s0 =	sld [smem:$0x3F86];
	_ =	swait.ge [sflag:s4], $0x0  }
0x19: {  	s7 =	sld [smem:$0x3F87]  }
0x1a: {  	s8 =	sadd.s32 $0xFFFFE003, lr  }
0x1b: {  	s9 =	sadd.s32 $0xFFFFFEF7, lr;
	s5 =	simm.s32 $0xFFFFFFFF;
	p2 =	slt.u32 s8, $0xFFFFF086  }
0x1c: {  	p1 =	slt.u32 s9, $0xF7A;
	s5 =	simm.s32 @!p2 $0x0  }
0x1d: {  	s5 =	simm.s32 @p1 $0x1;
	p0 =	seq.s32 s7, s2  }
0x1e: {  	s7 =	smul.u32 @!p0 $0xF7A, s2;
	p2 =	seq.s32 @!p0 s5, $0x0  }
0x1f: {  	s9 =	smul.u32 $0xF7A, s1;
	s8 =	simm.s32 @!p0 $0x1BF5;
	p2 =	por !p2, p0  }
0x20: {  	[sflag:s8] =	ssyncset.s32 @!p0 $0xFFFFF086;
	s6 =	sadd.s32 @!p0 s3, s7;
	s7 =	simm.s32 @!p0 $0x108  }
0x21: {  	s3 =	sadd.s32 s3, s9;
	s6 =	sadd.s32 @!p0 $0x88, s6;
	s7 =	simm.s32 @p2 $0x1082  }
0x22: {  	[simem:s7], [sflag:s8] =	dma.local @!p0 [hbm:s6], $0xF7A  }
0x23: {  	s9 =	sor.u32 $0xD0000000, s2;
	s6 =	simm.s32 $0x108;
	_ =	swait.ge @!p0 [sflag:s8], $0x0  }
0x24: {  	s3 =	sadd.s32 $0x88, s3;
	s6 =	simm.s32 @!p1 $0x1082;
	[sflag:s4] =	ssyncset.s32 $0xFFFFF086  }
0x25: {  	[simem:s6], [sflag:s4] =	dma.local [hbm:s3], $0xF7A  }
0x26: {  	[smem:$0x3F87] =	sst s1;
	(tag) =	ssettag s2;
	_ =	strace s9  }
0x27: {  	s1 =	sld [smem:$0x3F97]  }
0x28: {  	s2 =	sld [smem:$0x3F98]  }
0x29: {  	s4 =	sld [smem:$0x3F9A]  }
0x2a: {  	p0 =	seq.s32 s5, $0x0;
	s5 =	sld [smem:$0x3F9B]  }
0x2b: {  	s6 =	sld [smem:$0x3F9C]  }
0x2c: {  	s7 =	sld [smem:$0x3F9D]  }
0x2d: {  	s3 =	simm.s32 $0x108;
	s8 =	sld [smem:$0x3F9E]  }
0x2e: {  	s3 =	simm.s32 @!p0 $0x1082;
	s9 =	sld [smem:$0x3F9F]  }
0x2f: {  	lr =	sadd.s32 s0, s3;
	s0 =	sld [smem:$0x3F96]  }
0x30: {  	s3 =	sld [smem:$0x3F99]  }
0x31: {  	[smem:$0x3FA2] =	sst s10  }
0x32: {  	s10 =	sld [smem:$0x3FA0];
	_ =	sdelay $0x3  }
0x33: {  	p0 =	seq.s32 s10, $0x1;
	s10 =	sld [smem:$0x3FA2];
	_ =	sdelay $0x3  }
0x34: {  	[smem:$0x3FA2] =	sst s10  }
0x35: {  	s10 =	sld [smem:$0x3FA1];
	_ =	sdelay $0x3  }
0x36: {  	p1 =	seq.s32 s10, $0x1;
	s10 =	sld [smem:$0x3FA2];
	_ =	sdelay $0x3  }
0x37: {  	[smem:$0x3FA2] =	sst s10  }
0x38: {  	s10 =	sld [smem:$0x3FA3]  }
0x39: {  	_ = 	snop;
	(pc) =	sbr.ind lr, $3  }
0x3a: {  	_ = 	snop  }
0x3b: {  	_ = 	snop  }
0x3c: {  	p2 =	seq.s32 s10, $0x1;
	s10 =	sld [smem:$0x3FA2]  }
0x3d: {  	_ =	shalt  }
0x3e: {  	_ =	shalt  }
0x3f: {  	_ =	shalt  }
0x40: {  	_ =	shalt  }
0x41: {  	_ =	shalt  }
0x42: {  	_ =	shalt  }
0x43: {  	_ =	shalt  }
0x44: {  	_ =	shalt  }
0x45: {  	_ =	shalt  }
0x46: {  	_ =	shalt  }
0x47: {  	_ =	shalt  }
0x48: {  	_ =	shalt  }
0x49: {  	_ =	shalt  }
0x4a: {  	_ =	shalt  }
0x4b: {  	_ =	shalt  }
0x4c: {  	_ =	shalt  }
0x4d: {  	_ =	shalt  }
0x4e: {  	_ =	shalt  }
0x4f: {  	_ =	shalt  }
0x50: {  	_ =	shalt  }
0x51: {  	_ =	shalt  }
0x52: {  	_ =	shalt  }
0x53: {  	_ =	shalt  }
0x54: {  	_ =	shalt  }
0x55: {  	_ =	shalt  }
0x56: {  	_ =	shalt  }
0x57: {  	_ =	shalt  }
0x58: {  	_ =	shalt  }
0x59: {  	_ =	shalt  }
0x5a: {  	_ =	shalt  }
0x5b: {  	_ =	shalt  }
0x5c: {  	_ =	shalt  }
0x5d: {  	_ =	shalt  }
0x5e: {  	_ =	shalt  }
0x5f: {  	_ =	shalt  }
0x60: {  	_ =	shalt  }
0x61: {  	_ =	shalt  }
0x62: {  	_ =	shalt  }
0x63: {  	_ =	shalt  }
0x64: {  	_ =	shalt  }
0x65: {  	_ =	shalt  }
0x66: {  	_ =	shalt  }
0x67: {  	_ =	shalt  }
0x68: {  	_ =	shalt  }
0x69: {  	_ =	shalt  }
0x6a: {  	_ =	shalt  }
0x6b: {  	_ =	shalt  }
0x6c: {  	_ =	shalt  }
0x6d: {  	_ =	shalt  }
0x6e: {  	_ =	shalt  }
0x6f: {  	_ =	shalt  }
0x70: {  	_ =	shalt  }
0x71: {  	_ =	shalt  }
0x72: {  	_ =	shalt  }
0x73: {  	_ =	shalt  }
0x74: {  	_ =	shalt  }
0x75: {  	_ =	shalt  }
0x76: {  	_ =	shalt  }
0x77: {  	_ =	shalt  }
0x78: {  	_ =	shalt  }
0x79: {  	_ =	shalt  }
0x7a: {  	_ =	shalt  }
0x7b: {  	_ =	shalt  }
0x7c: {  	_ =	shalt  }
0x7d: {  	_ =	shalt  }
0x7e: {  	_ =	shalt  }
0x7f: {  	_ =	shalt  }
0x80: {  	_ =	shalt  }
0x81: {  	_ =	shalt  }
0x82: {  	_ =	shalt  }
0x83: {  	_ =	shalt  }
0x84: {  	_ =	shalt  }
0x85: {  	_ =	shalt  }
0x86: {  	_ =	shalt  }
0x87: {  	_ =	shalt  }
.Lfunc_end0:
.L_simem_size_0:
called_computation.2_lowered:
.L_overlay_start_0:
0x88: {  	s2 =	sld [smem:$0x3FD9]  }
0x89: {  	s3 =	sld [smem:$0x3FFE];
	_ =	sdelay $0x1  }
0x8a: {  	s1 =	srdreg.scid  }
0x8b: {  	s0 =	sand.u32 $0x1, s1  }
0x8c: {  	s17 =	sshll.u32 s0, $0xA;
	s2 =	sadd.s32 s3, s2  }
0x8d: {  	s2 =	sadd.s32 s2, s17  }
0x8e: {  	[smem:$0x3FAE] =	sst s2  }
0x8f: {  	_ = 	snop  }
0x90: {  	s2 =	sld [smem:$0x3FD0];
	(tm) =	ssettm $0x1  }
0x91: {  	s18 =	sld [smem:$0x3FFB];
	_ =	sdelay $0x3  }
0x92: {  	_ =	strace s18  }
0x93: {  	s3 =	sld [smem:$0x3FFC];
	_ =	sdelay $0x3  }
0x94: {  	_ =	strace s3  }
0x95: {  	s3 =	sld [smem:$0x3FFD];
	_ =	sdelay $0x3  }
0x96: {  	_ =	strace s3  }
0x97: {  	_ =	strace $0x8FFFFFFF  }
0x98: {  	s19 =	sld [smem:$0x3FDB];
	_ =	sdelay $0x1  }
0x99: {  	s4 =	simm.s32 $_scs_section_size  }
0x9a: {  	s5 =	simm.s32 $_size__tile_overlayer_lowered;
	s6 =	simm.s32 $_tile_overlayer_lowered  }
0x9b: {  	s22 =	simm.s32 $0x1BFF;
	s21 =	sshll.u32 s6, $0x1;
	s3 =	sadd.s32 s4, s19  }
0x9c: {  	s7 =	simm.s32 $0x0;
	s20 =	sshll.u32 s5, $0x1;
	s5 =	sadd.s32 s21, s3  }
0x9d: {  	[timem:s7], [sflag:s22] =	dma.local [hbm:s5], s20  }
0x9e: {  	_ =	swait.ge [sflag:s22], s20  }
0x9f: {  	s4 =	ssub.s32 $0x0, s20;
	[sflag:s22] =	ssyncset.done $0x0  }
0xa0: {  	[sflag:s22] =	ssyncadd.s32 s4;
	_ =	sdelay $0x1  }
0xa1: {  	s23 =	simm.s32 $0x1B8B  }
0xa2: {  	_ =	swait.ge [sflag:s23], $0x1  }
0xa3: {  	[sflag:s23] =	ssyncset.done $0x0  }
0xa4: {  	s25 =	simm.s32 $0x1B8E;
	s24 =	sld [smem:$0x3FFE];
	[sflag:s23] =	ssyncadd.s32 $0xFFFFFFFF  }
0xa5: {  	s26 =	simm.s32 $execute0_lowered;
	[smem:$0x3FD2] =	sst s25  }
0xa6: {  	s5 =	sshll.u32 s26, $0x1;
	_ =	strace $0x8000004C;
	[dreg:$0x1] =	wrdreg $0xFFFFFFFF  }
0xa7: {  	s28 =	simm.s32 $_size_execute0_lowered;
	s3 =	sadd.s32 s3, s5;
	[dreg:$0x0] =	wrdreg $0x0  }
0xa8: {  	s5 =	sshll.u32 s28, $0x1;
	[dreg:$0x2] =	wrdreg s3  }
0xa9: {  	[dreg:$0x3] =	wrdreg s5  }
0xaa: {  	[dreg:$0x4] =	wrdreg $0xC0  }
0xab: {  	_ =	task [dreg:s7], $0x5FFFF  }
0xac: {  	[dreg:$0x1] =	wrdreg $0xFFFFFFFF  }
0xad: {  	[dreg:$0x0] =	wrdreg $0x60  }
0xae: {  	[dreg:$0x2] =	wrdreg s24  }
0xaf: {  	[dreg:$0x3] =	wrdreg s2  }
0xb0: {  	[dreg:$0x4] =	wrdreg $0xAD800  }
0xb1: {  	[dreg:$0x5] =	wrdreg $0x9  }
0xb2: {  	_ =	task.clear_ibuf [dreg:s7], $0x6FFFF;
	_ =	strace $0x9000004C  }
0xb3: {  	s29 =	simm.s32 $0x9;
	_ =	strace $0x8000004E  }
0xb4: {  	_ =	swait.ge [sflag:s29], $0x1  }
0xb5: {  	[sflag:s29] =	ssyncadd.s32 $0xFFFFFFFF  }
0xb6: {  	_ =	strace $0x9000004E  }
0xb7: {  	_ =	sfence  }
0xb8: {  	s30 =	sld [smem:$0x0];
	_ =	sdelay $0x2  }
0xb9: {  	s31 =	sshll.u32 s1, $0xD;
	s1 =	sshrl.u32 s1, $0x2  }
0xba: {  	s3 =	sand.u32 $0x4000, s31;
	s1 =	sadd.s32 s1, s30  }
0xbb: {  	s0 =	sor.u32 s3, s0;
	s1 =	sshll.u32 s1, $0x11  }
0xbc: {  	s0 =	sor.u32 s1, s0  }
0xbd: {  	s0 =	sadd.s32 $0x8F2B, s0  }
0xbe: {  	[sflag:s0] =	ssyncadd.remote.s32 $0x1  }
0xbf: {  	_ =	sfence.sel $0xFFFF  }
0xc0: {  	[dreg:$0x0] =	wrdreg $0xFFFFFFFF;
	(pc) =	sbr.abs _section_cstart, $3  }
0xc1: {  	[dreg:$0x1] =	wrdreg $0xFFFFFFFF  }
0xc2: {  	_ =	task.clear_ibuf [dreg:s7], $0x2FFFF;
	_ =	strace $0x9FFFFFFF  }
0xc3: {  	(tm) =	ssettm $0x7FFFFFFF  }
tec
execute0_lowered:
.L_overlay_start_1:
0x0: {  	(tag) =	ssettag $0x1  }
0x1: {  	s0 =	srdreg.scid  }
0x2: {  	s12 =	stileid.u32;
	s2 =	rddreg [dreg:$0x0]  }
0x3: {  	s17 =	simm.s32 $0x7;
	s18 =	simm.s32 $0xB700;
	s28 =	simm.s32 $0x8400  }
0x4: {  	s29 =	simm.s32 $0xAD00;
	s30 =	simm.s32 $0x1;
	s31 =	simm.s32 $0xB580  }
0x5: {  	s15 =	simm.s32 $0xB680;
	s16 =	simm.s32 $0x4;
	s0 =	sand.u32 $0x1, s0  }
0x6: {  	s1 =	sshll.u32 s12, $0x1;
	s3 =	sshrl.u32 s12, $0x2;
	s7 =	sadd.s32 $0x96400, s2  }
0x7: {  	s8 =	sadd.s32 $0x95A00, s2;
	s9 =	sshll.u32 s12, $0x8;
	s21 =	sshll.u32 s12, $0xB  }
0x8: {  	s24 =	smul.u32 $0xCE4, s12;
	s26 =	sshll.u32 s12, $0x6;
	s1 =	sor.u32 s0, s1  }
0x9: {  	s5 =	smul.u32 $0x1A000, s3;
	s3 =	rddreg [dreg:$0x2];
	s20 =	ssub.s32 $0x2, s0  }
0xa: {  	p0 =	seq.s32 s0, $0x0;
	s25 =	sshll.u32 s0, $0xC;
	s0 =	smul.u32 $0x672, s0  }
0xb: {  	s19 =	sor.u32 $0x1C07, s26;
	s4 =	sshll.u32 s1, $0x7;
	s11 =	smul.u32 $0x3390, s1  }
0xc: {  	s26 =	simm.s32 $0x5;
	s1 =	smul.u32 $0x672, s1;
	s6 =	sand.u32 $0x380, s4  }
0xd: {  	s10 =	sshrl.u32 s20, $0x1;
	s4 =	simm.s32 $0x0;
	s5 =	sor.u32 s5, s6  }
0xe: {  	[smem:$0x7FF] =	sst s4;
	s22 =	sshrl.u32 s11, $0x3;
	s1 =	sadd.s32 s7, s1  }
0xf: {  	s11 =	simm.s32 $0xCA80;
	s6 =	sshrl.u32 s5, $0x3;
	_ =	strace $0x8000004D  }
0x10: {  	s5 =	sadd.s32 $0x6000, s2;
	[dreg:$0x4] =	wrdreg s8;
	s8 =	ssub.s32 s20, s10  }
0x11: {  	[dreg:$0x6] =	wrdreg s1;
	s1 =	sadd.s32 s24, s7;
	s11 =	simm.s32 @!p0 $0x7080  }
0x12: {  	s24 =	simm.s32 $0x5C00;
	s6 =	sadd.s32 s6, s2;
	s2 =	sadd.s32 s9, s2  }
0x13: {  	s9 =	sadd.s32 s7, s22;
	s0 =	sadd.s32 s0, s1;
	s13 =	smax.u32 s8, $0x1  }
0x14: {  	s22 =	simm.s32 $0x3400;
	s1 =	simm.s32 $0x2;
	s7 =	simm.s32 $0x0  }
0x15: {  	s6 =	sadd.s32 $0xA3400, s6;
	s23 =	sadd.s32 $0xA, s9;
	s9 =	sadd.s32 $0x14, s9  }
0x16: {  	s2 =	sadd.s32 s25, s2;
	s8 =	sadd.s32 $0x32, s0;
	[dreg:$0x5] =	wrdreg s6  }
0x17: {  	s25 =	simm.s32 $0xAC80;
	s0 =	simm.s32 $0xB600;
	[dreg:$0x7] =	wrdreg s23  }
0x18: {  	s6 =	sadd.s32 s21, s3;
	[dreg:$0x8] =	wrdreg s9;
	s2 =	sadd.s32 $0x2D200, s2  }
0x19: {  	s21 =	simm.s32 $0x50;
	s23 =	simm.s32 $0xAC00;
	[dreg:$0x9] =	wrdreg s2  }
0x1a: {  	s20 =	sshrl.u32 s6, $0x3;
	s2 =	simm.s32 $0x3;
	s6 =	simm.s32 $0x6  }
.LBB2_1:
0x1b: {  	s9 =	rddreg [dreg:$0x5];
	s10 =	simm.s32 $0x80;
	s12 =	simm.s32 $0x400  }
0x1c: {  	[tilespmem:s4], [sflag:$0x7] =	stream.strided.gather [hbm4b:s9+s10], $0x3400, s12, s10, $0x38;
	[tilespmem:$0x10580] =	vst v63  }
0x1d: {  	_ =	swait.ge [sflag:s17], $0x3400  }
0x1e: {  	[sflag:s17] =	ssyncset.done $0x0  }
0x1f: {  	s10 =	rddreg [dreg:$0x4];
	[sflag:s17] =	ssyncadd.s32 $0xFFFFCC00  }
0x20: {  	[tilespmem:s18], [sflag:$0x7] =	stream.linear.gather [hbm4b:s10+s4], $0x4E80, $0x38;
	[tilespmem:$0x10580] =	vst v63  }
0x21: {  	_ =	swait.ge [sflag:s17], $0x4E80  }
0x22: {  	[sflag:s17] =	ssyncset.done $0x0  }
0x23: {  	[sflag:s17] =	ssyncadd.s32 $0xFFFFB180  }
0x24: {  	s12 =	rddreg [dreg:$0x1]  }
0x25: {  	[spmem:s20], [sflag:s19] =	dma.local [hbm:s12], $0x100  }
0x26: {  	_ =	swait.ge [sflag:s17], $0x100  }
0x27: {  	[sflag:s17] =	ssyncset.done $0x0  }
0x28: {  	[sflag:s17] =	ssyncadd.s32 $0xFFFFFF00  }
0x29: {  	[bflag:$0x0] =	sbarrier.arrive $0xFFFF  }
0x2a: {  	[tilespmem:s22], [sflag:$0x1] =	stream.indirect.gather [hbm4b:s5+s21], $0x80, s4, s21, $0xb8;
	[tilespmem:$0x10580] =	vst v63  }
0x2b: {  	s14 =	rddreg [dreg:$0x6]  }
0x2c: {  	[tilespmem:s23], [sflag:$0x1] =	stream.linear.gather [hbm4b:s14+s4], $0x50, $0x38;
	[tilespmem:$0x10580] =	vst v63  }
0x2d: {  	_ = 	snop  }
0x2e: {  	[tilespmem:s24], [sflag:$0x2] =	stream.indirect.gather [hbm4b:s5+s21], $0x80, s21, s21, $0xb8;
	[tilespmem:$0x10580] =	vst v63  }
0x2f: {  	s10 =	rddreg [dreg:$0x7]  }
0x30: {  	[tilespmem:s25], [sflag:$0x2] =	stream.linear.gather [hbm4b:s10+s4], $0x50, $0x38;
	[tilespmem:$0x10580] =	vst v63  }
0x31: {  	s12 =	simm.s32 $0xA0  }
0x32: {  	[tilespmem:s28], [sflag:$0x3] =	stream.indirect.gather [hbm4b:s5+s21], $0x80, s12, s21, $0xb8;
	[tilespmem:$0x10580] =	vst v63  }
0x33: {  	s14 =	rddreg [dreg:$0x8]  }
0x34: {  	[tilespmem:s29], [sflag:$0x3] =	stream.linear.gather [hbm4b:s14+s4], $0x50, $0x38;
	[tilespmem:$0x10580] =	vst v63  }
0x35: {  	_ =	swait.ge [sflag:s30], $0x2800  }
0x36: {  	[sflag:s30] =	ssyncset.done $0x0  }
0x37: {  	[sflag:s30] =	ssyncadd.s32 $0xFFFFD800  }
0x38: {  	_ =	swait.ge [sflag:s30], $0x50  }
0x39: {  	[sflag:s30] =	ssyncset.done $0x0  }
0x3a: {  	[sflag:s30] =	ssyncadd.s32 $0xFFFFFFB0  }
0x3b: {  	v0 =	vld [tilespmem:$0xAC00];
	_ =	sdelay $0x5  }
0x3c: {  	v1 =	vld [tilespmem:$0xAC10];
	_ =	sdelay $0x1  }
0x3d: {  	v0 =	vld.idx.msk [tilespmem:v0+s18+$0x0], $0xffff;
	_ =	sdelay $0x3  }
0x3e: {  	v2 =	vld [tilespmem:$0xAC20]  }
0x3f: {  	[tilespmem:$0xB580] =	vst v0  }
0x40: {  	v0 =	vld.idx.msk [tilespmem:v1+s18+$0x0], $0xffff;
	_ =	sdelay $0x3  }
0x41: {  	v52 =	vld [tilespmem:$0xAC30]  }
0x42: {  	[tilespmem:$0xB590] =	vst v0  }
0x43: {  	v0 =	vld.idx.msk [tilespmem:v2+s18+$0x0], $0xffff;
	_ =	sdelay $0x3  }
0x44: {  	v53 =	vld [tilespmem:$0xAC40]  }
0x45: {  	[tilespmem:$0xB5A0] =	vst v0  }
0x46: {  	v0 =	vld.idx.msk [tilespmem:v52+s18+$0x0], $0xffff;
	_ =	sdelay $0x4  }
0x47: {  	[tilespmem:$0xB5B0] =	vst v0  }
0x48: {  	v0 =	vld.idx.msk [tilespmem:v53+s18+$0x0], $0xffff;
	_ =	sdelay $0x4  }
0x49: {  	[tilespmem:$0xB5C0] =	vst v0  }
0x4a: {  	[spmem:s3] =	stream.indirect.scatter.add.f32 [tilespmem:s22], [sflag:$0x4], $0x80, s31, s21, $0xb8;
	[tilespmem:$0x10580] =	vst v63  }
0x4b: {  	_ =	swait.ge [sflag:s1], $0x2800  }
0x4c: {  	[sflag:s1] =	ssyncset.done $0x0  }
0x4d: {  	[sflag:s1] =	ssyncadd.s32 $0xFFFFD800  }
0x4e: {  	_ =	swait.ge [sflag:s1], $0x50  }
0x4f: {  	[sflag:s1] =	ssyncset.done $0x0  }
0x50: {  	[sflag:s1] =	ssyncadd.s32 $0xFFFFFFB0  }
0x51: {  	v54 =	vld [tilespmem:$0xAC80];
	_ =	sdelay $0x5  }
0x52: {  	v55 =	vld [tilespmem:$0xAC90];
	_ =	sdelay $0x1  }
0x53: {  	v0 =	vld.idx.msk [tilespmem:v54+s18+$0x0], $0xffff;
	_ =	sdelay $0x3  }
0x54: {  	v56 =	vld [tilespmem:$0xACA0]  }
0x55: {  	[tilespmem:$0xB600] =	vst v0  }
0x56: {  	v0 =	vld.idx.msk [tilespmem:v55+s18+$0x0], $0xffff;
	_ =	sdelay $0x3  }
0x57: {  	v57 =	vld [tilespmem:$0xACB0]  }
0x58: {  	[tilespmem:$0xB610] =	vst v0  }
0x59: {  	v0 =	vld.idx.msk [tilespmem:v56+s18+$0x0], $0xffff;
	_ =	sdelay $0x3  }
0x5a: {  	v58 =	vld [tilespmem:$0xACC0]  }
0x5b: {  	[tilespmem:$0xB620] =	vst v0  }
0x5c: {  	v0 =	vld.idx.msk [tilespmem:v57+s18+$0x0], $0xffff;
	_ =	sdelay $0x4  }
0x5d: {  	[tilespmem:$0xB630] =	vst v0  }
0x5e: {  	v0 =	vld.idx.msk [tilespmem:v58+s18+$0x0], $0xffff;
	_ =	sdelay $0x4  }
0x5f: {  	[tilespmem:$0xB640] =	vst v0  }
0x60: {  	[spmem:s3] =	stream.indirect.scatter.add.f32 [tilespmem:s24], [sflag:$0x5], $0x80, s0, s21, $0xb8;
	[tilespmem:$0x10580] =	vst v63  }
0x61: {  	_ =	swait.ge [sflag:s2], $0x2800  }
0x62: {  	[sflag:s2] =	ssyncset.done $0x0  }
0x63: {  	[sflag:s2] =	ssyncadd.s32 $0xFFFFD800  }
0x64: {  	_ =	swait.ge [sflag:s2], $0x50  }
0x65: {  	[sflag:s2] =	ssyncset.done $0x0  }
0x66: {  	[sflag:s2] =	ssyncadd.s32 $0xFFFFFFB0  }
0x67: {  	v59 =	vld [tilespmem:$0xAD00];
	_ =	sdelay $0x5  }
0x68: {  	v60 =	vld [tilespmem:$0xAD10];
	_ =	sdelay $0x1  }
0x69: {  	v0 =	vld.idx.msk [tilespmem:v59+s18+$0x0], $0xffff;
	_ =	sdelay $0x3  }
0x6a: {  	v61 =	vld [tilespmem:$0xAD20]  }
0x6b: {  	[tilespmem:$0xB680] =	vst v0  }
0x6c: {  	v0 =	vld.idx.msk [tilespmem:v60+s18+$0x0], $0xffff;
	_ =	sdelay $0x3  }
0x6d: {  	v62 =	vld [tilespmem:$0xAD30]  }
0x6e: {  	[tilespmem:$0xB690] =	vst v0  }
0x6f: {  	v0 =	vld.idx.msk [tilespmem:v61+s18+$0x0], $0xffff;
	_ =	sdelay $0x3  }
0x70: {  	v63 =	vld [tilespmem:$0xAD40]  }
0x71: {  	[tilespmem:$0xB6A0] =	vst v0  }
0x72: {  	v0 =	vld.idx.msk [tilespmem:v62+s18+$0x0], $0xffff;
	_ =	sdelay $0x4  }
0x73: {  	[tilespmem:$0xB6B0] =	vst v0  }
0x74: {  	v0 =	vld.idx.msk [tilespmem:v63+s18+$0x0], $0xffff;
	_ =	sdelay $0x4  }
0x75: {  	s9 =	simm.s32 $0x0;
	s14 =	smov.u32 s8;
	[tilespmem:$0xB6C0] =	vst v0  }
0x76: {  	[spmem:s3] =	stream.indirect.scatter.add.f32 [tilespmem:s28], [sflag:$0x6], $0x80, s15, s21, $0xb8;
	[tilespmem:$0x10580] =	vst v63  }
.LBB2_2:
0x77: {  	_ =	swait.ge [sflag:s16], $0x2800  }
0x78: {  	s10 =	sshra.s32 s9, $0x2;
	[sflag:s16] =	ssyncset.done $0x0  }
0x79: {  	s12 =	sadd.s32 $0xF0, s10;
	[sflag:s16] =	ssyncadd.s32 $0xFFFFD800  }
0x7a: {  	[tilespmem:s22], [sflag:$0x1] =	stream.indirect.gather [hbm4b:s5+s21], $0x80, s12, s21, $0xb8;
	[tilespmem:$0x10580] =	vst v63  }
0x7b: {  	s12 =	sadd.s32 $0xFFFFFFEC, s14  }
0x7c: {  	[tilespmem:s23], [sflag:$0x1] =	stream.linear.gather [hbm4b:s12+s4], $0x50, $0x38;
	[tilespmem:$0x10580] =	vst v63  }
0x7d: {  	_ =	swait.ge [sflag:s26], $0x2800  }
0x7e: {  	[sflag:s26] =	ssyncset.done $0x0  }
0x7f: {  	s12 =	sadd.s32 $0x140, s10;
	[sflag:s26] =	ssyncadd.s32 $0xFFFFD800  }
0x80: {  	[tilespmem:s24], [sflag:$0x2] =	stream.indirect.gather [hbm4b:s5+s21], $0x80, s12, s21, $0xb8;
	[tilespmem:$0x10580] =	vst v63  }
0x81: {  	s12 =	sadd.s32 $0xFFFFFFF6, s14  }
0x82: {  	[tilespmem:s25], [sflag:$0x2] =	stream.linear.gather [hbm4b:s12+s4], $0x50, $0x38;
	[tilespmem:$0x10580] =	vst v63  }
0x83: {  	_ =	swait.ge [sflag:s6], $0x2800  }
0x84: {  	[sflag:s6] =	ssyncset.done $0x0  }
0x85: {  	s10 =	sadd.s32 $0x190, s10;
	[sflag:s6] =	ssyncadd.s32 $0xFFFFD800  }
0x86: {  	[tilespmem:s28], [sflag:$0x3] =	stream.indirect.gather [hbm4b:s5+s21], $0x80, s10, s21, $0xb8;
	[tilespmem:$0x10580] =	vst v63  }
0x87: {  	_ = 	snop  }
0x88: {  	[tilespmem:s29], [sflag:$0x3] =	stream.linear.gather [hbm4b:s14+s4], $0x50, $0x38;
	[tilespmem:$0x10580] =	vst v63  }
0x89: {  	_ =	swait.ge [sflag:s30], $0x2800  }
0x8a: {  	[sflag:s30] =	ssyncset.done $0x0  }
0x8b: {  	[sflag:s30] =	ssyncadd.s32 $0xFFFFD800  }
0x8c: {  	_ =	swait.ge [sflag:s30], $0x50  }
0x8d: {  	[sflag:s30] =	ssyncset.done $0x0  }
0x8e: {  	[sflag:s30] =	ssyncadd.s32 $0xFFFFFFB0  }
0x8f: {  	v0 =	vld [tilespmem:$0xAC00];
	_ =	sdelay $0x5  }
0x90: {  	v1 =	vld [tilespmem:$0xAC10];
	_ =	sdelay $0x1  }
0x91: {  	v0 =	vld.idx.msk [tilespmem:v0+s18+$0x0], $0xffff;
	_ =	sdelay $0x3  }
0x92: {  	v2 =	vld [tilespmem:$0xAC20]  }
0x93: {  	[tilespmem:$0xB580] =	vst v0  }
0x94: {  	v0 =	vld.idx.msk [tilespmem:v1+s18+$0x0], $0xffff;
	_ =	sdelay $0x3  }
0x95: {  	v52 =	vld [tilespmem:$0xAC30]  }
0x96: {  	[tilespmem:$0xB590] =	vst v0  }
0x97: {  	v0 =	vld.idx.msk [tilespmem:v2+s18+$0x0], $0xffff;
	_ =	sdelay $0x3  }
0x98: {  	v53 =	vld [tilespmem:$0xAC40]  }
0x99: {  	[tilespmem:$0xB5A0] =	vst v0  }
0x9a: {  	v0 =	vld.idx.msk [tilespmem:v52+s18+$0x0], $0xffff;
	_ =	sdelay $0x4  }
0x9b: {  	[tilespmem:$0xB5B0] =	vst v0  }
0x9c: {  	v0 =	vld.idx.msk [tilespmem:v53+s18+$0x0], $0xffff;
	_ =	sdelay $0x4  }
0x9d: {  	[tilespmem:$0xB5C0] =	vst v0  }
0x9e: {  	[spmem:s3] =	stream.indirect.scatter.add.f32 [tilespmem:s22], [sflag:$0x4], $0x80, s31, s21, $0xb8;
	[tilespmem:$0x10580] =	vst v63  }
0x9f: {  	_ =	swait.ge [sflag:s1], $0x2800  }
0xa0: {  	[sflag:s1] =	ssyncset.done $0x0  }
0xa1: {  	[sflag:s1] =	ssyncadd.s32 $0xFFFFD800  }
0xa2: {  	_ =	swait.ge [sflag:s1], $0x50  }
0xa3: {  	[sflag:s1] =	ssyncset.done $0x0  }
0xa4: {  	[sflag:s1] =	ssyncadd.s32 $0xFFFFFFB0  }
0xa5: {  	v54 =	vld [tilespmem:$0xAC80];
	_ =	sdelay $0x5  }
0xa6: {  	v55 =	vld [tilespmem:$0xAC90];
	_ =	sdelay $0x1  }
0xa7: {  	v0 =	vld.idx.msk [tilespmem:v54+s18+$0x0], $0xffff;
	_ =	sdelay $0x3  }
0xa8: {  	v56 =	vld [tilespmem:$0xACA0]  }
0xa9: {  	[tilespmem:$0xB600] =	vst v0  }
0xaa: {  	v0 =	vld.idx.msk [tilespmem:v55+s18+$0x0], $0xffff;
	_ =	sdelay $0x3  }
0xab: {  	v57 =	vld [tilespmem:$0xACB0]  }
0xac: {  	[tilespmem:$0xB610] =	vst v0  }
0xad: {  	v0 =	vld.idx.msk [tilespmem:v56+s18+$0x0], $0xffff;
	_ =	sdelay $0x3  }
0xae: {  	v58 =	vld [tilespmem:$0xACC0]  }
0xaf: {  	[tilespmem:$0xB620] =	vst v0  }
0xb0: {  	v0 =	vld.idx.msk [tilespmem:v57+s18+$0x0], $0xffff;
	_ =	sdelay $0x4  }
0xb1: {  	[tilespmem:$0xB630] =	vst v0  }
0xb2: {  	v0 =	vld.idx.msk [tilespmem:v58+s18+$0x0], $0xffff;
	_ =	sdelay $0x4  }
0xb3: {  	[tilespmem:$0xB640] =	vst v0  }
0xb4: {  	[spmem:s3] =	stream.indirect.scatter.add.f32 [tilespmem:s24], [sflag:$0x5], $0x80, s0, s21, $0xb8;
	[tilespmem:$0x10580] =	vst v63  }
0xb5: {  	_ =	swait.ge [sflag:s2], $0x2800  }
0xb6: {  	[sflag:s2] =	ssyncset.done $0x0  }
0xb7: {  	[sflag:s2] =	ssyncadd.s32 $0xFFFFD800  }
0xb8: {  	_ =	swait.ge [sflag:s2], $0x50  }
0xb9: {  	[sflag:s2] =	ssyncset.done $0x0  }
0xba: {  	[sflag:s2] =	ssyncadd.s32 $0xFFFFFFB0  }
0xbb: {  	v59 =	vld [tilespmem:$0xAD00];
	_ =	sdelay $0x5  }
0xbc: {  	v60 =	vld [tilespmem:$0xAD10];
	_ =	sdelay $0x1  }
0xbd: {  	v0 =	vld.idx.msk [tilespmem:v59+s18+$0x0], $0xffff;
	_ =	sdelay $0x3  }
0xbe: {  	v61 =	vld [tilespmem:$0xAD20]  }
0xbf: {  	[tilespmem:$0xB680] =	vst v0  }
0xc0: {  	v0 =	vld.idx.msk [tilespmem:v60+s18+$0x0], $0xffff;
	_ =	sdelay $0x3  }
0xc1: {  	v62 =	vld [tilespmem:$0xAD30]  }
0xc2: {  	[tilespmem:$0xB690] =	vst v0  }
0xc3: {  	v0 =	vld.idx.msk [tilespmem:v61+s18+$0x0], $0xffff;
	_ =	sdelay $0x3  }
0xc4: {  	v63 =	vld [tilespmem:$0xAD40]  }
0xc5: {  	[tilespmem:$0xB6A0] =	vst v0  }
0xc6: {  	v0 =	vld.idx.msk [tilespmem:v62+s18+$0x0], $0xffff;
	_ =	sdelay $0x4  }
0xc7: {  	[tilespmem:$0xB6B0] =	vst v0  }
0xc8: {  	s9 =	sadd.s32 $0x3C0, s9;
	v0 =	vld.idx.msk [tilespmem:v63+s18+$0x0], $0xffff  }
0xc9: {  	p0 =	sne.s32 s11, s9  }
.Ltmp0:
0xca: {  	_ = 	snop;
	(pc) =	sbr.rel @p0 .LBB2_2-.Ltmp0, $3  }
0xcb: {  	_ =	sdelay $0x1  }
0xcc: {  	s14 =	sadd.s32 $0x1E, s14;
	[tilespmem:$0xB6C0] =	vst v0  }
0xcd: {  	[spmem:s3] =	stream.indirect.scatter.add.f32 [tilespmem:s28], [sflag:$0x6], $0x80, s15, s21, $0xb8;
	[tilespmem:$0x10580] =	vst v63  }
0xce: {  	_ =	swait.ge [sflag:s16], $0x2800  }
0xcf: {  	[sflag:s16] =	ssyncset.done $0x0  }
0xd0: {  	[sflag:s16] =	ssyncadd.s32 $0xFFFFD800  }
0xd1: {  	_ =	swait.ge [sflag:s26], $0x2800  }
0xd2: {  	[sflag:s26] =	ssyncset.done $0x0  }
0xd3: {  	[sflag:s26] =	ssyncadd.s32 $0xFFFFD800  }
0xd4: {  	_ =	swait.ge [sflag:s6], $0x2800  }
0xd5: {  	[sflag:s6] =	ssyncset.done $0x0  }
0xd6: {  	s7 =	sadd.s32 $0x1, s7;
	[sflag:s6] =	ssyncadd.s32 $0xFFFFD800  }
0xd7: {  	p0 =	sne.s32 s7, s13;
	[bflag:$0x0] =	sbarrier.arrive $0xFFFF  }
.Ltmp1:
0xd8: {  	s9 =	rddreg [dreg:$0x9];
	(pc) =	sbr.rel @p0 .LBB2_1-.Ltmp1, $4  }
0xd9: {  	[hbm:s9], [sflag:s19] =	dma.local [spmem:s20], $0x100  }
0xda: {  	_ =	swait.ge [sflag:s17], $0x100  }
0xdb: {  	[sflag:s17] =	ssyncset.done $0x0  }
0xdc: {  	[sflag:s17] =	ssyncadd.s32 $0xFFFFFF00  }
0xdd: {  	_ =	sfence.sel $0x180000  }
0xde: {  	[bflag:$0x0] =	sbarrier.arrive $0xFFFF  }
0xdf: {  	_ =	strace $0x9000004D  }
0xe0: {  	s0 =	stileid.u32;
	[bflag:$0x2] =	sbarrier.arrive $0xFFFF  }
0xe1: {  	p0 =	sne.s32 s0, $0x0;
	s0 =	rddreg [dreg:$0x3]  }
0xe2: {  	s0 =	sadd.s32 @!p0 $0x100000, s0  }
0xe3: {  	[sflag:s0] =	ssyncadd.tile.s32 @!p0 $0x1;
	_ =	shalt  }
.Lfunc_end2:
_tile_overlayer_lowered:
.L_overlay_start_2:
0xe4: {  	(tag) =	ssettag $0x2  }
0xe5: {  	s0 =	rddreg [dreg:$0x0];
	s2 =	stileid.u32  }
0xe6: {  	s1 =	rddreg [dreg:$0x1];
	p0 =	sne.s32 s2, $0x0  }
0xe7: {  	s3 =	rddreg [dreg:$0x2];
	[bflag:$0x3] =	sbarrier.arrive $0xFFFF;
	s2 =	simm.s32 @!p0 $0x1C07  }
0xe8: {  	[timem:s3], [sflag:s2] =	dma.local @!p0 [hbm:s0], s1  }
0xe9: {  	s0 =	simm.s32 @!p0 $0x7  }
0xea: {  	_ =	swait.ge @!p0 [sflag:s0], s1  }
0xeb: {  	s1 =	ssub.s32 @!p0 $0x0, s1;
	[sflag:s0] =	ssyncset.done @!p0 $0x0  }
0xec: {  	[sflag:s0] =	ssyncadd.s32 @!p0 s1  }
0xed: {  	[bflag:$0x3] =	sbarrier.arrive $0xFFFF  }
0xee: {  	_ =	shalt  }

// kernel: kernel.8.cloned.1.call-start
scs
__scs_entry_jumppad:
0x0: {  	(pc) =	sbr.rel $0x88, $3  }
0x1: {  	(tag) =	ssettag $0x0;
	lr =	simm.s32 $0x1  }
0x2: {  	[smem:$0x3F87] =	sst lr;
	_ =	strace $0xD0000000  }
0x3: {  	_ = 	snop  }
0x4: {  	_ = 	snop  }
0x5: {  	_ = 	snop  }
0x6: {  	_ = 	snop  }
0x7: {  	_ = 	snop  }
__scs_overlays_trampoline_lowered:
0x8: {  	[smem:$0x3F96] =	sst s0  }
0x9: {  	[smem:$0x3F97] =	sst s1  }
0xa: {  	[smem:$0x3F98] =	sst s2  }
0xb: {  	[smem:$0x3F99] =	sst s3  }
0xc: {  	[smem:$0x3F9A] =	sst s4  }
0xd: {  	[smem:$0x3F9B] =	sst s5  }
0xe: {  	[smem:$0x3F9C] =	sst s6  }
0xf: {  	[smem:$0x3F9D] =	sst s7  }
0x10: {  	[smem:$0x3F9E] =	sst s8  }
0x11: {  	[smem:$0x3F9F] =	sst s9;
	s0 =	simm.s32 @!p0 $0x0  }
0x12: {  	s1 =	sld [smem:$0x3F85];
	s0 =	simm.s32 @p0 $0x1  }
0x13: {  	[smem:$0x3FA0] =	sst s0;
	s0 =	simm.s32 @!p1 $0x0  }
0x14: {  	s2 =	sld [smem:$0x3F84];
	s0 =	simm.s32 @p1 $0x1  }
0x15: {  	[smem:$0x3FA1] =	sst s0;
	s0 =	simm.s32 @!p2 $0x0  }
0x16: {  	s3 =	sld [smem:$0x3FDB];
	s0 =	simm.s32 @p2 $0x1  }
0x17: {  	s4 =	simm.s32 $0x1BF5;
	[smem:$0x3FA3] =	sst s0  }
0x18: {  	s0 =	sld [smem:$0x3F86];
	_ =	swait.ge [sflag:s4], $0x0  }
0x19: {  	s7 =	sld [smem:$0x3F87]  }
0x1a: {  	s8 =	sadd.s32 $0xFFFFE003, lr  }
0x1b: {  	s9 =	sadd.s32 $0xFFFFFEF7, lr;
	s5 =	simm.s32 $0xFFFFFFFF;
	p2 =	slt.u32 s8, $0xFFFFF086  }
0x1c: {  	p1 =	slt.u32 s9, $0xF7A;
	s5 =	simm.s32 @!p2 $0x0  }
0x1d: {  	s5 =	simm.s32 @p1 $0x1;
	p0 =	seq.s32 s7, s2  }
0x1e: {  	s7 =	smul.u32 @!p0 $0xF7A, s2;
	p2 =	seq.s32 @!p0 s5, $0x0  }
0x1f: {  	s9 =	smul.u32 $0xF7A, s1;
	s8 =	simm.s32 @!p0 $0x1BF5;
	p2 =	por !p2, p0  }
0x20: {  	[sflag:s8] =	ssyncset.s32 @!p0 $0xFFFFF086;
	s6 =	sadd.s32 @!p0 s3, s7;
	s7 =	simm.s32 @!p0 $0x108  }
0x21: {  	s3 =	sadd.s32 s3, s9;
	s6 =	sadd.s32 @!p0 $0x88, s6;
	s7 =	simm.s32 @p2 $0x1082  }
0x22: {  	[simem:s7], [sflag:s8] =	dma.local @!p0 [hbm:s6], $0xF7A  }
0x23: {  	s9 =	sor.u32 $0xD0000000, s2;
	s6 =	simm.s32 $0x108;
	_ =	swait.ge @!p0 [sflag:s8], $0x0  }
0x24: {  	s3 =	sadd.s32 $0x88, s3;
	s6 =	simm.s32 @!p1 $0x1082;
	[sflag:s4] =	ssyncset.s32 $0xFFFFF086  }
0x25: {  	[simem:s6], [sflag:s4] =	dma.local [hbm:s3], $0xF7A  }
0x26: {  	[smem:$0x3F87] =	sst s1;
	(tag) =	ssettag s2;
	_ =	strace s9  }
0x27: {  	s1 =	sld [smem:$0x3F97]  }
0x28: {  	s2 =	sld [smem:$0x3F98]  }
0x29: {  	s4 =	sld [smem:$0x3F9A]  }
0x2a: {  	p0 =	seq.s32 s5, $0x0;
	s5 =	sld [smem:$0x3F9B]  }
0x2b: {  	s6 =	sld [smem:$0x3F9C]  }
0x2c: {  	s7 =	sld [smem:$0x3F9D]  }
0x2d: {  	s3 =	simm.s32 $0x108;
	s8 =	sld [smem:$0x3F9E]  }
0x2e: {  	s3 =	simm.s32 @!p0 $0x1082;
	s9 =	sld [smem:$0x3F9F]  }
0x2f: {  	lr =	sadd.s32 s0, s3;
	s0 =	sld [smem:$0x3F96]  }
0x30: {  	s3 =	sld [smem:$0x3F99]  }
0x31: {  	[smem:$0x3FA2] =	sst s10  }
0x32: {  	s10 =	sld [smem:$0x3FA0];
	_ =	sdelay $0x3  }
0x33: {  	p0 =	seq.s32 s10, $0x1;
	s10 =	sld [smem:$0x3FA2];
	_ =	sdelay $0x3  }
0x34: {  	[smem:$0x3FA2] =	sst s10  }
0x35: {  	s10 =	sld [smem:$0x3FA1];
	_ =	sdelay $0x3  }
0x36: {  	p1 =	seq.s32 s10, $0x1;
	s10 =	sld [smem:$0x3FA2];
	_ =	sdelay $0x3  }
0x37: {  	[smem:$0x3FA2] =	sst s10  }
0x38: {  	s10 =	sld [smem:$0x3FA3]  }
0x39: {  	_ = 	snop;
	(pc) =	sbr.ind lr, $3  }
0x3a: {  	_ = 	snop  }
0x3b: {  	_ = 	snop  }
0x3c: {  	p2 =	seq.s32 s10, $0x1;
	s10 =	sld [smem:$0x3FA2]  }
0x3d: {  	_ =	shalt  }
0x3e: {  	_ =	shalt  }
0x3f: {  	_ =	shalt  }
0x40: {  	_ =	shalt  }
0x41: {  	_ =	shalt  }
0x42: {  	_ =	shalt  }
0x43: {  	_ =	shalt  }
0x44: {  	_ =	shalt  }
0x45: {  	_ =	shalt  }
0x46: {  	_ =	shalt  }
0x47: {  	_ =	shalt  }
0x48: {  	_ =	shalt  }
0x49: {  	_ =	shalt  }
0x4a: {  	_ =	shalt  }
0x4b: {  	_ =	shalt  }
0x4c: {  	_ =	shalt  }
0x4d: {  	_ =	shalt  }
0x4e: {  	_ =	shalt  }
0x4f: {  	_ =	shalt  }
0x50: {  	_ =	shalt  }
0x51: {  	_ =	shalt  }
0x52: {  	_ =	shalt  }
0x53: {  	_ =	shalt  }
0x54: {  	_ =	shalt  }
0x55: {  	_ =	shalt  }
0x56: {  	_ =	shalt  }
0x57: {  	_ =	shalt  }
0x58: {  	_ =	shalt  }
0x59: {  	_ =	shalt  }
0x5a: {  	_ =	shalt  }
0x5b: {  	_ =	shalt  }
0x5c: {  	_ =	shalt  }
0x5d: {  	_ =	shalt  }
0x5e: {  	_ =	shalt  }
0x5f: {  	_ =	shalt  }
0x60: {  	_ =	shalt  }
0x61: {  	_ =	shalt  }
0x62: {  	_ =	shalt  }
0x63: {  	_ =	shalt  }
0x64: {  	_ =	shalt  }
0x65: {  	_ =	shalt  }
0x66: {  	_ =	shalt  }
0x67: {  	_ =	shalt  }
0x68: {  	_ =	shalt  }
0x69: {  	_ =	shalt  }
0x6a: {  	_ =	shalt  }
0x6b: {  	_ =	shalt  }
0x6c: {  	_ =	shalt  }
0x6d: {  	_ =	shalt  }
0x6e: {  	_ =	shalt  }
0x6f: {  	_ =	shalt  }
0x70: {  	_ =	shalt  }
0x71: {  	_ =	shalt  }
0x72: {  	_ =	shalt  }
0x73: {  	_ =	shalt  }
0x74: {  	_ =	shalt  }
0x75: {  	_ =	shalt  }
0x76: {  	_ =	shalt  }
0x77: {  	_ =	shalt  }
0x78: {  	_ =	shalt  }
0x79: {  	_ =	shalt  }
0x7a: {  	_ =	shalt  }
0x7b: {  	_ =	shalt  }
0x7c: {  	_ =	shalt  }
0x7d: {  	_ =	shalt  }
0x7e: {  	_ =	shalt  }
0x7f: {  	_ =	shalt  }
0x80: {  	_ =	shalt  }
0x81: {  	_ =	shalt  }
0x82: {  	_ =	shalt  }
0x83: {  	_ =	shalt  }
0x84: {  	_ =	shalt  }
0x85: {  	_ =	shalt  }
0x86: {  	_ =	shalt  }
0x87: {  	_ =	shalt  }
.Lfunc_end0:
.L_simem_size_0:
called_computation_lowered:
.L_overlay_start_0:
0x88: {  	s2 =	sld [smem:$0x3FD9]  }
0x89: {  	s3 =	sld [smem:$0x3FFE];
	_ =	sdelay $0x1  }
0x8a: {  	s1 =	srdreg.scid  }
0x8b: {  	s0 =	sand.u32 $0x1, s1  }
0x8c: {  	s17 =	sshll.u32 s0, $0xA;
	s2 =	sadd.s32 s3, s2  }
0x8d: {  	s2 =	sadd.s32 s2, s17  }
0x8e: {  	[smem:$0x3FAE] =	sst s2  }
0x8f: {  	_ = 	snop  }
0x90: {  	s2 =	sld [smem:$0x3FC9];
	(tm) =	ssettm $0x1  }
0x91: {  	s18 =	sld [smem:$0x3FFB];
	_ =	sdelay $0x3  }
0x92: {  	_ =	strace s18  }
0x93: {  	s3 =	sld [smem:$0x3FFC];
	_ =	sdelay $0x3  }
0x94: {  	_ =	strace s3  }
0x95: {  	s3 =	sld [smem:$0x3FFD];
	_ =	sdelay $0x3  }
0x96: {  	_ =	strace s3  }
0x97: {  	_ =	strace $0x8FFFFFFF  }
0x98: {  	s19 =	sld [smem:$0x3FDB];
	_ =	sdelay $0x1  }
0x99: {  	s4 =	simm.s32 $_scs_section_size  }
0x9a: {  	s5 =	simm.s32 $_size__tile_overlayer_lowered;
	s6 =	simm.s32 $_tile_overlayer_lowered  }
0x9b: {  	s22 =	simm.s32 $0x1BFF;
	s21 =	sshll.u32 s6, $0x1;
	s3 =	sadd.s32 s4, s19  }
0x9c: {  	s7 =	simm.s32 $0x0;
	s20 =	sshll.u32 s5, $0x1;
	s5 =	sadd.s32 s21, s3  }
0x9d: {  	[timem:s7], [sflag:s22] =	dma.local [hbm:s5], s20  }
0x9e: {  	_ =	swait.ge [sflag:s22], s20  }
0x9f: {  	s4 =	ssub.s32 $0x0, s20;
	[sflag:s22] =	ssyncset.done $0x0  }
0xa0: {  	[sflag:s22] =	ssyncadd.s32 s4;
	_ =	sdelay $0x1  }
0xa1: {  	s23 =	simm.s32 $0x1B8B  }
0xa2: {  	_ =	swait.ge [sflag:s23], $0x1  }
0xa3: {  	[sflag:s23] =	ssyncset.done $0x0  }
0xa4: {  	s25 =	simm.s32 $0x1B8E;
	s24 =	sld [smem:$0x3FFE];
	[sflag:s23] =	ssyncadd.s32 $0xFFFFFFFF  }
0xa5: {  	s26 =	simm.s32 $execute0_lowered;
	[smem:$0x3FD2] =	sst s25  }
0xa6: {  	s5 =	sshll.u32 s26, $0x1;
	_ =	strace $0x80000046;
	[dreg:$0x1] =	wrdreg $0xFFFFFFFF  }
0xa7: {  	s28 =	simm.s32 $_size_execute0_lowered;
	s3 =	sadd.s32 s3, s5;
	[dreg:$0x0] =	wrdreg $0x0  }
0xa8: {  	s5 =	sshll.u32 s28, $0x1;
	[dreg:$0x2] =	wrdreg s3  }
0xa9: {  	[dreg:$0x3] =	wrdreg s5  }
0xaa: {  	[dreg:$0x4] =	wrdreg $0xC0  }
0xab: {  	_ =	task [dreg:s7], $0x5FFFF  }
0xac: {  	[dreg:$0x1] =	wrdreg $0xFFFFFFFF  }
0xad: {  	[dreg:$0x0] =	wrdreg $0x60  }
0xae: {  	[dreg:$0x2] =	wrdreg s2  }
0xaf: {  	[dreg:$0x3] =	wrdreg s24  }
0xb0: {  	[dreg:$0x4] =	wrdreg $0xAC800  }
0xb1: {  	[dreg:$0x5] =	wrdreg $0x9  }
0xb2: {  	_ =	task.clear_ibuf [dreg:s7], $0x6FFFF;
	_ =	strace $0x90000046  }
0xb3: {  	s29 =	simm.s32 $0x9;
	_ =	strace $0x80000048  }
0xb4: {  	_ =	swait.ge [sflag:s29], $0x1  }
0xb5: {  	[sflag:s29] =	ssyncadd.s32 $0xFFFFFFFF  }
0xb6: {  	_ =	strace $0x90000048  }
0xb7: {  	_ =	sfence  }
0xb8: {  	s30 =	sld [smem:$0x0];
	_ =	sdelay $0x2  }
0xb9: {  	s31 =	sshll.u32 s1, $0xD;
	s1 =	sshrl.u32 s1, $0x2  }
0xba: {  	s3 =	sand.u32 $0x4000, s31;
	s1 =	sadd.s32 s1, s30  }
0xbb: {  	s0 =	sor.u32 s3, s0;
	s1 =	sshll.u32 s1, $0x11  }
0xbc: {  	s0 =	sor.u32 s1, s0  }
0xbd: {  	s0 =	sadd.s32 $0x8F2B, s0  }
0xbe: {  	[sflag:s0] =	ssyncadd.remote.s32 $0x1  }
0xbf: {  	_ =	sfence.sel $0xFFFF  }
0xc0: {  	[dreg:$0x0] =	wrdreg $0xFFFFFFFF;
	(pc) =	sbr.abs _section_cstart, $3  }
0xc1: {  	[dreg:$0x1] =	wrdreg $0xFFFFFFFF  }
0xc2: {  	_ =	task.clear_ibuf [dreg:s7], $0x2FFFF;
	_ =	strace $0x9FFFFFFF  }
0xc3: {  	(tm) =	ssettm $0x7FFFFFFF  }
tec
execute0_lowered:
.L_overlay_start_1:
0x0: {  	(tag) =	ssettag $0x1  }
0x1: {  	s1 =	rddreg [dreg:$0x0]  }
0x2: {  	s0 =	srdreg.scid;
	s2 =	rddreg [dreg:$0x1]  }
0x3: {  	s11 =	stileid.u32;
	s3 =	rddreg [dreg:$0x2]  }
0x4: {  	s28 =	simm.s32 $0xAB00;
	s29 =	simm.s32 $0x5B00;
	s15 =	smul.u32 $0x13C00, s11  }
0x5: {  	s30 =	simm.s32 $0xAB80;
	s31 =	simm.s32 $0x4;
	s16 =	smul.u32 $0x4F000, s11  }
0x6: {  	s0 =	sand.u32 $0x1, s0;
	s14 =	sshrl.u32 s11, $0x2;
	s24 =	smul.u32 $0xCA8, s11  }
0x7: {  	s4 =	sshll.u32 s11, $0x1;
	s9 =	sadd.s32 $0x6000, s2;
	s6 =	smul.u32 $0x19800, s14  }
0x8: {  	s5 =	sor.u32 s0, s4;
	s4 =	simm.s32 $0x0;
	s8 =	smul.u32 $0x13C000, s0  }
0x9: {  	s10 =	ssub.s32 $0x2, s0;
	p0 =	seq.s32 s0, $0x0;
	s7 =	sshll.u32 s5, $0x7  }
0xa: {  	s0 =	smul.u32 $0x654, s0;
	[smem:$0x7FF] =	sst s4;
	s7 =	sand.u32 $0x380, s7  }
0xb: {  	s17 =	sshrl.u32 s10, $0x1;
	s22 =	smul.u32 $0x32A0, s5;
	s6 =	sor.u32 s6, s7  }
0xc: {  	s5 =	smul.u32 $0x654, s5;
	s26 =	sadd.s32 s24, s9;
	s6 =	sshrl.u32 s6, $0x3  }
0xd: {  	s24 =	simm.s32 $0x3300;
	_ =	strace $0x80000047;
	s6 =	sadd.s32 s6, s2  }
0xe: {  	s7 =	sadd.s32 s15, s8;
	s8 =	sshrl.u32 s16, $0x2;
	s6 =	sadd.s32 $0x12C00, s6  }
0xf: {  	s0 =	sadd.s32 s0, s26;
	[dreg:$0x4] =	wrdreg s6;
	s6 =	sadd.s32 s8, s3  }
0x10: {  	s26 =	simm.s32 $0x50;
	s14 =	sadd.s32 s9, s5;
	s8 =	sadd.s32 $0x2800, s6  }
0x11: {  	s16 =	simm.s32 $0xC6C0;
	s18 =	sadd.s32 $0x5000, s6;
	[dreg:$0x5] =	wrdreg s8  }
0x12: {  	s5 =	simm.s32 $0x5;
	s19 =	sadd.s32 $0x7800, s6;
	[dreg:$0x6] =	wrdreg s18  }
0x13: {  	s7 =	sshrl.u32 s7, $0x3;
	s20 =	sadd.s32 $0xA000, s6;
	[dreg:$0x7] =	wrdreg s19  }
0x14: {  	s16 =	simm.s32 @!p0 $0x6CC0;
	s21 =	sadd.s32 $0xC800, s6;
	[dreg:$0x8] =	wrdreg s20  }
0x15: {  	s2 =	sadd.s32 s7, s2;
	s23 =	sadd.s32 $0xF000, s6;
	[dreg:$0x9] =	wrdreg s21  }
0x16: {  	s7 =	ssub.s32 s10, s17;
	s13 =	sadd.s32 $0x11800, s6;
	[dreg:$0xa] =	wrdreg s23  }
0x17: {  	s8 =	sshrl.u32 s22, $0x3;
	s18 =	sadd.s32 $0x1F800, s2;
	s19 =	smax.u32 s7, $0x1  }
0x18: {  	s20 =	sadd.s32 $0x32, s0;
	s23 =	simm.s32 $0x7;
	s2 =	simm.s32 $0x8300  }
0x19: {  	s0 =	simm.s32 $0xAC00;
	s21 =	simm.s32 $0x2;
	s22 =	simm.s32 $0x3  }
0x1a: {  	s7 =	simm.s32 $0x6;
	s25 =	sadd.s32 s9, s8;
	s8 =	simm.s32 $0x0  }
0x1b: {  	v0 =	vimm.f32 $0.0e+00;
	s15 =	sadd.s32 $0xA, s25;
	s17 =	sadd.s32 $0x14, s25;
	s25 =	simm.s32 $0x1  }
.LBB2_1:
0x1c: {  	s9 =	rddreg [dreg:$0x4];
	s10 =	simm.s32 $0x80;
	s11 =	simm.s32 $0x400  }
0x1d: {  	[tilespmem:s4], [sflag:$0x7] =	stream.strided.gather [hbm4b:s9+s10], $0x3300, s11, s10, $0x38;
	[tilespmem:$0x1E880] =	vst v63  }
0x1e: {  	_ =	swait.ge [sflag:s23], $0x3300  }
0x1f: {  	[sflag:s23] =	ssyncset.done $0x0  }
0x20: {  	s9 =	simm.s32 $0x0;
	s10 =	simm.s32 $0x200;
	[sflag:s23] =	ssyncadd.s32 $0xFFFFCD00  }
.LBB2_2:
0x21: {  	p0 =	sne.s32 s10, $0x9E00;
	[tilespmem:s9+$0x3370] =	vst v0  }
0x22: {  	[tilespmem:s9+$0x3300] =	vst v0  }
0x23: {  	[tilespmem:s9+$0x3310] =	vst v0  }
.Ltmp0:
0x24: {  	[tilespmem:s9+$0x3320] =	vst v0;
	(pc) =	sbr.rel @p0 .LBB2_2-.Ltmp0, $4  }
0x25: {  	[tilespmem:s9+$0x3330] =	vst v0  }
0x26: {  	[tilespmem:s9+$0x3340] =	vst v0  }
0x27: {  	[tilespmem:s9+$0x3350] =	vst v0  }
0x28: {  	[tilespmem:s9+$0x3360] =	vst v0;
	s9 =	sshra.s32 s10, $0x2;
	s10 =	sadd.s32 $0x200, s10  }
0x29: {  	[tilespmem:s9+$0x3370] =	vst v0  }
0x2a: {  	[tilespmem:s9+$0x3300] =	vst v0  }
0x2b: {  	[tilespmem:s9+$0x3310] =	vst v0  }
0x2c: {  	[tilespmem:s9+$0x3320] =	vst v0  }
0x2d: {  	[tilespmem:s9+$0x3330] =	vst v0  }
0x2e: {  	[tilespmem:s9+$0x3340] =	vst v0  }
0x2f: {  	[tilespmem:s9+$0x3350] =	vst v0  }
0x30: {  	[tilespmem:s9+$0x3360] =	vst v0  }
0x31: {  	[spmem:s6] =	stream.linear.scatter [tilespmem:s24], [sflag:$0x1], $0x2800, $0x38;
	[tilespmem:$0x1E880] =	vst v63  }
0x32: {  	s12 =	rddreg [dreg:$0x5]  }
0x33: {  	[spmem:s12] =	stream.linear.scatter [tilespmem:s24], [sflag:$0x1], $0x2800, $0x38;
	[tilespmem:$0x1E880] =	vst v63  }
0x34: {  	s10 =	rddreg [dreg:$0x6]  }
0x35: {  	[spmem:s10] =	stream.linear.scatter [tilespmem:s24], [sflag:$0x1], $0x2800, $0x38;
	[tilespmem:$0x1E880] =	vst v63  }
0x36: {  	s11 =	rddreg [dreg:$0x7]  }
0x37: {  	[spmem:s11] =	stream.linear.scatter [tilespmem:s24], [sflag:$0x1], $0x2800, $0x38;
	[tilespmem:$0x1E880] =	vst v63  }
0x38: {  	s12 =	rddreg [dreg:$0x8]  }
0x39: {  	[spmem:s12] =	stream.linear.scatter [tilespmem:s24], [sflag:$0x1], $0x2800, $0x38;
	[tilespmem:$0x1E880] =	vst v63  }
0x3a: {  	s10 =	rddreg [dreg:$0x9]  }
0x3b: {  	[spmem:s10] =	stream.linear.scatter [tilespmem:s24], [sflag:$0x1], $0x2800, $0x38;
	[tilespmem:$0x1E880] =	vst v63  }
0x3c: {  	s11 =	rddreg [dreg:$0xa]  }
0x3d: {  	[spmem:s11] =	stream.linear.scatter [tilespmem:s24], [sflag:$0x1], $0x2800, $0x38;
	[tilespmem:$0x1E880] =	vst v63  }
0x3e: {  	_ = 	snop  }
0x3f: {  	[spmem:s13] =	stream.linear.scatter [tilespmem:s24], [sflag:$0x1], $0x2400, $0x38;
	[tilespmem:$0x1E880] =	vst v63  }
0x40: {  	_ =	swait.ge [sflag:s25], $0x2800  }
0x41: {  	[sflag:s25] =	ssyncset.done $0x0  }
0x42: {  	[sflag:s25] =	ssyncadd.s32 $0xFFFFD800  }
0x43: {  	_ =	swait.ge [sflag:s25], $0x2800  }
0x44: {  	[sflag:s25] =	ssyncset.done $0x0  }
0x45: {  	[sflag:s25] =	ssyncadd.s32 $0xFFFFD800  }
0x46: {  	_ =	swait.ge [sflag:s25], $0x2800  }
0x47: {  	[sflag:s25] =	ssyncset.done $0x0  }
0x48: {  	[sflag:s25] =	ssyncadd.s32 $0xFFFFD800  }
0x49: {  	_ =	swait.ge [sflag:s25], $0x2800  }
0x4a: {  	[sflag:s25] =	ssyncset.done $0x0  }
0x4b: {  	[sflag:s25] =	ssyncadd.s32 $0xFFFFD800  }
0x4c: {  	_ =	swait.ge [sflag:s25], $0x2800  }
0x4d: {  	[sflag:s25] =	ssyncset.done $0x0  }
0x4e: {  	[sflag:s25] =	ssyncadd.s32 $0xFFFFD800  }
0x4f: {  	_ =	swait.ge [sflag:s25], $0x2800  }
0x50: {  	[sflag:s25] =	ssyncset.done $0x0  }
0x51: {  	[sflag:s25] =	ssyncadd.s32 $0xFFFFD800  }
0x52: {  	_ =	swait.ge [sflag:s25], $0x2800  }
0x53: {  	[sflag:s25] =	ssyncset.done $0x0  }
0x54: {  	[sflag:s25] =	ssyncadd.s32 $0xFFFFD800  }
0x55: {  	_ =	swait.ge [sflag:s25], $0x2400  }
0x56: {  	[sflag:s25] =	ssyncset.done $0x0  }
0x57: {  	[sflag:s25] =	ssyncadd.s32 $0xFFFFDC00  }
0x58: {  	s12 =	simm.s32 $0x0;
	[bflag:$0x0] =	sbarrier.arrive $0xFFFF  }
0x59: {  	[tilespmem:s24], [sflag:$0x1] =	stream.indirect.gather [hbm4b:s1+s26], $0x80, s12, s26, $0xb8;
	[tilespmem:$0x1E880] =	vst v63  }
0x5a: {  	_ = 	snop  }
0x5b: {  	[tilespmem:s28], [sflag:$0x1] =	stream.linear.gather [hbm4b:s14+s12], $0x50, $0x38;
	[tilespmem:$0x1E880] =	vst v63  }
0x5c: {  	_ = 	snop  }
0x5d: {  	[tilespmem:s29], [sflag:$0x2] =	stream.indirect.gather [hbm4b:s1+s26], $0x80, s26, s26, $0xb8;
	[tilespmem:$0x1E880] =	vst v63  }
0x5e: {  	_ = 	snop  }
0x5f: {  	[tilespmem:s30], [sflag:$0x2] =	stream.linear.gather [hbm4b:s15+s12], $0x50, $0x38;
	[tilespmem:$0x1E880] =	vst v63  }
0x60: {  	s10 =	simm.s32 $0xA0  }
0x61: {  	[tilespmem:s2], [sflag:$0x3] =	stream.indirect.gather [hbm4b:s1+s26], $0x80, s10, s26, $0xb8;
	[tilespmem:$0x1E880] =	vst v63  }
0x62: {  	_ = 	snop  }
0x63: {  	[tilespmem:s0], [sflag:$0x3] =	stream.linear.gather [hbm4b:s17+s12], $0x50, $0x38;
	[tilespmem:$0x1E880] =	vst v63  }
0x64: {  	_ =	swait.ge [sflag:s25], $0x2800  }
0x65: {  	[sflag:s25] =	ssyncset.done $0x0  }
0x66: {  	[sflag:s25] =	ssyncadd.s32 $0xFFFFD800  }
0x67: {  	_ =	swait.ge [sflag:s25], $0x50  }
0x68: {  	[sflag:s25] =	ssyncset.done $0x0  }
0x69: {  	[sflag:s25] =	ssyncadd.s32 $0xFFFFFFB0  }
0x6a: {  	[spmem:s3] =	stream.indirect.scatter.add.f32 [tilespmem:s24], [sflag:$0x4], $0x80, s28, s26, $0xb8;
	[tilespmem:$0x1E880] =	vst v63  }
0x6b: {  	_ =	swait.ge [sflag:s21], $0x2800  }
0x6c: {  	[sflag:s21] =	ssyncset.done $0x0  }
0x6d: {  	[sflag:s21] =	ssyncadd.s32 $0xFFFFD800  }
0x6e: {  	_ =	swait.ge [sflag:s21], $0x50  }
0x6f: {  	[sflag:s21] =	ssyncset.done $0x0  }
0x70: {  	[sflag:s21] =	ssyncadd.s32 $0xFFFFFFB0  }
0x71: {  	[spmem:s3] =	stream.indirect.scatter.add.f32 [tilespmem:s29], [sflag:$0x5], $0x80, s30, s26, $0xb8;
	[tilespmem:$0x1E880] =	vst v63  }
0x72: {  	_ =	swait.ge [sflag:s22], $0x2800  }
0x73: {  	[sflag:s22] =	ssyncset.done $0x0  }
0x74: {  	[sflag:s22] =	ssyncadd.s32 $0xFFFFD800  }
0x75: {  	_ =	swait.ge [sflag:s22], $0x50  }
0x76: {  	[sflag:s22] =	ssyncset.done $0x0  }
0x77: {  	[sflag:s22] =	ssyncadd.s32 $0xFFFFFFB0  }
0x78: {  	[spmem:s3] =	stream.indirect.scatter.add.f32 [tilespmem:s2], [sflag:$0x6], $0x80, s0, s26, $0xb8;
	[tilespmem:$0x1E880] =	vst v63  }
0x79: {  	_ =	swait.ge [sflag:s31], $0x2800  }
0x7a: {  	[sflag:s31] =	ssyncset.done $0x0  }
0x7b: {  	s11 =	simm.s32 $0xF0;
	[sflag:s31] =	ssyncadd.s32 $0xFFFFD800  }
0x7c: {  	[tilespmem:s24], [sflag:$0x1] =	stream.indirect.gather [hbm4b:s1+s26], $0x80, s11, s26, $0xb8;
	[tilespmem:$0x1E880] =	vst v63  }
0x7d: {  	s12 =	sadd.s32 $0xFFFFFFEC, s20  }
0x7e: {  	[tilespmem:s28], [sflag:$0x1] =	stream.linear.gather [hbm4b:s12+s4], $0x50, $0x38;
	[tilespmem:$0x1E880] =	vst v63  }
0x7f: {  	_ =	swait.ge [sflag:s5], $0x2800  }
0x80: {  	[sflag:s5] =	ssyncset.done $0x0  }
0x81: {  	s10 =	simm.s32 $0x140;
	[sflag:s5] =	ssyncadd.s32 $0xFFFFD800  }
0x82: {  	[tilespmem:s29], [sflag:$0x2] =	stream.indirect.gather [hbm4b:s1+s26], $0x80, s10, s26, $0xb8;
	[tilespmem:$0x1E880] =	vst v63  }
0x83: {  	s11 =	sadd.s32 $0xFFFFFFF6, s20  }
0x84: {  	[tilespmem:s30], [sflag:$0x2] =	stream.linear.gather [hbm4b:s11+s4], $0x50, $0x38;
	[tilespmem:$0x1E880] =	vst v63  }
0x85: {  	_ =	swait.ge [sflag:s7], $0x2800  }
0x86: {  	[sflag:s7] =	ssyncset.done $0x0  }
0x87: {  	s12 =	simm.s32 $0x190;
	[sflag:s7] =	ssyncadd.s32 $0xFFFFD800  }
0x88: {  	[tilespmem:s2], [sflag:$0x3] =	stream.indirect.gather [hbm4b:s1+s26], $0x80, s12, s26, $0xb8;
	[tilespmem:$0x1E880] =	vst v63  }
0x89: {  	_ = 	snop  }
0x8a: {  	[tilespmem:s0], [sflag:$0x3] =	stream.linear.gather [hbm4b:s20+s4], $0x50, $0x38;
	[tilespmem:$0x1E880] =	vst v63  }
0x8b: {  	_ =	swait.ge [sflag:s25], $0x2800  }
0x8c: {  	[sflag:s25] =	ssyncset.done $0x0  }
0x8d: {  	[sflag:s25] =	ssyncadd.s32 $0xFFFFD800  }
0x8e: {  	_ =	swait.ge [sflag:s25], $0x50  }
0x8f: {  	[sflag:s25] =	ssyncset.done $0x0  }
0x90: {  	[sflag:s25] =	ssyncadd.s32 $0xFFFFFFB0  }
0x91: {  	[spmem:s3] =	stream.indirect.scatter.add.f32 [tilespmem:s24], [sflag:$0x4], $0x80, s28, s26, $0xb8;
	[tilespmem:$0x1E880] =	vst v63  }
0x92: {  	_ =	swait.ge [sflag:s21], $0x2800  }
0x93: {  	[sflag:s21] =	ssyncset.done $0x0  }
0x94: {  	[sflag:s21] =	ssyncadd.s32 $0xFFFFD800  }
0x95: {  	_ =	swait.ge [sflag:s21], $0x50  }
0x96: {  	[sflag:s21] =	ssyncset.done $0x0  }
0x97: {  	[sflag:s21] =	ssyncadd.s32 $0xFFFFFFB0  }
0x98: {  	[spmem:s3] =	stream.indirect.scatter.add.f32 [tilespmem:s29], [sflag:$0x5], $0x80, s30, s26, $0xb8;
	[tilespmem:$0x1E880] =	vst v63  }
0x99: {  	p0 =	sne.s32 s16, $0x3C0;
	_ =	swait.ge [sflag:s22], $0x2800  }
.Ltmp1:
0x9a: {  	[sflag:s22] =	ssyncset.done $0x0;
	(pc) =	sbr.rel @!p0 .LBB2_5-.Ltmp1, $4  }
0x9b: {  	[sflag:s22] =	ssyncadd.s32 $0xFFFFD800  }
0x9c: {  	_ =	swait.ge [sflag:s22], $0x50  }
0x9d: {  	[sflag:s22] =	ssyncset.done $0x0  }
0x9e: {  	s9 =	simm.s32 $0x3C0;
	s10 =	sadd.s32 $0x1E, s20;
	[sflag:s22] =	ssyncadd.s32 $0xFFFFFFB0  }
.LBB2_4:
0x9f: {  	[spmem:s3] =	stream.indirect.scatter.add.f32 [tilespmem:s2], [sflag:$0x6], $0x80, s0, s26, $0xb8;
	[tilespmem:$0x1E880] =	vst v63  }
0xa0: {  	s11 =	smov.u32 s9;
	s9 =	sadd.s32 $0x3C0, s9;
	_ =	swait.ge [sflag:s31], $0x2800  }
0xa1: {  	s11 =	sshra.s32 s11, $0x2;
	p0 =	sne.s32 s16, s9;
	[sflag:s31] =	ssyncset.done $0x0  }
0xa2: {  	s12 =	sadd.s32 $0xF0, s11;
	[sflag:s31] =	ssyncadd.s32 $0xFFFFD800  }
0xa3: {  	[tilespmem:s24], [sflag:$0x1] =	stream.indirect.gather [hbm4b:s1+s26], $0x80, s12, s26, $0xb8;
	[tilespmem:$0x1E880] =	vst v63  }
0xa4: {  	s12 =	sadd.s32 $0xFFFFFFEC, s10  }
0xa5: {  	[tilespmem:s28], [sflag:$0x1] =	stream.linear.gather [hbm4b:s12+s4], $0x50, $0x38;
	[tilespmem:$0x1E880] =	vst v63  }
0xa6: {  	_ =	swait.ge [sflag:s5], $0x2800  }
0xa7: {  	[sflag:s5] =	ssyncset.done $0x0  }
0xa8: {  	s12 =	sadd.s32 $0x140, s11;
	[sflag:s5] =	ssyncadd.s32 $0xFFFFD800  }
0xa9: {  	[tilespmem:s29], [sflag:$0x2] =	stream.indirect.gather [hbm4b:s1+s26], $0x80, s12, s26, $0xb8;
	[tilespmem:$0x1E880] =	vst v63  }
0xaa: {  	s12 =	sadd.s32 $0xFFFFFFF6, s10  }
0xab: {  	[tilespmem:s30], [sflag:$0x2] =	stream.linear.gather [hbm4b:s12+s4], $0x50, $0x38;
	[tilespmem:$0x1E880] =	vst v63  }
0xac: {  	_ =	swait.ge [sflag:s7], $0x2800  }
0xad: {  	[sflag:s7] =	ssyncset.done $0x0  }
0xae: {  	s11 =	sadd.s32 $0x190, s11;
	[sflag:s7] =	ssyncadd.s32 $0xFFFFD800  }
0xaf: {  	[tilespmem:s2], [sflag:$0x3] =	stream.indirect.gather [hbm4b:s1+s26], $0x80, s11, s26, $0xb8;
	[tilespmem:$0x1E880] =	vst v63  }
0xb0: {  	_ = 	snop  }
0xb1: {  	[tilespmem:s0], [sflag:$0x3] =	stream.linear.gather [hbm4b:s10+s4], $0x50, $0x38;
	[tilespmem:$0x1E880] =	vst v63  }
0xb2: {  	_ =	swait.ge [sflag:s25], $0x2800  }
0xb3: {  	[sflag:s25] =	ssyncset.done $0x0  }
0xb4: {  	[sflag:s25] =	ssyncadd.s32 $0xFFFFD800  }
0xb5: {  	_ =	swait.ge [sflag:s25], $0x50  }
0xb6: {  	[sflag:s25] =	ssyncset.done $0x0  }
0xb7: {  	[sflag:s25] =	ssyncadd.s32 $0xFFFFFFB0  }
0xb8: {  	[spmem:s3] =	stream.indirect.scatter.add.f32 [tilespmem:s24], [sflag:$0x4], $0x80, s28, s26, $0xb8;
	[tilespmem:$0x1E880] =	vst v63  }
0xb9: {  	_ =	swait.ge [sflag:s21], $0x2800  }
0xba: {  	[sflag:s21] =	ssyncset.done $0x0  }
0xbb: {  	[sflag:s21] =	ssyncadd.s32 $0xFFFFD800  }
0xbc: {  	_ =	swait.ge [sflag:s21], $0x50  }
0xbd: {  	[sflag:s21] =	ssyncset.done $0x0  }
0xbe: {  	[sflag:s21] =	ssyncadd.s32 $0xFFFFFFB0  }
0xbf: {  	[spmem:s3] =	stream.indirect.scatter.add.f32 [tilespmem:s29], [sflag:$0x5], $0x80, s30, s26, $0xb8;
	[tilespmem:$0x1E880] =	vst v63  }
0xc0: {  	_ =	swait.ge [sflag:s22], $0x2800  }
.Ltmp2:
0xc1: {  	[sflag:s22] =	ssyncset.done $0x0;
	(pc) =	sbr.rel @p0 .LBB2_4-.Ltmp2, $4  }
0xc2: {  	[sflag:s22] =	ssyncadd.s32 $0xFFFFD800  }
0xc3: {  	_ =	swait.ge [sflag:s22], $0x50  }
0xc4: {  	[sflag:s22] =	ssyncset.done $0x0  }
0xc5: {  	s10 =	sadd.s32 $0x1E, s10;
	[sflag:s22] =	ssyncadd.s32 $0xFFFFFFB0  }
.LBB2_5:
0xc6: {  	[spmem:s3] =	stream.indirect.scatter.add.f32 [tilespmem:s2], [sflag:$0x6], $0x80, s0, s26, $0xb8;
	[tilespmem:$0x1E880] =	vst v63  }
0xc7: {  	_ =	swait.ge [sflag:s31], $0x2800  }
0xc8: {  	[sflag:s31] =	ssyncset.done $0x0  }
0xc9: {  	[sflag:s31] =	ssyncadd.s32 $0xFFFFD800  }
0xca: {  	_ =	swait.ge [sflag:s5], $0x2800  }
0xcb: {  	[sflag:s5] =	ssyncset.done $0x0  }
0xcc: {  	[sflag:s5] =	ssyncadd.s32 $0xFFFFD800  }
0xcd: {  	s9 =	stileid.u32;
	_ =	swait.ge [sflag:s7], $0x2800  }
0xce: {  	s10 =	sshrl.u32 s6, $0x3;
	s8 =	sadd.s32 $0x1, s8;
	[sflag:s7] =	ssyncset.done $0x0  }
0xcf: {  	s9 =	sshll.u32 s9, $0x6;
	p0 =	sne.s32 s8, s19;
	[sflag:s7] =	ssyncadd.s32 $0xFFFFD800  }
.Ltmp3:
0xd0: {  	s9 =	sor.u32 $0x1C07, s9;
	[bflag:$0x0] =	sbarrier.arrive $0xFFFF;
	(pc) =	sbr.rel @p0 .LBB2_1-.Ltmp3, $4  }
0xd1: {  	[hbm:s18], [sflag:s9] =	dma.local [spmem:s10], $0x2780  }
0xd2: {  	_ =	swait.ge [sflag:s23], $0x2780  }
0xd3: {  	[sflag:s23] =	ssyncset.done $0x0  }
0xd4: {  	[sflag:s23] =	ssyncadd.s32 $0xFFFFD880  }
0xd5: {  	_ =	sfence.sel $0x180000  }
0xd6: {  	[bflag:$0x0] =	sbarrier.arrive $0xFFFF  }
0xd7: {  	_ =	strace $0x90000047  }
0xd8: {  	s0 =	stileid.u32;
	[bflag:$0x2] =	sbarrier.arrive $0xFFFF  }
0xd9: {  	p0 =	sne.s32 s0, $0x0;
	s0 =	rddreg [dreg:$0x3]  }
0xda: {  	s0 =	sadd.s32 @!p0 $0x100000, s0  }
0xdb: {  	[sflag:s0] =	ssyncadd.tile.s32 @!p0 $0x1;
	_ =	shalt  }
.Lfunc_end2:
_tile_overlayer_lowered:
.L_overlay_start_2:
0xdc: {  	(tag) =	ssettag $0x2  }
0xdd: {  	s0 =	rddreg [dreg:$0x0];
	s2 =	stileid.u32  }
0xde: {  	s1 =	rddreg [dreg:$0x1];
	p0 =	sne.s32 s2, $0x0  }
0xdf: {  	s3 =	rddreg [dreg:$0x2];
	[bflag:$0x3] =	sbarrier.arrive $0xFFFF;
	s2 =	simm.s32 @!p0 $0x1C07  }
0xe0: {  	[timem:s3], [sflag:s2] =	dma.local @!p0 [hbm:s0], s1  }
0xe1: {  	s0 =	simm.s32 @!p0 $0x7  }
0xe2: {  	_ =	swait.ge @!p0 [sflag:s0], s1  }
0xe3: {  	s1 =	ssub.s32 @!p0 $0x0, s1;
	[sflag:s0] =	ssyncset.done @!p0 $0x0  }
0xe4: {  	[sflag:s0] =	ssyncadd.s32 @!p0 s1  }
0xe5: {  	[bflag:$0x3] =	sbarrier.arrive $0xFFFF  }
0xe6: {  	_ =	shalt  }

</sc_bundles>
